<compile_context>
chip_gen: v7x
topology: tpu7x:2x2x1
jax: 0.10.2.dev20260603
libtpu: 0.0.44.dev20260713+nightly
codegen_flags: <defaults>
</compile_context>

<pallas_src>
import functools

import jax
import jax.numpy as jnp
from jax import lax
from jax.experimental import pallas as pl
from jax.experimental.pallas import tpu as pltpu
from jax.experimental.pallas import tpu_sc as plsc

_VOCAB = 1_000_000
_BATCH, _HIST, _D = 16384, 200, 16
_NC, _NS = 2, 16
_NW = _NC * _NS

_GB = 8
_WB = _BATCH // _NW
_NCH = _WB // _GB
_PITCH = 13
_HH = _HIST // 2


def _make_gather():
    mesh = plsc.VectorSubcoreMesh(core_axis_name="c", subcore_axis_name="s")

    @functools.partial(
        pl.kernel,
        mesh=mesh,
        compiler_params=pltpu.CompilerParams(use_tc_tiling_on_sc=False,
                                            needs_layout_passes=False),
        out_type=jax.ShapeDtypeStruct((_HIST, 2, 128, 8, 128), jnp.float32),
        scratch_types=[
            pltpu.VMEM((_GB, _HIST), jnp.int32),
            pltpu.VMEM((_GB, _HIST), jnp.int32),
            pltpu.VMEM((_GB, _HIST, _D), jnp.float32),
            pltpu.VMEM((_GB, _HIST, _D), jnp.float32),
            pltpu.VMEM((_HH, 2, 1, 8, _PITCH), jnp.float32),
            pltpu.VMEM((_HH, 2, 1, 8, _PITCH), jnp.float32),
            pltpu.SemaphoreType.DMA,
            pltpu.SemaphoreType.DMA,
            pltpu.SemaphoreType.DMA,
            pltpu.SemaphoreType.DMA,
            pltpu.SemaphoreType.DMA,
            pltpu.SemaphoreType.DMA,
        ],
    )
    def k(x, table, out, xv0, xv1, rv0, rv1, yv0, yv1,
          i0, i1, g0, g1, o0, o1):
        xv = (xv0, xv1)
        rv = (rv0, rv1)
        yv = (yv0, yv1)
        isem = (i0, i1)
        gsem = (g0, g1)
        osem = (o0, o1)
        wid = lax.axis_index("s") * _NC + lax.axis_index("c")
        wb0 = wid * _WB

        lanes = lax.iota(jnp.int32, 16)
        td_i = lanes >> 3
        tb_i = jnp.zeros((16,), jnp.int32)
        sub_i = lanes & 7

        def idx_copy(c, s):
            return pltpu.make_async_copy(
                x.at[pl.ds(wb0 + c * _GB, _GB), :], xv[s], isem[s])

        def gat_copy(s, g):
            return pltpu.make_async_copy(
                table.at[xv[s].at[g]], rv[s].at[g], gsem[s])

        def out_copy(c, half):
            tb = (wb0 + c * _GB) >> 7
            l0 = pl.multiple_of((wb0 + c * _GB) & 127, _GB)
            return pltpu.make_async_copy(
                yv[half].at[:, :, :, :, pl.ds(0, _GB)],
                out.at[pl.ds(half * _HH, _HH), :, pl.ds(tb, 1), :,
                       pl.ds(l0, _GB)], osem[half])

        def transpose(s, half):
            def hrow(h, carry):
                h_i = jnp.full((16,), h, jnp.int32)
                for g in range(_GB):
                    v = rv[s][g, half * _HH + h, :]
                    plsc.store_scatter(
                        yv[half], [h_i, td_i, tb_i, sub_i,
                                   jnp.full((16,), g, jnp.int32)], v)
                return carry

            lax.fori_loop(0, _HH, hrow, 0, unroll=10)

        idx_copy(0, 0).start()
        idx_copy(1, 1).start()
        idx_copy(0, 0).wait()
        for g in range(_GB):
            gat_copy(0, g).start()

        def body(go, carry):
            for s in range(2):
                c = go * 2 + s
                ns = 1 - s

                @pl.when(c + 1 < _NCH)
                def _():
                    idx_copy(c + 1, ns).wait()
                    for g in range(_GB):
                        gat_copy(ns, g).start()

                for g in range(_GB):
                    gat_copy(s, g).wait()

                @pl.when(c + 2 < _NCH)
                def _():
                    idx_copy(c + 2, s).start()

                for half in range(2):
                    @pl.when(c > 0)
                    def _():
                        out_copy(c - 1, half).wait()

                    transpose(s, half)
                    out_copy(c, half).start()
            return carry

        lax.fori_loop(0, _NCH // 2, body, 0)
        out_copy(_NCH - 1, 0).wait()
        out_copy(_NCH - 1, 1).wait()

    return k


_gather = _make_gather()


def kernel(x, emb_weight):
    out5 = _gather(x.astype(jnp.int32), emb_weight)
    return out5.transpose(2, 4, 0, 1, 3).reshape(_BATCH, _HIST, _D)

# --- scband reference (transcript-rebuilt; emitter-appended) ---
"""Pipeline reference for scband-graph-sagespatial-embedding-21809843929932 (READ-ONLY COPY).

The authoritative reference and input builder live on the scoring server;
editing this copy changes nothing except your own understanding.
"""

import jax, jax.numpy as jnp
import numpy as np

VOCAB = 1000000
EMBED_DIM = 16
BATCH = 16384
HIST = 200

def setup_inputs(seed: int = 0) -> dict:
    key = jax.random.key(seed)
    k1, k2 = jax.random.split(key)
    x = jax.random.randint(k1, (BATCH, HIST), 0, VOCAB, dtype=jnp.int64 if jax.config.jax_enable_x64 else jnp.int32)
    # pretrained embedding table (stands in for the pickle-loaded GraphSAGE gene embeddings)
    emb_weight = jax.random.normal(k2, (VOCAB, EMBED_DIM), dtype=jnp.float32) * 0.02
    return {"x": x, "emb_weight": emb_weight}

def reference(x, emb_weight):
    # nn.Embedding forward: row gather from the table
    return jnp.take(emb_weight, x, axis=0)

if __name__ == "__main__":
    import jax
    _d = setup_inputs()
    print(jax.jit(kernel)(*tuple(_d.values())))

</pallas_src>

<mosaic_0001>
#map = affine_map<(d0, d1) -> (0, 0)>
#map1 = affine_map<(d0, d1) -> (0, 0, 0, 0, 0)>
module attributes {stable_mosaic.version = 14 : i64} {
  func.func @k(%arg0: i32, %arg1: i32, %arg2: memref<16384x200xi32, #tpu.memory_space<hbm>>, %arg3: memref<1000000x16xf32, #tpu.memory_space<hbm>>, %arg4: memref<200x2x128x8x128xf32, #tpu.memory_space<hbm>>, %arg5: memref<8x200xi32, #tpu.memory_space<vmem>>, %arg6: memref<8x200xi32, #tpu.memory_space<vmem>>, %arg7: memref<8x200x16xf32, #tpu.memory_space<vmem>>, %arg8: memref<8x200x16xf32, #tpu.memory_space<vmem>>, %arg9: memref<100x2x1x8x13xf32, #tpu.memory_space<vmem>>, %arg10: memref<100x2x1x8x13xf32, #tpu.memory_space<vmem>>, %arg11: memref<!tpu.dma_semaphore, #tpu.memory_space<semaphore_mem>>, %arg12: memref<!tpu.dma_semaphore, #tpu.memory_space<semaphore_mem>>, %arg13: memref<!tpu.dma_semaphore, #tpu.memory_space<semaphore_mem>>, %arg14: memref<!tpu.dma_semaphore, #tpu.memory_space<semaphore_mem>>, %arg15: memref<!tpu.dma_semaphore, #tpu.memory_space<semaphore_mem>>, %arg16: memref<!tpu.dma_semaphore, #tpu.memory_space<semaphore_mem>>) attributes {dimension_semantics = [#tpu.dimension_semantics<core_parallel>, #tpu.dimension_semantics<subcore_parallel>], iteration_bounds = array<i64: 2, 16>, scalar_prefetch = 0 : i64, scratch_operands = 12 : i64, tpu.core_type = #tpu.core_type<sc_vector_subcore>, window_params = [{transform_indices = #map}, {transform_indices = #map}, {transform_indices = #map1}]} {
    %mul3A = arith.constant 2 : i32
    %mul3A_0 = arith.muli %arg1, %mul3A : i32
    %add3A = arith.addi %mul3A_0, %arg0 : i32
    %mul3A_1 = arith.constant 512 : i32
    %mul3A_2 = arith.muli %add3A, %mul3A_1 : i32
    %iota3A = tpu.iota {dimensions = array<i32: 0>} : vector<16xi32>
    %shift_right_arithmetic3A = arith.constant 3 : i32
    %shift_right_arithmetic3A_3 = vector.broadcast %shift_right_arithmetic3A : i32 to vector<16xi32>
    %shift_right_arithmetic3A_4 = arith.shrsi %iota3A, %shift_right_arithmetic3A_3 : vector<16xi32>
    %broadcast_in_dim3A = arith.constant 0 : i32
    %broadcast_in_dim3A_5 = vector.broadcast %broadcast_in_dim3A : i32 to vector<16xi32>
    %and3A = arith.constant 7 : i32
    %and3A_6 = vector.broadcast %and3A : i32 to vector<16xi32>
    %and3A_7 = arith.andi %iota3A, %and3A_6 : vector<16xi32>
    %add3A_8 = arith.constant 0 : i32
    %add3A_9 = arith.addi %mul3A_2, %add3A_8 : i32
    %dma_start3A = arith.constant 0 : i32
    %dma_start3A_10 = tpu.memref_slice %arg2[%add3A_9, %dma_start3A] : memref<16384x200xi32, #tpu.memory_space<hbm>> -> memref<8x200xi32, #tpu.memory_space<hbm>>
    %dma_start3A_11 = arith.constant 0 : i32
    %dma_start3A_12 = tpu.memref_slice %arg2[%add3A_9, %dma_start3A_11] : memref<16384x200xi32, #tpu.memory_space<hbm>> -> memref<8x200xi32, #tpu.memory_space<hbm>>
    tpu.enqueue_dma source(%dma_start3A_12 : memref<8x200xi32, #tpu.memory_space<hbm>>) target(%arg5 : memref<8x200xi32, #tpu.memory_space<vmem>>) target_semaphore(%arg11 : memref<!tpu.dma_semaphore, #tpu.memory_space<semaphore_mem>>)
    %add3A_13 = arith.constant 8 : i32
    %add3A_14 = arith.addi %mul3A_2, %add3A_13 : i32
    %dma_start3A_15 = arith.constant 0 : i32
    %dma_start3A_16 = tpu.memref_slice %arg2[%add3A_14, %dma_start3A_15] : memref<16384x200xi32, #tpu.memory_space<hbm>> -> memref<8x200xi32, #tpu.memory_space<hbm>>
    %dma_start3A_17 = arith.constant 0 : i32
    %dma_start3A_18 = tpu.memref_slice %arg2[%add3A_14, %dma_start3A_17] : memref<16384x200xi32, #tpu.memory_space<hbm>> -> memref<8x200xi32, #tpu.memory_space<hbm>>
    tpu.enqueue_dma source(%dma_start3A_18 : memref<8x200xi32, #tpu.memory_space<hbm>>) target(%arg6 : memref<8x200xi32, #tpu.memory_space<vmem>>) target_semaphore(%arg12 : memref<!tpu.dma_semaphore, #tpu.memory_space<semaphore_mem>>)
    %add3A_19 = arith.constant 0 : i32
    %add3A_20 = arith.addi %mul3A_2, %add3A_19 : i32
    %dma_wait3A = arith.constant 0 : i32
    %dma_wait3A_21 = tpu.memref_slice %arg2[%add3A_20, %dma_wait3A] : memref<16384x200xi32, #tpu.memory_space<hbm>> -> memref<8x200xi32, #tpu.memory_space<hbm>>
    %dma_wait3A_22 = arith.constant 0 : i32
    %dma_wait3A_23 = tpu.memref_slice %arg2[%add3A_20, %dma_wait3A_22] : memref<16384x200xi32, #tpu.memory_space<hbm>> -> memref<8x200xi32, #tpu.memory_space<hbm>>
    tpu.wait_dma2 semaphore(%arg11 : memref<!tpu.dma_semaphore, #tpu.memory_space<semaphore_mem>>) src(%dma_wait3A_23 : memref<8x200xi32, #tpu.memory_space<hbm>>) dst(%arg5 : memref<8x200xi32, #tpu.memory_space<vmem>>)
    %dma_start3A_24 = arith.constant 0 : i32
    %dma_start3A_25 = arith.constant 0 : i32
    %dma_start3A_26 = arith.constant 0 : i32
    %dma_start3A_27 = arith.constant 0 : i32
    %dma_start3A_28 = tpu.memref_slice %arg7[%dma_start3A_25, %dma_start3A_26, %dma_start3A_27] : memref<8x200x16xf32, #tpu.memory_space<vmem>> -> memref<1x200x16xf32, #tpu.memory_space<vmem>>
    %dma_start3A_29 = tpu.memref_squeeze %dma_start3A_28 : memref<1x200x16xf32, #tpu.memory_space<vmem>> -> memref<200x16xf32, #tpu.memory_space<vmem>>
    %dma_start3A_30 = arith.constant 0 : i32
    %dma_start3A_31 = tpu.memref_slice %arg5[%dma_start3A_24, %dma_start3A_30] : memref<8x200xi32, #tpu.memory_space<vmem>> -> memref<1x200xi32, #tpu.memory_space<vmem>>
    %dma_start3A_32 = tpu.memref_squeeze %dma_start3A_31 : memref<1x200xi32, #tpu.memory_space<vmem>> -> memref<200xi32, #tpu.memory_space<vmem>>
    %dma_start3A_33 = arith.constant 0 : i32
    %dma_start3A_34 = arith.constant 0 : i32
    %dma_start3A_35 = tpu.memref_slice %arg3[%dma_start3A_33, %dma_start3A_34] : memref<1000000x16xf32, #tpu.memory_space<hbm>> -> memref<1000000x16xf32, #tpu.memory_space<hbm>>
    tpu.enqueue_indirect_dma source(%dma_start3A_35 : memref<1000000x16xf32, #tpu.memory_space<hbm>>) target(%dma_start3A_29 : memref<200x16xf32, #tpu.memory_space<vmem>>) offsets(%dma_start3A_32 : memref<200xi32, #tpu.memory_space<vmem>>) semaphore(%arg13 : memref<!tpu.dma_semaphore, #tpu.memory_space<semaphore_mem>>)
    %dma_start3A_36 = arith.constant 1 : i32
    %dma_start3A_37 = arith.constant 1 : i32
    %dma_start3A_38 = arith.constant 0 : i32
    %dma_start3A_39 = arith.constant 0 : i32
    %dma_start3A_40 = tpu.memref_slice %arg7[%dma_start3A_37, %dma_start3A_38, %dma_start3A_39] : memref<8x200x16xf32, #tpu.memory_space<vmem>> -> memref<1x200x16xf32, #tpu.memory_space<vmem>>
    %dma_start3A_41 = tpu.memref_squeeze %dma_start3A_40 : memref<1x200x16xf32, #tpu.memory_space<vmem>> -> memref<200x16xf32, #tpu.memory_space<vmem>>
    %dma_start3A_42 = arith.constant 0 : i32
    %dma_start3A_43 = tpu.memref_slice %arg5[%dma_start3A_36, %dma_start3A_42] : memref<8x200xi32, #tpu.memory_space<vmem>> -> memref<1x200xi32, #tpu.memory_space<vmem>>
    %dma_start3A_44 = tpu.memref_squeeze %dma_start3A_43 : memref<1x200xi32, #tpu.memory_space<vmem>> -> memref<200xi32, #tpu.memory_space<vmem>>
    %dma_start3A_45 = arith.constant 0 : i32
    %dma_start3A_46 = arith.constant 0 : i32
    %dma_start3A_47 = tpu.memref_slice %arg3[%dma_start3A_45, %dma_start3A_46] : memref<1000000x16xf32, #tpu.memory_space<hbm>> -> memref<1000000x16xf32, #tpu.memory_space<hbm>>
    tpu.enqueue_indirect_dma source(%dma_start3A_47 : memref<1000000x16xf32, #tpu.memory_space<hbm>>) target(%dma_start3A_41 : memref<200x16xf32, #tpu.memory_space<vmem>>) offsets(%dma_start3A_44 : memref<200xi32, #tpu.memory_space<vmem>>) semaphore(%arg13 : memref<!tpu.dma_semaphore, #tpu.memory_space<semaphore_mem>>)
    %dma_start3A_48 = arith.constant 2 : i32
    %dma_start3A_49 = arith.constant 2 : i32
    %dma_start3A_50 = arith.constant 0 : i32
    %dma_start3A_51 = arith.constant 0 : i32
    %dma_start3A_52 = tpu.memref_slice %arg7[%dma_start3A_49, %dma_start3A_50, %dma_start3A_51] : memref<8x200x16xf32, #tpu.memory_space<vmem>> -> memref<1x200x16xf32, #tpu.memory_space<vmem>>
    %dma_start3A_53 = tpu.memref_squeeze %dma_start3A_52 : memref<1x200x16xf32, #tpu.memory_space<vmem>> -> memref<200x16xf32, #tpu.memory_space<vmem>>
    %dma_start3A_54 = arith.constant 0 : i32
    %dma_start3A_55 = tpu.memref_slice %arg5[%dma_start3A_48, %dma_start3A_54] : memref<8x200xi32, #tpu.memory_space<vmem>> -> memref<1x200xi32, #tpu.memory_space<vmem>>
    %dma_start3A_56 = tpu.memref_squeeze %dma_start3A_55 : memref<1x200xi32, #tpu.memory_space<vmem>> -> memref<200xi32, #tpu.memory_space<vmem>>
    %dma_start3A_57 = arith.constant 0 : i32
    %dma_start3A_58 = arith.constant 0 : i32
    %dma_start3A_59 = tpu.memref_slice %arg3[%dma_start3A_57, %dma_start3A_58] : memref<1000000x16xf32, #tpu.memory_space<hbm>> -> memref<1000000x16xf32, #tpu.memory_space<hbm>>
    tpu.enqueue_indirect_dma source(%dma_start3A_59 : memref<1000000x16xf32, #tpu.memory_space<hbm>>) target(%dma_start3A_53 : memref<200x16xf32, #tpu.memory_space<vmem>>) offsets(%dma_start3A_56 : memref<200xi32, #tpu.memory_space<vmem>>) semaphore(%arg13 : memref<!tpu.dma_semaphore, #tpu.memory_space<semaphore_mem>>)
    %dma_start3A_60 = arith.constant 3 : i32
    %dma_start3A_61 = arith.constant 3 : i32
    %dma_start3A_62 = arith.constant 0 : i32
    %dma_start3A_63 = arith.constant 0 : i32
    %dma_start3A_64 = tpu.memref_slice %arg7[%dma_start3A_61, %dma_start3A_62, %dma_start3A_63] : memref<8x200x16xf32, #tpu.memory_space<vmem>> -> memref<1x200x16xf32, #tpu.memory_space<vmem>>
    %dma_start3A_65 = tpu.memref_squeeze %dma_start3A_64 : memref<1x200x16xf32, #tpu.memory_space<vmem>> -> memref<200x16xf32, #tpu.memory_space<vmem>>
    %dma_start3A_66 = arith.constant 0 : i32
    %dma_start3A_67 = tpu.memref_slice %arg5[%dma_start3A_60, %dma_start3A_66] : memref<8x200xi32, #tpu.memory_space<vmem>> -> memref<1x200xi32, #tpu.memory_space<vmem>>
    %dma_start3A_68 = tpu.memref_squeeze %dma_start3A_67 : memref<1x200xi32, #tpu.memory_space<vmem>> -> memref<200xi32, #tpu.memory_space<vmem>>
    %dma_start3A_69 = arith.constant 0 : i32
    %dma_start3A_70 = arith.constant 0 : i32
    %dma_start3A_71 = tpu.memref_slice %arg3[%dma_start3A_69, %dma_start3A_70] : memref<1000000x16xf32, #tpu.memory_space<hbm>> -> memref<1000000x16xf32, #tpu.memory_space<hbm>>
    tpu.enqueue_indirect_dma source(%dma_start3A_71 : memref<1000000x16xf32, #tpu.memory_space<hbm>>) target(%dma_start3A_65 : memref<200x16xf32, #tpu.memory_space<vmem>>) offsets(%dma_start3A_68 : memref<200xi32, #tpu.memory_space<vmem>>) semaphore(%arg13 : memref<!tpu.dma_semaphore, #tpu.memory_space<semaphore_mem>>)
    %dma_start3A_72 = arith.constant 4 : i32
    %dma_start3A_73 = arith.constant 4 : i32
    %dma_start3A_74 = arith.constant 0 : i32
    %dma_start3A_75 = arith.constant 0 : i32
    %dma_start3A_76 = tpu.memref_slice %arg7[%dma_start3A_73, %dma_start3A_74, %dma_start3A_75] : memref<8x200x16xf32, #tpu.memory_space<vmem>> -> memref<1x200x16xf32, #tpu.memory_space<vmem>>
    %dma_start3A_77 = tpu.memref_squeeze %dma_start3A_76 : memref<1x200x16xf32, #tpu.memory_space<vmem>> -> memref<200x16xf32, #tpu.memory_space<vmem>>
    %dma_start3A_78 = arith.constant 0 : i32
    %dma_start3A_79 = tpu.memref_slice %arg5[%dma_start3A_72, %dma_start3A_78] : memref<8x200xi32, #tpu.memory_space<vmem>> -> memref<1x200xi32, #tpu.memory_space<vmem>>
    %dma_start3A_80 = tpu.memref_squeeze %dma_start3A_79 : memref<1x200xi32, #tpu.memory_space<vmem>> -> memref<200xi32, #tpu.memory_space<vmem>>
    %dma_start3A_81 = arith.constant 0 : i32
    %dma_start3A_82 = arith.constant 0 : i32
    %dma_start3A_83 = tpu.memref_slice %arg3[%dma_start3A_81, %dma_start3A_82] : memref<1000000x16xf32, #tpu.memory_space<hbm>> -> memref<1000000x16xf32, #tpu.memory_space<hbm>>
    tpu.enqueue_indirect_dma source(%dma_start3A_83 : memref<1000000x16xf32, #tpu.memory_space<hbm>>) target(%dma_start3A_77 : memref<200x16xf32, #tpu.memory_space<vmem>>) offsets(%dma_start3A_80 : memref<200xi32, #tpu.memory_space<vmem>>) semaphore(%arg13 : memref<!tpu.dma_semaphore, #tpu.memory_space<semaphore_mem>>)
    %dma_start3A_84 = arith.constant 5 : i32
    %dma_start3A_85 = arith.constant 5 : i32
    %dma_start3A_86 = arith.constant 0 : i32
    %dma_start3A_87 = arith.constant 0 : i32
    %dma_start3A_88 = tpu.memref_slice %arg7[%dma_start3A_85, %dma_start3A_86, %dma_start3A_87] : memref<8x200x16xf32, #tpu.memory_space<vmem>> -> memref<1x200x16xf32, #tpu.memory_space<vmem>>
    %dma_start3A_89 = tpu.memref_squeeze %dma_start3A_88 : memref<1x200x16xf32, #tpu.memory_space<vmem>> -> memref<200x16xf32, #tpu.memory_space<vmem>>
    %dma_start3A_90 = arith.constant 0 : i32
    %dma_start3A_91 = tpu.memref_slice %arg5[%dma_start3A_84, %dma_start3A_90] : memref<8x200xi32, #tpu.memory_space<vmem>> -> memref<1x200xi32, #tpu.memory_space<vmem>>
    %dma_start3A_92 = tpu.memref_squeeze %dma_start3A_91 : memref<1x200xi32, #tpu.memory_space<vmem>> -> memref<200xi32, #tpu.memory_space<vmem>>
    %dma_start3A_93 = arith.constant 0 : i32
    %dma_start3A_94 = arith.constant 0 : i32
    %dma_start3A_95 = tpu.memref_slice %arg3[%dma_start3A_93, %dma_start3A_94] : memref<1000000x16xf32, #tpu.memory_space<hbm>> -> memref<1000000x16xf32, #tpu.memory_space<hbm>>
    tpu.enqueue_indirect_dma source(%dma_start3A_95 : memref<1000000x16xf32, #tpu.memory_space<hbm>>) target(%dma_start3A_89 : memref<200x16xf32, #tpu.memory_space<vmem>>) offsets(%dma_start3A_92 : memref<200xi32, #tpu.memory_space<vmem>>) semaphore(%arg13 : memref<!tpu.dma_semaphore, #tpu.memory_space<semaphore_mem>>)
    %dma_start3A_96 = arith.constant 6 : i32
    %dma_start3A_97 = arith.constant 6 : i32
    %dma_start3A_98 = arith.constant 0 : i32
    %dma_start3A_99 = arith.constant 0 : i32
    %dma_start3A_100 = tpu.memref_slice %arg7[%dma_start3A_97, %dma_start3A_98, %dma_start3A_99] : memref<8x200x16xf32, #tpu.memory_space<vmem>> -> memref<1x200x16xf32, #tpu.memory_space<vmem>>
    %dma_start3A_101 = tpu.memref_squeeze %dma_start3A_100 : memref<1x200x16xf32, #tpu.memory_space<vmem>> -> memref<200x16xf32, #tpu.memory_space<vmem>>
    %dma_start3A_102 = arith.constant 0 : i32
    %dma_start3A_103 = tpu.memref_slice %arg5[%dma_start3A_96, %dma_start3A_102] : memref<8x200xi32, #tpu.memory_space<vmem>> -> memref<1x200xi32, #tpu.memory_space<vmem>>
    %dma_start3A_104 = tpu.memref_squeeze %dma_start3A_103 : memref<1x200xi32, #tpu.memory_space<vmem>> -> memref<200xi32, #tpu.memory_space<vmem>>
    %dma_start3A_105 = arith.constant 0 : i32
    %dma_start3A_106 = arith.constant 0 : i32
    %dma_start3A_107 = tpu.memref_slice %arg3[%dma_start3A_105, %dma_start3A_106] : memref<1000000x16xf32, #tpu.memory_space<hbm>> -> memref<1000000x16xf32, #tpu.memory_space<hbm>>
    tpu.enqueue_indirect_dma source(%dma_start3A_107 : memref<1000000x16xf32, #tpu.memory_space<hbm>>) target(%dma_start3A_101 : memref<200x16xf32, #tpu.memory_space<vmem>>) offsets(%dma_start3A_104 : memref<200xi32, #tpu.memory_space<vmem>>) semaphore(%arg13 : memref<!tpu.dma_semaphore, #tpu.memory_space<semaphore_mem>>)
    %dma_start3A_108 = arith.constant 7 : i32
    %dma_start3A_109 = arith.constant 7 : i32
    %dma_start3A_110 = arith.constant 0 : i32
    %dma_start3A_111 = arith.constant 0 : i32
    %dma_start3A_112 = tpu.memref_slice %arg7[%dma_start3A_109, %dma_start3A_110, %dma_start3A_111] : memref<8x200x16xf32, #tpu.memory_space<vmem>> -> memref<1x200x16xf32, #tpu.memory_space<vmem>>
    %dma_start3A_113 = tpu.memref_squeeze %dma_start3A_112 : memref<1x200x16xf32, #tpu.memory_space<vmem>> -> memref<200x16xf32, #tpu.memory_space<vmem>>
    %dma_start3A_114 = arith.constant 0 : i32
    %dma_start3A_115 = tpu.memref_slice %arg5[%dma_start3A_108, %dma_start3A_114] : memref<8x200xi32, #tpu.memory_space<vmem>> -> memref<1x200xi32, #tpu.memory_space<vmem>>
    %dma_start3A_116 = tpu.memref_squeeze %dma_start3A_115 : memref<1x200xi32, #tpu.memory_space<vmem>> -> memref<200xi32, #tpu.memory_space<vmem>>
    %dma_start3A_117 = arith.constant 0 : i32
    %dma_start3A_118 = arith.constant 0 : i32
    %dma_start3A_119 = tpu.memref_slice %arg3[%dma_start3A_117, %dma_start3A_118] : memref<1000000x16xf32, #tpu.memory_space<hbm>> -> memref<1000000x16xf32, #tpu.memory_space<hbm>>
    tpu.enqueue_indirect_dma source(%dma_start3A_119 : memref<1000000x16xf32, #tpu.memory_space<hbm>>) target(%dma_start3A_113 : memref<200x16xf32, #tpu.memory_space<vmem>>) offsets(%dma_start3A_116 : memref<200xi32, #tpu.memory_space<vmem>>) semaphore(%arg13 : memref<!tpu.dma_semaphore, #tpu.memory_space<semaphore_mem>>)
    %scan3A = arith.constant 0 : i32
    %scan3A_120 = arith.constant 0 : i32
    %scan3A_121 = arith.constant 32 : i32
    %scan3A_122 = arith.addi %scan3A_120, %scan3A_121 : i32
    %scan3A_123 = arith.constant 1 : i32
    scf.for %scan3A_182 = %scan3A_120 to %scan3A_122 step %scan3A_123  : i32 {
      %mul3A_183 = arith.constant 2 : i32
      %mul3A_184 = arith.muli %scan3A_182, %mul3A_183 : i32
      %add3A_185 = arith.constant 0 : i32
      %add3A_186 = arith.addi %mul3A_184, %add3A_185 : i32
      %add3A_187 = arith.constant 1 : i32
      %add3A_188 = arith.addi %add3A_186, %add3A_187 : i32
      %lt3A = arith.constant 64 : i32
      %lt3A_189 = arith.cmpi slt, %add3A_188, %lt3A : i32
      %convert_element_type3A = arith.extui %lt3A_189 : i1 to i32
      %cond3A = arith.constant 0 : i32
      %cond3A_190 = arith.cmpi ne, %convert_element_type3A, %cond3A : i32
      scf.if %cond3A_190 {
        %add3A_575 = arith.constant 1 : i32
        %add3A_576 = arith.addi %add3A_186, %add3A_575 : i32
        %mul3A_577 = arith.constant 8 : i32
        %mul3A_578 = arith.muli %add3A_576, %mul3A_577 : i32
        %add3A_579 = arith.addi %mul3A_2, %mul3A_578 : i32
        %dma_wait3A_580 = arith.constant 0 : i32
        %dma_wait3A_581 = tpu.memref_slice %arg2[%add3A_579, %dma_wait3A_580] : memref<16384x200xi32, #tpu.memory_space<hbm>> -> memref<8x200xi32, #tpu.memory_space<hbm>>
        %dma_wait3A_582 = arith.constant 0 : i32
        %dma_wait3A_583 = tpu.memref_slice %arg2[%add3A_579, %dma_wait3A_582] : memref<16384x200xi32, #tpu.memory_space<hbm>> -> memref<8x200xi32, #tpu.memory_space<hbm>>
        tpu.wait_dma2 semaphore(%arg12 : memref<!tpu.dma_semaphore, #tpu.memory_space<semaphore_mem>>) src(%dma_wait3A_583 : memref<8x200xi32, #tpu.memory_space<hbm>>) dst(%arg6 : memref<8x200xi32, #tpu.memory_space<vmem>>)
        %dma_start3A_584 = arith.constant 0 : i32
        %dma_start3A_585 = arith.constant 0 : i32
        %dma_start3A_586 = arith.constant 0 : i32
        %dma_start3A_587 = arith.constant 0 : i32
        %dma_start3A_588 = tpu.memref_slice %arg8[%dma_start3A_585, %dma_start3A_586, %dma_start3A_587] : memref<8x200x16xf32, #tpu.memory_space<vmem>> -> memref<1x200x16xf32, #tpu.memory_space<vmem>>
        %dma_start3A_589 = tpu.memref_squeeze %dma_start3A_588 : memref<1x200x16xf32, #tpu.memory_space<vmem>> -> memref<200x16xf32, #tpu.memory_space<vmem>>
        %dma_start3A_590 = arith.constant 0 : i32
        %dma_start3A_591 = tpu.memref_slice %arg6[%dma_start3A_584, %dma_start3A_590] : memref<8x200xi32, #tpu.memory_space<vmem>> -> memref<1x200xi32, #tpu.memory_space<vmem>>
        %dma_start3A_592 = tpu.memref_squeeze %dma_start3A_591 : memref<1x200xi32, #tpu.memory_space<vmem>> -> memref<200xi32, #tpu.memory_space<vmem>>
        %dma_start3A_593 = arith.constant 0 : i32
        %dma_start3A_594 = arith.constant 0 : i32
        %dma_start3A_595 = tpu.memref_slice %arg3[%dma_start3A_593, %dma_start3A_594] : memref<1000000x16xf32, #tpu.memory_space<hbm>> -> memref<1000000x16xf32, #tpu.memory_space<hbm>>
        tpu.enqueue_indirect_dma source(%dma_start3A_595 : memref<1000000x16xf32, #tpu.memory_space<hbm>>) target(%dma_start3A_589 : memref<200x16xf32, #tpu.memory_space<vmem>>) offsets(%dma_start3A_592 : memref<200xi32, #tpu.memory_space<vmem>>) semaphore(%arg14 : memref<!tpu.dma_semaphore, #tpu.memory_space<semaphore_mem>>)
        %dma_start3A_596 = arith.constant 1 : i32
        %dma_start3A_597 = arith.constant 1 : i32
        %dma_start3A_598 = arith.constant 0 : i32
        %dma_start3A_599 = arith.constant 0 : i32
        %dma_start3A_600 = tpu.memref_slice %arg8[%dma_start3A_597, %dma_start3A_598, %dma_start3A_599] : memref<8x200x16xf32, #tpu.memory_space<vmem>> -> memref<1x200x16xf32, #tpu.memory_space<vmem>>
        %dma_start3A_601 = tpu.memref_squeeze %dma_start3A_600 : memref<1x200x16xf32, #tpu.memory_space<vmem>> -> memref<200x16xf32, #tpu.memory_space<vmem>>
        %dma_start3A_602 = arith.constant 0 : i32
        %dma_start3A_603 = tpu.memref_slice %arg6[%dma_start3A_596, %dma_start3A_602] : memref<8x200xi32, #tpu.memory_space<vmem>> -> memref<1x200xi32, #tpu.memory_space<vmem>>
        %dma_start3A_604 = tpu.memref_squeeze %dma_start3A_603 : memref<1x200xi32, #tpu.memory_space<vmem>> -> memref<200xi32, #tpu.memory_space<vmem>>
        %dma_start3A_605 = arith.constant 0 : i32
        %dma_start3A_606 = arith.constant 0 : i32
        %dma_start3A_607 = tpu.memref_slice %arg3[%dma_start3A_605, %dma_start3A_606] : memref<1000000x16xf32, #tpu.memory_space<hbm>> -> memref<1000000x16xf32, #tpu.memory_space<hbm>>
        tpu.enqueue_indirect_dma source(%dma_start3A_607 : memref<1000000x16xf32, #tpu.memory_space<hbm>>) target(%dma_start3A_601 : memref<200x16xf32, #tpu.memory_space<vmem>>) offsets(%dma_start3A_604 : memref<200xi32, #tpu.memory_space<vmem>>) semaphore(%arg14 : memref<!tpu.dma_semaphore, #tpu.memory_space<semaphore_mem>>)
        %dma_start3A_608 = arith.constant 2 : i32
        %dma_start3A_609 = arith.constant 2 : i32
        %dma_start3A_610 = arith.constant 0 : i32
        %dma_start3A_611 = arith.constant 0 : i32
        %dma_start3A_612 = tpu.memref_slice %arg8[%dma_start3A_609, %dma_start3A_610, %dma_start3A_611] : memref<8x200x16xf32, #tpu.memory_space<vmem>> -> memref<1x200x16xf32, #tpu.memory_space<vmem>>
        %dma_start3A_613 = tpu.memref_squeeze %dma_start3A_612 : memref<1x200x16xf32, #tpu.memory_space<vmem>> -> memref<200x16xf32, #tpu.memory_space<vmem>>
        %dma_start3A_614 = arith.constant 0 : i32
        %dma_start3A_615 = tpu.memref_slice %arg6[%dma_start3A_608, %dma_start3A_614] : memref<8x200xi32, #tpu.memory_space<vmem>> -> memref<1x200xi32, #tpu.memory_space<vmem>>
        %dma_start3A_616 = tpu.memref_squeeze %dma_start3A_615 : memref<1x200xi32, #tpu.memory_space<vmem>> -> memref<200xi32, #tpu.memory_space<vmem>>
        %dma_start3A_617 = arith.constant 0 : i32
        %dma_start3A_618 = arith.constant 0 : i32
        %dma_start3A_619 = tpu.memref_slice %arg3[%dma_start3A_617, %dma_start3A_618] : memref<1000000x16xf32, #tpu.memory_space<hbm>> -> memref<1000000x16xf32, #tpu.memory_space<hbm>>
        tpu.enqueue_indirect_dma source(%dma_start3A_619 : memref<1000000x16xf32, #tpu.memory_space<hbm>>) target(%dma_start3A_613 : memref<200x16xf32, #tpu.memory_space<vmem>>) offsets(%dma_start3A_616 : memref<200xi32, #tpu.memory_space<vmem>>) semaphore(%arg14 : memref<!tpu.dma_semaphore, #tpu.memory_space<semaphore_mem>>)
        %dma_start3A_620 = arith.constant 3 : i32
        %dma_start3A_621 = arith.constant 3 : i32
        %dma_start3A_622 = arith.constant 0 : i32
        %dma_start3A_623 = arith.constant 0 : i32
        %dma_start3A_624 = tpu.memref_slice %arg8[%dma_start3A_621, %dma_start3A_622, %dma_start3A_623] : memref<8x200x16xf32, #tpu.memory_space<vmem>> -> memref<1x200x16xf32, #tpu.memory_space<vmem>>
        %dma_start3A_625 = tpu.memref_squeeze %dma_start3A_624 : memref<1x200x16xf32, #tpu.memory_space<vmem>> -> memref<200x16xf32, #tpu.memory_space<vmem>>
        %dma_start3A_626 = arith.constant 0 : i32
        %dma_start3A_627 = tpu.memref_slice %arg6[%dma_start3A_620, %dma_start3A_626] : memref<8x200xi32, #tpu.memory_space<vmem>> -> memref<1x200xi32, #tpu.memory_space<vmem>>
        %dma_start3A_628 = tpu.memref_squeeze %dma_start3A_627 : memref<1x200xi32, #tpu.memory_space<vmem>> -> memref<200xi32, #tpu.memory_space<vmem>>
        %dma_start3A_629 = arith.constant 0 : i32
        %dma_start3A_630 = arith.constant 0 : i32
        %dma_start3A_631 = tpu.memref_slice %arg3[%dma_start3A_629, %dma_start3A_630] : memref<1000000x16xf32, #tpu.memory_space<hbm>> -> memref<1000000x16xf32, #tpu.memory_space<hbm>>
        tpu.enqueue_indirect_dma source(%dma_start3A_631 : memref<1000000x16xf32, #tpu.memory_space<hbm>>) target(%dma_start3A_625 : memref<200x16xf32, #tpu.memory_space<vmem>>) offsets(%dma_start3A_628 : memref<200xi32, #tpu.memory_space<vmem>>) semaphore(%arg14 : memref<!tpu.dma_semaphore, #tpu.memory_space<semaphore_mem>>)
        %dma_start3A_632 = arith.constant 4 : i32
        %dma_start3A_633 = arith.constant 4 : i32
        %dma_start3A_634 = arith.constant 0 : i32
        %dma_start3A_635 = arith.constant 0 : i32
        %dma_start3A_636 = tpu.memref_slice %arg8[%dma_start3A_633, %dma_start3A_634, %dma_start3A_635] : memref<8x200x16xf32, #tpu.memory_space<vmem>> -> memref<1x200x16xf32, #tpu.memory_space<vmem>>
        %dma_start3A_637 = tpu.memref_squeeze %dma_start3A_636 : memref<1x200x16xf32, #tpu.memory_space<vmem>> -> memref<200x16xf32, #tpu.memory_space<vmem>>
        %dma_start3A_638 = arith.constant 0 : i32
        %dma_start3A_639 = tpu.memref_slice %arg6[%dma_start3A_632, %dma_start3A_638] : memref<8x200xi32, #tpu.memory_space<vmem>> -> memref<1x200xi32, #tpu.memory_space<vmem>>
        %dma_start3A_640 = tpu.memref_squeeze %dma_start3A_639 : memref<1x200xi32, #tpu.memory_space<vmem>> -> memref<200xi32, #tpu.memory_space<vmem>>
        %dma_start3A_641 = arith.constant 0 : i32
        %dma_start3A_642 = arith.constant 0 : i32
        %dma_start3A_643 = tpu.memref_slice %arg3[%dma_start3A_641, %dma_start3A_642] : memref<1000000x16xf32, #tpu.memory_space<hbm>> -> memref<1000000x16xf32, #tpu.memory_space<hbm>>
        tpu.enqueue_indirect_dma source(%dma_start3A_643 : memref<1000000x16xf32, #tpu.memory_space<hbm>>) target(%dma_start3A_637 : memref<200x16xf32, #tpu.memory_space<vmem>>) offsets(%dma_start3A_640 : memref<200xi32, #tpu.memory_space<vmem>>) semaphore(%arg14 : memref<!tpu.dma_semaphore, #tpu.memory_space<semaphore_mem>>)
        %dma_start3A_644 = arith.constant 5 : i32
        %dma_start3A_645 = arith.constant 5 : i32
        %dma_start3A_646 = arith.constant 0 : i32
        %dma_start3A_647 = arith.constant 0 : i32
        %dma_start3A_648 = tpu.memref_slice %arg8[%dma_start3A_645, %dma_start3A_646, %dma_start3A_647] : memref<8x200x16xf32, #tpu.memory_space<vmem>> -> memref<1x200x16xf32, #tpu.memory_space<vmem>>
        %dma_start3A_649 = tpu.memref_squeeze %dma_start3A_648 : memref<1x200x16xf32, #tpu.memory_space<vmem>> -> memref<200x16xf32, #tpu.memory_space<vmem>>
        %dma_start3A_650 = arith.constant 0 : i32
        %dma_start3A_651 = tpu.memref_slice %arg6[%dma_start3A_644, %dma_start3A_650] : memref<8x200xi32, #tpu.memory_space<vmem>> -> memref<1x200xi32, #tpu.memory_space<vmem>>
        %dma_start3A_652 = tpu.memref_squeeze %dma_start3A_651 : memref<1x200xi32, #tpu.memory_space<vmem>> -> memref<200xi32, #tpu.memory_space<vmem>>
        %dma_start3A_653 = arith.constant 0 : i32
        %dma_start3A_654 = arith.constant 0 : i32
        %dma_start3A_655 = tpu.memref_slice %arg3[%dma_start3A_653, %dma_start3A_654] : memref<1000000x16xf32, #tpu.memory_space<hbm>> -> memref<1000000x16xf32, #tpu.memory_space<hbm>>
        tpu.enqueue_indirect_dma source(%dma_start3A_655 : memref<1000000x16xf32, #tpu.memory_space<hbm>>) target(%dma_start3A_649 : memref<200x16xf32, #tpu.memory_space<vmem>>) offsets(%dma_start3A_652 : memref<200xi32, #tpu.memory_space<vmem>>) semaphore(%arg14 : memref<!tpu.dma_semaphore, #tpu.memory_space<semaphore_mem>>)
        %dma_start3A_656 = arith.constant 6 : i32
        %dma_start3A_657 = arith.constant 6 : i32
        %dma_start3A_658 = arith.constant 0 : i32
        %dma_start3A_659 = arith.constant 0 : i32
        %dma_start3A_660 = tpu.memref_slice %arg8[%dma_start3A_657, %dma_start3A_658, %dma_start3A_659] : memref<8x200x16xf32, #tpu.memory_space<vmem>> -> memref<1x200x16xf32, #tpu.memory_space<vmem>>
        %dma_start3A_661 = tpu.memref_squeeze %dma_start3A_660 : memref<1x200x16xf32, #tpu.memory_space<vmem>> -> memref<200x16xf32, #tpu.memory_space<vmem>>
        %dma_start3A_662 = arith.constant 0 : i32
        %dma_start3A_663 = tpu.memref_slice %arg6[%dma_start3A_656, %dma_start3A_662] : memref<8x200xi32, #tpu.memory_space<vmem>> -> memref<1x200xi32, #tpu.memory_space<vmem>>
        %dma_start3A_664 = tpu.memref_squeeze %dma_start3A_663 : memref<1x200xi32, #tpu.memory_space<vmem>> -> memref<200xi32, #tpu.memory_space<vmem>>
        %dma_start3A_665 = arith.constant 0 : i32
        %dma_start3A_666 = arith.constant 0 : i32
        %dma_start3A_667 = tpu.memref_slice %arg3[%dma_start3A_665, %dma_start3A_666] : memref<1000000x16xf32, #tpu.memory_space<hbm>> -> memref<1000000x16xf32, #tpu.memory_space<hbm>>
        tpu.enqueue_indirect_dma source(%dma_start3A_667 : memref<1000000x16xf32, #tpu.memory_space<hbm>>) target(%dma_start3A_661 : memref<200x16xf32, #tpu.memory_space<vmem>>) offsets(%dma_start3A_664 : memref<200xi32, #tpu.memory_space<vmem>>) semaphore(%arg14 : memref<!tpu.dma_semaphore, #tpu.memory_space<semaphore_mem>>)
        %dma_start3A_668 = arith.constant 7 : i32
        %dma_start3A_669 = arith.constant 7 : i32
        %dma_start3A_670 = arith.constant 0 : i32
        %dma_start3A_671 = arith.constant 0 : i32
        %dma_start3A_672 = tpu.memref_slice %arg8[%dma_start3A_669, %dma_start3A_670, %dma_start3A_671] : memref<8x200x16xf32, #tpu.memory_space<vmem>> -> memref<1x200x16xf32, #tpu.memory_space<vmem>>
        %dma_start3A_673 = tpu.memref_squeeze %dma_start3A_672 : memref<1x200x16xf32, #tpu.memory_space<vmem>> -> memref<200x16xf32, #tpu.memory_space<vmem>>
        %dma_start3A_674 = arith.constant 0 : i32
        %dma_start3A_675 = tpu.memref_slice %arg6[%dma_start3A_668, %dma_start3A_674] : memref<8x200xi32, #tpu.memory_space<vmem>> -> memref<1x200xi32, #tpu.memory_space<vmem>>
        %dma_start3A_676 = tpu.memref_squeeze %dma_start3A_675 : memref<1x200xi32, #tpu.memory_space<vmem>> -> memref<200xi32, #tpu.memory_space<vmem>>
        %dma_start3A_677 = arith.constant 0 : i32
        %dma_start3A_678 = arith.constant 0 : i32
        %dma_start3A_679 = tpu.memref_slice %arg3[%dma_start3A_677, %dma_start3A_678] : memref<1000000x16xf32, #tpu.memory_space<hbm>> -> memref<1000000x16xf32, #tpu.memory_space<hbm>>
        tpu.enqueue_indirect_dma source(%dma_start3A_679 : memref<1000000x16xf32, #tpu.memory_space<hbm>>) target(%dma_start3A_673 : memref<200x16xf32, #tpu.memory_space<vmem>>) offsets(%dma_start3A_676 : memref<200xi32, #tpu.memory_space<vmem>>) semaphore(%arg14 : memref<!tpu.dma_semaphore, #tpu.memory_space<semaphore_mem>>)
      } else {
      }
      %dma_wait3A_191 = arith.constant 0 : i32
      %dma_wait3A_192 = arith.constant 0 : i32
      %dma_wait3A_193 = arith.constant 0 : i32
      %dma_wait3A_194 = arith.constant 0 : i32
      %dma_wait3A_195 = tpu.memref_slice %arg7[%dma_wait3A_192, %dma_wait3A_193, %dma_wait3A_194] : memref<8x200x16xf32, #tpu.memory_space<vmem>> -> memref<1x200x16xf32, #tpu.memory_space<vmem>>
      %dma_wait3A_196 = tpu.memref_squeeze %dma_wait3A_195 : memref<1x200x16xf32, #tpu.memory_space<vmem>> -> memref<200x16xf32, #tpu.memory_space<vmem>>
      %dma_wait3A_197 = arith.constant 0 : i32
      %dma_wait3A_198 = tpu.memref_slice %arg5[%dma_wait3A_191, %dma_wait3A_197] : memref<8x200xi32, #tpu.memory_space<vmem>> -> memref<1x200xi32, #tpu.memory_space<vmem>>
      %dma_wait3A_199 = tpu.memref_squeeze %dma_wait3A_198 : memref<1x200xi32, #tpu.memory_space<vmem>> -> memref<200xi32, #tpu.memory_space<vmem>>
      %dma_wait3A_200 = arith.constant 0 : i32
      %dma_wait3A_201 = arith.constant 0 : i32
      %dma_wait3A_202 = tpu.memref_slice %arg3[%dma_wait3A_200, %dma_wait3A_201] : memref<1000000x16xf32, #tpu.memory_space<hbm>> -> memref<1000000x16xf32, #tpu.memory_space<hbm>>
      tpu.wait_indirect_dma semaphore(%arg13 : memref<!tpu.dma_semaphore, #tpu.memory_space<semaphore_mem>>) src(%dma_wait3A_202 : memref<1000000x16xf32, #tpu.memory_space<hbm>>) dst(%dma_wait3A_196 : memref<200x16xf32, #tpu.memory_space<vmem>>)
      %dma_wait3A_203 = arith.constant 1 : i32
      %dma_wait3A_204 = arith.constant 1 : i32
      %dma_wait3A_205 = arith.constant 0 : i32
      %dma_wait3A_206 = arith.constant 0 : i32
      %dma_wait3A_207 = tpu.memref_slice %arg7[%dma_wait3A_204, %dma_wait3A_205, %dma_wait3A_206] : memref<8x200x16xf32, #tpu.memory_space<vmem>> -> memref<1x200x16xf32, #tpu.memory_space<vmem>>
      %dma_wait3A_208 = tpu.memref_squeeze %dma_wait3A_207 : memref<1x200x16xf32, #tpu.memory_space<vmem>> -> memref<200x16xf32, #tpu.memory_space<vmem>>
      %dma_wait3A_209 = arith.constant 0 : i32
      %dma_wait3A_210 = tpu.memref_slice %arg5[%dma_wait3A_203, %dma_wait3A_209] : memref<8x200xi32, #tpu.memory_space<vmem>> -> memref<1x200xi32, #tpu.memory_space<vmem>>
      %dma_wait3A_211 = tpu.memref_squeeze %dma_wait3A_210 : memref<1x200xi32, #tpu.memory_space<vmem>> -> memref<200xi32, #tpu.memory_space<vmem>>
      %dma_wait3A_212 = arith.constant 0 : i32
      %dma_wait3A_213 = arith.constant 0 : i32
      %dma_wait3A_214 = tpu.memref_slice %arg3[%dma_wait3A_212, %dma_wait3A_213] : memref<1000000x16xf32, #tpu.memory_space<hbm>> -> memref<1000000x16xf32, #tpu.memory_space<hbm>>
      tpu.wait_indirect_dma semaphore(%arg13 : memref<!tpu.dma_semaphore, #tpu.memory_space<semaphore_mem>>) src(%dma_wait3A_214 : memref<1000000x16xf32, #tpu.memory_space<hbm>>) dst(%dma_wait3A_208 : memref<200x16xf32, #tpu.memory_space<vmem>>)
      %dma_wait3A_215 = arith.constant 2 : i32
      %dma_wait3A_216 = arith.constant 2 : i32
      %dma_wait3A_217 = arith.constant 0 : i32
      %dma_wait3A_218 = arith.constant 0 : i32
      %dma_wait3A_219 = tpu.memref_slice %arg7[%dma_wait3A_216, %dma_wait3A_217, %dma_wait3A_218] : memref<8x200x16xf32, #tpu.memory_space<vmem>> -> memref<1x200x16xf32, #tpu.memory_space<vmem>>
      %dma_wait3A_220 = tpu.memref_squeeze %dma_wait3A_219 : memref<1x200x16xf32, #tpu.memory_space<vmem>> -> memref<200x16xf32, #tpu.memory_space<vmem>>
      %dma_wait3A_221 = arith.constant 0 : i32
      %dma_wait3A_222 = tpu.memref_slice %arg5[%dma_wait3A_215, %dma_wait3A_221] : memref<8x200xi32, #tpu.memory_space<vmem>> -> memref<1x200xi32, #tpu.memory_space<vmem>>
      %dma_wait3A_223 = tpu.memref_squeeze %dma_wait3A_222 : memref<1x200xi32, #tpu.memory_space<vmem>> -> memref<200xi32, #tpu.memory_space<vmem>>
      %dma_wait3A_224 = arith.constant 0 : i32
      %dma_wait3A_225 = arith.constant 0 : i32
      %dma_wait3A_226 = tpu.memref_slice %arg3[%dma_wait3A_224, %dma_wait3A_225] : memref<1000000x16xf32, #tpu.memory_space<hbm>> -> memref<1000000x16xf32, #tpu.memory_space<hbm>>
      tpu.wait_indirect_dma semaphore(%arg13 : memref<!tpu.dma_semaphore, #tpu.memory_space<semaphore_mem>>) src(%dma_wait3A_226 : memref<1000000x16xf32, #tpu.memory_space<hbm>>) dst(%dma_wait3A_220 : memref<200x16xf32, #tpu.memory_space<vmem>>)
      %dma_wait3A_227 = arith.constant 3 : i32
      %dma_wait3A_228 = arith.constant 3 : i32
      %dma_wait3A_229 = arith.constant 0 : i32
      %dma_wait3A_230 = arith.constant 0 : i32
      %dma_wait3A_231 = tpu.memref_slice %arg7[%dma_wait3A_228, %dma_wait3A_229, %dma_wait3A_230] : memref<8x200x16xf32, #tpu.memory_space<vmem>> -> memref<1x200x16xf32, #tpu.memory_space<vmem>>
      %dma_wait3A_232 = tpu.memref_squeeze %dma_wait3A_231 : memref<1x200x16xf32, #tpu.memory_space<vmem>> -> memref<200x16xf32, #tpu.memory_space<vmem>>
      %dma_wait3A_233 = arith.constant 0 : i32
      %dma_wait3A_234 = tpu.memref_slice %arg5[%dma_wait3A_227, %dma_wait3A_233] : memref<8x200xi32, #tpu.memory_space<vmem>> -> memref<1x200xi32, #tpu.memory_space<vmem>>
      %dma_wait3A_235 = tpu.memref_squeeze %dma_wait3A_234 : memref<1x200xi32, #tpu.memory_space<vmem>> -> memref<200xi32, #tpu.memory_space<vmem>>
      %dma_wait3A_236 = arith.constant 0 : i32
      %dma_wait3A_237 = arith.constant 0 : i32
      %dma_wait3A_238 = tpu.memref_slice %arg3[%dma_wait3A_236, %dma_wait3A_237] : memref<1000000x16xf32, #tpu.memory_space<hbm>> -> memref<1000000x16xf32, #tpu.memory_space<hbm>>
      tpu.wait_indirect_dma semaphore(%arg13 : memref<!tpu.dma_semaphore, #tpu.memory_space<semaphore_mem>>) src(%dma_wait3A_238 : memref<1000000x16xf32, #tpu.memory_space<hbm>>) dst(%dma_wait3A_232 : memref<200x16xf32, #tpu.memory_space<vmem>>)
      %dma_wait3A_239 = arith.constant 4 : i32
      %dma_wait3A_240 = arith.constant 4 : i32
      %dma_wait3A_241 = arith.constant 0 : i32
      %dma_wait3A_242 = arith.constant 0 : i32
      %dma_wait3A_243 = tpu.memref_slice %arg7[%dma_wait3A_240, %dma_wait3A_241, %dma_wait3A_242] : memref<8x200x16xf32, #tpu.memory_space<vmem>> -> memref<1x200x16xf32, #tpu.memory_space<vmem>>
      %dma_wait3A_244 = tpu.memref_squeeze %dma_wait3A_243 : memref<1x200x16xf32, #tpu.memory_space<vmem>> -> memref<200x16xf32, #tpu.memory_space<vmem>>
      %dma_wait3A_245 = arith.constant 0 : i32
      %dma_wait3A_246 = tpu.memref_slice %arg5[%dma_wait3A_239, %dma_wait3A_245] : memref<8x200xi32, #tpu.memory_space<vmem>> -> memref<1x200xi32, #tpu.memory_space<vmem>>
      %dma_wait3A_247 = tpu.memref_squeeze %dma_wait3A_246 : memref<1x200xi32, #tpu.memory_space<vmem>> -> memref<200xi32, #tpu.memory_space<vmem>>
      %dma_wait3A_248 = arith.constant 0 : i32
      %dma_wait3A_249 = arith.constant 0 : i32
      %dma_wait3A_250 = tpu.memref_slice %arg3[%dma_wait3A_248, %dma_wait3A_249] : memref<1000000x16xf32, #tpu.memory_space<hbm>> -> memref<1000000x16xf32, #tpu.memory_space<hbm>>
      tpu.wait_indirect_dma semaphore(%arg13 : memref<!tpu.dma_semaphore, #tpu.memory_space<semaphore_mem>>) src(%dma_wait3A_250 : memref<1000000x16xf32, #tpu.memory_space<hbm>>) dst(%dma_wait3A_244 : memref<200x16xf32, #tpu.memory_space<vmem>>)
      %dma_wait3A_251 = arith.constant 5 : i32
      %dma_wait3A_252 = arith.constant 5 : i32
      %dma_wait3A_253 = arith.constant 0 : i32
      %dma_wait3A_254 = arith.constant 0 : i32
      %dma_wait3A_255 = tpu.memref_slice %arg7[%dma_wait3A_252, %dma_wait3A_253, %dma_wait3A_254] : memref<8x200x16xf32, #tpu.memory_space<vmem>> -> memref<1x200x16xf32, #tpu.memory_space<vmem>>
      %dma_wait3A_256 = tpu.memref_squeeze %dma_wait3A_255 : memref<1x200x16xf32, #tpu.memory_space<vmem>> -> memref<200x16xf32, #tpu.memory_space<vmem>>
      %dma_wait3A_257 = arith.constant 0 : i32
      %dma_wait3A_258 = tpu.memref_slice %arg5[%dma_wait3A_251, %dma_wait3A_257] : memref<8x200xi32, #tpu.memory_space<vmem>> -> memref<1x200xi32, #tpu.memory_space<vmem>>
      %dma_wait3A_259 = tpu.memref_squeeze %dma_wait3A_258 : memref<1x200xi32, #tpu.memory_space<vmem>> -> memref<200xi32, #tpu.memory_space<vmem>>
      %dma_wait3A_260 = arith.constant 0 : i32
      %dma_wait3A_261 = arith.constant 0 : i32
      %dma_wait3A_262 = tpu.memref_slice %arg3[%dma_wait3A_260, %dma_wait3A_261] : memref<1000000x16xf32, #tpu.memory_space<hbm>> -> memref<1000000x16xf32, #tpu.memory_space<hbm>>
      tpu.wait_indirect_dma semaphore(%arg13 : memref<!tpu.dma_semaphore, #tpu.memory_space<semaphore_mem>>) src(%dma_wait3A_262 : memref<1000000x16xf32, #tpu.memory_space<hbm>>) dst(%dma_wait3A_256 : memref<200x16xf32, #tpu.memory_space<vmem>>)
      %dma_wait3A_263 = arith.constant 6 : i32
      %dma_wait3A_264 = arith.constant 6 : i32
      %dma_wait3A_265 = arith.constant 0 : i32
      %dma_wait3A_266 = arith.constant 0 : i32
      %dma_wait3A_267 = tpu.memref_slice %arg7[%dma_wait3A_264, %dma_wait3A_265, %dma_wait3A_266] : memref<8x200x16xf32, #tpu.memory_space<vmem>> -> memref<1x200x16xf32, #tpu.memory_space<vmem>>
      %dma_wait3A_268 = tpu.memref_squeeze %dma_wait3A_267 : memref<1x200x16xf32, #tpu.memory_space<vmem>> -> memref<200x16xf32, #tpu.memory_space<vmem>>
      %dma_wait3A_269 = arith.constant 0 : i32
      %dma_wait3A_270 = tpu.memref_slice %arg5[%dma_wait3A_263, %dma_wait3A_269] : memref<8x200xi32, #tpu.memory_space<vmem>> -> memref<1x200xi32, #tpu.memory_space<vmem>>
      %dma_wait3A_271 = tpu.memref_squeeze %dma_wait3A_270 : memref<1x200xi32, #tpu.memory_space<vmem>> -> memref<200xi32, #tpu.memory_space<vmem>>
      %dma_wait3A_272 = arith.constant 0 : i32
      %dma_wait3A_273 = arith.constant 0 : i32
      %dma_wait3A_274 = tpu.memref_slice %arg3[%dma_wait3A_272, %dma_wait3A_273] : memref<1000000x16xf32, #tpu.memory_space<hbm>> -> memref<1000000x16xf32, #tpu.memory_space<hbm>>
      tpu.wait_indirect_dma semaphore(%arg13 : memref<!tpu.dma_semaphore, #tpu.memory_space<semaphore_mem>>) src(%dma_wait3A_274 : memref<1000000x16xf32, #tpu.memory_space<hbm>>) dst(%dma_wait3A_268 : memref<200x16xf32, #tpu.memory_space<vmem>>)
      %dma_wait3A_275 = arith.constant 7 : i32
      %dma_wait3A_276 = arith.constant 7 : i32
      %dma_wait3A_277 = arith.constant 0 : i32
      %dma_wait3A_278 = arith.constant 0 : i32
      %dma_wait3A_279 = tpu.memref_slice %arg7[%dma_wait3A_276, %dma_wait3A_277, %dma_wait3A_278] : memref<8x200x16xf32, #tpu.memory_space<vmem>> -> memref<1x200x16xf32, #tpu.memory_space<vmem>>
      %dma_wait3A_280 = tpu.memref_squeeze %dma_wait3A_279 : memref<1x200x16xf32, #tpu.memory_space<vmem>> -> memref<200x16xf32, #tpu.memory_space<vmem>>
      %dma_wait3A_281 = arith.constant 0 : i32
      %dma_wait3A_282 = tpu.memref_slice %arg5[%dma_wait3A_275, %dma_wait3A_281] : memref<8x200xi32, #tpu.memory_space<vmem>> -> memref<1x200xi32, #tpu.memory_space<vmem>>
      %dma_wait3A_283 = tpu.memref_squeeze %dma_wait3A_282 : memref<1x200xi32, #tpu.memory_space<vmem>> -> memref<200xi32, #tpu.memory_space<vmem>>
      %dma_wait3A_284 = arith.constant 0 : i32
      %dma_wait3A_285 = arith.constant 0 : i32
      %dma_wait3A_286 = tpu.memref_slice %arg3[%dma_wait3A_284, %dma_wait3A_285] : memref<1000000x16xf32, #tpu.memory_space<hbm>> -> memref<1000000x16xf32, #tpu.memory_space<hbm>>
      tpu.wait_indirect_dma semaphore(%arg13 : memref<!tpu.dma_semaphore, #tpu.memory_space<semaphore_mem>>) src(%dma_wait3A_286 : memref<1000000x16xf32, #tpu.memory_space<hbm>>) dst(%dma_wait3A_280 : memref<200x16xf32, #tpu.memory_space<vmem>>)
      %add3A_287 = arith.constant 2 : i32
      %add3A_288 = arith.addi %add3A_186, %add3A_287 : i32
      %lt3A_289 = arith.constant 64 : i32
      %lt3A_290 = arith.cmpi slt, %add3A_288, %lt3A_289 : i32
      %convert_element_type3A_291 = arith.extui %lt3A_290 : i1 to i32
      %cond3A_292 = arith.constant 0 : i32
      %cond3A_293 = arith.cmpi ne, %convert_element_type3A_291, %cond3A_292 : i32
      scf.if %cond3A_293 {
        %add3A_575 = arith.constant 2 : i32
        %add3A_576 = arith.addi %add3A_186, %add3A_575 : i32
        %mul3A_577 = arith.constant 8 : i32
        %mul3A_578 = arith.muli %add3A_576, %mul3A_577 : i32
        %add3A_579 = arith.addi %mul3A_2, %mul3A_578 : i32
        %dma_start3A_580 = arith.constant 0 : i32
        %dma_start3A_581 = tpu.memref_slice %arg2[%add3A_579, %dma_start3A_580] : memref<16384x200xi32, #tpu.memory_space<hbm>> -> memref<8x200xi32, #tpu.memory_space<hbm>>
        %dma_start3A_582 = arith.constant 0 : i32
        %dma_start3A_583 = tpu.memref_slice %arg2[%add3A_579, %dma_start3A_582] : memref<16384x200xi32, #tpu.memory_space<hbm>> -> memref<8x200xi32, #tpu.memory_space<hbm>>
        tpu.enqueue_dma source(%dma_start3A_583 : memref<8x200xi32, #tpu.memory_space<hbm>>) target(%arg5 : memref<8x200xi32, #tpu.memory_space<vmem>>) target_semaphore(%arg11 : memref<!tpu.dma_semaphore, #tpu.memory_space<semaphore_mem>>)
      } else {
      }
      %gt3A = arith.constant 0 : i32
      %gt3A_294 = arith.cmpi sgt, %add3A_186, %gt3A : i32
      %convert_element_type3A_295 = arith.extui %gt3A_294 : i1 to i32
      %cond3A_296 = arith.constant 0 : i32
      %cond3A_297 = arith.cmpi ne, %convert_element_type3A_295, %cond3A_296 : i32
      scf.if %cond3A_297 {
        %sub3A = arith.constant 1 : i32
        %sub3A_575 = arith.subi %add3A_186, %sub3A : i32
        %mul3A_576 = arith.constant 8 : i32
        %mul3A_577 = arith.muli %sub3A_575, %mul3A_576 : i32
        %add3A_578 = arith.addi %mul3A_2, %mul3A_577 : i32
        %shift_right_arithmetic3A_579 = arith.constant 7 : i32
        %shift_right_arithmetic3A_580 = arith.shrsi %add3A_578, %shift_right_arithmetic3A_579 : i32
        %mul3A_581 = arith.constant 8 : i32
        %mul3A_582 = arith.muli %sub3A_575, %mul3A_581 : i32
        %add3A_583 = arith.addi %mul3A_2, %mul3A_582 : i32
        %and3A_584 = arith.constant 127 : i32
        %and3A_585 = arith.andi %add3A_583, %and3A_584 : i32
        %multiple_of3A_586 = tpu.assume_multiple %and3A_585, 8 : i32
        %dma_wait3A_587 = arith.constant 0 : i32
        %dma_wait3A_588 = arith.constant 0 : i32
        %dma_wait3A_589 = arith.constant 0 : i32
        %dma_wait3A_590 = arith.constant 0 : i32
        %dma_wait3A_591 = arith.constant 0 : i32
        %dma_wait3A_592 = tpu.memref_slice %arg9[%dma_wait3A_587, %dma_wait3A_588, %dma_wait3A_589, %dma_wait3A_590, %dma_wait3A_591] : memref<100x2x1x8x13xf32, #tpu.memory_space<vmem>> -> memref<100x2x1x8x8xf32, #tpu.memory_space<vmem>>
        %dma_wait3A_593 = arith.constant 0 : i32
        %dma_wait3A_594 = arith.constant 0 : i32
        %dma_wait3A_595 = arith.constant 0 : i32
        %dma_wait3A_596 = tpu.memref_slice %arg4[%dma_wait3A_593, %dma_wait3A_594, %shift_right_arithmetic3A_580, %dma_wait3A_595, %multiple_of3A_586] : memref<200x2x128x8x128xf32, #tpu.memory_space<hbm>> -> memref<100x2x1x8x8xf32, #tpu.memory_space<hbm>>
        %dma_wait3A_597 = arith.constant 0 : i32
        %dma_wait3A_598 = arith.constant 0 : i32
        %dma_wait3A_599 = arith.constant 0 : i32
        %dma_wait3A_600 = tpu.memref_slice %arg4[%dma_wait3A_597, %dma_wait3A_598, %shift_right_arithmetic3A_580, %dma_wait3A_599, %multiple_of3A_586] : memref<200x2x128x8x128xf32, #tpu.memory_space<hbm>> -> memref<100x2x1x8x8xf32, #tpu.memory_space<hbm>>
        %dma_wait3A_601 = arith.constant 0 : i32
        %dma_wait3A_602 = arith.constant 0 : i32
        %dma_wait3A_603 = arith.constant 0 : i32
        %dma_wait3A_604 = arith.constant 0 : i32
        %dma_wait3A_605 = arith.constant 0 : i32
        %dma_wait3A_606 = tpu.memref_slice %arg9[%dma_wait3A_601, %dma_wait3A_602, %dma_wait3A_603, %dma_wait3A_604, %dma_wait3A_605] : memref<100x2x1x8x13xf32, #tpu.memory_space<vmem>> -> memref<100x2x1x8x8xf32, #tpu.memory_space<vmem>>
        tpu.wait_dma2 semaphore(%arg15 : memref<!tpu.dma_semaphore, #tpu.memory_space<semaphore_mem>>) src(%dma_wait3A_606 : memref<100x2x1x8x8xf32, #tpu.memory_space<vmem>>) dst(%dma_wait3A_600 : memref<100x2x1x8x8xf32, #tpu.memory_space<hbm>>)
      } else {
      }
      %scan3A_298 = arith.constant 0 : i32
      %scan3A_299 = arith.constant 0 : i32
      %scan3A_300 = arith.constant 100 : i32
      %scan3A_301 = arith.addi %scan3A_299, %scan3A_300 : i32
      %scan3A_302 = arith.constant 10 : i32
      scf.for %scan3A_575 = %scan3A_299 to %scan3A_301 step %scan3A_302  : i32 {
        %broadcast_in_dim3A_576 = vector.broadcast %scan3A_575 : i32 to vector<16xi32>
        %add3A_577 = arith.constant 0 : i32
        %add3A_578 = arith.addi %add3A_577, %scan3A_575 : i32
        %get3A = arith.constant 0 : i32
        %get3A_579 = arith.index_cast %get3A : i32 to index
        %get3A_580 = arith.index_cast %add3A_578 : i32 to index
        %get3A_581 = arith.constant 0 : index
        %get3A_582 = tpu.vector_load %arg7[%get3A_579, %get3A_580, %get3A_581] {strides = array<i32>} : memref<8x200x16xf32, #tpu.memory_space<vmem>>, vector<16xf32>,
        %broadcast_in_dim3A_583 = arith.constant 0 : i32
        %broadcast_in_dim3A_584 = vector.broadcast %broadcast_in_dim3A_583 : i32 to vector<16xi32>
        tpu.vector_store_idx %arg9[%broadcast_in_dim3A_576, %shift_right_arithmetic3A_4, %broadcast_in_dim3A_5, %and3A_7, %broadcast_in_dim3A_584], %get3A_582 : memref<100x2x1x8x13xf32, #tpu.memory_space<vmem>>[vector<16xi32>, vector<16xi32>, vector<16xi32>, vector<16xi32>, vector<16xi32>], vector<16xf32>,
        %add3A_585 = arith.constant 0 : i32
        %add3A_586 = arith.addi %add3A_585, %scan3A_575 : i32
        %get3A_587 = arith.constant 1 : i32
        %get3A_588 = arith.index_cast %get3A_587 : i32 to index
        %get3A_589 = arith.index_cast %add3A_586 : i32 to index
        %get3A_590 = arith.constant 0 : index
        %get3A_591 = tpu.vector_load %arg7[%get3A_588, %get3A_589, %get3A_590] {strides = array<i32>} : memref<8x200x16xf32, #tpu.memory_space<vmem>>, vector<16xf32>,
        %broadcast_in_dim3A_592 = arith.constant 1 : i32
        %broadcast_in_dim3A_593 = vector.broadcast %broadcast_in_dim3A_592 : i32 to vector<16xi32>
        tpu.vector_store_idx %arg9[%broadcast_in_dim3A_576, %shift_right_arithmetic3A_4, %broadcast_in_dim3A_5, %and3A_7, %broadcast_in_dim3A_593], %get3A_591 : memref<100x2x1x8x13xf32, #tpu.memory_space<vmem>>[vector<16xi32>, vector<16xi32>, vector<16xi32>, vector<16xi32>, vector<16xi32>], vector<16xf32>,
        %add3A_594 = arith.constant 0 : i32
        %add3A_595 = arith.addi %add3A_594, %scan3A_575 : i32
        %get3A_596 = arith.constant 2 : i32
        %get3A_597 = arith.index_cast %get3A_596 : i32 to index
        %get3A_598 = arith.index_cast %add3A_595 : i32 to index
        %get3A_599 = arith.constant 0 : index
        %get3A_600 = tpu.vector_load %arg7[%get3A_597, %get3A_598, %get3A_599] {strides = array<i32>} : memref<8x200x16xf32, #tpu.memory_space<vmem>>, vector<16xf32>,
        %broadcast_in_dim3A_601 = arith.constant 2 : i32
        %broadcast_in_dim3A_602 = vector.broadcast %broadcast_in_dim3A_601 : i32 to vector<16xi32>
        tpu.vector_store_idx %arg9[%broadcast_in_dim3A_576, %shift_right_arithmetic3A_4, %broadcast_in_dim3A_5, %and3A_7, %broadcast_in_dim3A_602], %get3A_600 : memref<100x2x1x8x13xf32, #tpu.memory_space<vmem>>[vector<16xi32>, vector<16xi32>, vector<16xi32>, vector<16xi32>, vector<16xi32>], vector<16xf32>,
        %add3A_603 = arith.constant 0 : i32
        %add3A_604 = arith.addi %add3A_603, %scan3A_575 : i32
        %get3A_605 = arith.constant 3 : i32
        %get3A_606 = arith.index_cast %get3A_605 : i32 to index
        %get3A_607 = arith.index_cast %add3A_604 : i32 to index
        %get3A_608 = arith.constant 0 : index
        %get3A_609 = tpu.vector_load %arg7[%get3A_606, %get3A_607, %get3A_608] {strides = array<i32>} : memref<8x200x16xf32, #tpu.memory_space<vmem>>, vector<16xf32>,
        %broadcast_in_dim3A_610 = arith.constant 3 : i32
        %broadcast_in_dim3A_611 = vector.broadcast %broadcast_in_dim3A_610 : i32 to vector<16xi32>
        tpu.vector_store_idx %arg9[%broadcast_in_dim3A_576, %shift_right_arithmetic3A_4, %broadcast_in_dim3A_5, %and3A_7, %broadcast_in_dim3A_611], %get3A_609 : memref<100x2x1x8x13xf32, #tpu.memory_space<vmem>>[vector<16xi32>, vector<16xi32>, vector<16xi32>, vector<16xi32>, vector<16xi32>], vector<16xf32>,
        %add3A_612 = arith.constant 0 : i32
        %add3A_613 = arith.addi %add3A_612, %scan3A_575 : i32
        %get3A_614 = arith.constant 4 : i32
        %get3A_615 = arith.index_cast %get3A_614 : i32 to index
        %get3A_616 = arith.index_cast %add3A_613 : i32 to index
        %get3A_617 = arith.constant 0 : index
        %get3A_618 = tpu.vector_load %arg7[%get3A_615, %get3A_616, %get3A_617] {strides = array<i32>} : memref<8x200x16xf32, #tpu.memory_space<vmem>>, vector<16xf32>,
        %broadcast_in_dim3A_619 = arith.constant 4 : i32
        %broadcast_in_dim3A_620 = vector.broadcast %broadcast_in_dim3A_619 : i32 to vector<16xi32>
        tpu.vector_store_idx %arg9[%broadcast_in_dim3A_576, %shift_right_arithmetic3A_4, %broadcast_in_dim3A_5, %and3A_7, %broadcast_in_dim3A_620], %get3A_618 : memref<100x2x1x8x13xf32, #tpu.memory_space<vmem>>[vector<16xi32>, vector<16xi32>, vector<16xi32>, vector<16xi32>, vector<16xi32>], vector<16xf32>,
        %add3A_621 = arith.constant 0 : i32
        %add3A_622 = arith.addi %add3A_621, %scan3A_575 : i32
        %get3A_623 = arith.constant 5 : i32
        %get3A_624 = arith.index_cast %get3A_623 : i32 to index
        %get3A_625 = arith.index_cast %add3A_622 : i32 to index
        %get3A_626 = arith.constant 0 : index
        %get3A_627 = tpu.vector_load %arg7[%get3A_624, %get3A_625, %get3A_626] {strides = array<i32>} : memref<8x200x16xf32, #tpu.memory_space<vmem>>, vector<16xf32>,
        %broadcast_in_dim3A_628 = arith.constant 5 : i32
        %broadcast_in_dim3A_629 = vector.broadcast %broadcast_in_dim3A_628 : i32 to vector<16xi32>
        tpu.vector_store_idx %arg9[%broadcast_in_dim3A_576, %shift_right_arithmetic3A_4, %broadcast_in_dim3A_5, %and3A_7, %broadcast_in_dim3A_629], %get3A_627 : memref<100x2x1x8x13xf32, #tpu.memory_space<vmem>>[vector<16xi32>, vector<16xi32>, vector<16xi32>, vector<16xi32>, vector<16xi32>], vector<16xf32>,
        %add3A_630 = arith.constant 0 : i32
        %add3A_631 = arith.addi %add3A_630, %scan3A_575 : i32
        %get3A_632 = arith.constant 6 : i32
        %get3A_633 = arith.index_cast %get3A_632 : i32 to index
        %get3A_634 = arith.index_cast %add3A_631 : i32 to index
        %get3A_635 = arith.constant 0 : index
        %get3A_636 = tpu.vector_load %arg7[%get3A_633, %get3A_634, %get3A_635] {strides = array<i32>} : memref<8x200x16xf32, #tpu.memory_space<vmem>>, vector<16xf32>,
        %broadcast_in_dim3A_637 = arith.constant 6 : i32
        %broadcast_in_dim3A_638 = vector.broadcast %broadcast_in_dim3A_637 : i32 to vector<16xi32>
        tpu.vector_store_idx %arg9[%broadcast_in_dim3A_576, %shift_right_arithmetic3A_4, %broadcast_in_dim3A_5, %and3A_7, %broadcast_in_dim3A_638], %get3A_636 : memref<100x2x1x8x13xf32, #tpu.memory_space<vmem>>[vector<16xi32>, vector<16xi32>, vector<16xi32>, vector<16xi32>, vector<16xi32>], vector<16xf32>,
        %add3A_639 = arith.constant 0 : i32
        %add3A_640 = arith.addi %add3A_639, %scan3A_575 : i32
        %get3A_641 = arith.constant 7 : i32
        %get3A_642 = arith.index_cast %get3A_641 : i32 to index
        %get3A_643 = arith.index_cast %add3A_640 : i32 to index
        %get3A_644 = arith.constant 0 : index
        %get3A_645 = tpu.vector_load %arg7[%get3A_642, %get3A_643, %get3A_644] {strides = array<i32>} : memref<8x200x16xf32, #tpu.memory_space<vmem>>, vector<16xf32>,
        %broadcast_in_dim3A_646 = arith.constant 7 : i32
        %broadcast_in_dim3A_647 = vector.broadcast %broadcast_in_dim3A_646 : i32 to vector<16xi32>
        tpu.vector_store_idx %arg9[%broadcast_in_dim3A_576, %shift_right_arithmetic3A_4, %broadcast_in_dim3A_5, %and3A_7, %broadcast_in_dim3A_647], %get3A_645 : memref<100x2x1x8x13xf32, #tpu.memory_space<vmem>>[vector<16xi32>, vector<16xi32>, vector<16xi32>, vector<16xi32>, vector<16xi32>], vector<16xf32>,
        %scan3A_648 = arith.constant 1 : i32
        %scan3A_649 = arith.addi %scan3A_575, %scan3A_648 : i32
        %broadcast_in_dim3A_650 = vector.broadcast %scan3A_649 : i32 to vector<16xi32>
        %add3A_651 = arith.constant 0 : i32
        %add3A_652 = arith.addi %add3A_651, %scan3A_649 : i32
        %get3A_653 = arith.constant 0 : i32
        %get3A_654 = arith.index_cast %get3A_653 : i32 to index
        %get3A_655 = arith.index_cast %add3A_652 : i32 to index
        %get3A_656 = arith.constant 0 : index
        %get3A_657 = tpu.vector_load %arg7[%get3A_654, %get3A_655, %get3A_656] {strides = array<i32>} : memref<8x200x16xf32, #tpu.memory_space<vmem>>, vector<16xf32>,
        %broadcast_in_dim3A_658 = arith.constant 0 : i32
        %broadcast_in_dim3A_659 = vector.broadcast %broadcast_in_dim3A_658 : i32 to vector<16xi32>
        tpu.vector_store_idx %arg9[%broadcast_in_dim3A_650, %shift_right_arithmetic3A_4, %broadcast_in_dim3A_5, %and3A_7, %broadcast_in_dim3A_659], %get3A_657 : memref<100x2x1x8x13xf32, #tpu.memory_space<vmem>>[vector<16xi32>, vector<16xi32>, vector<16xi32>, vector<16xi32>, vector<16xi32>], vector<16xf32>,
        %add3A_660 = arith.constant 0 : i32
        %add3A_661 = arith.addi %add3A_660, %scan3A_649 : i32
        %get3A_662 = arith.constant 1 : i32
        %get3A_663 = arith.index_cast %get3A_662 : i32 to index
        %get3A_664 = arith.index_cast %add3A_661 : i32 to index
        %get3A_665 = arith.constant 0 : index
        %get3A_666 = tpu.vector_load %arg7[%get3A_663, %get3A_664, %get3A_665] {strides = array<i32>} : memref<8x200x16xf32, #tpu.memory_space<vmem>>, vector<16xf32>,
        %broadcast_in_dim3A_667 = arith.constant 1 : i32
        %broadcast_in_dim3A_668 = vector.broadcast %broadcast_in_dim3A_667 : i32 to vector<16xi32>
        tpu.vector_store_idx %arg9[%broadcast_in_dim3A_650, %shift_right_arithmetic3A_4, %broadcast_in_dim3A_5, %and3A_7, %broadcast_in_dim3A_668], %get3A_666 : memref<100x2x1x8x13xf32, #tpu.memory_space<vmem>>[vector<16xi32>, vector<16xi32>, vector<16xi32>, vector<16xi32>, vector<16xi32>], vector<16xf32>,
        %add3A_669 = arith.constant 0 : i32
        %add3A_670 = arith.addi %add3A_669, %scan3A_649 : i32
        %get3A_671 = arith.constant 2 : i32
        %get3A_672 = arith.index_cast %get3A_671 : i32 to index
        %get3A_673 = arith.index_cast %add3A_670 : i32 to index
        %get3A_674 = arith.constant 0 : index
        %get3A_675 = tpu.vector_load %arg7[%get3A_672, %get3A_673, %get3A_674] {strides = array<i32>} : memref<8x200x16xf32, #tpu.memory_space<vmem>>, vector<16xf32>,
        %broadcast_in_dim3A_676 = arith.constant 2 : i32
        %broadcast_in_dim3A_677 = vector.broadcast %broadcast_in_dim3A_676 : i32 to vector<16xi32>
        tpu.vector_store_idx %arg9[%broadcast_in_dim3A_650, %shift_right_arithmetic3A_4, %broadcast_in_dim3A_5, %and3A_7, %broadcast_in_dim3A_677], %get3A_675 : memref<100x2x1x8x13xf32, #tpu.memory_space<vmem>>[vector<16xi32>, vector<16xi32>, vector<16xi32>, vector<16xi32>, vector<16xi32>], vector<16xf32>,
        %add3A_678 = arith.constant 0 : i32
        %add3A_679 = arith.addi %add3A_678, %scan3A_649 : i32
        %get3A_680 = arith.constant 3 : i32
        %get3A_681 = arith.index_cast %get3A_680 : i32 to index
        %get3A_682 = arith.index_cast %add3A_679 : i32 to index
        %get3A_683 = arith.constant 0 : index
        %get3A_684 = tpu.vector_load %arg7[%get3A_681, %get3A_682, %get3A_683] {strides = array<i32>} : memref<8x200x16xf32, #tpu.memory_space<vmem>>, vector<16xf32>,
        %broadcast_in_dim3A_685 = arith.constant 3 : i32
        %broadcast_in_dim3A_686 = vector.broadcast %broadcast_in_dim3A_685 : i32 to vector<16xi32>
        tpu.vector_store_idx %arg9[%broadcast_in_dim3A_650, %shift_right_arithmetic3A_4, %broadcast_in_dim3A_5, %and3A_7, %broadcast_in_dim3A_686], %get3A_684 : memref<100x2x1x8x13xf32, #tpu.memory_space<vmem>>[vector<16xi32>, vector<16xi32>, vector<16xi32>, vector<16xi32>, vector<16xi32>], vector<16xf32>,
        %add3A_687 = arith.constant 0 : i32
        %add3A_688 = arith.addi %add3A_687, %scan3A_649 : i32
        %get3A_689 = arith.constant 4 : i32
        %get3A_690 = arith.index_cast %get3A_689 : i32 to index
        %get3A_691 = arith.index_cast %add3A_688 : i32 to index
        %get3A_692 = arith.constant 0 : index
        %get3A_693 = tpu.vector_load %arg7[%get3A_690, %get3A_691, %get3A_692] {strides = array<i32>} : memref<8x200x16xf32, #tpu.memory_space<vmem>>, vector<16xf32>,
        %broadcast_in_dim3A_694 = arith.constant 4 : i32
        %broadcast_in_dim3A_695 = vector.broadcast %broadcast_in_dim3A_694 : i32 to vector<16xi32>
        tpu.vector_store_idx %arg9[%broadcast_in_dim3A_650, %shift_right_arithmetic3A_4, %broadcast_in_dim3A_5, %and3A_7, %broadcast_in_dim3A_695], %get3A_693 : memref<100x2x1x8x13xf32, #tpu.memory_space<vmem>>[vector<16xi32>, vector<16xi32>, vector<16xi32>, vector<16xi32>, vector<16xi32>], vector<16xf32>,
        %add3A_696 = arith.constant 0 : i32
        %add3A_697 = arith.addi %add3A_696, %scan3A_649 : i32
        %get3A_698 = arith.constant 5 : i32
        %get3A_699 = arith.index_cast %get3A_698 : i32 to index
        %get3A_700 = arith.index_cast %add3A_697 : i32 to index
        %get3A_701 = arith.constant 0 : index
        %get3A_702 = tpu.vector_load %arg7[%get3A_699, %get3A_700, %get3A_701] {strides = array<i32>} : memref<8x200x16xf32, #tpu.memory_space<vmem>>, vector<16xf32>,
        %broadcast_in_dim3A_703 = arith.constant 5 : i32
        %broadcast_in_dim3A_704 = vector.broadcast %broadcast_in_dim3A_703 : i32 to vector<16xi32>
        tpu.vector_store_idx %arg9[%broadcast_in_dim3A_650, %shift_right_arithmetic3A_4, %broadcast_in_dim3A_5, %and3A_7, %broadcast_in_dim3A_704], %get3A_702 : memref<100x2x1x8x13xf32, #tpu.memory_space<vmem>>[vector<16xi32>, vector<16xi32>, vector<16xi32>, vector<16xi32>, vector<16xi32>], vector<16xf32>,
        %add3A_705 = arith.constant 0 : i32
        %add3A_706 = arith.addi %add3A_705, %scan3A_649 : i32
        %get3A_707 = arith.constant 6 : i32
        %get3A_708 = arith.index_cast %get3A_707 : i32 to index
        %get3A_709 = arith.index_cast %add3A_706 : i32 to index
        %get3A_710 = arith.constant 0 : index
        %get3A_711 = tpu.vector_load %arg7[%get3A_708, %get3A_709, %get3A_710] {strides = array<i32>} : memref<8x200x16xf32, #tpu.memory_space<vmem>>, vector<16xf32>,
        %broadcast_in_dim3A_712 = arith.constant 6 : i32
        %broadcast_in_dim3A_713 = vector.broadcast %broadcast_in_dim3A_712 : i32 to vector<16xi32>
        tpu.vector_store_idx %arg9[%broadcast_in_dim3A_650, %shift_right_arithmetic3A_4, %broadcast_in_dim3A_5, %and3A_7, %broadcast_in_dim3A_713], %get3A_711 : memref<100x2x1x8x13xf32, #tpu.memory_space<vmem>>[vector<16xi32>, vector<16xi32>, vector<16xi32>, vector<16xi32>, vector<16xi32>], vector<16xf32>,
        %add3A_714 = arith.constant 0 : i32
        %add3A_715 = arith.addi %add3A_714, %scan3A_649 : i32
        %get3A_716 = arith.constant 7 : i32
        %get3A_717 = arith.index_cast %get3A_716 : i32 to index
        %get3A_718 = arith.index_cast %add3A_715 : i32 to index
        %get3A_719 = arith.constant 0 : index
        %get3A_720 = tpu.vector_load %arg7[%get3A_717, %get3A_718, %get3A_719] {strides = array<i32>} : memref<8x200x16xf32, #tpu.memory_space<vmem>>, vector<16xf32>,
        %broadcast_in_dim3A_721 = arith.constant 7 : i32
        %broadcast_in_dim3A_722 = vector.broadcast %broadcast_in_dim3A_721 : i32 to vector<16xi32>
        tpu.vector_store_idx %arg9[%broadcast_in_dim3A_650, %shift_right_arithmetic3A_4, %broadcast_in_dim3A_5, %and3A_7, %broadcast_in_dim3A_722], %get3A_720 : memref<100x2x1x8x13xf32, #tpu.memory_space<vmem>>[vector<16xi32>, vector<16xi32>, vector<16xi32>, vector<16xi32>, vector<16xi32>], vector<16xf32>,
        %scan3A_723 = arith.constant 2 : i32
        %scan3A_724 = arith.addi %scan3A_575, %scan3A_723 : i32
        %broadcast_in_dim3A_725 = vector.broadcast %scan3A_724 : i32 to vector<16xi32>
        %add3A_726 = arith.constant 0 : i32
        %add3A_727 = arith.addi %add3A_726, %scan3A_724 : i32
        %get3A_728 = arith.constant 0 : i32
        %get3A_729 = arith.index_cast %get3A_728 : i32 to index
        %get3A_730 = arith.index_cast %add3A_727 : i32 to index
        %get3A_731 = arith.constant 0 : index
        %get3A_732 = tpu.vector_load %arg7[%get3A_729, %get3A_730, %get3A_731] {strides = array<i32>} : memref<8x200x16xf32, #tpu.memory_space<vmem>>, vector<16xf32>,
        %broadcast_in_dim3A_733 = arith.constant 0 : i32
        %broadcast_in_dim3A_734 = vector.broadcast %broadcast_in_dim3A_733 : i32 to vector<16xi32>
        tpu.vector_store_idx %arg9[%broadcast_in_dim3A_725, %shift_right_arithmetic3A_4, %broadcast_in_dim3A_5, %and3A_7, %broadcast_in_dim3A_734], %get3A_732 : memref<100x2x1x8x13xf32, #tpu.memory_space<vmem>>[vector<16xi32>, vector<16xi32>, vector<16xi32>, vector<16xi32>, vector<16xi32>], vector<16xf32>,
        %add3A_735 = arith.constant 0 : i32
        %add3A_736 = arith.addi %add3A_735, %scan3A_724 : i32
        %get3A_737 = arith.constant 1 : i32
        %get3A_738 = arith.index_cast %get3A_737 : i32 to index
        %get3A_739 = arith.index_cast %add3A_736 : i32 to index
        %get3A_740 = arith.constant 0 : index
        %get3A_741 = tpu.vector_load %arg7[%get3A_738, %get3A_739, %get3A_740] {strides = array<i32>} : memref<8x200x16xf32, #tpu.memory_space<vmem>>, vector<16xf32>,
        %broadcast_in_dim3A_742 = arith.constant 1 : i32
        %broadcast_in_dim3A_743 = vector.broadcast %broadcast_in_dim3A_742 : i32 to vector<16xi32>
        tpu.vector_store_idx %arg9[%broadcast_in_dim3A_725, %shift_right_arithmetic3A_4, %broadcast_in_dim3A_5, %and3A_7, %broadcast_in_dim3A_743], %get3A_741 : memref<100x2x1x8x13xf32, #tpu.memory_space<vmem>>[vector<16xi32>, vector<16xi32>, vector<16xi32>, vector<16xi32>, vector<16xi32>], vector<16xf32>,
        %add3A_744 = arith.constant 0 : i32
        %add3A_745 = arith.addi %add3A_744, %scan3A_724 : i32
        %get3A_746 = arith.constant 2 : i32
        %get3A_747 = arith.index_cast %get3A_746 : i32 to index
        %get3A_748 = arith.index_cast %add3A_745 : i32 to index
        %get3A_749 = arith.constant 0 : index
        %get3A_750 = tpu.vector_load %arg7[%get3A_747, %get3A_748, %get3A_749] {strides = array<i32>} : memref<8x200x16xf32, #tpu.memory_space<vmem>>, vector<16xf32>,
        %broadcast_in_dim3A_751 = arith.constant 2 : i32
        %broadcast_in_dim3A_752 = vector.broadcast %broadcast_in_dim3A_751 : i32 to vector<16xi32>
        tpu.vector_store_idx %arg9[%broadcast_in_dim3A_725, %shift_right_arithmetic3A_4, %broadcast_in_dim3A_5, %and3A_7, %broadcast_in_dim3A_752], %get3A_750 : memref<100x2x1x8x13xf32, #tpu.memory_space<vmem>>[vector<16xi32>, vector<16xi32>, vector<16xi32>, vector<16xi32>, vector<16xi32>], vector<16xf32>,
        %add3A_753 = arith.constant 0 : i32
        %add3A_754 = arith.addi %add3A_753, %scan3A_724 : i32
        %get3A_755 = arith.constant 3 : i32
        %get3A_756 = arith.index_cast %get3A_755 : i32 to index
        %get3A_757 = arith.index_cast %add3A_754 : i32 to index
        %get3A_758 = arith.constant 0 : index
        %get3A_759 = tpu.vector_load %arg7[%get3A_756, %get3A_757, %get3A_758] {strides = array<i32>} : memref<8x200x16xf32, #tpu.memory_space<vmem>>, vector<16xf32>,
        %broadcast_in_dim3A_760 = arith.constant 3 : i32
        %broadcast_in_dim3A_761 = vector.broadcast %broadcast_in_dim3A_760 : i32 to vector<16xi32>
        tpu.vector_store_idx %arg9[%broadcast_in_dim3A_725, %shift_right_arithmetic3A_4, %broadcast_in_dim3A_5, %and3A_7, %broadcast_in_dim3A_761], %get3A_759 : memref<100x2x1x8x13xf32, #tpu.memory_space<vmem>>[vector<16xi32>, vector<16xi32>, vector<16xi32>, vector<16xi32>, vector<16xi32>], vector<16xf32>,
        %add3A_762 = arith.constant 0 : i32
        %add3A_763 = arith.addi %add3A_762, %scan3A_724 : i32
        %get3A_764 = arith.constant 4 : i32
        %get3A_765 = arith.index_cast %get3A_764 : i32 to index
        %get3A_766 = arith.index_cast %add3A_763 : i32 to index
        %get3A_767 = arith.constant 0 : index
        %get3A_768 = tpu.vector_load %arg7[%get3A_765, %get3A_766, %get3A_767] {strides = array<i32>} : memref<8x200x16xf32, #tpu.memory_space<vmem>>, vector<16xf32>,
        %broadcast_in_dim3A_769 = arith.constant 4 : i32
        %broadcast_in_dim3A_770 = vector.broadcast %broadcast_in_dim3A_769 : i32 to vector<16xi32>
        tpu.vector_store_idx %arg9[%broadcast_in_dim3A_725, %shift_right_arithmetic3A_4, %broadcast_in_dim3A_5, %and3A_7, %broadcast_in_dim3A_770], %get3A_768 : memref<100x2x1x8x13xf32, #tpu.memory_space<vmem>>[vector<16xi32>, vector<16xi32>, vector<16xi32>, vector<16xi32>, vector<16xi32>], vector<16xf32>,
        %add3A_771 = arith.constant 0 : i32
        %add3A_772 = arith.addi %add3A_771, %scan3A_724 : i32
        %get3A_773 = arith.constant 5 : i32
        %get3A_774 = arith.index_cast %get3A_773 : i32 to index
        %get3A_775 = arith.index_cast %add3A_772 : i32 to index
        %get3A_776 = arith.constant 0 : index
        %get3A_777 = tpu.vector_load %arg7[%get3A_774, %get3A_775, %get3A_776] {strides = array<i32>} : memref<8x200x16xf32, #tpu.memory_space<vmem>>, vector<16xf32>,
        %broadcast_in_dim3A_778 = arith.constant 5 : i32
        %broadcast_in_dim3A_779 = vector.broadcast %broadcast_in_dim3A_778 : i32 to vector<16xi32>
        tpu.vector_store_idx %arg9[%broadcast_in_dim3A_725, %shift_right_arithmetic3A_4, %broadcast_in_dim3A_5, %and3A_7, %broadcast_in_dim3A_779], %get3A_777 : memref<100x2x1x8x13xf32, #tpu.memory_space<vmem>>[vector<16xi32>, vector<16xi32>, vector<16xi32>, vector<16xi32>, vector<16xi32>], vector<16xf32>,
        %add3A_780 = arith.constant 0 : i32
        %add3A_781 = arith.addi %add3A_780, %scan3A_724 : i32
        %get3A_782 = arith.constant 6 : i32
        %get3A_783 = arith.index_cast %get3A_782 : i32 to index
        %get3A_784 = arith.index_cast %add3A_781 : i32 to index
        %get3A_785 = arith.constant 0 : index
        %get3A_786 = tpu.vector_load %arg7[%get3A_783, %get3A_784, %get3A_785] {strides = array<i32>} : memref<8x200x16xf32, #tpu.memory_space<vmem>>, vector<16xf32>,
        %broadcast_in_dim3A_787 = arith.constant 6 : i32
        %broadcast_in_dim3A_788 = vector.broadcast %broadcast_in_dim3A_787 : i32 to vector<16xi32>
        tpu.vector_store_idx %arg9[%broadcast_in_dim3A_725, %shift_right_arithmetic3A_4, %broadcast_in_dim3A_5, %and3A_7, %broadcast_in_dim3A_788], %get3A_786 : memref<100x2x1x8x13xf32, #tpu.memory_space<vmem>>[vector<16xi32>, vector<16xi32>, vector<16xi32>, vector<16xi32>, vector<16xi32>], vector<16xf32>,
        %add3A_789 = arith.constant 0 : i32
        %add3A_790 = arith.addi %add3A_789, %scan3A_724 : i32
        %get3A_791 = arith.constant 7 : i32
        %get3A_792 = arith.index_cast %get3A_791 : i32 to index
        %get3A_793 = arith.index_cast %add3A_790 : i32 to index
        %get3A_794 = arith.constant 0 : index
        %get3A_795 = tpu.vector_load %arg7[%get3A_792, %get3A_793, %get3A_794] {strides = array<i32>} : memref<8x200x16xf32, #tpu.memory_space<vmem>>, vector<16xf32>,
        %broadcast_in_dim3A_796 = arith.constant 7 : i32
        %broadcast_in_dim3A_797 = vector.broadcast %broadcast_in_dim3A_796 : i32 to vector<16xi32>
        tpu.vector_store_idx %arg9[%broadcast_in_dim3A_725, %shift_right_arithmetic3A_4, %broadcast_in_dim3A_5, %and3A_7, %broadcast_in_dim3A_797], %get3A_795 : memref<100x2x1x8x13xf32, #tpu.memory_space<vmem>>[vector<16xi32>, vector<16xi32>, vector<16xi32>, vector<16xi32>, vector<16xi32>], vector<16xf32>,
        %scan3A_798 = arith.constant 3 : i32
        %scan3A_799 = arith.addi %scan3A_575, %scan3A_798 : i32
        %broadcast_in_dim3A_800 = vector.broadcast %scan3A_799 : i32 to vector<16xi32>
        %add3A_801 = arith.constant 0 : i32
        %add3A_802 = arith.addi %add3A_801, %scan3A_799 : i32
        %get3A_803 = arith.constant 0 : i32
        %get3A_804 = arith.index_cast %get3A_803 : i32 to index
        %get3A_805 = arith.index_cast %add3A_802 : i32 to index
        %get3A_806 = arith.constant 0 : index
        %get3A_807 = tpu.vector_load %arg7[%get3A_804, %get3A_805, %get3A_806] {strides = array<i32>} : memref<8x200x16xf32, #tpu.memory_space<vmem>>, vector<16xf32>,
        %broadcast_in_dim3A_808 = arith.constant 0 : i32
        %broadcast_in_dim3A_809 = vector.broadcast %broadcast_in_dim3A_808 : i32 to vector<16xi32>
        tpu.vector_store_idx %arg9[%broadcast_in_dim3A_800, %shift_right_arithmetic3A_4, %broadcast_in_dim3A_5, %and3A_7, %broadcast_in_dim3A_809], %get3A_807 : memref<100x2x1x8x13xf32, #tpu.memory_space<vmem>>[vector<16xi32>, vector<16xi32>, vector<16xi32>, vector<16xi32>, vector<16xi32>], vector<16xf32>,
        %add3A_810 = arith.constant 0 : i32
        %add3A_811 = arith.addi %add3A_810, %scan3A_799 : i32
        %get3A_812 = arith.constant 1 : i32
        %get3A_813 = arith.index_cast %get3A_812 : i32 to index
        %get3A_814 = arith.index_cast %add3A_811 : i32 to index
        %get3A_815 = arith.constant 0 : index
        %get3A_816 = tpu.vector_load %arg7[%get3A_813, %get3A_814, %get3A_815] {strides = array<i32>} : memref<8x200x16xf32, #tpu.memory_space<vmem>>, vector<16xf32>,
        %broadcast_in_dim3A_817 = arith.constant 1 : i32
        %broadcast_in_dim3A_818 = vector.broadcast %broadcast_in_dim3A_817 : i32 to vector<16xi32>
        tpu.vector_store_idx %arg9[%broadcast_in_dim3A_800, %shift_right_arithmetic3A_4, %broadcast_in_dim3A_5, %and3A_7, %broadcast_in_dim3A_818], %get3A_816 : memref<100x2x1x8x13xf32, #tpu.memory_space<vmem>>[vector<16xi32>, vector<16xi32>, vector<16xi32>, vector<16xi32>, vector<16xi32>], vector<16xf32>,
        %add3A_819 = arith.constant 0 : i32
        %add3A_820 = arith.addi %add3A_819, %scan3A_799 : i32
        %get3A_821 = arith.constant 2 : i32
        %get3A_822 = arith.index_cast %get3A_821 : i32 to index
        %get3A_823 = arith.index_cast %add3A_820 : i32 to index
        %get3A_824 = arith.constant 0 : index
        %get3A_825 = tpu.vector_load %arg7[%get3A_822, %get3A_823, %get3A_824] {strides = array<i32>} : memref<8x200x16xf32, #tpu.memory_space<vmem>>, vector<16xf32>,
        %broadcast_in_dim3A_826 = arith.constant 2 : i32
        %broadcast_in_dim3A_827 = vector.broadcast %broadcast_in_dim3A_826 : i32 to vector<16xi32>
        tpu.vector_store_idx %arg9[%broadcast_in_dim3A_800, %shift_right_arithmetic3A_4, %broadcast_in_dim3A_5, %and3A_7, %broadcast_in_dim3A_827], %get3A_825 : memref<100x2x1x8x13xf32, #tpu.memory_space<vmem>>[vector<16xi32>, vector<16xi32>, vector<16xi32>, vector<16xi32>, vector<16xi32>], vector<16xf32>,
        %add3A_828 = arith.constant 0 : i32
        %add3A_829 = arith.addi %add3A_828, %scan3A_799 : i32
        %get3A_830 = arith.constant 3 : i32
        %get3A_831 = arith.index_cast %get3A_830 : i32 to index
        %get3A_832 = arith.index_cast %add3A_829 : i32 to index
        %get3A_833 = arith.constant 0 : index
        %get3A_834 = tpu.vector_load %arg7[%get3A_831, %get3A_832, %get3A_833] {strides = array<i32>} : memref<8x200x16xf32, #tpu.memory_space<vmem>>, vector<16xf32>,
        %broadcast_in_dim3A_835 = arith.constant 3 : i32
        %broadcast_in_dim3A_836 = vector.broadcast %broadcast_in_dim3A_835 : i32 to vector<16xi32>
        tpu.vector_store_idx %arg9[%broadcast_in_dim3A_800, %shift_right_arithmetic3A_4, %broadcast_in_dim3A_5, %and3A_7, %broadcast_in_dim3A_836], %get3A_834 : memref<100x2x1x8x13xf32, #tpu.memory_space<vmem>>[vector<16xi32>, vector<16xi32>, vector<16xi32>, vector<16xi32>, vector<16xi32>], vector<16xf32>,
        %add3A_837 = arith.constant 0 : i32
        %add3A_838 = arith.addi %add3A_837, %scan3A_799 : i32
        %get3A_839 = arith.constant 4 : i32
        %get3A_840 = arith.index_cast %get3A_839 : i32 to index
        %get3A_841 = arith.index_cast %add3A_838 : i32 to index
        %get3A_842 = arith.constant 0 : index
        %get3A_843 = tpu.vector_load %arg7[%get3A_840, %get3A_841, %get3A_842] {strides = array<i32>} : memref<8x200x16xf32, #tpu.memory_space<vmem>>, vector<16xf32>,
        %broadcast_in_dim3A_844 = arith.constant 4 : i32
        %broadcast_in_dim3A_845 = vector.broadcast %broadcast_in_dim3A_844 : i32 to vector<16xi32>
        tpu.vector_store_idx %arg9[%broadcast_in_dim3A_800, %shift_right_arithmetic3A_4, %broadcast_in_dim3A_5, %and3A_7, %broadcast_in_dim3A_845], %get3A_843 : memref<100x2x1x8x13xf32, #tpu.memory_space<vmem>>[vector<16xi32>, vector<16xi32>, vector<16xi32>, vector<16xi32>, vector<16xi32>], vector<16xf32>,
        %add3A_846 = arith.constant 0 : i32
        %add3A_847 = arith.addi %add3A_846, %scan3A_799 : i32
        %get3A_848 = arith.constant 5 : i32
        %get3A_849 = arith.index_cast %get3A_848 : i32 to index
        %get3A_850 = arith.index_cast %add3A_847 : i32 to index
        %get3A_851 = arith.constant 0 : index
        %get3A_852 = tpu.vector_load %arg7[%get3A_849, %get3A_850, %get3A_851] {strides = array<i32>} : memref<8x200x16xf32, #tpu.memory_space<vmem>>, vector<16xf32>,
        %broadcast_in_dim3A_853 = arith.constant 5 : i32
        %broadcast_in_dim3A_854 = vector.broadcast %broadcast_in_dim3A_853 : i32 to vector<16xi32>
        tpu.vector_store_idx %arg9[%broadcast_in_dim3A_800, %shift_right_arithmetic3A_4, %broadcast_in_dim3A_5, %and3A_7, %broadcast_in_dim3A_854], %get3A_852 : memref<100x2x1x8x13xf32, #tpu.memory_space<vmem>>[vector<16xi32>, vector<16xi32>, vector<16xi32>, vector<16xi32>, vector<16xi32>], vector<16xf32>,
        %add3A_855 = arith.constant 0 : i32
        %add3A_856 = arith.addi %add3A_855, %scan3A_799 : i32
        %get3A_857 = arith.constant 6 : i32
        %get3A_858 = arith.index_cast %get3A_857 : i32 to index
        %get3A_859 = arith.index_cast %add3A_856 : i32 to index
        %get3A_860 = arith.constant 0 : index
        %get3A_861 = tpu.vector_load %arg7[%get3A_858, %get3A_859, %get3A_860] {strides = array<i32>} : memref<8x200x16xf32, #tpu.memory_space<vmem>>, vector<16xf32>,
        %broadcast_in_dim3A_862 = arith.constant 6 : i32
        %broadcast_in_dim3A_863 = vector.broadcast %broadcast_in_dim3A_862 : i32 to vector<16xi32>
        tpu.vector_store_idx %arg9[%broadcast_in_dim3A_800, %shift_right_arithmetic3A_4, %broadcast_in_dim3A_5, %and3A_7, %broadcast_in_dim3A_863], %get3A_861 : memref<100x2x1x8x13xf32, #tpu.memory_space<vmem>>[vector<16xi32>, vector<16xi32>, vector<16xi32>, vector<16xi32>, vector<16xi32>], vector<16xf32>,
        %add3A_864 = arith.constant 0 : i32
        %add3A_865 = arith.addi %add3A_864, %scan3A_799 : i32
        %get3A_866 = arith.constant 7 : i32
        %get3A_867 = arith.index_cast %get3A_866 : i32 to index
        %get3A_868 = arith.index_cast %add3A_865 : i32 to index
        %get3A_869 = arith.constant 0 : index
        %get3A_870 = tpu.vector_load %arg7[%get3A_867, %get3A_868, %get3A_869] {strides = array<i32>} : memref<8x200x16xf32, #tpu.memory_space<vmem>>, vector<16xf32>,
        %broadcast_in_dim3A_871 = arith.constant 7 : i32
        %broadcast_in_dim3A_872 = vector.broadcast %broadcast_in_dim3A_871 : i32 to vector<16xi32>
        tpu.vector_store_idx %arg9[%broadcast_in_dim3A_800, %shift_right_arithmetic3A_4, %broadcast_in_dim3A_5, %and3A_7, %broadcast_in_dim3A_872], %get3A_870 : memref<100x2x1x8x13xf32, #tpu.memory_space<vmem>>[vector<16xi32>, vector<16xi32>, vector<16xi32>, vector<16xi32>, vector<16xi32>], vector<16xf32>,
        %scan3A_873 = arith.constant 4 : i32
        %scan3A_874 = arith.addi %scan3A_575, %scan3A_873 : i32
        %broadcast_in_dim3A_875 = vector.broadcast %scan3A_874 : i32 to vector<16xi32>
        %add3A_876 = arith.constant 0 : i32
        %add3A_877 = arith.addi %add3A_876, %scan3A_874 : i32
        %get3A_878 = arith.constant 0 : i32
        %get3A_879 = arith.index_cast %get3A_878 : i32 to index
        %get3A_880 = arith.index_cast %add3A_877 : i32 to index
        %get3A_881 = arith.constant 0 : index
        %get3A_882 = tpu.vector_load %arg7[%get3A_879, %get3A_880, %get3A_881] {strides = array<i32>} : memref<8x200x16xf32, #tpu.memory_space<vmem>>, vector<16xf32>,
        %broadcast_in_dim3A_883 = arith.constant 0 : i32
        %broadcast_in_dim3A_884 = vector.broadcast %broadcast_in_dim3A_883 : i32 to vector<16xi32>
        tpu.vector_store_idx %arg9[%broadcast_in_dim3A_875, %shift_right_arithmetic3A_4, %broadcast_in_dim3A_5, %and3A_7, %broadcast_in_dim3A_884], %get3A_882 : memref<100x2x1x8x13xf32, #tpu.memory_space<vmem>>[vector<16xi32>, vector<16xi32>, vector<16xi32>, vector<16xi32>, vector<16xi32>], vector<16xf32>,
        %add3A_885 = arith.constant 0 : i32
        %add3A_886 = arith.addi %add3A_885, %scan3A_874 : i32
        %get3A_887 = arith.constant 1 : i32
        %get3A_888 = arith.index_cast %get3A_887 : i32 to index
        %get3A_889 = arith.index_cast %add3A_886 : i32 to index
        %get3A_890 = arith.constant 0 : index
        %get3A_891 = tpu.vector_load %arg7[%get3A_888, %get3A_889, %get3A_890] {strides = array<i32>} : memref<8x200x16xf32, #tpu.memory_space<vmem>>, vector<16xf32>,
        %broadcast_in_dim3A_892 = arith.constant 1 : i32
        %broadcast_in_dim3A_893 = vector.broadcast %broadcast_in_dim3A_892 : i32 to vector<16xi32>
        tpu.vector_store_idx %arg9[%broadcast_in_dim3A_875, %shift_right_arithmetic3A_4, %broadcast_in_dim3A_5, %and3A_7, %broadcast_in_dim3A_893], %get3A_891 : memref<100x2x1x8x13xf32, #tpu.memory_space<vmem>>[vector<16xi32>, vector<16xi32>, vector<16xi32>, vector<16xi32>, vector<16xi32>], vector<16xf32>,
        %add3A_894 = arith.constant 0 : i32
        %add3A_895 = arith.addi %add3A_894, %scan3A_874 : i32
        %get3A_896 = arith.constant 2 : i32
        %get3A_897 = arith.index_cast %get3A_896 : i32 to index
        %get3A_898 = arith.index_cast %add3A_895 : i32 to index
        %get3A_899 = arith.constant 0 : index
        %get3A_900 = tpu.vector_load %arg7[%get3A_897, %get3A_898, %get3A_899] {strides = array<i32>} : memref<8x200x16xf32, #tpu.memory_space<vmem>>, vector<16xf32>,
        %broadcast_in_dim3A_901 = arith.constant 2 : i32
        %broadcast_in_dim3A_902 = vector.broadcast %broadcast_in_dim3A_901 : i32 to vector<16xi32>
        tpu.vector_store_idx %arg9[%broadcast_in_dim3A_875, %shift_right_arithmetic3A_4, %broadcast_in_dim3A_5, %and3A_7, %broadcast_in_dim3A_902], %get3A_900 : memref<100x2x1x8x13xf32, #tpu.memory_space<vmem>>[vector<16xi32>, vector<16xi32>, vector<16xi32>, vector<16xi32>, vector<16xi32>], vector<16xf32>,
        %add3A_903 = arith.constant 0 : i32
        %add3A_904 = arith.addi %add3A_903, %scan3A_874 : i32
        %get3A_905 = arith.constant 3 : i32
        %get3A_906 = arith.index_cast %get3A_905 : i32 to index
        %get3A_907 = arith.index_cast %add3A_904 : i32 to index
        %get3A_908 = arith.constant 0 : index
        %get3A_909 = tpu.vector_load %arg7[%get3A_906, %get3A_907, %get3A_908] {strides = array<i32>} : memref<8x200x16xf32, #tpu.memory_space<vmem>>, vector<16xf32>,
        %broadcast_in_dim3A_910 = arith.constant 3 : i32
        %broadcast_in_dim3A_911 = vector.broadcast %broadcast_in_dim3A_910 : i32 to vector<16xi32>
        tpu.vector_store_idx %arg9[%broadcast_in_dim3A_875, %shift_right_arithmetic3A_4, %broadcast_in_dim3A_5, %and3A_7, %broadcast_in_dim3A_911], %get3A_909 : memref<100x2x1x8x13xf32, #tpu.memory_space<vmem>>[vector<16xi32>, vector<16xi32>, vector<16xi32>, vector<16xi32>, vector<16xi32>], vector<16xf32>,
        %add3A_912 = arith.constant 0 : i32
        %add3A_913 = arith.addi %add3A_912, %scan3A_874 : i32
        %get3A_914 = arith.constant 4 : i32
        %get3A_915 = arith.index_cast %get3A_914 : i32 to index
        %get3A_916 = arith.index_cast %add3A_913 : i32 to index
        %get3A_917 = arith.constant 0 : index
        %get3A_918 = tpu.vector_load %arg7[%get3A_915, %get3A_916, %get3A_917] {strides = array<i32>} : memref<8x200x16xf32, #tpu.memory_space<vmem>>, vector<16xf32>,
        %broadcast_in_dim3A_919 = arith.constant 4 : i32
        %broadcast_in_dim3A_920 = vector.broadcast %broadcast_in_dim3A_919 : i32 to vector<16xi32>
        tpu.vector_store_idx %arg9[%broadcast_in_dim3A_875, %shift_right_arithmetic3A_4, %broadcast_in_dim3A_5, %and3A_7, %broadcast_in_dim3A_920], %get3A_918 : memref<100x2x1x8x13xf32, #tpu.memory_space<vmem>>[vector<16xi32>, vector<16xi32>, vector<16xi32>, vector<16xi32>, vector<16xi32>], vector<16xf32>,
        %add3A_921 = arith.constant 0 : i32
        %add3A_922 = arith.addi %add3A_921, %scan3A_874 : i32
        %get3A_923 = arith.constant 5 : i32
        %get3A_924 = arith.index_cast %get3A_923 : i32 to index
        %get3A_925 = arith.index_cast %add3A_922 : i32 to index
        %get3A_926 = arith.constant 0 : index
        %get3A_927 = tpu.vector_load %arg7[%get3A_924, %get3A_925, %get3A_926] {strides = array<i32>} : memref<8x200x16xf32, #tpu.memory_space<vmem>>, vector<16xf32>,
        %broadcast_in_dim3A_928 = arith.constant 5 : i32
        %broadcast_in_dim3A_929 = vector.broadcast %broadcast_in_dim3A_928 : i32 to vector<16xi32>
        tpu.vector_store_idx %arg9[%broadcast_in_dim3A_875, %shift_right_arithmetic3A_4, %broadcast_in_dim3A_5, %and3A_7, %broadcast_in_dim3A_929], %get3A_927 : memref<100x2x1x8x13xf32, #tpu.memory_space<vmem>>[vector<16xi32>, vector<16xi32>, vector<16xi32>, vector<16xi32>, vector<16xi32>], vector<16xf32>,
        %add3A_930 = arith.constant 0 : i32
        %add3A_931 = arith.addi %add3A_930, %scan3A_874 : i32
        %get3A_932 = arith.constant 6 : i32
        %get3A_933 = arith.index_cast %get3A_932 : i32 to index
        %get3A_934 = arith.index_cast %add3A_931 : i32 to index
        %get3A_935 = arith.constant 0 : index
        %get3A_936 = tpu.vector_load %arg7[%get3A_933, %get3A_934, %get3A_935] {strides = array<i32>} : memref<8x200x16xf32, #tpu.memory_space<vmem>>, vector<16xf32>,
        %broadcast_in_dim3A_937 = arith.constant 6 : i32
        %broadcast_in_dim3A_938 = vector.broadcast %broadcast_in_dim3A_937 : i32 to vector<16xi32>
        tpu.vector_store_idx %arg9[%broadcast_in_dim3A_875, %shift_right_arithmetic3A_4, %broadcast_in_dim3A_5, %and3A_7, %broadcast_in_dim3A_938], %get3A_936 : memref<100x2x1x8x13xf32, #tpu.memory_space<vmem>>[vector<16xi32>, vector<16xi32>, vector<16xi32>, vector<16xi32>, vector<16xi32>], vector<16xf32>,
        %add3A_939 = arith.constant 0 : i32
        %add3A_940 = arith.addi %add3A_939, %scan3A_874 : i32
        %get3A_941 = arith.constant 7 : i32
        %get3A_942 = arith.index_cast %get3A_941 : i32 to index
        %get3A_943 = arith.index_cast %add3A_940 : i32 to index
        %get3A_944 = arith.constant 0 : index
        %get3A_945 = tpu.vector_load %arg7[%get3A_942, %get3A_943, %get3A_944] {strides = array<i32>} : memref<8x200x16xf32, #tpu.memory_space<vmem>>, vector<16xf32>,
        %broadcast_in_dim3A_946 = arith.constant 7 : i32
        %broadcast_in_dim3A_947 = vector.broadcast %broadcast_in_dim3A_946 : i32 to vector<16xi32>
        tpu.vector_store_idx %arg9[%broadcast_in_dim3A_875, %shift_right_arithmetic3A_4, %broadcast_in_dim3A_5, %and3A_7, %broadcast_in_dim3A_947], %get3A_945 : memref<100x2x1x8x13xf32, #tpu.memory_space<vmem>>[vector<16xi32>, vector<16xi32>, vector<16xi32>, vector<16xi32>, vector<16xi32>], vector<16xf32>,
        %scan3A_948 = arith.constant 5 : i32
        %scan3A_949 = arith.addi %scan3A_575, %scan3A_948 : i32
        %broadcast_in_dim3A_950 = vector.broadcast %scan3A_949 : i32 to vector<16xi32>
        %add3A_951 = arith.constant 0 : i32
        %add3A_952 = arith.addi %add3A_951, %scan3A_949 : i32
        %get3A_953 = arith.constant 0 : i32
        %get3A_954 = arith.index_cast %get3A_953 : i32 to index
        %get3A_955 = arith.index_cast %add3A_952 : i32 to index
        %get3A_956 = arith.constant 0 : index
        %get3A_957 = tpu.vector_load %arg7[%get3A_954, %get3A_955, %get3A_956] {strides = array<i32>} : memref<8x200x16xf32, #tpu.memory_space<vmem>>, vector<16xf32>,
        %broadcast_in_dim3A_958 = arith.constant 0 : i32
        %broadcast_in_dim3A_959 = vector.broadcast %broadcast_in_dim3A_958 : i32 to vector<16xi32>
        tpu.vector_store_idx %arg9[%broadcast_in_dim3A_950, %shift_right_arithmetic3A_4, %broadcast_in_dim3A_5, %and3A_7, %broadcast_in_dim3A_959], %get3A_957 : memref<100x2x1x8x13xf32, #tpu.memory_space<vmem>>[vector<16xi32>, vector<16xi32>, vector<16xi32>, vector<16xi32>, vector<16xi32>], vector<16xf32>,
        %add3A_960 = arith.constant 0 : i32
        %add3A_961 = arith.addi %add3A_960, %scan3A_949 : i32
        %get3A_962 = arith.constant 1 : i32
        %get3A_963 = arith.index_cast %get3A_962 : i32 to index
        %get3A_964 = arith.index_cast %add3A_961 : i32 to index
        %get3A_965 = arith.constant 0 : index
        %get3A_966 = tpu.vector_load %arg7[%get3A_963, %get3A_964, %get3A_965] {strides = array<i32>} : memref<8x200x16xf32, #tpu.memory_space<vmem>>, vector<16xf32>,
        %broadcast_in_dim3A_967 = arith.constant 1 : i32
        %broadcast_in_dim3A_968 = vector.broadcast %broadcast_in_dim3A_967 : i32 to vector<16xi32>
        tpu.vector_store_idx %arg9[%broadcast_in_dim3A_950, %shift_right_arithmetic3A_4, %broadcast_in_dim3A_5, %and3A_7, %broadcast_in_dim3A_968], %get3A_966 : memref<100x2x1x8x13xf32, #tpu.memory_space<vmem>>[vector<16xi32>, vector<16xi32>, vector<16xi32>, vector<16xi32>, vector<16xi32>], vector<16xf32>,
        %add3A_969 = arith.constant 0 : i32
        %add3A_970 = arith.addi %add3A_969, %scan3A_949 : i32
        %get3A_971 = arith.constant 2 : i32
        %get3A_972 = arith.index_cast %get3A_971 : i32 to index
        %get3A_973 = arith.index_cast %add3A_970 : i32 to index
        %get3A_974 = arith.constant 0 : index
        %get3A_975 = tpu.vector_load %arg7[%get3A_972, %get3A_973, %get3A_974] {strides = array<i32>} : memref<8x200x16xf32, #tpu.memory_space<vmem>>, vector<16xf32>,
        %broadcast_in_dim3A_976 = arith.constant 2 : i32
        %broadcast_in_dim3A_977 = vector.broadcast %broadcast_in_dim3A_976 : i32 to vector<16xi32>
        tpu.vector_store_idx %arg9[%broadcast_in_dim3A_950, %shift_right_arithmetic3A_4, %broadcast_in_dim3A_5, %and3A_7, %broadcast_in_dim3A_977], %get3A_975 : memref<100x2x1x8x13xf32, #tpu.memory_space<vmem>>[vector<16xi32>, vector<16xi32>, vector<16xi32>, vector<16xi32>, vector<16xi32>], vector<16xf32>,
        %add3A_978 = arith.constant 0 : i32
        %add3A_979 = arith.addi %add3A_978, %scan3A_949 : i32
        %get3A_980 = arith.constant 3 : i32
        %get3A_981 = arith.index_cast %get3A_980 : i32 to index
        %get3A_982 = arith.index_cast %add3A_979 : i32 to index
        %get3A_983 = arith.constant 0 : index
        %get3A_984 = tpu.vector_load %arg7[%get3A_981, %get3A_982, %get3A_983] {strides = array<i32>} : memref<8x200x16xf32, #tpu.memory_space<vmem>>, vector<16xf32>,
        %broadcast_in_dim3A_985 = arith.constant 3 : i32
        %broadcast_in_dim3A_986 = vector.broadcast %broadcast_in_dim3A_985 : i32 to vector<16xi32>
        tpu.vector_store_idx %arg9[%broadcast_in_dim3A_950, %shift_right_arithmetic3A_4, %broadcast_in_dim3A_5, %and3A_7, %broadcast_in_dim3A_986], %get3A_984 : memref<100x2x1x8x13xf32, #tpu.memory_space<vmem>>[vector<16xi32>, vector<16xi32>, vector<16xi32>, vector<16xi32>, vector<16xi32>], vector<16xf32>,
        %add3A_987 = arith.constant 0 : i32
        %add3A_988 = arith.addi %add3A_987, %scan3A_949 : i32
        %get3A_989 = arith.constant 4 : i32
        %get3A_990 = arith.index_cast %get3A_989 : i32 to index
        %get3A_991 = arith.index_cast %add3A_988 : i32 to index
        %get3A_992 = arith.constant 0 : index
        %get3A_993 = tpu.vector_load %arg7[%get3A_990, %get3A_991, %get3A_992] {strides = array<i32>} : memref<8x200x16xf32, #tpu.memory_space<vmem>>, vector<16xf32>,
        %broadcast_in_dim3A_994 = arith.constant 4 : i32
        %broadcast_in_dim3A_995 = vector.broadcast %broadcast_in_dim3A_994 : i32 to vector<16xi32>
        tpu.vector_store_idx %arg9[%broadcast_in_dim3A_950, %shift_right_arithmetic3A_4, %broadcast_in_dim3A_5, %and3A_7, %broadcast_in_dim3A_995], %get3A_993 : memref<100x2x1x8x13xf32, #tpu.memory_space<vmem>>[vector<16xi32>, vector<16xi32>, vector<16xi32>, vector<16xi32>, vector<16xi32>], vector<16xf32>,
        %add3A_996 = arith.constant 0 : i32
        %add3A_997 = arith.addi %add3A_996, %scan3A_949 : i32
        %get3A_998 = arith.constant 5 : i32
        %get3A_999 = arith.index_cast %get3A_998 : i32 to index
        %get3A_1000 = arith.index_cast %add3A_997 : i32 to index
        %get3A_1001 = arith.constant 0 : index
        %get3A_1002 = tpu.vector_load %arg7[%get3A_999, %get3A_1000, %get3A_1001] {strides = array<i32>} : memref<8x200x16xf32, #tpu.memory_space<vmem>>, vector<16xf32>,
        %broadcast_in_dim3A_1003 = arith.constant 5 : i32
        %broadcast_in_dim3A_1004 = vector.broadcast %broadcast_in_dim3A_1003 : i32 to vector<16xi32>
        tpu.vector_store_idx %arg9[%broadcast_in_dim3A_950, %shift_right_arithmetic3A_4, %broadcast_in_dim3A_5, %and3A_7, %broadcast_in_dim3A_1004], %get3A_1002 : memref<100x2x1x8x13xf32, #tpu.memory_space<vmem>>[vector<16xi32>, vector<16xi32>, vector<16xi32>, vector<16xi32>, vector<16xi32>], vector<16xf32>,
        %add3A_1005 = arith.constant 0 : i32
        %add3A_1006 = arith.addi %add3A_1005, %scan3A_949 : i32
        %get3A_1007 = arith.constant 6 : i32
        %get3A_1008 = arith.index_cast %get3A_1007 : i32 to index
        %get3A_1009 = arith.index_cast %add3A_1006 : i32 to index
        %get3A_1010 = arith.constant 0 : index
        %get3A_1011 = tpu.vector_load %arg7[%get3A_1008, %get3A_1009, %get3A_1010] {strides = array<i32>} : memref<8x200x16xf32, #tpu.memory_space<vmem>>, vector<16xf32>,
        %broadcast_in_dim3A_1012 = arith.constant 6 : i32
        %broadcast_in_dim3A_1013 = vector.broadcast %broadcast_in_dim3A_1012 : i32 to vector<16xi32>
        tpu.vector_store_idx %arg9[%broadcast_in_dim3A_950, %shift_right_arithmetic3A_4, %broadcast_in_dim3A_5, %and3A_7, %broadcast_in_dim3A_1013], %get3A_1011 : memref<100x2x1x8x13xf32, #tpu.memory_space<vmem>>[vector<16xi32>, vector<16xi32>, vector<16xi32>, vector<16xi32>, vector<16xi32>], vector<16xf32>,
        %add3A_1014 = arith.constant 0 : i32
        %add3A_1015 = arith.addi %add3A_1014, %scan3A_949 : i32
        %get3A_1016 = arith.constant 7 : i32
        %get3A_1017 = arith.index_cast %get3A_1016 : i32 to index
        %get3A_1018 = arith.index_cast %add3A_1015 : i32 to index
        %get3A_1019 = arith.constant 0 : index
        %get3A_1020 = tpu.vector_load %arg7[%get3A_1017, %get3A_1018, %get3A_1019] {strides = array<i32>} : memref<8x200x16xf32, #tpu.memory_space<vmem>>, vector<16xf32>,
        %broadcast_in_dim3A_1021 = arith.constant 7 : i32
        %broadcast_in_dim3A_1022 = vector.broadcast %broadcast_in_dim3A_1021 : i32 to vector<16xi32>
        tpu.vector_store_idx %arg9[%broadcast_in_dim3A_950, %shift_right_arithmetic3A_4, %broadcast_in_dim3A_5, %and3A_7, %broadcast_in_dim3A_1022], %get3A_1020 : memref<100x2x1x8x13xf32, #tpu.memory_space<vmem>>[vector<16xi32>, vector<16xi32>, vector<16xi32>, vector<16xi32>, vector<16xi32>], vector<16xf32>,
        %scan3A_1023 = arith.constant 6 : i32
        %scan3A_1024 = arith.addi %scan3A_575, %scan3A_1023 : i32
        %broadcast_in_dim3A_1025 = vector.broadcast %scan3A_1024 : i32 to vector<16xi32>
        %add3A_1026 = arith.constant 0 : i32
        %add3A_1027 = arith.addi %add3A_1026, %scan3A_1024 : i32
        %get3A_1028 = arith.constant 0 : i32
        %get3A_1029 = arith.index_cast %get3A_1028 : i32 to index
        %get3A_1030 = arith.index_cast %add3A_1027 : i32 to index
        %get3A_1031 = arith.constant 0 : index
        %get3A_1032 = tpu.vector_load %arg7[%get3A_1029, %get3A_1030, %get3A_1031] {strides = array<i32>} : memref<8x200x16xf32, #tpu.memory_space<vmem>>, vector<16xf32>,
        %broadcast_in_dim3A_1033 = arith.constant 0 : i32
        %broadcast_in_dim3A_1034 = vector.broadcast %broadcast_in_dim3A_1033 : i32 to vector<16xi32>
        tpu.vector_store_idx %arg9[%broadcast_in_dim3A_1025, %shift_right_arithmetic3A_4, %broadcast_in_dim3A_5, %and3A_7, %broadcast_in_dim3A_1034], %get3A_1032 : memref<100x2x1x8x13xf32, #tpu.memory_space<vmem>>[vector<16xi32>, vector<16xi32>, vector<16xi32>, vector<16xi32>, vector<16xi32>], vector<16xf32>,
        %add3A_1035 = arith.constant 0 : i32
        %add3A_1036 = arith.addi %add3A_1035, %scan3A_1024 : i32
        %get3A_1037 = arith.constant 1 : i32
        %get3A_1038 = arith.index_cast %get3A_1037 : i32 to index
        %get3A_1039 = arith.index_cast %add3A_1036 : i32 to index
        %get3A_1040 = arith.constant 0 : index
        %get3A_1041 = tpu.vector_load %arg7[%get3A_1038, %get3A_1039, %get3A_1040] {strides = array<i32>} : memref<8x200x16xf32, #tpu.memory_space<vmem>>, vector<16xf32>,
        %broadcast_in_dim3A_1042 = arith.constant 1 : i32
        %broadcast_in_dim3A_1043 = vector.broadcast %broadcast_in_dim3A_1042 : i32 to vector<16xi32>
        tpu.vector_store_idx %arg9[%broadcast_in_dim3A_1025, %shift_right_arithmetic3A_4, %broadcast_in_dim3A_5, %and3A_7, %broadcast_in_dim3A_1043], %get3A_1041 : memref<100x2x1x8x13xf32, #tpu.memory_space<vmem>>[vector<16xi32>, vector<16xi32>, vector<16xi32>, vector<16xi32>, vector<16xi32>], vector<16xf32>,
        %add3A_1044 = arith.constant 0 : i32
        %add3A_1045 = arith.addi %add3A_1044, %scan3A_1024 : i32
        %get3A_1046 = arith.constant 2 : i32
        %get3A_1047 = arith.index_cast %get3A_1046 : i32 to index
        %get3A_1048 = arith.index_cast %add3A_1045 : i32 to index
        %get3A_1049 = arith.constant 0 : index
        %get3A_1050 = tpu.vector_load %arg7[%get3A_1047, %get3A_1048, %get3A_1049] {strides = array<i32>} : memref<8x200x16xf32, #tpu.memory_space<vmem>>, vector<16xf32>,
        %broadcast_in_dim3A_1051 = arith.constant 2 : i32
        %broadcast_in_dim3A_1052 = vector.broadcast %broadcast_in_dim3A_1051 : i32 to vector<16xi32>
        tpu.vector_store_idx %arg9[%broadcast_in_dim3A_1025, %shift_right_arithmetic3A_4, %broadcast_in_dim3A_5, %and3A_7, %broadcast_in_dim3A_1052], %get3A_1050 : memref<100x2x1x8x13xf32, #tpu.memory_space<vmem>>[vector<16xi32>, vector<16xi32>, vector<16xi32>, vector<16xi32>, vector<16xi32>], vector<16xf32>,
        %add3A_1053 = arith.constant 0 : i32
        %add3A_1054 = arith.addi %add3A_1053, %scan3A_1024 : i32
        %get3A_1055 = arith.constant 3 : i32
        %get3A_1056 = arith.index_cast %get3A_1055 : i32 to index
        %get3A_1057 = arith.index_cast %add3A_1054 : i32 to index
        %get3A_1058 = arith.constant 0 : index
        %get3A_1059 = tpu.vector_load %arg7[%get3A_1056, %get3A_1057, %get3A_1058] {strides = array<i32>} : memref<8x200x16xf32, #tpu.memory_space<vmem>>, vector<16xf32>,
        %broadcast_in_dim3A_1060 = arith.constant 3 : i32
        %broadcast_in_dim3A_1061 = vector.broadcast %broadcast_in_dim3A_1060 : i32 to vector<16xi32>
        tpu.vector_store_idx %arg9[%broadcast_in_dim3A_1025, %shift_right_arithmetic3A_4, %broadcast_in_dim3A_5, %and3A_7, %broadcast_in_dim3A_1061], %get3A_1059 : memref<100x2x1x8x13xf32, #tpu.memory_space<vmem>>[vector<16xi32>, vector<16xi32>, vector<16xi32>, vector<16xi32>, vector<16xi32>], vector<16xf32>,
        %add3A_1062 = arith.constant 0 : i32
        %add3A_1063 = arith.addi %add3A_1062, %scan3A_1024 : i32
        %get3A_1064 = arith.constant 4 : i32
        %get3A_1065 = arith.index_cast %get3A_1064 : i32 to index
        %get3A_1066 = arith.index_cast %add3A_1063 : i32 to index
        %get3A_1067 = arith.constant 0 : index
        %get3A_1068 = tpu.vector_load %arg7[%get3A_1065, %get3A_1066, %get3A_1067] {strides = array<i32>} : memref<8x200x16xf32, #tpu.memory_space<vmem>>, vector<16xf32>,
        %broadcast_in_dim3A_1069 = arith.constant 4 : i32
        %broadcast_in_dim3A_1070 = vector.broadcast %broadcast_in_dim3A_1069 : i32 to vector<16xi32>
        tpu.vector_store_idx %arg9[%broadcast_in_dim3A_1025, %shift_right_arithmetic3A_4, %broadcast_in_dim3A_5, %and3A_7, %broadcast_in_dim3A_1070], %get3A_1068 : memref<100x2x1x8x13xf32, #tpu.memory_space<vmem>>[vector<16xi32>, vector<16xi32>, vector<16xi32>, vector<16xi32>, vector<16xi32>], vector<16xf32>,
        %add3A_1071 = arith.constant 0 : i32
        %add3A_1072 = arith.addi %add3A_1071, %scan3A_1024 : i32
        %get3A_1073 = arith.constant 5 : i32
        %get3A_1074 = arith.index_cast %get3A_1073 : i32 to index
        %get3A_1075 = arith.index_cast %add3A_1072 : i32 to index
        %get3A_1076 = arith.constant 0 : index
        %get3A_1077 = tpu.vector_load %arg7[%get3A_1074, %get3A_1075, %get3A_1076] {strides = array<i32>} : memref<8x200x16xf32, #tpu.memory_space<vmem>>, vector<16xf32>,
        %broadcast_in_dim3A_1078 = arith.constant 5 : i32
        %broadcast_in_dim3A_1079 = vector.broadcast %broadcast_in_dim3A_1078 : i32 to vector<16xi32>
        tpu.vector_store_idx %arg9[%broadcast_in_dim3A_1025, %shift_right_arithmetic3A_4, %broadcast_in_dim3A_5, %and3A_7, %broadcast_in_dim3A_1079], %get3A_1077 : memref<100x2x1x8x13xf32, #tpu.memory_space<vmem>>[vector<16xi32>, vector<16xi32>, vector<16xi32>, vector<16xi32>, vector<16xi32>], vector<16xf32>,
        %add3A_1080 = arith.constant 0 : i32
        %add3A_1081 = arith.addi %add3A_1080, %scan3A_1024 : i32
        %get3A_1082 = arith.constant 6 : i32
        %get3A_1083 = arith.index_cast %get3A_1082 : i32 to index
        %get3A_1084 = arith.index_cast %add3A_1081 : i32 to index
        %get3A_1085 = arith.constant 0 : index
        %get3A_1086 = tpu.vector_load %arg7[%get3A_1083, %get3A_1084, %get3A_1085] {strides = array<i32>} : memref<8x200x16xf32, #tpu.memory_space<vmem>>, vector<16xf32>,
        %broadcast_in_dim3A_1087 = arith.constant 6 : i32
        %broadcast_in_dim3A_1088 = vector.broadcast %broadcast_in_dim3A_1087 : i32 to vector<16xi32>
        tpu.vector_store_idx %arg9[%broadcast_in_dim3A_1025, %shift_right_arithmetic3A_4, %broadcast_in_dim3A_5, %and3A_7, %broadcast_in_dim3A_1088], %get3A_1086 : memref<100x2x1x8x13xf32, #tpu.memory_space<vmem>>[vector<16xi32>, vector<16xi32>, vector<16xi32>, vector<16xi32>, vector<16xi32>], vector<16xf32>,
        %add3A_1089 = arith.constant 0 : i32
        %add3A_1090 = arith.addi %add3A_1089, %scan3A_1024 : i32
        %get3A_1091 = arith.constant 7 : i32
        %get3A_1092 = arith.index_cast %get3A_1091 : i32 to index
        %get3A_1093 = arith.index_cast %add3A_1090 : i32 to index
        %get3A_1094 = arith.constant 0 : index
        %get3A_1095 = tpu.vector_load %arg7[%get3A_1092, %get3A_1093, %get3A_1094] {strides = array<i32>} : memref<8x200x16xf32, #tpu.memory_space<vmem>>, vector<16xf32>,
        %broadcast_in_dim3A_1096 = arith.constant 7 : i32
        %broadcast_in_dim3A_1097 = vector.broadcast %broadcast_in_dim3A_1096 : i32 to vector<16xi32>
        tpu.vector_store_idx %arg9[%broadcast_in_dim3A_1025, %shift_right_arithmetic3A_4, %broadcast_in_dim3A_5, %and3A_7, %broadcast_in_dim3A_1097], %get3A_1095 : memref<100x2x1x8x13xf32, #tpu.memory_space<vmem>>[vector<16xi32>, vector<16xi32>, vector<16xi32>, vector<16xi32>, vector<16xi32>], vector<16xf32>,
        %scan3A_1098 = arith.constant 7 : i32
        %scan3A_1099 = arith.addi %scan3A_575, %scan3A_1098 : i32
        %broadcast_in_dim3A_1100 = vector.broadcast %scan3A_1099 : i32 to vector<16xi32>
        %add3A_1101 = arith.constant 0 : i32
        %add3A_1102 = arith.addi %add3A_1101, %scan3A_1099 : i32
        %get3A_1103 = arith.constant 0 : i32
        %get3A_1104 = arith.index_cast %get3A_1103 : i32 to index
        %get3A_1105 = arith.index_cast %add3A_1102 : i32 to index
        %get3A_1106 = arith.constant 0 : index
        %get3A_1107 = tpu.vector_load %arg7[%get3A_1104, %get3A_1105, %get3A_1106] {strides = array<i32>} : memref<8x200x16xf32, #tpu.memory_space<vmem>>, vector<16xf32>,
        %broadcast_in_dim3A_1108 = arith.constant 0 : i32
        %broadcast_in_dim3A_1109 = vector.broadcast %broadcast_in_dim3A_1108 : i32 to vector<16xi32>
        tpu.vector_store_idx %arg9[%broadcast_in_dim3A_1100, %shift_right_arithmetic3A_4, %broadcast_in_dim3A_5, %and3A_7, %broadcast_in_dim3A_1109], %get3A_1107 : memref<100x2x1x8x13xf32, #tpu.memory_space<vmem>>[vector<16xi32>, vector<16xi32>, vector<16xi32>, vector<16xi32>, vector<16xi32>], vector<16xf32>,
        %add3A_1110 = arith.constant 0 : i32
        %add3A_1111 = arith.addi %add3A_1110, %scan3A_1099 : i32
        %get3A_1112 = arith.constant 1 : i32
        %get3A_1113 = arith.index_cast %get3A_1112 : i32 to index
        %get3A_1114 = arith.index_cast %add3A_1111 : i32 to index
        %get3A_1115 = arith.constant 0 : index
        %get3A_1116 = tpu.vector_load %arg7[%get3A_1113, %get3A_1114, %get3A_1115] {strides = array<i32>} : memref<8x200x16xf32, #tpu.memory_space<vmem>>, vector<16xf32>,
        %broadcast_in_dim3A_1117 = arith.constant 1 : i32
        %broadcast_in_dim3A_1118 = vector.broadcast %broadcast_in_dim3A_1117 : i32 to vector<16xi32>
        tpu.vector_store_idx %arg9[%broadcast_in_dim3A_1100, %shift_right_arithmetic3A_4, %broadcast_in_dim3A_5, %and3A_7, %broadcast_in_dim3A_1118], %get3A_1116 : memref<100x2x1x8x13xf32, #tpu.memory_space<vmem>>[vector<16xi32>, vector<16xi32>, vector<16xi32>, vector<16xi32>, vector<16xi32>], vector<16xf32>,
        %add3A_1119 = arith.constant 0 : i32
        %add3A_1120 = arith.addi %add3A_1119, %scan3A_1099 : i32
        %get3A_1121 = arith.constant 2 : i32
        %get3A_1122 = arith.index_cast %get3A_1121 : i32 to index
        %get3A_1123 = arith.index_cast %add3A_1120 : i32 to index
        %get3A_1124 = arith.constant 0 : index
        %get3A_1125 = tpu.vector_load %arg7[%get3A_1122, %get3A_1123, %get3A_1124] {strides = array<i32>} : memref<8x200x16xf32, #tpu.memory_space<vmem>>, vector<16xf32>,
        %broadcast_in_dim3A_1126 = arith.constant 2 : i32
        %broadcast_in_dim3A_1127 = vector.broadcast %broadcast_in_dim3A_1126 : i32 to vector<16xi32>
        tpu.vector_store_idx %arg9[%broadcast_in_dim3A_1100, %shift_right_arithmetic3A_4, %broadcast_in_dim3A_5, %and3A_7, %broadcast_in_dim3A_1127], %get3A_1125 : memref<100x2x1x8x13xf32, #tpu.memory_space<vmem>>[vector<16xi32>, vector<16xi32>, vector<16xi32>, vector<16xi32>, vector<16xi32>], vector<16xf32>,
        %add3A_1128 = arith.constant 0 : i32
        %add3A_1129 = arith.addi %add3A_1128, %scan3A_1099 : i32
        %get3A_1130 = arith.constant 3 : i32
        %get3A_1131 = arith.index_cast %get3A_1130 : i32 to index
        %get3A_1132 = arith.index_cast %add3A_1129 : i32 to index
        %get3A_1133 = arith.constant 0 : index
        %get3A_1134 = tpu.vector_load %arg7[%get3A_1131, %get3A_1132, %get3A_1133] {strides = array<i32>} : memref<8x200x16xf32, #tpu.memory_space<vmem>>, vector<16xf32>,
        %broadcast_in_dim3A_1135 = arith.constant 3 : i32
        %broadcast_in_dim3A_1136 = vector.broadcast %broadcast_in_dim3A_1135 : i32 to vector<16xi32>
        tpu.vector_store_idx %arg9[%broadcast_in_dim3A_1100, %shift_right_arithmetic3A_4, %broadcast_in_dim3A_5, %and3A_7, %broadcast_in_dim3A_1136], %get3A_1134 : memref<100x2x1x8x13xf32, #tpu.memory_space<vmem>>[vector<16xi32>, vector<16xi32>, vector<16xi32>, vector<16xi32>, vector<16xi32>], vector<16xf32>,
        %add3A_1137 = arith.constant 0 : i32
        %add3A_1138 = arith.addi %add3A_1137, %scan3A_1099 : i32
        %get3A_1139 = arith.constant 4 : i32
        %get3A_1140 = arith.index_cast %get3A_1139 : i32 to index
        %get3A_1141 = arith.index_cast %add3A_1138 : i32 to index
        %get3A_1142 = arith.constant 0 : index
        %get3A_1143 = tpu.vector_load %arg7[%get3A_1140, %get3A_1141, %get3A_1142] {strides = array<i32>} : memref<8x200x16xf32, #tpu.memory_space<vmem>>, vector<16xf32>,
        %broadcast_in_dim3A_1144 = arith.constant 4 : i32
        %broadcast_in_dim3A_1145 = vector.broadcast %broadcast_in_dim3A_1144 : i32 to vector<16xi32>
        tpu.vector_store_idx %arg9[%broadcast_in_dim3A_1100, %shift_right_arithmetic3A_4, %broadcast_in_dim3A_5, %and3A_7, %broadcast_in_dim3A_1145], %get3A_1143 : memref<100x2x1x8x13xf32, #tpu.memory_space<vmem>>[vector<16xi32>, vector<16xi32>, vector<16xi32>, vector<16xi32>, vector<16xi32>], vector<16xf32>,
        %add3A_1146 = arith.constant 0 : i32
        %add3A_1147 = arith.addi %add3A_1146, %scan3A_1099 : i32
        %get3A_1148 = arith.constant 5 : i32
        %get3A_1149 = arith.index_cast %get3A_1148 : i32 to index
        %get3A_1150 = arith.index_cast %add3A_1147 : i32 to index
        %get3A_1151 = arith.constant 0 : index
        %get3A_1152 = tpu.vector_load %arg7[%get3A_1149, %get3A_1150, %get3A_1151] {strides = array<i32>} : memref<8x200x16xf32, #tpu.memory_space<vmem>>, vector<16xf32>,
        %broadcast_in_dim3A_1153 = arith.constant 5 : i32
        %broadcast_in_dim3A_1154 = vector.broadcast %broadcast_in_dim3A_1153 : i32 to vector<16xi32>
        tpu.vector_store_idx %arg9[%broadcast_in_dim3A_1100, %shift_right_arithmetic3A_4, %broadcast_in_dim3A_5, %and3A_7, %broadcast_in_dim3A_1154], %get3A_1152 : memref<100x2x1x8x13xf32, #tpu.memory_space<vmem>>[vector<16xi32>, vector<16xi32>, vector<16xi32>, vector<16xi32>, vector<16xi32>], vector<16xf32>,
        %add3A_1155 = arith.constant 0 : i32
        %add3A_1156 = arith.addi %add3A_1155, %scan3A_1099 : i32
        %get3A_1157 = arith.constant 6 : i32
        %get3A_1158 = arith.index_cast %get3A_1157 : i32 to index
        %get3A_1159 = arith.index_cast %add3A_1156 : i32 to index
        %get3A_1160 = arith.constant 0 : index
        %get3A_1161 = tpu.vector_load %arg7[%get3A_1158, %get3A_1159, %get3A_1160] {strides = array<i32>} : memref<8x200x16xf32, #tpu.memory_space<vmem>>, vector<16xf32>,
        %broadcast_in_dim3A_1162 = arith.constant 6 : i32
        %broadcast_in_dim3A_1163 = vector.broadcast %broadcast_in_dim3A_1162 : i32 to vector<16xi32>
        tpu.vector_store_idx %arg9[%broadcast_in_dim3A_1100, %shift_right_arithmetic3A_4, %broadcast_in_dim3A_5, %and3A_7, %broadcast_in_dim3A_1163], %get3A_1161 : memref<100x2x1x8x13xf32, #tpu.memory_space<vmem>>[vector<16xi32>, vector<16xi32>, vector<16xi32>, vector<16xi32>, vector<16xi32>], vector<16xf32>,
        %add3A_1164 = arith.constant 0 : i32
        %add3A_1165 = arith.addi %add3A_1164, %scan3A_1099 : i32
        %get3A_1166 = arith.constant 7 : i32
        %get3A_1167 = arith.index_cast %get3A_1166 : i32 to index
        %get3A_1168 = arith.index_cast %add3A_1165 : i32 to index
        %get3A_1169 = arith.constant 0 : index
        %get3A_1170 = tpu.vector_load %arg7[%get3A_1167, %get3A_1168, %get3A_1169] {strides = array<i32>} : memref<8x200x16xf32, #tpu.memory_space<vmem>>, vector<16xf32>,
        %broadcast_in_dim3A_1171 = arith.constant 7 : i32
        %broadcast_in_dim3A_1172 = vector.broadcast %broadcast_in_dim3A_1171 : i32 to vector<16xi32>
        tpu.vector_store_idx %arg9[%broadcast_in_dim3A_1100, %shift_right_arithmetic3A_4, %broadcast_in_dim3A_5, %and3A_7, %broadcast_in_dim3A_1172], %get3A_1170 : memref<100x2x1x8x13xf32, #tpu.memory_space<vmem>>[vector<16xi32>, vector<16xi32>, vector<16xi32>, vector<16xi32>, vector<16xi32>], vector<16xf32>,
        %scan3A_1173 = arith.constant 8 : i32
        %scan3A_1174 = arith.addi %scan3A_575, %scan3A_1173 : i32
        %broadcast_in_dim3A_1175 = vector.broadcast %scan3A_1174 : i32 to vector<16xi32>
        %add3A_1176 = arith.constant 0 : i32
        %add3A_1177 = arith.addi %add3A_1176, %scan3A_1174 : i32
        %get3A_1178 = arith.constant 0 : i32
        %get3A_1179 = arith.index_cast %get3A_1178 : i32 to index
        %get3A_1180 = arith.index_cast %add3A_1177 : i32 to index
        %get3A_1181 = arith.constant 0 : index
        %get3A_1182 = tpu.vector_load %arg7[%get3A_1179, %get3A_1180, %get3A_1181] {strides = array<i32>} : memref<8x200x16xf32, #tpu.memory_space<vmem>>, vector<16xf32>,
        %broadcast_in_dim3A_1183 = arith.constant 0 : i32
        %broadcast_in_dim3A_1184 = vector.broadcast %broadcast_in_dim3A_1183 : i32 to vector<16xi32>
        tpu.vector_store_idx %arg9[%broadcast_in_dim3A_1175, %shift_right_arithmetic3A_4, %broadcast_in_dim3A_5, %and3A_7, %broadcast_in_dim3A_1184], %get3A_1182 : memref<100x2x1x8x13xf32, #tpu.memory_space<vmem>>[vector<16xi32>, vector<16xi32>, vector<16xi32>, vector<16xi32>, vector<16xi32>], vector<16xf32>,
        %add3A_1185 = arith.constant 0 : i32
        %add3A_1186 = arith.addi %add3A_1185, %scan3A_1174 : i32
        %get3A_1187 = arith.constant 1 : i32
        %get3A_1188 = arith.index_cast %get3A_1187 : i32 to index
        %get3A_1189 = arith.index_cast %add3A_1186 : i32 to index
        %get3A_1190 = arith.constant 0 : index
        %get3A_1191 = tpu.vector_load %arg7[%get3A_1188, %get3A_1189, %get3A_1190] {strides = array<i32>} : memref<8x200x16xf32, #tpu.memory_space<vmem>>, vector<16xf32>,
        %broadcast_in_dim3A_1192 = arith.constant 1 : i32
        %broadcast_in_dim3A_1193 = vector.broadcast %broadcast_in_dim3A_1192 : i32 to vector<16xi32>
        tpu.vector_store_idx %arg9[%broadcast_in_dim3A_1175, %shift_right_arithmetic3A_4, %broadcast_in_dim3A_5, %and3A_7, %broadcast_in_dim3A_1193], %get3A_1191 : memref<100x2x1x8x13xf32, #tpu.memory_space<vmem>>[vector<16xi32>, vector<16xi32>, vector<16xi32>, vector<16xi32>, vector<16xi32>], vector<16xf32>,
        %add3A_1194 = arith.constant 0 : i32
        %add3A_1195 = arith.addi %add3A_1194, %scan3A_1174 : i32
        %get3A_1196 = arith.constant 2 : i32
        %get3A_1197 = arith.index_cast %get3A_1196 : i32 to index
        %get3A_1198 = arith.index_cast %add3A_1195 : i32 to index
        %get3A_1199 = arith.constant 0 : index
        %get3A_1200 = tpu.vector_load %arg7[%get3A_1197, %get3A_1198, %get3A_1199] {strides = array<i32>} : memref<8x200x16xf32, #tpu.memory_space<vmem>>, vector<16xf32>,
        %broadcast_in_dim3A_1201 = arith.constant 2 : i32
        %broadcast_in_dim3A_1202 = vector.broadcast %broadcast_in_dim3A_1201 : i32 to vector<16xi32>
        tpu.vector_store_idx %arg9[%broadcast_in_dim3A_1175, %shift_right_arithmetic3A_4, %broadcast_in_dim3A_5, %and3A_7, %broadcast_in_dim3A_1202], %get3A_1200 : memref<100x2x1x8x13xf32, #tpu.memory_space<vmem>>[vector<16xi32>, vector<16xi32>, vector<16xi32>, vector<16xi32>, vector<16xi32>], vector<16xf32>,
        %add3A_1203 = arith.constant 0 : i32
        %add3A_1204 = arith.addi %add3A_1203, %scan3A_1174 : i32
        %get3A_1205 = arith.constant 3 : i32
        %get3A_1206 = arith.index_cast %get3A_1205 : i32 to index
        %get3A_1207 = arith.index_cast %add3A_1204 : i32 to index
        %get3A_1208 = arith.constant 0 : index
        %get3A_1209 = tpu.vector_load %arg7[%get3A_1206, %get3A_1207, %get3A_1208] {strides = array<i32>} : memref<8x200x16xf32, #tpu.memory_space<vmem>>, vector<16xf32>,
        %broadcast_in_dim3A_1210 = arith.constant 3 : i32
        %broadcast_in_dim3A_1211 = vector.broadcast %broadcast_in_dim3A_1210 : i32 to vector<16xi32>
        tpu.vector_store_idx %arg9[%broadcast_in_dim3A_1175, %shift_right_arithmetic3A_4, %broadcast_in_dim3A_5, %and3A_7, %broadcast_in_dim3A_1211], %get3A_1209 : memref<100x2x1x8x13xf32, #tpu.memory_space<vmem>>[vector<16xi32>, vector<16xi32>, vector<16xi32>, vector<16xi32>, vector<16xi32>], vector<16xf32>,
        %add3A_1212 = arith.constant 0 : i32
        %add3A_1213 = arith.addi %add3A_1212, %scan3A_1174 : i32
        %get3A_1214 = arith.constant 4 : i32
        %get3A_1215 = arith.index_cast %get3A_1214 : i32 to index
        %get3A_1216 = arith.index_cast %add3A_1213 : i32 to index
        %get3A_1217 = arith.constant 0 : index
        %get3A_1218 = tpu.vector_load %arg7[%get3A_1215, %get3A_1216, %get3A_1217] {strides = array<i32>} : memref<8x200x16xf32, #tpu.memory_space<vmem>>, vector<16xf32>,
        %broadcast_in_dim3A_1219 = arith.constant 4 : i32
        %broadcast_in_dim3A_1220 = vector.broadcast %broadcast_in_dim3A_1219 : i32 to vector<16xi32>
        tpu.vector_store_idx %arg9[%broadcast_in_dim3A_1175, %shift_right_arithmetic3A_4, %broadcast_in_dim3A_5, %and3A_7, %broadcast_in_dim3A_1220], %get3A_1218 : memref<100x2x1x8x13xf32, #tpu.memory_space<vmem>>[vector<16xi32>, vector<16xi32>, vector<16xi32>, vector<16xi32>, vector<16xi32>], vector<16xf32>,
        %add3A_1221 = arith.constant 0 : i32
        %add3A_1222 = arith.addi %add3A_1221, %scan3A_1174 : i32
        %get3A_1223 = arith.constant 5 : i32
        %get3A_1224 = arith.index_cast %get3A_1223 : i32 to index
        %get3A_1225 = arith.index_cast %add3A_1222 : i32 to index
        %get3A_1226 = arith.constant 0 : index
        %get3A_1227 = tpu.vector_load %arg7[%get3A_1224, %get3A_1225, %get3A_1226] {strides = array<i32>} : memref<8x200x16xf32, #tpu.memory_space<vmem>>, vector<16xf32>,
        %broadcast_in_dim3A_1228 = arith.constant 5 : i32
        %broadcast_in_dim3A_1229 = vector.broadcast %broadcast_in_dim3A_1228 : i32 to vector<16xi32>
        tpu.vector_store_idx %arg9[%broadcast_in_dim3A_1175, %shift_right_arithmetic3A_4, %broadcast_in_dim3A_5, %and3A_7, %broadcast_in_dim3A_1229], %get3A_1227 : memref<100x2x1x8x13xf32, #tpu.memory_space<vmem>>[vector<16xi32>, vector<16xi32>, vector<16xi32>, vector<16xi32>, vector<16xi32>], vector<16xf32>,
        %add3A_1230 = arith.constant 0 : i32
        %add3A_1231 = arith.addi %add3A_1230, %scan3A_1174 : i32
        %get3A_1232 = arith.constant 6 : i32
        %get3A_1233 = arith.index_cast %get3A_1232 : i32 to index
        %get3A_1234 = arith.index_cast %add3A_1231 : i32 to index
        %get3A_1235 = arith.constant 0 : index
        %get3A_1236 = tpu.vector_load %arg7[%get3A_1233, %get3A_1234, %get3A_1235] {strides = array<i32>} : memref<8x200x16xf32, #tpu.memory_space<vmem>>, vector<16xf32>,
        %broadcast_in_dim3A_1237 = arith.constant 6 : i32
        %broadcast_in_dim3A_1238 = vector.broadcast %broadcast_in_dim3A_1237 : i32 to vector<16xi32>
        tpu.vector_store_idx %arg9[%broadcast_in_dim3A_1175, %shift_right_arithmetic3A_4, %broadcast_in_dim3A_5, %and3A_7, %broadcast_in_dim3A_1238], %get3A_1236 : memref<100x2x1x8x13xf32, #tpu.memory_space<vmem>>[vector<16xi32>, vector<16xi32>, vector<16xi32>, vector<16xi32>, vector<16xi32>], vector<16xf32>,
        %add3A_1239 = arith.constant 0 : i32
        %add3A_1240 = arith.addi %add3A_1239, %scan3A_1174 : i32
        %get3A_1241 = arith.constant 7 : i32
        %get3A_1242 = arith.index_cast %get3A_1241 : i32 to index
        %get3A_1243 = arith.index_cast %add3A_1240 : i32 to index
        %get3A_1244 = arith.constant 0 : index
        %get3A_1245 = tpu.vector_load %arg7[%get3A_1242, %get3A_1243, %get3A_1244] {strides = array<i32>} : memref<8x200x16xf32, #tpu.memory_space<vmem>>, vector<16xf32>,
        %broadcast_in_dim3A_1246 = arith.constant 7 : i32
        %broadcast_in_dim3A_1247 = vector.broadcast %broadcast_in_dim3A_1246 : i32 to vector<16xi32>
        tpu.vector_store_idx %arg9[%broadcast_in_dim3A_1175, %shift_right_arithmetic3A_4, %broadcast_in_dim3A_5, %and3A_7, %broadcast_in_dim3A_1247], %get3A_1245 : memref<100x2x1x8x13xf32, #tpu.memory_space<vmem>>[vector<16xi32>, vector<16xi32>, vector<16xi32>, vector<16xi32>, vector<16xi32>], vector<16xf32>,
        %scan3A_1248 = arith.constant 9 : i32
        %scan3A_1249 = arith.addi %scan3A_575, %scan3A_1248 : i32
        %broadcast_in_dim3A_1250 = vector.broadcast %scan3A_1249 : i32 to vector<16xi32>
        %add3A_1251 = arith.constant 0 : i32
        %add3A_1252 = arith.addi %add3A_1251, %scan3A_1249 : i32
        %get3A_1253 = arith.constant 0 : i32
        %get3A_1254 = arith.index_cast %get3A_1253 : i32 to index
        %get3A_1255 = arith.index_cast %add3A_1252 : i32 to index
        %get3A_1256 = arith.constant 0 : index
        %get3A_1257 = tpu.vector_load %arg7[%get3A_1254, %get3A_1255, %get3A_1256] {strides = array<i32>} : memref<8x200x16xf32, #tpu.memory_space<vmem>>, vector<16xf32>,
        %broadcast_in_dim3A_1258 = arith.constant 0 : i32
        %broadcast_in_dim3A_1259 = vector.broadcast %broadcast_in_dim3A_1258 : i32 to vector<16xi32>
        tpu.vector_store_idx %arg9[%broadcast_in_dim3A_1250, %shift_right_arithmetic3A_4, %broadcast_in_dim3A_5, %and3A_7, %broadcast_in_dim3A_1259], %get3A_1257 : memref<100x2x1x8x13xf32, #tpu.memory_space<vmem>>[vector<16xi32>, vector<16xi32>, vector<16xi32>, vector<16xi32>, vector<16xi32>], vector<16xf32>,
        %add3A_1260 = arith.constant 0 : i32
        %add3A_1261 = arith.addi %add3A_1260, %scan3A_1249 : i32
        %get3A_1262 = arith.constant 1 : i32
        %get3A_1263 = arith.index_cast %get3A_1262 : i32 to index
        %get3A_1264 = arith.index_cast %add3A_1261 : i32 to index
        %get3A_1265 = arith.constant 0 : index
        %get3A_1266 = tpu.vector_load %arg7[%get3A_1263, %get3A_1264, %get3A_1265] {strides = array<i32>} : memref<8x200x16xf32, #tpu.memory_space<vmem>>, vector<16xf32>,
        %broadcast_in_dim3A_1267 = arith.constant 1 : i32
        %broadcast_in_dim3A_1268 = vector.broadcast %broadcast_in_dim3A_1267 : i32 to vector<16xi32>
        tpu.vector_store_idx %arg9[%broadcast_in_dim3A_1250, %shift_right_arithmetic3A_4, %broadcast_in_dim3A_5, %and3A_7, %broadcast_in_dim3A_1268], %get3A_1266 : memref<100x2x1x8x13xf32, #tpu.memory_space<vmem>>[vector<16xi32>, vector<16xi32>, vector<16xi32>, vector<16xi32>, vector<16xi32>], vector<16xf32>,
        %add3A_1269 = arith.constant 0 : i32
        %add3A_1270 = arith.addi %add3A_1269, %scan3A_1249 : i32
        %get3A_1271 = arith.constant 2 : i32
        %get3A_1272 = arith.index_cast %get3A_1271 : i32 to index
        %get3A_1273 = arith.index_cast %add3A_1270 : i32 to index
        %get3A_1274 = arith.constant 0 : index
        %get3A_1275 = tpu.vector_load %arg7[%get3A_1272, %get3A_1273, %get3A_1274] {strides = array<i32>} : memref<8x200x16xf32, #tpu.memory_space<vmem>>, vector<16xf32>,
        %broadcast_in_dim3A_1276 = arith.constant 2 : i32
        %broadcast_in_dim3A_1277 = vector.broadcast %broadcast_in_dim3A_1276 : i32 to vector<16xi32>
        tpu.vector_store_idx %arg9[%broadcast_in_dim3A_1250, %shift_right_arithmetic3A_4, %broadcast_in_dim3A_5, %and3A_7, %broadcast_in_dim3A_1277], %get3A_1275 : memref<100x2x1x8x13xf32, #tpu.memory_space<vmem>>[vector<16xi32>, vector<16xi32>, vector<16xi32>, vector<16xi32>, vector<16xi32>], vector<16xf32>,
        %add3A_1278 = arith.constant 0 : i32
        %add3A_1279 = arith.addi %add3A_1278, %scan3A_1249 : i32
        %get3A_1280 = arith.constant 3 : i32
        %get3A_1281 = arith.index_cast %get3A_1280 : i32 to index
        %get3A_1282 = arith.index_cast %add3A_1279 : i32 to index
        %get3A_1283 = arith.constant 0 : index
        %get3A_1284 = tpu.vector_load %arg7[%get3A_1281, %get3A_1282, %get3A_1283] {strides = array<i32>} : memref<8x200x16xf32, #tpu.memory_space<vmem>>, vector<16xf32>,
        %broadcast_in_dim3A_1285 = arith.constant 3 : i32
        %broadcast_in_dim3A_1286 = vector.broadcast %broadcast_in_dim3A_1285 : i32 to vector<16xi32>
        tpu.vector_store_idx %arg9[%broadcast_in_dim3A_1250, %shift_right_arithmetic3A_4, %broadcast_in_dim3A_5, %and3A_7, %broadcast_in_dim3A_1286], %get3A_1284 : memref<100x2x1x8x13xf32, #tpu.memory_space<vmem>>[vector<16xi32>, vector<16xi32>, vector<16xi32>, vector<16xi32>, vector<16xi32>], vector<16xf32>,
        %add3A_1287 = arith.constant 0 : i32
        %add3A_1288 = arith.addi %add3A_1287, %scan3A_1249 : i32
        %get3A_1289 = arith.constant 4 : i32
        %get3A_1290 = arith.index_cast %get3A_1289 : i32 to index
        %get3A_1291 = arith.index_cast %add3A_1288 : i32 to index
        %get3A_1292 = arith.constant 0 : index
        %get3A_1293 = tpu.vector_load %arg7[%get3A_1290, %get3A_1291, %get3A_1292] {strides = array<i32>} : memref<8x200x16xf32, #tpu.memory_space<vmem>>, vector<16xf32>,
        %broadcast_in_dim3A_1294 = arith.constant 4 : i32
        %broadcast_in_dim3A_1295 = vector.broadcast %broadcast_in_dim3A_1294 : i32 to vector<16xi32>
        tpu.vector_store_idx %arg9[%broadcast_in_dim3A_1250, %shift_right_arithmetic3A_4, %broadcast_in_dim3A_5, %and3A_7, %broadcast_in_dim3A_1295], %get3A_1293 : memref<100x2x1x8x13xf32, #tpu.memory_space<vmem>>[vector<16xi32>, vector<16xi32>, vector<16xi32>, vector<16xi32>, vector<16xi32>], vector<16xf32>,
        %add3A_1296 = arith.constant 0 : i32
        %add3A_1297 = arith.addi %add3A_1296, %scan3A_1249 : i32
        %get3A_1298 = arith.constant 5 : i32
        %get3A_1299 = arith.index_cast %get3A_1298 : i32 to index
        %get3A_1300 = arith.index_cast %add3A_1297 : i32 to index
        %get3A_1301 = arith.constant 0 : index
        %get3A_1302 = tpu.vector_load %arg7[%get3A_1299, %get3A_1300, %get3A_1301] {strides = array<i32>} : memref<8x200x16xf32, #tpu.memory_space<vmem>>, vector<16xf32>,
        %broadcast_in_dim3A_1303 = arith.constant 5 : i32
        %broadcast_in_dim3A_1304 = vector.broadcast %broadcast_in_dim3A_1303 : i32 to vector<16xi32>
        tpu.vector_store_idx %arg9[%broadcast_in_dim3A_1250, %shift_right_arithmetic3A_4, %broadcast_in_dim3A_5, %and3A_7, %broadcast_in_dim3A_1304], %get3A_1302 : memref<100x2x1x8x13xf32, #tpu.memory_space<vmem>>[vector<16xi32>, vector<16xi32>, vector<16xi32>, vector<16xi32>, vector<16xi32>], vector<16xf32>,
        %add3A_1305 = arith.constant 0 : i32
        %add3A_1306 = arith.addi %add3A_1305, %scan3A_1249 : i32
        %get3A_1307 = arith.constant 6 : i32
        %get3A_1308 = arith.index_cast %get3A_1307 : i32 to index
        %get3A_1309 = arith.index_cast %add3A_1306 : i32 to index
        %get3A_1310 = arith.constant 0 : index
        %get3A_1311 = tpu.vector_load %arg7[%get3A_1308, %get3A_1309, %get3A_1310] {strides = array<i32>} : memref<8x200x16xf32, #tpu.memory_space<vmem>>, vector<16xf32>,
        %broadcast_in_dim3A_1312 = arith.constant 6 : i32
        %broadcast_in_dim3A_1313 = vector.broadcast %broadcast_in_dim3A_1312 : i32 to vector<16xi32>
        tpu.vector_store_idx %arg9[%broadcast_in_dim3A_1250, %shift_right_arithmetic3A_4, %broadcast_in_dim3A_5, %and3A_7, %broadcast_in_dim3A_1313], %get3A_1311 : memref<100x2x1x8x13xf32, #tpu.memory_space<vmem>>[vector<16xi32>, vector<16xi32>, vector<16xi32>, vector<16xi32>, vector<16xi32>], vector<16xf32>,
        %add3A_1314 = arith.constant 0 : i32
        %add3A_1315 = arith.addi %add3A_1314, %scan3A_1249 : i32
        %get3A_1316 = arith.constant 7 : i32
        %get3A_1317 = arith.index_cast %get3A_1316 : i32 to index
        %get3A_1318 = arith.index_cast %add3A_1315 : i32 to index
        %get3A_1319 = arith.constant 0 : index
        %get3A_1320 = tpu.vector_load %arg7[%get3A_1317, %get3A_1318, %get3A_1319] {strides = array<i32>} : memref<8x200x16xf32, #tpu.memory_space<vmem>>, vector<16xf32>,
        %broadcast_in_dim3A_1321 = arith.constant 7 : i32
        %broadcast_in_dim3A_1322 = vector.broadcast %broadcast_in_dim3A_1321 : i32 to vector<16xi32>
        tpu.vector_store_idx %arg9[%broadcast_in_dim3A_1250, %shift_right_arithmetic3A_4, %broadcast_in_dim3A_5, %and3A_7, %broadcast_in_dim3A_1322], %get3A_1320 : memref<100x2x1x8x13xf32, #tpu.memory_space<vmem>>[vector<16xi32>, vector<16xi32>, vector<16xi32>, vector<16xi32>, vector<16xi32>], vector<16xf32>,
      }
      %scan3A_303 = arith.constant 100 : i32
      %mul3A_304 = arith.constant 8 : i32
      %mul3A_305 = arith.muli %add3A_186, %mul3A_304 : i32
      %add3A_306 = arith.addi %mul3A_2, %mul3A_305 : i32
      %shift_right_arithmetic3A_307 = arith.constant 7 : i32
      %shift_right_arithmetic3A_308 = arith.shrsi %add3A_306, %shift_right_arithmetic3A_307 : i32
      %mul3A_309 = arith.constant 8 : i32
      %mul3A_310 = arith.muli %add3A_186, %mul3A_309 : i32
      %add3A_311 = arith.addi %mul3A_2, %mul3A_310 : i32
      %and3A_312 = arith.constant 127 : i32
      %and3A_313 = arith.andi %add3A_311, %and3A_312 : i32
      %multiple_of3A_314 = tpu.assume_multiple %and3A_313, 8 : i32
      %dma_start3A_315 = arith.constant 0 : i32
      %dma_start3A_316 = arith.constant 0 : i32
      %dma_start3A_317 = arith.constant 0 : i32
      %dma_start3A_318 = arith.constant 0 : i32
      %dma_start3A_319 = arith.constant 0 : i32
      %dma_start3A_320 = tpu.memref_slice %arg9[%dma_start3A_315, %dma_start3A_316, %dma_start3A_317, %dma_start3A_318, %dma_start3A_319] : memref<100x2x1x8x13xf32, #tpu.memory_space<vmem>> -> memref<100x2x1x8x8xf32, #tpu.memory_space<vmem>>
      %dma_start3A_321 = arith.constant 0 : i32
      %dma_start3A_322 = arith.constant 0 : i32
      %dma_start3A_323 = arith.constant 0 : i32
      %dma_start3A_324 = tpu.memref_slice %arg4[%dma_start3A_321, %dma_start3A_322, %shift_right_arithmetic3A_308, %dma_start3A_323, %multiple_of3A_314] : memref<200x2x128x8x128xf32, #tpu.memory_space<hbm>> -> memref<100x2x1x8x8xf32, #tpu.memory_space<hbm>>
      %dma_start3A_325 = arith.constant 0 : i32
      %dma_start3A_326 = arith.constant 0 : i32
      %dma_start3A_327 = arith.constant 0 : i32
      %dma_start3A_328 = tpu.memref_slice %arg4[%dma_start3A_325, %dma_start3A_326, %shift_right_arithmetic3A_308, %dma_start3A_327, %multiple_of3A_314] : memref<200x2x128x8x128xf32, #tpu.memory_space<hbm>> -> memref<100x2x1x8x8xf32, #tpu.memory_space<hbm>>
      %dma_start3A_329 = arith.constant 0 : i32
      %dma_start3A_330 = arith.constant 0 : i32
      %dma_start3A_331 = arith.constant 0 : i32
      %dma_start3A_332 = arith.constant 0 : i32
      %dma_start3A_333 = arith.constant 0 : i32
      %dma_start3A_334 = tpu.memref_slice %arg9[%dma_start3A_329, %dma_start3A_330, %dma_start3A_331, %dma_start3A_332, %dma_start3A_333] : memref<100x2x1x8x13xf32, #tpu.memory_space<vmem>> -> memref<100x2x1x8x8xf32, #tpu.memory_space<vmem>>
      tpu.enqueue_dma source(%dma_start3A_334 : memref<100x2x1x8x8xf32, #tpu.memory_space<vmem>>) target(%dma_start3A_328 : memref<100x2x1x8x8xf32, #tpu.memory_space<hbm>>) target_semaphore(%arg15 : memref<!tpu.dma_semaphore, #tpu.memory_space<semaphore_mem>>)
      %gt3A_335 = arith.constant 0 : i32
      %gt3A_336 = arith.cmpi sgt, %add3A_186, %gt3A_335 : i32
      %convert_element_type3A_337 = arith.extui %gt3A_336 : i1 to i32
      %cond3A_338 = arith.constant 0 : i32
      %cond3A_339 = arith.cmpi ne, %convert_element_type3A_337, %cond3A_338 : i32
      scf.if %cond3A_339 {
        %sub3A = arith.constant 1 : i32
        %sub3A_575 = arith.subi %add3A_186, %sub3A : i32
        %mul3A_576 = arith.constant 8 : i32
        %mul3A_577 = arith.muli %sub3A_575, %mul3A_576 : i32
        %add3A_578 = arith.addi %mul3A_2, %mul3A_577 : i32
        %shift_right_arithmetic3A_579 = arith.constant 7 : i32
        %shift_right_arithmetic3A_580 = arith.shrsi %add3A_578, %shift_right_arithmetic3A_579 : i32
        %mul3A_581 = arith.constant 8 : i32
        %mul3A_582 = arith.muli %sub3A_575, %mul3A_581 : i32
        %add3A_583 = arith.addi %mul3A_2, %mul3A_582 : i32
        %and3A_584 = arith.constant 127 : i32
        %and3A_585 = arith.andi %add3A_583, %and3A_584 : i32
        %multiple_of3A_586 = tpu.assume_multiple %and3A_585, 8 : i32
        %dma_wait3A_587 = arith.constant 0 : i32
        %dma_wait3A_588 = arith.constant 0 : i32
        %dma_wait3A_589 = arith.constant 0 : i32
        %dma_wait3A_590 = arith.constant 0 : i32
        %dma_wait3A_591 = arith.constant 0 : i32
        %dma_wait3A_592 = tpu.memref_slice %arg10[%dma_wait3A_587, %dma_wait3A_588, %dma_wait3A_589, %dma_wait3A_590, %dma_wait3A_591] : memref<100x2x1x8x13xf32, #tpu.memory_space<vmem>> -> memref<100x2x1x8x8xf32, #tpu.memory_space<vmem>>
        %dma_wait3A_593 = arith.constant 100 : i32
        %dma_wait3A_594 = arith.constant 0 : i32
        %dma_wait3A_595 = arith.constant 0 : i32
        %dma_wait3A_596 = tpu.memref_slice %arg4[%dma_wait3A_593, %dma_wait3A_594, %shift_right_arithmetic3A_580, %dma_wait3A_595, %multiple_of3A_586] : memref<200x2x128x8x128xf32, #tpu.memory_space<hbm>> -> memref<100x2x1x8x8xf32, #tpu.memory_space<hbm>>
        %dma_wait3A_597 = arith.constant 100 : i32
        %dma_wait3A_598 = arith.constant 0 : i32
        %dma_wait3A_599 = arith.constant 0 : i32
        %dma_wait3A_600 = tpu.memref_slice %arg4[%dma_wait3A_597, %dma_wait3A_598, %shift_right_arithmetic3A_580, %dma_wait3A_599, %multiple_of3A_586] : memref<200x2x128x8x128xf32, #tpu.memory_space<hbm>> -> memref<100x2x1x8x8xf32, #tpu.memory_space<hbm>>
        %dma_wait3A_601 = arith.constant 0 : i32
        %dma_wait3A_602 = arith.constant 0 : i32
        %dma_wait3A_603 = arith.constant 0 : i32
        %dma_wait3A_604 = arith.constant 0 : i32
        %dma_wait3A_605 = arith.constant 0 : i32
        %dma_wait3A_606 = tpu.memref_slice %arg10[%dma_wait3A_601, %dma_wait3A_602, %dma_wait3A_603, %dma_wait3A_604, %dma_wait3A_605] : memref<100x2x1x8x13xf32, #tpu.memory_space<vmem>> -> memref<100x2x1x8x8xf32, #tpu.memory_space<vmem>>
        tpu.wait_dma2 semaphore(%arg16 : memref<!tpu.dma_semaphore, #tpu.memory_space<semaphore_mem>>) src(%dma_wait3A_606 : memref<100x2x1x8x8xf32, #tpu.memory_space<vmem>>) dst(%dma_wait3A_600 : memref<100x2x1x8x8xf32, #tpu.memory_space<hbm>>)
      } else {
      }
      %scan3A_340 = arith.constant 0 : i32
      %scan3A_341 = arith.constant 0 : i32
      %scan3A_342 = arith.constant 100 : i32
      %scan3A_343 = arith.addi %scan3A_341, %scan3A_342 : i32
      %scan3A_344 = arith.constant 10 : i32
      scf.for %scan3A_575 = %scan3A_341 to %scan3A_343 step %scan3A_344  : i32 {
        %broadcast_in_dim3A_576 = vector.broadcast %scan3A_575 : i32 to vector<16xi32>
        %add3A_577 = arith.constant 100 : i32
        %add3A_578 = arith.addi %add3A_577, %scan3A_575 : i32
        %get3A = arith.constant 0 : i32
        %get3A_579 = arith.index_cast %get3A : i32 to index
        %get3A_580 = arith.index_cast %add3A_578 : i32 to index
        %get3A_581 = arith.constant 0 : index
        %get3A_582 = tpu.vector_load %arg7[%get3A_579, %get3A_580, %get3A_581] {strides = array<i32>} : memref<8x200x16xf32, #tpu.memory_space<vmem>>, vector<16xf32>,
        %broadcast_in_dim3A_583 = arith.constant 0 : i32
        %broadcast_in_dim3A_584 = vector.broadcast %broadcast_in_dim3A_583 : i32 to vector<16xi32>
        tpu.vector_store_idx %arg10[%broadcast_in_dim3A_576, %shift_right_arithmetic3A_4, %broadcast_in_dim3A_5, %and3A_7, %broadcast_in_dim3A_584], %get3A_582 : memref<100x2x1x8x13xf32, #tpu.memory_space<vmem>>[vector<16xi32>, vector<16xi32>, vector<16xi32>, vector<16xi32>, vector<16xi32>], vector<16xf32>,
        %add3A_585 = arith.constant 100 : i32
        %add3A_586 = arith.addi %add3A_585, %scan3A_575 : i32
        %get3A_587 = arith.constant 1 : i32
        %get3A_588 = arith.index_cast %get3A_587 : i32 to index
        %get3A_589 = arith.index_cast %add3A_586 : i32 to index
        %get3A_590 = arith.constant 0 : index
        %get3A_591 = tpu.vector_load %arg7[%get3A_588, %get3A_589, %get3A_590] {strides = array<i32>} : memref<8x200x16xf32, #tpu.memory_space<vmem>>, vector<16xf32>,
        %broadcast_in_dim3A_592 = arith.constant 1 : i32
        %broadcast_in_dim3A_593 = vector.broadcast %broadcast_in_dim3A_592 : i32 to vector<16xi32>
        tpu.vector_store_idx %arg10[%broadcast_in_dim3A_576, %shift_right_arithmetic3A_4, %broadcast_in_dim3A_5, %and3A_7, %broadcast_in_dim3A_593], %get3A_591 : memref<100x2x1x8x13xf32, #tpu.memory_space<vmem>>[vector<16xi32>, vector<16xi32>, vector<16xi32>, vector<16xi32>, vector<16xi32>], vector<16xf32>,
        %add3A_594 = arith.constant 100 : i32
        %add3A_595 = arith.addi %add3A_594, %scan3A_575 : i32
        %get3A_596 = arith.constant 2 : i32
        %get3A_597 = arith.index_cast %get3A_596 : i32 to index
        %get3A_598 = arith.index_cast %add3A_595 : i32 to index
        %get3A_599 = arith.constant 0 : index
        %get3A_600 = tpu.vector_load %arg7[%get3A_597, %get3A_598, %get3A_599] {strides = array<i32>} : memref<8x200x16xf32, #tpu.memory_space<vmem>>, vector<16xf32>,
        %broadcast_in_dim3A_601 = arith.constant 2 : i32
        %broadcast_in_dim3A_602 = vector.broadcast %broadcast_in_dim3A_601 : i32 to vector<16xi32>
        tpu.vector_store_idx %arg10[%broadcast_in_dim3A_576, %shift_right_arithmetic3A_4, %broadcast_in_dim3A_5, %and3A_7, %broadcast_in_dim3A_602], %get3A_600 : memref<100x2x1x8x13xf32, #tpu.memory_space<vmem>>[vector<16xi32>, vector<16xi32>, vector<16xi32>, vector<16xi32>, vector<16xi32>], vector<16xf32>,
        %add3A_603 = arith.constant 100 : i32
        %add3A_604 = arith.addi %add3A_603, %scan3A_575 : i32
        %get3A_605 = arith.constant 3 : i32
        %get3A_606 = arith.index_cast %get3A_605 : i32 to index
        %get3A_607 = arith.index_cast %add3A_604 : i32 to index
        %get3A_608 = arith.constant 0 : index
        %get3A_609 = tpu.vector_load %arg7[%get3A_606, %get3A_607, %get3A_608] {strides = array<i32>} : memref<8x200x16xf32, #tpu.memory_space<vmem>>, vector<16xf32>,
        %broadcast_in_dim3A_610 = arith.constant 3 : i32
        %broadcast_in_dim3A_611 = vector.broadcast %broadcast_in_dim3A_610 : i32 to vector<16xi32>
        tpu.vector_store_idx %arg10[%broadcast_in_dim3A_576, %shift_right_arithmetic3A_4, %broadcast_in_dim3A_5, %and3A_7, %broadcast_in_dim3A_611], %get3A_609 : memref<100x2x1x8x13xf32, #tpu.memory_space<vmem>>[vector<16xi32>, vector<16xi32>, vector<16xi32>, vector<16xi32>, vector<16xi32>], vector<16xf32>,
        %add3A_612 = arith.constant 100 : i32
        %add3A_613 = arith.addi %add3A_612, %scan3A_575 : i32
        %get3A_614 = arith.constant 4 : i32
        %get3A_615 = arith.index_cast %get3A_614 : i32 to index
        %get3A_616 = arith.index_cast %add3A_613 : i32 to index
        %get3A_617 = arith.constant 0 : index
        %get3A_618 = tpu.vector_load %arg7[%get3A_615, %get3A_616, %get3A_617] {strides = array<i32>} : memref<8x200x16xf32, #tpu.memory_space<vmem>>, vector<16xf32>,
        %broadcast_in_dim3A_619 = arith.constant 4 : i32
        %broadcast_in_dim3A_620 = vector.broadcast %broadcast_in_dim3A_619 : i32 to vector<16xi32>
        tpu.vector_store_idx %arg10[%broadcast_in_dim3A_576, %shift_right_arithmetic3A_4, %broadcast_in_dim3A_5, %and3A_7, %broadcast_in_dim3A_620], %get3A_618 : memref<100x2x1x8x13xf32, #tpu.memory_space<vmem>>[vector<16xi32>, vector<16xi32>, vector<16xi32>, vector<16xi32>, vector<16xi32>], vector<16xf32>,
        %add3A_621 = arith.constant 100 : i32
        %add3A_622 = arith.addi %add3A_621, %scan3A_575 : i32
        %get3A_623 = arith.constant 5 : i32
        %get3A_624 = arith.index_cast %get3A_623 : i32 to index
        %get3A_625 = arith.index_cast %add3A_622 : i32 to index
        %get3A_626 = arith.constant 0 : index
        %get3A_627 = tpu.vector_load %arg7[%get3A_624, %get3A_625, %get3A_626] {strides = array<i32>} : memref<8x200x16xf32, #tpu.memory_space<vmem>>, vector<16xf32>,
        %broadcast_in_dim3A_628 = arith.constant 5 : i32
        %broadcast_in_dim3A_629 = vector.broadcast %broadcast_in_dim3A_628 : i32 to vector<16xi32>
        tpu.vector_store_idx %arg10[%broadcast_in_dim3A_576, %shift_right_arithmetic3A_4, %broadcast_in_dim3A_5, %and3A_7, %broadcast_in_dim3A_629], %get3A_627 : memref<100x2x1x8x13xf32, #tpu.memory_space<vmem>>[vector<16xi32>, vector<16xi32>, vector<16xi32>, vector<16xi32>, vector<16xi32>], vector<16xf32>,
        %add3A_630 = arith.constant 100 : i32
        %add3A_631 = arith.addi %add3A_630, %scan3A_575 : i32
        %get3A_632 = arith.constant 6 : i32
        %get3A_633 = arith.index_cast %get3A_632 : i32 to index
        %get3A_634 = arith.index_cast %add3A_631 : i32 to index
        %get3A_635 = arith.constant 0 : index
        %get3A_636 = tpu.vector_load %arg7[%get3A_633, %get3A_634, %get3A_635] {strides = array<i32>} : memref<8x200x16xf32, #tpu.memory_space<vmem>>, vector<16xf32>,
        %broadcast_in_dim3A_637 = arith.constant 6 : i32
        %broadcast_in_dim3A_638 = vector.broadcast %broadcast_in_dim3A_637 : i32 to vector<16xi32>
        tpu.vector_store_idx %arg10[%broadcast_in_dim3A_576, %shift_right_arithmetic3A_4, %broadcast_in_dim3A_5, %and3A_7, %broadcast_in_dim3A_638], %get3A_636 : memref<100x2x1x8x13xf32, #tpu.memory_space<vmem>>[vector<16xi32>, vector<16xi32>, vector<16xi32>, vector<16xi32>, vector<16xi32>], vector<16xf32>,
        %add3A_639 = arith.constant 100 : i32
        %add3A_640 = arith.addi %add3A_639, %scan3A_575 : i32
        %get3A_641 = arith.constant 7 : i32
        %get3A_642 = arith.index_cast %get3A_641 : i32 to index
        %get3A_643 = arith.index_cast %add3A_640 : i32 to index
        %get3A_644 = arith.constant 0 : index
        %get3A_645 = tpu.vector_load %arg7[%get3A_642, %get3A_643, %get3A_644] {strides = array<i32>} : memref<8x200x16xf32, #tpu.memory_space<vmem>>, vector<16xf32>,
        %broadcast_in_dim3A_646 = arith.constant 7 : i32
        %broadcast_in_dim3A_647 = vector.broadcast %broadcast_in_dim3A_646 : i32 to vector<16xi32>
        tpu.vector_store_idx %arg10[%broadcast_in_dim3A_576, %shift_right_arithmetic3A_4, %broadcast_in_dim3A_5, %and3A_7, %broadcast_in_dim3A_647], %get3A_645 : memref<100x2x1x8x13xf32, #tpu.memory_space<vmem>>[vector<16xi32>, vector<16xi32>, vector<16xi32>, vector<16xi32>, vector<16xi32>], vector<16xf32>,
        %scan3A_648 = arith.constant 1 : i32
        %scan3A_649 = arith.addi %scan3A_575, %scan3A_648 : i32
        %broadcast_in_dim3A_650 = vector.broadcast %scan3A_649 : i32 to vector<16xi32>
        %add3A_651 = arith.constant 100 : i32
        %add3A_652 = arith.addi %add3A_651, %scan3A_649 : i32
        %get3A_653 = arith.constant 0 : i32
        %get3A_654 = arith.index_cast %get3A_653 : i32 to index
        %get3A_655 = arith.index_cast %add3A_652 : i32 to index
        %get3A_656 = arith.constant 0 : index
        %get3A_657 = tpu.vector_load %arg7[%get3A_654, %get3A_655, %get3A_656] {strides = array<i32>} : memref<8x200x16xf32, #tpu.memory_space<vmem>>, vector<16xf32>,
        %broadcast_in_dim3A_658 = arith.constant 0 : i32
        %broadcast_in_dim3A_659 = vector.broadcast %broadcast_in_dim3A_658 : i32 to vector<16xi32>
        tpu.vector_store_idx %arg10[%broadcast_in_dim3A_650, %shift_right_arithmetic3A_4, %broadcast_in_dim3A_5, %and3A_7, %broadcast_in_dim3A_659], %get3A_657 : memref<100x2x1x8x13xf32, #tpu.memory_space<vmem>>[vector<16xi32>, vector<16xi32>, vector<16xi32>, vector<16xi32>, vector<16xi32>], vector<16xf32>,
        %add3A_660 = arith.constant 100 : i32
        %add3A_661 = arith.addi %add3A_660, %scan3A_649 : i32
        %get3A_662 = arith.constant 1 : i32
        %get3A_663 = arith.index_cast %get3A_662 : i32 to index
        %get3A_664 = arith.index_cast %add3A_661 : i32 to index
        %get3A_665 = arith.constant 0 : index
        %get3A_666 = tpu.vector_load %arg7[%get3A_663, %get3A_664, %get3A_665] {strides = array<i32>} : memref<8x200x16xf32, #tpu.memory_space<vmem>>, vector<16xf32>,
        %broadcast_in_dim3A_667 = arith.constant 1 : i32
        %broadcast_in_dim3A_668 = vector.broadcast %broadcast_in_dim3A_667 : i32 to vector<16xi32>
        tpu.vector_store_idx %arg10[%broadcast_in_dim3A_650, %shift_right_arithmetic3A_4, %broadcast_in_dim3A_5, %and3A_7, %broadcast_in_dim3A_668], %get3A_666 : memref<100x2x1x8x13xf32, #tpu.memory_space<vmem>>[vector<16xi32>, vector<16xi32>, vector<16xi32>, vector<16xi32>, vector<16xi32>], vector<16xf32>,
        %add3A_669 = arith.constant 100 : i32
        %add3A_670 = arith.addi %add3A_669, %scan3A_649 : i32
        %get3A_671 = arith.constant 2 : i32
        %get3A_672 = arith.index_cast %get3A_671 : i32 to index
        %get3A_673 = arith.index_cast %add3A_670 : i32 to index
        %get3A_674 = arith.constant 0 : index
        %get3A_675 = tpu.vector_load %arg7[%get3A_672, %get3A_673, %get3A_674] {strides = array<i32>} : memref<8x200x16xf32, #tpu.memory_space<vmem>>, vector<16xf32>,
        %broadcast_in_dim3A_676 = arith.constant 2 : i32
        %broadcast_in_dim3A_677 = vector.broadcast %broadcast_in_dim3A_676 : i32 to vector<16xi32>
        tpu.vector_store_idx %arg10[%broadcast_in_dim3A_650, %shift_right_arithmetic3A_4, %broadcast_in_dim3A_5, %and3A_7, %broadcast_in_dim3A_677], %get3A_675 : memref<100x2x1x8x13xf32, #tpu.memory_space<vmem>>[vector<16xi32>, vector<16xi32>, vector<16xi32>, vector<16xi32>, vector<16xi32>], vector<16xf32>,
        %add3A_678 = arith.constant 100 : i32
        %add3A_679 = arith.addi %add3A_678, %scan3A_649 : i32
        %get3A_680 = arith.constant 3 : i32
        %get3A_681 = arith.index_cast %get3A_680 : i32 to index
        %get3A_682 = arith.index_cast %add3A_679 : i32 to index
        %get3A_683 = arith.constant 0 : index
        %get3A_684 = tpu.vector_load %arg7[%get3A_681, %get3A_682, %get3A_683] {strides = array<i32>} : memref<8x200x16xf32, #tpu.memory_space<vmem>>, vector<16xf32>,
        %broadcast_in_dim3A_685 = arith.constant 3 : i32
        %broadcast_in_dim3A_686 = vector.broadcast %broadcast_in_dim3A_685 : i32 to vector<16xi32>
        tpu.vector_store_idx %arg10[%broadcast_in_dim3A_650, %shift_right_arithmetic3A_4, %broadcast_in_dim3A_5, %and3A_7, %broadcast_in_dim3A_686], %get3A_684 : memref<100x2x1x8x13xf32, #tpu.memory_space<vmem>>[vector<16xi32>, vector<16xi32>, vector<16xi32>, vector<16xi32>, vector<16xi32>], vector<16xf32>,
        %add3A_687 = arith.constant 100 : i32
        %add3A_688 = arith.addi %add3A_687, %scan3A_649 : i32
        %get3A_689 = arith.constant 4 : i32
        %get3A_690 = arith.index_cast %get3A_689 : i32 to index
        %get3A_691 = arith.index_cast %add3A_688 : i32 to index
        %get3A_692 = arith.constant 0 : index
        %get3A_693 = tpu.vector_load %arg7[%get3A_690, %get3A_691, %get3A_692] {strides = array<i32>} : memref<8x200x16xf32, #tpu.memory_space<vmem>>, vector<16xf32>,
        %broadcast_in_dim3A_694 = arith.constant 4 : i32
        %broadcast_in_dim3A_695 = vector.broadcast %broadcast_in_dim3A_694 : i32 to vector<16xi32>
        tpu.vector_store_idx %arg10[%broadcast_in_dim3A_650, %shift_right_arithmetic3A_4, %broadcast_in_dim3A_5, %and3A_7, %broadcast_in_dim3A_695], %get3A_693 : memref<100x2x1x8x13xf32, #tpu.memory_space<vmem>>[vector<16xi32>, vector<16xi32>, vector<16xi32>, vector<16xi32>, vector<16xi32>], vector<16xf32>,
        %add3A_696 = arith.constant 100 : i32
        %add3A_697 = arith.addi %add3A_696, %scan3A_649 : i32
        %get3A_698 = arith.constant 5 : i32
        %get3A_699 = arith.index_cast %get3A_698 : i32 to index
        %get3A_700 = arith.index_cast %add3A_697 : i32 to index
        %get3A_701 = arith.constant 0 : index
        %get3A_702 = tpu.vector_load %arg7[%get3A_699, %get3A_700, %get3A_701] {strides = array<i32>} : memref<8x200x16xf32, #tpu.memory_space<vmem>>, vector<16xf32>,
        %broadcast_in_dim3A_703 = arith.constant 5 : i32
        %broadcast_in_dim3A_704 = vector.broadcast %broadcast_in_dim3A_703 : i32 to vector<16xi32>
        tpu.vector_store_idx %arg10[%broadcast_in_dim3A_650, %shift_right_arithmetic3A_4, %broadcast_in_dim3A_5, %and3A_7, %broadcast_in_dim3A_704], %get3A_702 : memref<100x2x1x8x13xf32, #tpu.memory_space<vmem>>[vector<16xi32>, vector<16xi32>, vector<16xi32>, vector<16xi32>, vector<16xi32>], vector<16xf32>,
        %add3A_705 = arith.constant 100 : i32
        %add3A_706 = arith.addi %add3A_705, %scan3A_649 : i32
        %get3A_707 = arith.constant 6 : i32
        %get3A_708 = arith.index_cast %get3A_707 : i32 to index
        %get3A_709 = arith.index_cast %add3A_706 : i32 to index
        %get3A_710 = arith.constant 0 : index
        %get3A_711 = tpu.vector_load %arg7[%get3A_708, %get3A_709, %get3A_710] {strides = array<i32>} : memref<8x200x16xf32, #tpu.memory_space<vmem>>, vector<16xf32>,
        %broadcast_in_dim3A_712 = arith.constant 6 : i32
        %broadcast_in_dim3A_713 = vector.broadcast %broadcast_in_dim3A_712 : i32 to vector<16xi32>
        tpu.vector_store_idx %arg10[%broadcast_in_dim3A_650, %shift_right_arithmetic3A_4, %broadcast_in_dim3A_5, %and3A_7, %broadcast_in_dim3A_713], %get3A_711 : memref<100x2x1x8x13xf32, #tpu.memory_space<vmem>>[vector<16xi32>, vector<16xi32>, vector<16xi32>, vector<16xi32>, vector<16xi32>], vector<16xf32>,
        %add3A_714 = arith.constant 100 : i32
        %add3A_715 = arith.addi %add3A_714, %scan3A_649 : i32
        %get3A_716 = arith.constant 7 : i32
        %get3A_717 = arith.index_cast %get3A_716 : i32 to index
        %get3A_718 = arith.index_cast %add3A_715 : i32 to index
        %get3A_719 = arith.constant 0 : index
        %get3A_720 = tpu.vector_load %arg7[%get3A_717, %get3A_718, %get3A_719] {strides = array<i32>} : memref<8x200x16xf32, #tpu.memory_space<vmem>>, vector<16xf32>,
        %broadcast_in_dim3A_721 = arith.constant 7 : i32
        %broadcast_in_dim3A_722 = vector.broadcast %broadcast_in_dim3A_721 : i32 to vector<16xi32>
        tpu.vector_store_idx %arg10[%broadcast_in_dim3A_650, %shift_right_arithmetic3A_4, %broadcast_in_dim3A_5, %and3A_7, %broadcast_in_dim3A_722], %get3A_720 : memref<100x2x1x8x13xf32, #tpu.memory_space<vmem>>[vector<16xi32>, vector<16xi32>, vector<16xi32>, vector<16xi32>, vector<16xi32>], vector<16xf32>,
        %scan3A_723 = arith.constant 2 : i32
        %scan3A_724 = arith.addi %scan3A_575, %scan3A_723 : i32
        %broadcast_in_dim3A_725 = vector.broadcast %scan3A_724 : i32 to vector<16xi32>
        %add3A_726 = arith.constant 100 : i32
        %add3A_727 = arith.addi %add3A_726, %scan3A_724 : i32
        %get3A_728 = arith.constant 0 : i32
        %get3A_729 = arith.index_cast %get3A_728 : i32 to index
        %get3A_730 = arith.index_cast %add3A_727 : i32 to index
        %get3A_731 = arith.constant 0 : index
        %get3A_732 = tpu.vector_load %arg7[%get3A_729, %get3A_730, %get3A_731] {strides = array<i32>} : memref<8x200x16xf32, #tpu.memory_space<vmem>>, vector<16xf32>,
        %broadcast_in_dim3A_733 = arith.constant 0 : i32
        %broadcast_in_dim3A_734 = vector.broadcast %broadcast_in_dim3A_733 : i32 to vector<16xi32>
        tpu.vector_store_idx %arg10[%broadcast_in_dim3A_725, %shift_right_arithmetic3A_4, %broadcast_in_dim3A_5, %and3A_7, %broadcast_in_dim3A_734], %get3A_732 : memref<100x2x1x8x13xf32, #tpu.memory_space<vmem>>[vector<16xi32>, vector<16xi32>, vector<16xi32>, vector<16xi32>, vector<16xi32>], vector<16xf32>,
        %add3A_735 = arith.constant 100 : i32
        %add3A_736 = arith.addi %add3A_735, %scan3A_724 : i32
        %get3A_737 = arith.constant 1 : i32
        %get3A_738 = arith.index_cast %get3A_737 : i32 to index
        %get3A_739 = arith.index_cast %add3A_736 : i32 to index
        %get3A_740 = arith.constant 0 : index
        %get3A_741 = tpu.vector_load %arg7[%get3A_738, %get3A_739, %get3A_740] {strides = array<i32>} : memref<8x200x16xf32, #tpu.memory_space<vmem>>, vector<16xf32>,
        %broadcast_in_dim3A_742 = arith.constant 1 : i32
        %broadcast_in_dim3A_743 = vector.broadcast %broadcast_in_dim3A_742 : i32 to vector<16xi32>
        tpu.vector_store_idx %arg10[%broadcast_in_dim3A_725, %shift_right_arithmetic3A_4, %broadcast_in_dim3A_5, %and3A_7, %broadcast_in_dim3A_743], %get3A_741 : memref<100x2x1x8x13xf32, #tpu.memory_space<vmem>>[vector<16xi32>, vector<16xi32>, vector<16xi32>, vector<16xi32>, vector<16xi32>], vector<16xf32>,
        %add3A_744 = arith.constant 100 : i32
        %add3A_745 = arith.addi %add3A_744, %scan3A_724 : i32
        %get3A_746 = arith.constant 2 : i32
        %get3A_747 = arith.index_cast %get3A_746 : i32 to index
        %get3A_748 = arith.index_cast %add3A_745 : i32 to index
        %get3A_749 = arith.constant 0 : index
        %get3A_750 = tpu.vector_load %arg7[%get3A_747, %get3A_748, %get3A_749] {strides = array<i32>} : memref<8x200x16xf32, #tpu.memory_space<vmem>>, vector<16xf32>,
        %broadcast_in_dim3A_751 = arith.constant 2 : i32
        %broadcast_in_dim3A_752 = vector.broadcast %broadcast_in_dim3A_751 : i32 to vector<16xi32>
        tpu.vector_store_idx %arg10[%broadcast_in_dim3A_725, %shift_right_arithmetic3A_4, %broadcast_in_dim3A_5, %and3A_7, %broadcast_in_dim3A_752], %get3A_750 : memref<100x2x1x8x13xf32, #tpu.memory_space<vmem>>[vector<16xi32>, vector<16xi32>, vector<16xi32>, vector<16xi32>, vector<16xi32>], vector<16xf32>,
        %add3A_753 = arith.constant 100 : i32
        %add3A_754 = arith.addi %add3A_753, %scan3A_724 : i32
        %get3A_755 = arith.constant 3 : i32
        %get3A_756 = arith.index_cast %get3A_755 : i32 to index
        %get3A_757 = arith.index_cast %add3A_754 : i32 to index
        %get3A_758 = arith.constant 0 : index
        %get3A_759 = tpu.vector_load %arg7[%get3A_756, %get3A_757, %get3A_758] {strides = array<i32>} : memref<8x200x16xf32, #tpu.memory_space<vmem>>, vector<16xf32>,
        %broadcast_in_dim3A_760 = arith.constant 3 : i32
        %broadcast_in_dim3A_761 = vector.broadcast %broadcast_in_dim3A_760 : i32 to vector<16xi32>
        tpu.vector_store_idx %arg10[%broadcast_in_dim3A_725, %shift_right_arithmetic3A_4, %broadcast_in_dim3A_5, %and3A_7, %broadcast_in_dim3A_761], %get3A_759 : memref<100x2x1x8x13xf32, #tpu.memory_space<vmem>>[vector<16xi32>, vector<16xi32>, vector<16xi32>, vector<16xi32>, vector<16xi32>], vector<16xf32>,
        %add3A_762 = arith.constant 100 : i32
        %add3A_763 = arith.addi %add3A_762, %scan3A_724 : i32
        %get3A_764 = arith.constant 4 : i32
        %get3A_765 = arith.index_cast %get3A_764 : i32 to index
        %get3A_766 = arith.index_cast %add3A_763 : i32 to index
        %get3A_767 = arith.constant 0 : index
        %get3A_768 = tpu.vector_load %arg7[%get3A_765, %get3A_766, %get3A_767] {strides = array<i32>} : memref<8x200x16xf32, #tpu.memory_space<vmem>>, vector<16xf32>,
        %broadcast_in_dim3A_769 = arith.constant 4 : i32
        %broadcast_in_dim3A_770 = vector.broadcast %broadcast_in_dim3A_769 : i32 to vector<16xi32>
        tpu.vector_store_idx %arg10[%broadcast_in_dim3A_725, %shift_right_arithmetic3A_4, %broadcast_in_dim3A_5, %and3A_7, %broadcast_in_dim3A_770], %get3A_768 : memref<100x2x1x8x13xf32, #tpu.memory_space<vmem>>[vector<16xi32>, vector<16xi32>, vector<16xi32>, vector<16xi32>, vector<16xi32>], vector<16xf32>,
        %add3A_771 = arith.constant 100 : i32
        %add3A_772 = arith.addi %add3A_771, %scan3A_724 : i32
        %get3A_773 = arith.constant 5 : i32
        %get3A_774 = arith.index_cast %get3A_773 : i32 to index
        %get3A_775 = arith.index_cast %add3A_772 : i32 to index
        %get3A_776 = arith.constant 0 : index
        %get3A_777 = tpu.vector_load %arg7[%get3A_774, %get3A_775, %get3A_776] {strides = array<i32>} : memref<8x200x16xf32, #tpu.memory_space<vmem>>, vector<16xf32>,
        %broadcast_in_dim3A_778 = arith.constant 5 : i32
        %broadcast_in_dim3A_779 = vector.broadcast %broadcast_in_dim3A_778 : i32 to vector<16xi32>
        tpu.vector_store_idx %arg10[%broadcast_in_dim3A_725, %shift_right_arithmetic3A_4, %broadcast_in_dim3A_5, %and3A_7, %broadcast_in_dim3A_779], %get3A_777 : memref<100x2x1x8x13xf32, #tpu.memory_space<vmem>>[vector<16xi32>, vector<16xi32>, vector<16xi32>, vector<16xi32>, vector<16xi32>], vector<16xf32>,
        %add3A_780 = arith.constant 100 : i32
        %add3A_781 = arith.addi %add3A_780, %scan3A_724 : i32
        %get3A_782 = arith.constant 6 : i32
        %get3A_783 = arith.index_cast %get3A_782 : i32 to index
        %get3A_784 = arith.index_cast %add3A_781 : i32 to index
        %get3A_785 = arith.constant 0 : index
        %get3A_786 = tpu.vector_load %arg7[%get3A_783, %get3A_784, %get3A_785] {strides = array<i32>} : memref<8x200x16xf32, #tpu.memory_space<vmem>>, vector<16xf32>,
        %broadcast_in_dim3A_787 = arith.constant 6 : i32
        %broadcast_in_dim3A_788 = vector.broadcast %broadcast_in_dim3A_787 : i32 to vector<16xi32>
        tpu.vector_store_idx %arg10[%broadcast_in_dim3A_725, %shift_right_arithmetic3A_4, %broadcast_in_dim3A_5, %and3A_7, %broadcast_in_dim3A_788], %get3A_786 : memref<100x2x1x8x13xf32, #tpu.memory_space<vmem>>[vector<16xi32>, vector<16xi32>, vector<16xi32>, vector<16xi32>, vector<16xi32>], vector<16xf32>,
        %add3A_789 = arith.constant 100 : i32
        %add3A_790 = arith.addi %add3A_789, %scan3A_724 : i32
        %get3A_791 = arith.constant 7 : i32
        %get3A_792 = arith.index_cast %get3A_791 : i32 to index
        %get3A_793 = arith.index_cast %add3A_790 : i32 to index
        %get3A_794 = arith.constant 0 : index
        %get3A_795 = tpu.vector_load %arg7[%get3A_792, %get3A_793, %get3A_794] {strides = array<i32>} : memref<8x200x16xf32, #tpu.memory_space<vmem>>, vector<16xf32>,
        %broadcast_in_dim3A_796 = arith.constant 7 : i32
        %broadcast_in_dim3A_797 = vector.broadcast %broadcast_in_dim3A_796 : i32 to vector<16xi32>
        tpu.vector_store_idx %arg10[%broadcast_in_dim3A_725, %shift_right_arithmetic3A_4, %broadcast_in_dim3A_5, %and3A_7, %broadcast_in_dim3A_797], %get3A_795 : memref<100x2x1x8x13xf32, #tpu.memory_space<vmem>>[vector<16xi32>, vector<16xi32>, vector<16xi32>, vector<16xi32>, vector<16xi32>], vector<16xf32>,
        %scan3A_798 = arith.constant 3 : i32
        %scan3A_799 = arith.addi %scan3A_575, %scan3A_798 : i32
        %broadcast_in_dim3A_800 = vector.broadcast %scan3A_799 : i32 to vector<16xi32>
        %add3A_801 = arith.constant 100 : i32
        %add3A_802 = arith.addi %add3A_801, %scan3A_799 : i32
        %get3A_803 = arith.constant 0 : i32
        %get3A_804 = arith.index_cast %get3A_803 : i32 to index
        %get3A_805 = arith.index_cast %add3A_802 : i32 to index
        %get3A_806 = arith.constant 0 : index
        %get3A_807 = tpu.vector_load %arg7[%get3A_804, %get3A_805, %get3A_806] {strides = array<i32>} : memref<8x200x16xf32, #tpu.memory_space<vmem>>, vector<16xf32>,
        %broadcast_in_dim3A_808 = arith.constant 0 : i32
        %broadcast_in_dim3A_809 = vector.broadcast %broadcast_in_dim3A_808 : i32 to vector<16xi32>
        tpu.vector_store_idx %arg10[%broadcast_in_dim3A_800, %shift_right_arithmetic3A_4, %broadcast_in_dim3A_5, %and3A_7, %broadcast_in_dim3A_809], %get3A_807 : memref<100x2x1x8x13xf32, #tpu.memory_space<vmem>>[vector<16xi32>, vector<16xi32>, vector<16xi32>, vector<16xi32>, vector<16xi32>], vector<16xf32>,
        %add3A_810 = arith.constant 100 : i32
        %add3A_811 = arith.addi %add3A_810, %scan3A_799 : i32
        %get3A_812 = arith.constant 1 : i32
        %get3A_813 = arith.index_cast %get3A_812 : i32 to index
        %get3A_814 = arith.index_cast %add3A_811 : i32 to index
        %get3A_815 = arith.constant 0 : index
        %get3A_816 = tpu.vector_load %arg7[%get3A_813, %get3A_814, %get3A_815] {strides = array<i32>} : memref<8x200x16xf32, #tpu.memory_space<vmem>>, vector<16xf32>,
        %broadcast_in_dim3A_817 = arith.constant 1 : i32
        %broadcast_in_dim3A_818 = vector.broadcast %broadcast_in_dim3A_817 : i32 to vector<16xi32>
        tpu.vector_store_idx %arg10[%broadcast_in_dim3A_800, %shift_right_arithmetic3A_4, %broadcast_in_dim3A_5, %and3A_7, %broadcast_in_dim3A_818], %get3A_816 : memref<100x2x1x8x13xf32, #tpu.memory_space<vmem>>[vector<16xi32>, vector<16xi32>, vector<16xi32>, vector<16xi32>, vector<16xi32>], vector<16xf32>,
        %add3A_819 = arith.constant 100 : i32
        %add3A_820 = arith.addi %add3A_819, %scan3A_799 : i32
        %get3A_821 = arith.constant 2 : i32
        %get3A_822 = arith.index_cast %get3A_821 : i32 to index
        %get3A_823 = arith.index_cast %add3A_820 : i32 to index
        %get3A_824 = arith.constant 0 : index
        %get3A_825 = tpu.vector_load %arg7[%get3A_822, %get3A_823, %get3A_824] {strides = array<i32>} : memref<8x200x16xf32, #tpu.memory_space<vmem>>, vector<16xf32>,
        %broadcast_in_dim3A_826 = arith.constant 2 : i32
        %broadcast_in_dim3A_827 = vector.broadcast %broadcast_in_dim3A_826 : i32 to vector<16xi32>
        tpu.vector_store_idx %arg10[%broadcast_in_dim3A_800, %shift_right_arithmetic3A_4, %broadcast_in_dim3A_5, %and3A_7, %broadcast_in_dim3A_827], %get3A_825 : memref<100x2x1x8x13xf32, #tpu.memory_space<vmem>>[vector<16xi32>, vector<16xi32>, vector<16xi32>, vector<16xi32>, vector<16xi32>], vector<16xf32>,
        %add3A_828 = arith.constant 100 : i32
        %add3A_829 = arith.addi %add3A_828, %scan3A_799 : i32
        %get3A_830 = arith.constant 3 : i32
        %get3A_831 = arith.index_cast %get3A_830 : i32 to index
        %get3A_832 = arith.index_cast %add3A_829 : i32 to index
        %get3A_833 = arith.constant 0 : index
        %get3A_834 = tpu.vector_load %arg7[%get3A_831, %get3A_832, %get3A_833] {strides = array<i32>} : memref<8x200x16xf32, #tpu.memory_space<vmem>>, vector<16xf32>,
        %broadcast_in_dim3A_835 = arith.constant 3 : i32
        %broadcast_in_dim3A_836 = vector.broadcast %broadcast_in_dim3A_835 : i32 to vector<16xi32>
        tpu.vector_store_idx %arg10[%broadcast_in_dim3A_800, %shift_right_arithmetic3A_4, %broadcast_in_dim3A_5, %and3A_7, %broadcast_in_dim3A_836], %get3A_834 : memref<100x2x1x8x13xf32, #tpu.memory_space<vmem>>[vector<16xi32>, vector<16xi32>, vector<16xi32>, vector<16xi32>, vector<16xi32>], vector<16xf32>,
        %add3A_837 = arith.constant 100 : i32
        %add3A_838 = arith.addi %add3A_837, %scan3A_799 : i32
        %get3A_839 = arith.constant 4 : i32
        %get3A_840 = arith.index_cast %get3A_839 : i32 to index
        %get3A_841 = arith.index_cast %add3A_838 : i32 to index
        %get3A_842 = arith.constant 0 : index
        %get3A_843 = tpu.vector_load %arg7[%get3A_840, %get3A_841, %get3A_842] {strides = array<i32>} : memref<8x200x16xf32, #tpu.memory_space<vmem>>, vector<16xf32>,
        %broadcast_in_dim3A_844 = arith.constant 4 : i32
        %broadcast_in_dim3A_845 = vector.broadcast %broadcast_in_dim3A_844 : i32 to vector<16xi32>
        tpu.vector_store_idx %arg10[%broadcast_in_dim3A_800, %shift_right_arithmetic3A_4, %broadcast_in_dim3A_5, %and3A_7, %broadcast_in_dim3A_845], %get3A_843 : memref<100x2x1x8x13xf32, #tpu.memory_space<vmem>>[vector<16xi32>, vector<16xi32>, vector<16xi32>, vector<16xi32>, vector<16xi32>], vector<16xf32>,
        %add3A_846 = arith.constant 100 : i32
        %add3A_847 = arith.addi %add3A_846, %scan3A_799 : i32
        %get3A_848 = arith.constant 5 : i32
        %get3A_849 = arith.index_cast %get3A_848 : i32 to index
        %get3A_850 = arith.index_cast %add3A_847 : i32 to index
        %get3A_851 = arith.constant 0 : index
        %get3A_852 = tpu.vector_load %arg7[%get3A_849, %get3A_850, %get3A_851] {strides = array<i32>} : memref<8x200x16xf32, #tpu.memory_space<vmem>>, vector<16xf32>,
        %broadcast_in_dim3A_853 = arith.constant 5 : i32
        %broadcast_in_dim3A_854 = vector.broadcast %broadcast_in_dim3A_853 : i32 to vector<16xi32>
        tpu.vector_store_idx %arg10[%broadcast_in_dim3A_800, %shift_right_arithmetic3A_4, %broadcast_in_dim3A_5, %and3A_7, %broadcast_in_dim3A_854], %get3A_852 : memref<100x2x1x8x13xf32, #tpu.memory_space<vmem>>[vector<16xi32>, vector<16xi32>, vector<16xi32>, vector<16xi32>, vector<16xi32>], vector<16xf32>,
        %add3A_855 = arith.constant 100 : i32
        %add3A_856 = arith.addi %add3A_855, %scan3A_799 : i32
        %get3A_857 = arith.constant 6 : i32
        %get3A_858 = arith.index_cast %get3A_857 : i32 to index
        %get3A_859 = arith.index_cast %add3A_856 : i32 to index
        %get3A_860 = arith.constant 0 : index
        %get3A_861 = tpu.vector_load %arg7[%get3A_858, %get3A_859, %get3A_860] {strides = array<i32>} : memref<8x200x16xf32, #tpu.memory_space<vmem>>, vector<16xf32>,
        %broadcast_in_dim3A_862 = arith.constant 6 : i32
        %broadcast_in_dim3A_863 = vector.broadcast %broadcast_in_dim3A_862 : i32 to vector<16xi32>
        tpu.vector_store_idx %arg10[%broadcast_in_dim3A_800, %shift_right_arithmetic3A_4, %broadcast_in_dim3A_5, %and3A_7, %broadcast_in_dim3A_863], %get3A_861 : memref<100x2x1x8x13xf32, #tpu.memory_space<vmem>>[vector<16xi32>, vector<16xi32>, vector<16xi32>, vector<16xi32>, vector<16xi32>], vector<16xf32>,
        %add3A_864 = arith.constant 100 : i32
        %add3A_865 = arith.addi %add3A_864, %scan3A_799 : i32
        %get3A_866 = arith.constant 7 : i32
        %get3A_867 = arith.index_cast %get3A_866 : i32 to index
        %get3A_868 = arith.index_cast %add3A_865 : i32 to index
        %get3A_869 = arith.constant 0 : index
        %get3A_870 = tpu.vector_load %arg7[%get3A_867, %get3A_868, %get3A_869] {strides = array<i32>} : memref<8x200x16xf32, #tpu.memory_space<vmem>>, vector<16xf32>,
        %broadcast_in_dim3A_871 = arith.constant 7 : i32
        %broadcast_in_dim3A_872 = vector.broadcast %broadcast_in_dim3A_871 : i32 to vector<16xi32>
        tpu.vector_store_idx %arg10[%broadcast_in_dim3A_800, %shift_right_arithmetic3A_4, %broadcast_in_dim3A_5, %and3A_7, %broadcast_in_dim3A_872], %get3A_870 : memref<100x2x1x8x13xf32, #tpu.memory_space<vmem>>[vector<16xi32>, vector<16xi32>, vector<16xi32>, vector<16xi32>, vector<16xi32>], vector<16xf32>,
        %scan3A_873 = arith.constant 4 : i32
        %scan3A_874 = arith.addi %scan3A_575, %scan3A_873 : i32
        %broadcast_in_dim3A_875 = vector.broadcast %scan3A_874 : i32 to vector<16xi32>
        %add3A_876 = arith.constant 100 : i32
        %add3A_877 = arith.addi %add3A_876, %scan3A_874 : i32
        %get3A_878 = arith.constant 0 : i32
        %get3A_879 = arith.index_cast %get3A_878 : i32 to index
        %get3A_880 = arith.index_cast %add3A_877 : i32 to index
        %get3A_881 = arith.constant 0 : index
        %get3A_882 = tpu.vector_load %arg7[%get3A_879, %get3A_880, %get3A_881] {strides = array<i32>} : memref<8x200x16xf32, #tpu.memory_space<vmem>>, vector<16xf32>,
        %broadcast_in_dim3A_883 = arith.constant 0 : i32
        %broadcast_in_dim3A_884 = vector.broadcast %broadcast_in_dim3A_883 : i32 to vector<16xi32>
        tpu.vector_store_idx %arg10[%broadcast_in_dim3A_875, %shift_right_arithmetic3A_4, %broadcast_in_dim3A_5, %and3A_7, %broadcast_in_dim3A_884], %get3A_882 : memref<100x2x1x8x13xf32, #tpu.memory_space<vmem>>[vector<16xi32>, vector<16xi32>, vector<16xi32>, vector<16xi32>, vector<16xi32>], vector<16xf32>,
        %add3A_885 = arith.constant 100 : i32
        %add3A_886 = arith.addi %add3A_885, %scan3A_874 : i32
        %get3A_887 = arith.constant 1 : i32
        %get3A_888 = arith.index_cast %get3A_887 : i32 to index
        %get3A_889 = arith.index_cast %add3A_886 : i32 to index
        %get3A_890 = arith.constant 0 : index
        %get3A_891 = tpu.vector_load %arg7[%get3A_888, %get3A_889, %get3A_890] {strides = array<i32>} : memref<8x200x16xf32, #tpu.memory_space<vmem>>, vector<16xf32>,
        %broadcast_in_dim3A_892 = arith.constant 1 : i32
        %broadcast_in_dim3A_893 = vector.broadcast %broadcast_in_dim3A_892 : i32 to vector<16xi32>
        tpu.vector_store_idx %arg10[%broadcast_in_dim3A_875, %shift_right_arithmetic3A_4, %broadcast_in_dim3A_5, %and3A_7, %broadcast_in_dim3A_893], %get3A_891 : memref<100x2x1x8x13xf32, #tpu.memory_space<vmem>>[vector<16xi32>, vector<16xi32>, vector<16xi32>, vector<16xi32>, vector<16xi32>], vector<16xf32>,
        %add3A_894 = arith.constant 100 : i32
        %add3A_895 = arith.addi %add3A_894, %scan3A_874 : i32
        %get3A_896 = arith.constant 2 : i32
        %get3A_897 = arith.index_cast %get3A_896 : i32 to index
        %get3A_898 = arith.index_cast %add3A_895 : i32 to index
        %get3A_899 = arith.constant 0 : index
        %get3A_900 = tpu.vector_load %arg7[%get3A_897, %get3A_898, %get3A_899] {strides = array<i32>} : memref<8x200x16xf32, #tpu.memory_space<vmem>>, vector<16xf32>,
        %broadcast_in_dim3A_901 = arith.constant 2 : i32
        %broadcast_in_dim3A_902 = vector.broadcast %broadcast_in_dim3A_901 : i32 to vector<16xi32>
        tpu.vector_store_idx %arg10[%broadcast_in_dim3A_875, %shift_right_arithmetic3A_4, %broadcast_in_dim3A_5, %and3A_7, %broadcast_in_dim3A_902], %get3A_900 : memref<100x2x1x8x13xf32, #tpu.memory_space<vmem>>[vector<16xi32>, vector<16xi32>, vector<16xi32>, vector<16xi32>, vector<16xi32>], vector<16xf32>,
        %add3A_903 = arith.constant 100 : i32
        %add3A_904 = arith.addi %add3A_903, %scan3A_874 : i32
        %get3A_905 = arith.constant 3 : i32
        %get3A_906 = arith.index_cast %get3A_905 : i32 to index
        %get3A_907 = arith.index_cast %add3A_904 : i32 to index
        %get3A_908 = arith.constant 0 : index
        %get3A_909 = tpu.vector_load %arg7[%get3A_906, %get3A_907, %get3A_908] {strides = array<i32>} : memref<8x200x16xf32, #tpu.memory_space<vmem>>, vector<16xf32>,
        %broadcast_in_dim3A_910 = arith.constant 3 : i32
        %broadcast_in_dim3A_911 = vector.broadcast %broadcast_in_dim3A_910 : i32 to vector<16xi32>
        tpu.vector_store_idx %arg10[%broadcast_in_dim3A_875, %shift_right_arithmetic3A_4, %broadcast_in_dim3A_5, %and3A_7, %broadcast_in_dim3A_911], %get3A_909 : memref<100x2x1x8x13xf32, #tpu.memory_space<vmem>>[vector<16xi32>, vector<16xi32>, vector<16xi32>, vector<16xi32>, vector<16xi32>], vector<16xf32>,
        %add3A_912 = arith.constant 100 : i32
        %add3A_913 = arith.addi %add3A_912, %scan3A_874 : i32
        %get3A_914 = arith.constant 4 : i32
        %get3A_915 = arith.index_cast %get3A_914 : i32 to index
        %get3A_916 = arith.index_cast %add3A_913 : i32 to index
        %get3A_917 = arith.constant 0 : index
        %get3A_918 = tpu.vector_load %arg7[%get3A_915, %get3A_916, %get3A_917] {strides = array<i32>} : memref<8x200x16xf32, #tpu.memory_space<vmem>>, vector<16xf32>,
        %broadcast_in_dim3A_919 = arith.constant 4 : i32
        %broadcast_in_dim3A_920 = vector.broadcast %broadcast_in_dim3A_919 : i32 to vector<16xi32>
        tpu.vector_store_idx %arg10[%broadcast_in_dim3A_875, %shift_right_arithmetic3A_4, %broadcast_in_dim3A_5, %and3A_7, %broadcast_in_dim3A_920], %get3A_918 : memref<100x2x1x8x13xf32, #tpu.memory_space<vmem>>[vector<16xi32>, vector<16xi32>, vector<16xi32>, vector<16xi32>, vector<16xi32>], vector<16xf32>,
        %add3A_921 = arith.constant 100 : i32
        %add3A_922 = arith.addi %add3A_921, %scan3A_874 : i32
        %get3A_923 = arith.constant 5 : i32
        %get3A_924 = arith.index_cast %get3A_923 : i32 to index
        %get3A_925 = arith.index_cast %add3A_922 : i32 to index
        %get3A_926 = arith.constant 0 : index
        %get3A_927 = tpu.vector_load %arg7[%get3A_924, %get3A_925, %get3A_926] {strides = array<i32>} : memref<8x200x16xf32, #tpu.memory_space<vmem>>, vector<16xf32>,
        %broadcast_in_dim3A_928 = arith.constant 5 : i32
        %broadcast_in_dim3A_929 = vector.broadcast %broadcast_in_dim3A_928 : i32 to vector<16xi32>
        tpu.vector_store_idx %arg10[%broadcast_in_dim3A_875, %shift_right_arithmetic3A_4, %broadcast_in_dim3A_5, %and3A_7, %broadcast_in_dim3A_929], %get3A_927 : memref<100x2x1x8x13xf32, #tpu.memory_space<vmem>>[vector<16xi32>, vector<16xi32>, vector<16xi32>, vector<16xi32>, vector<16xi32>], vector<16xf32>,
        %add3A_930 = arith.constant 100 : i32
        %add3A_931 = arith.addi %add3A_930, %scan3A_874 : i32
        %get3A_932 = arith.constant 6 : i32
        %get3A_933 = arith.index_cast %get3A_932 : i32 to index
        %get3A_934 = arith.index_cast %add3A_931 : i32 to index
        %get3A_935 = arith.constant 0 : index
        %get3A_936 = tpu.vector_load %arg7[%get3A_933, %get3A_934, %get3A_935] {strides = array<i32>} : memref<8x200x16xf32, #tpu.memory_space<vmem>>, vector<16xf32>,
        %broadcast_in_dim3A_937 = arith.constant 6 : i32
        %broadcast_in_dim3A_938 = vector.broadcast %broadcast_in_dim3A_937 : i32 to vector<16xi32>
        tpu.vector_store_idx %arg10[%broadcast_in_dim3A_875, %shift_right_arithmetic3A_4, %broadcast_in_dim3A_5, %and3A_7, %broadcast_in_dim3A_938], %get3A_936 : memref<100x2x1x8x13xf32, #tpu.memory_space<vmem>>[vector<16xi32>, vector<16xi32>, vector<16xi32>, vector<16xi32>, vector<16xi32>], vector<16xf32>,
        %add3A_939 = arith.constant 100 : i32
        %add3A_940 = arith.addi %add3A_939, %scan3A_874 : i32
        %get3A_941 = arith.constant 7 : i32
        %get3A_942 = arith.index_cast %get3A_941 : i32 to index
        %get3A_943 = arith.index_cast %add3A_940 : i32 to index
        %get3A_944 = arith.constant 0 : index
        %get3A_945 = tpu.vector_load %arg7[%get3A_942, %get3A_943, %get3A_944] {strides = array<i32>} : memref<8x200x16xf32, #tpu.memory_space<vmem>>, vector<16xf32>,
        %broadcast_in_dim3A_946 = arith.constant 7 : i32
        %broadcast_in_dim3A_947 = vector.broadcast %broadcast_in_dim3A_946 : i32 to vector<16xi32>
        tpu.vector_store_idx %arg10[%broadcast_in_dim3A_875, %shift_right_arithmetic3A_4, %broadcast_in_dim3A_5, %and3A_7, %broadcast_in_dim3A_947], %get3A_945 : memref<100x2x1x8x13xf32, #tpu.memory_space<vmem>>[vector<16xi32>, vector<16xi32>, vector<16xi32>, vector<16xi32>, vector<16xi32>], vector<16xf32>,
        %scan3A_948 = arith.constant 5 : i32
        %scan3A_949 = arith.addi %scan3A_575, %scan3A_948 : i32
        %broadcast_in_dim3A_950 = vector.broadcast %scan3A_949 : i32 to vector<16xi32>
        %add3A_951 = arith.constant 100 : i32
        %add3A_952 = arith.addi %add3A_951, %scan3A_949 : i32
        %get3A_953 = arith.constant 0 : i32
        %get3A_954 = arith.index_cast %get3A_953 : i32 to index
        %get3A_955 = arith.index_cast %add3A_952 : i32 to index
        %get3A_956 = arith.constant 0 : index
        %get3A_957 = tpu.vector_load %arg7[%get3A_954, %get3A_955, %get3A_956] {strides = array<i32>} : memref<8x200x16xf32, #tpu.memory_space<vmem>>, vector<16xf32>,
        %broadcast_in_dim3A_958 = arith.constant 0 : i32
        %broadcast_in_dim3A_959 = vector.broadcast %broadcast_in_dim3A_958 : i32 to vector<16xi32>
        tpu.vector_store_idx %arg10[%broadcast_in_dim3A_950, %shift_right_arithmetic3A_4, %broadcast_in_dim3A_5, %and3A_7, %broadcast_in_dim3A_959], %get3A_957 : memref<100x2x1x8x13xf32, #tpu.memory_space<vmem>>[vector<16xi32>, vector<16xi32>, vector<16xi32>, vector<16xi32>, vector<16xi32>], vector<16xf32>,
        %add3A_960 = arith.constant 100 : i32
        %add3A_961 = arith.addi %add3A_960, %scan3A_949 : i32
        %get3A_962 = arith.constant 1 : i32
        %get3A_963 = arith.index_cast %get3A_962 : i32 to index
        %get3A_964 = arith.index_cast %add3A_961 : i32 to index
        %get3A_965 = arith.constant 0 : index
        %get3A_966 = tpu.vector_load %arg7[%get3A_963, %get3A_964, %get3A_965] {strides = array<i32>} : memref<8x200x16xf32, #tpu.memory_space<vmem>>, vector<16xf32>,
        %broadcast_in_dim3A_967 = arith.constant 1 : i32
        %broadcast_in_dim3A_968 = vector.broadcast %broadcast_in_dim3A_967 : i32 to vector<16xi32>
        tpu.vector_store_idx %arg10[%broadcast_in_dim3A_950, %shift_right_arithmetic3A_4, %broadcast_in_dim3A_5, %and3A_7, %broadcast_in_dim3A_968], %get3A_966 : memref<100x2x1x8x13xf32, #tpu.memory_space<vmem>>[vector<16xi32>, vector<16xi32>, vector<16xi32>, vector<16xi32>, vector<16xi32>], vector<16xf32>,
        %add3A_969 = arith.constant 100 : i32
        %add3A_970 = arith.addi %add3A_969, %scan3A_949 : i32
        %get3A_971 = arith.constant 2 : i32
        %get3A_972 = arith.index_cast %get3A_971 : i32 to index
        %get3A_973 = arith.index_cast %add3A_970 : i32 to index
        %get3A_974 = arith.constant 0 : index
        %get3A_975 = tpu.vector_load %arg7[%get3A_972, %get3A_973, %get3A_974] {strides = array<i32>} : memref<8x200x16xf32, #tpu.memory_space<vmem>>, vector<16xf32>,
        %broadcast_in_dim3A_976 = arith.constant 2 : i32
        %broadcast_in_dim3A_977 = vector.broadcast %broadcast_in_dim3A_976 : i32 to vector<16xi32>
        tpu.vector_store_idx %arg10[%broadcast_in_dim3A_950, %shift_right_arithmetic3A_4, %broadcast_in_dim3A_5, %and3A_7, %broadcast_in_dim3A_977], %get3A_975 : memref<100x2x1x8x13xf32, #tpu.memory_space<vmem>>[vector<16xi32>, vector<16xi32>, vector<16xi32>, vector<16xi32>, vector<16xi32>], vector<16xf32>,
        %add3A_978 = arith.constant 100 : i32
        %add3A_979 = arith.addi %add3A_978, %scan3A_949 : i32
        %get3A_980 = arith.constant 3 : i32
        %get3A_981 = arith.index_cast %get3A_980 : i32 to index
        %get3A_982 = arith.index_cast %add3A_979 : i32 to index
        %get3A_983 = arith.constant 0 : index
        %get3A_984 = tpu.vector_load %arg7[%get3A_981, %get3A_982, %get3A_983] {strides = array<i32>} : memref<8x200x16xf32, #tpu.memory_space<vmem>>, vector<16xf32>,
        %broadcast_in_dim3A_985 = arith.constant 3 : i32
        %broadcast_in_dim3A_986 = vector.broadcast %broadcast_in_dim3A_985 : i32 to vector<16xi32>
        tpu.vector_store_idx %arg10[%broadcast_in_dim3A_950, %shift_right_arithmetic3A_4, %broadcast_in_dim3A_5, %and3A_7, %broadcast_in_dim3A_986], %get3A_984 : memref<100x2x1x8x13xf32, #tpu.memory_space<vmem>>[vector<16xi32>, vector<16xi32>, vector<16xi32>, vector<16xi32>, vector<16xi32>], vector<16xf32>,
        %add3A_987 = arith.constant 100 : i32
        %add3A_988 = arith.addi %add3A_987, %scan3A_949 : i32
        %get3A_989 = arith.constant 4 : i32
        %get3A_990 = arith.index_cast %get3A_989 : i32 to index
        %get3A_991 = arith.index_cast %add3A_988 : i32 to index
        %get3A_992 = arith.constant 0 : index
        %get3A_993 = tpu.vector_load %arg7[%get3A_990, %get3A_991, %get3A_992] {strides = array<i32>} : memref<8x200x16xf32, #tpu.memory_space<vmem>>, vector<16xf32>,
        %broadcast_in_dim3A_994 = arith.constant 4 : i32
        %broadcast_in_dim3A_995 = vector.broadcast %broadcast_in_dim3A_994 : i32 to vector<16xi32>
        tpu.vector_store_idx %arg10[%broadcast_in_dim3A_950, %shift_right_arithmetic3A_4, %broadcast_in_dim3A_5, %and3A_7, %broadcast_in_dim3A_995], %get3A_993 : memref<100x2x1x8x13xf32, #tpu.memory_space<vmem>>[vector<16xi32>, vector<16xi32>, vector<16xi32>, vector<16xi32>, vector<16xi32>], vector<16xf32>,
        %add3A_996 = arith.constant 100 : i32
        %add3A_997 = arith.addi %add3A_996, %scan3A_949 : i32
        %get3A_998 = arith.constant 5 : i32
        %get3A_999 = arith.index_cast %get3A_998 : i32 to index
        %get3A_1000 = arith.index_cast %add3A_997 : i32 to index
        %get3A_1001 = arith.constant 0 : index
        %get3A_1002 = tpu.vector_load %arg7[%get3A_999, %get3A_1000, %get3A_1001] {strides = array<i32>} : memref<8x200x16xf32, #tpu.memory_space<vmem>>, vector<16xf32>,
        %broadcast_in_dim3A_1003 = arith.constant 5 : i32
        %broadcast_in_dim3A_1004 = vector.broadcast %broadcast_in_dim3A_1003 : i32 to vector<16xi32>
        tpu.vector_store_idx %arg10[%broadcast_in_dim3A_950, %shift_right_arithmetic3A_4, %broadcast_in_dim3A_5, %and3A_7, %broadcast_in_dim3A_1004], %get3A_1002 : memref<100x2x1x8x13xf32, #tpu.memory_space<vmem>>[vector<16xi32>, vector<16xi32>, vector<16xi32>, vector<16xi32>, vector<16xi32>], vector<16xf32>,
        %add3A_1005 = arith.constant 100 : i32
        %add3A_1006 = arith.addi %add3A_1005, %scan3A_949 : i32
        %get3A_1007 = arith.constant 6 : i32
        %get3A_1008 = arith.index_cast %get3A_1007 : i32 to index
        %get3A_1009 = arith.index_cast %add3A_1006 : i32 to index
        %get3A_1010 = arith.constant 0 : index
        %get3A_1011 = tpu.vector_load %arg7[%get3A_1008, %get3A_1009, %get3A_1010] {strides = array<i32>} : memref<8x200x16xf32, #tpu.memory_space<vmem>>, vector<16xf32>,
        %broadcast_in_dim3A_1012 = arith.constant 6 : i32
        %broadcast_in_dim3A_1013 = vector.broadcast %broadcast_in_dim3A_1012 : i32 to vector<16xi32>
        tpu.vector_store_idx %arg10[%broadcast_in_dim3A_950, %shift_right_arithmetic3A_4, %broadcast_in_dim3A_5, %and3A_7, %broadcast_in_dim3A_1013], %get3A_1011 : memref<100x2x1x8x13xf32, #tpu.memory_space<vmem>>[vector<16xi32>, vector<16xi32>, vector<16xi32>, vector<16xi32>, vector<16xi32>], vector<16xf32>,
        %add3A_1014 = arith.constant 100 : i32
        %add3A_1015 = arith.addi %add3A_1014, %scan3A_949 : i32
        %get3A_1016 = arith.constant 7 : i32
        %get3A_1017 = arith.index_cast %get3A_1016 : i32 to index
        %get3A_1018 = arith.index_cast %add3A_1015 : i32 to index
        %get3A_1019 = arith.constant 0 : index
        %get3A_1020 = tpu.vector_load %arg7[%get3A_1017, %get3A_1018, %get3A_1019] {strides = array<i32>} : memref<8x200x16xf32, #tpu.memory_space<vmem>>, vector<16xf32>,
        %broadcast_in_dim3A_1021 = arith.constant 7 : i32
        %broadcast_in_dim3A_1022 = vector.broadcast %broadcast_in_dim3A_1021 : i32 to vector<16xi32>
        tpu.vector_store_idx %arg10[%broadcast_in_dim3A_950, %shift_right_arithmetic3A_4, %broadcast_in_dim3A_5, %and3A_7, %broadcast_in_dim3A_1022], %get3A_1020 : memref<100x2x1x8x13xf32, #tpu.memory_space<vmem>>[vector<16xi32>, vector<16xi32>, vector<16xi32>, vector<16xi32>, vector<16xi32>], vector<16xf32>,
        %scan3A_1023 = arith.constant 6 : i32
        %scan3A_1024 = arith.addi %scan3A_575, %scan3A_1023 : i32
        %broadcast_in_dim3A_1025 = vector.broadcast %scan3A_1024 : i32 to vector<16xi32>
        %add3A_1026 = arith.constant 100 : i32
        %add3A_1027 = arith.addi %add3A_1026, %scan3A_1024 : i32
        %get3A_1028 = arith.constant 0 : i32
        %get3A_1029 = arith.index_cast %get3A_1028 : i32 to index
        %get3A_1030 = arith.index_cast %add3A_1027 : i32 to index
        %get3A_1031 = arith.constant 0 : index
        %get3A_1032 = tpu.vector_load %arg7[%get3A_1029, %get3A_1030, %get3A_1031] {strides = array<i32>} : memref<8x200x16xf32, #tpu.memory_space<vmem>>, vector<16xf32>,
        %broadcast_in_dim3A_1033 = arith.constant 0 : i32
        %broadcast_in_dim3A_1034 = vector.broadcast %broadcast_in_dim3A_1033 : i32 to vector<16xi32>
        tpu.vector_store_idx %arg10[%broadcast_in_dim3A_1025, %shift_right_arithmetic3A_4, %broadcast_in_dim3A_5, %and3A_7, %broadcast_in_dim3A_1034], %get3A_1032 : memref<100x2x1x8x13xf32, #tpu.memory_space<vmem>>[vector<16xi32>, vector<16xi32>, vector<16xi32>, vector<16xi32>, vector<16xi32>], vector<16xf32>,
        %add3A_1035 = arith.constant 100 : i32
        %add3A_1036 = arith.addi %add3A_1035, %scan3A_1024 : i32
        %get3A_1037 = arith.constant 1 : i32
        %get3A_1038 = arith.index_cast %get3A_1037 : i32 to index
        %get3A_1039 = arith.index_cast %add3A_1036 : i32 to index
        %get3A_1040 = arith.constant 0 : index
        %get3A_1041 = tpu.vector_load %arg7[%get3A_1038, %get3A_1039, %get3A_1040] {strides = array<i32>} : memref<8x200x16xf32, #tpu.memory_space<vmem>>, vector<16xf32>,
        %broadcast_in_dim3A_1042 = arith.constant 1 : i32
        %broadcast_in_dim3A_1043 = vector.broadcast %broadcast_in_dim3A_1042 : i32 to vector<16xi32>
        tpu.vector_store_idx %arg10[%broadcast_in_dim3A_1025, %shift_right_arithmetic3A_4, %broadcast_in_dim3A_5, %and3A_7, %broadcast_in_dim3A_1043], %get3A_1041 : memref<100x2x1x8x13xf32, #tpu.memory_space<vmem>>[vector<16xi32>, vector<16xi32>, vector<16xi32>, vector<16xi32>, vector<16xi32>], vector<16xf32>,
        %add3A_1044 = arith.constant 100 : i32
        %add3A_1045 = arith.addi %add3A_1044, %scan3A_1024 : i32
        %get3A_1046 = arith.constant 2 : i32
        %get3A_1047 = arith.index_cast %get3A_1046 : i32 to index
        %get3A_1048 = arith.index_cast %add3A_1045 : i32 to index
        %get3A_1049 = arith.constant 0 : index
        %get3A_1050 = tpu.vector_load %arg7[%get3A_1047, %get3A_1048, %get3A_1049] {strides = array<i32>} : memref<8x200x16xf32, #tpu.memory_space<vmem>>, vector<16xf32>,
        %broadcast_in_dim3A_1051 = arith.constant 2 : i32
        %broadcast_in_dim3A_1052 = vector.broadcast %broadcast_in_dim3A_1051 : i32 to vector<16xi32>
        tpu.vector_store_idx %arg10[%broadcast_in_dim3A_1025, %shift_right_arithmetic3A_4, %broadcast_in_dim3A_5, %and3A_7, %broadcast_in_dim3A_1052], %get3A_1050 : memref<100x2x1x8x13xf32, #tpu.memory_space<vmem>>[vector<16xi32>, vector<16xi32>, vector<16xi32>, vector<16xi32>, vector<16xi32>], vector<16xf32>,
        %add3A_1053 = arith.constant 100 : i32
        %add3A_1054 = arith.addi %add3A_1053, %scan3A_1024 : i32
        %get3A_1055 = arith.constant 3 : i32
        %get3A_1056 = arith.index_cast %get3A_1055 : i32 to index
        %get3A_1057 = arith.index_cast %add3A_1054 : i32 to index
        %get3A_1058 = arith.constant 0 : index
        %get3A_1059 = tpu.vector_load %arg7[%get3A_1056, %get3A_1057, %get3A_1058] {strides = array<i32>} : memref<8x200x16xf32, #tpu.memory_space<vmem>>, vector<16xf32>,
        %broadcast_in_dim3A_1060 = arith.constant 3 : i32
        %broadcast_in_dim3A_1061 = vector.broadcast %broadcast_in_dim3A_1060 : i32 to vector<16xi32>
        tpu.vector_store_idx %arg10[%broadcast_in_dim3A_1025, %shift_right_arithmetic3A_4, %broadcast_in_dim3A_5, %and3A_7, %broadcast_in_dim3A_1061], %get3A_1059 : memref<100x2x1x8x13xf32, #tpu.memory_space<vmem>>[vector<16xi32>, vector<16xi32>, vector<16xi32>, vector<16xi32>, vector<16xi32>], vector<16xf32>,
        %add3A_1062 = arith.constant 100 : i32
        %add3A_1063 = arith.addi %add3A_1062, %scan3A_1024 : i32
        %get3A_1064 = arith.constant 4 : i32
        %get3A_1065 = arith.index_cast %get3A_1064 : i32 to index
        %get3A_1066 = arith.index_cast %add3A_1063 : i32 to index
        %get3A_1067 = arith.constant 0 : index
        %get3A_1068 = tpu.vector_load %arg7[%get3A_1065, %get3A_1066, %get3A_1067] {strides = array<i32>} : memref<8x200x16xf32, #tpu.memory_space<vmem>>, vector<16xf32>,
        %broadcast_in_dim3A_1069 = arith.constant 4 : i32
        %broadcast_in_dim3A_1070 = vector.broadcast %broadcast_in_dim3A_1069 : i32 to vector<16xi32>
        tpu.vector_store_idx %arg10[%broadcast_in_dim3A_1025, %shift_right_arithmetic3A_4, %broadcast_in_dim3A_5, %and3A_7, %broadcast_in_dim3A_1070], %get3A_1068 : memref<100x2x1x8x13xf32, #tpu.memory_space<vmem>>[vector<16xi32>, vector<16xi32>, vector<16xi32>, vector<16xi32>, vector<16xi32>], vector<16xf32>,
        %add3A_1071 = arith.constant 100 : i32
        %add3A_1072 = arith.addi %add3A_1071, %scan3A_1024 : i32
        %get3A_1073 = arith.constant 5 : i32
        %get3A_1074 = arith.index_cast %get3A_1073 : i32 to index
        %get3A_1075 = arith.index_cast %add3A_1072 : i32 to index
        %get3A_1076 = arith.constant 0 : index
        %get3A_1077 = tpu.vector_load %arg7[%get3A_1074, %get3A_1075, %get3A_1076] {strides = array<i32>} : memref<8x200x16xf32, #tpu.memory_space<vmem>>, vector<16xf32>,
        %broadcast_in_dim3A_1078 = arith.constant 5 : i32
        %broadcast_in_dim3A_1079 = vector.broadcast %broadcast_in_dim3A_1078 : i32 to vector<16xi32>
        tpu.vector_store_idx %arg10[%broadcast_in_dim3A_1025, %shift_right_arithmetic3A_4, %broadcast_in_dim3A_5, %and3A_7, %broadcast_in_dim3A_1079], %get3A_1077 : memref<100x2x1x8x13xf32, #tpu.memory_space<vmem>>[vector<16xi32>, vector<16xi32>, vector<16xi32>, vector<16xi32>, vector<16xi32>], vector<16xf32>,
        %add3A_1080 = arith.constant 100 : i32
        %add3A_1081 = arith.addi %add3A_1080, %scan3A_1024 : i32
        %get3A_1082 = arith.constant 6 : i32
        %get3A_1083 = arith.index_cast %get3A_1082 : i32 to index
        %get3A_1084 = arith.index_cast %add3A_1081 : i32 to index
        %get3A_1085 = arith.constant 0 : index
        %get3A_1086 = tpu.vector_load %arg7[%get3A_1083, %get3A_1084, %get3A_1085] {strides = array<i32>} : memref<8x200x16xf32, #tpu.memory_space<vmem>>, vector<16xf32>,
        %broadcast_in_dim3A_1087 = arith.constant 6 : i32
        %broadcast_in_dim3A_1088 = vector.broadcast %broadcast_in_dim3A_1087 : i32 to vector<16xi32>
        tpu.vector_store_idx %arg10[%broadcast_in_dim3A_1025, %shift_right_arithmetic3A_4, %broadcast_in_dim3A_5, %and3A_7, %broadcast_in_dim3A_1088], %get3A_1086 : memref<100x2x1x8x13xf32, #tpu.memory_space<vmem>>[vector<16xi32>, vector<16xi32>, vector<16xi32>, vector<16xi32>, vector<16xi32>], vector<16xf32>,
        %add3A_1089 = arith.constant 100 : i32
        %add3A_1090 = arith.addi %add3A_1089, %scan3A_1024 : i32
        %get3A_1091 = arith.constant 7 : i32
        %get3A_1092 = arith.index_cast %get3A_1091 : i32 to index
        %get3A_1093 = arith.index_cast %add3A_1090 : i32 to index
        %get3A_1094 = arith.constant 0 : index
        %get3A_1095 = tpu.vector_load %arg7[%get3A_1092, %get3A_1093, %get3A_1094] {strides = array<i32>} : memref<8x200x16xf32, #tpu.memory_space<vmem>>, vector<16xf32>,
        %broadcast_in_dim3A_1096 = arith.constant 7 : i32
        %broadcast_in_dim3A_1097 = vector.broadcast %broadcast_in_dim3A_1096 : i32 to vector<16xi32>
        tpu.vector_store_idx %arg10[%broadcast_in_dim3A_1025, %shift_right_arithmetic3A_4, %broadcast_in_dim3A_5, %and3A_7, %broadcast_in_dim3A_1097], %get3A_1095 : memref<100x2x1x8x13xf32, #tpu.memory_space<vmem>>[vector<16xi32>, vector<16xi32>, vector<16xi32>, vector<16xi32>, vector<16xi32>], vector<16xf32>,
        %scan3A_1098 = arith.constant 7 : i32
        %scan3A_1099 = arith.addi %scan3A_575, %scan3A_1098 : i32
        %broadcast_in_dim3A_1100 = vector.broadcast %scan3A_1099 : i32 to vector<16xi32>
        %add3A_1101 = arith.constant 100 : i32
        %add3A_1102 = arith.addi %add3A_1101, %scan3A_1099 : i32
        %get3A_1103 = arith.constant 0 : i32
        %get3A_1104 = arith.index_cast %get3A_1103 : i32 to index
        %get3A_1105 = arith.index_cast %add3A_1102 : i32 to index
        %get3A_1106 = arith.constant 0 : index
        %get3A_1107 = tpu.vector_load %arg7[%get3A_1104, %get3A_1105, %get3A_1106] {strides = array<i32>} : memref<8x200x16xf32, #tpu.memory_space<vmem>>, vector<16xf32>,
        %broadcast_in_dim3A_1108 = arith.constant 0 : i32
        %broadcast_in_dim3A_1109 = vector.broadcast %broadcast_in_dim3A_1108 : i32 to vector<16xi32>
        tpu.vector_store_idx %arg10[%broadcast_in_dim3A_1100, %shift_right_arithmetic3A_4, %broadcast_in_dim3A_5, %and3A_7, %broadcast_in_dim3A_1109], %get3A_1107 : memref<100x2x1x8x13xf32, #tpu.memory_space<vmem>>[vector<16xi32>, vector<16xi32>, vector<16xi32>, vector<16xi32>, vector<16xi32>], vector<16xf32>,
        %add3A_1110 = arith.constant 100 : i32
        %add3A_1111 = arith.addi %add3A_1110, %scan3A_1099 : i32
        %get3A_1112 = arith.constant 1 : i32
        %get3A_1113 = arith.index_cast %get3A_1112 : i32 to index
        %get3A_1114 = arith.index_cast %add3A_1111 : i32 to index
        %get3A_1115 = arith.constant 0 : index
        %get3A_1116 = tpu.vector_load %arg7[%get3A_1113, %get3A_1114, %get3A_1115] {strides = array<i32>} : memref<8x200x16xf32, #tpu.memory_space<vmem>>, vector<16xf32>,
        %broadcast_in_dim3A_1117 = arith.constant 1 : i32
        %broadcast_in_dim3A_1118 = vector.broadcast %broadcast_in_dim3A_1117 : i32 to vector<16xi32>
        tpu.vector_store_idx %arg10[%broadcast_in_dim3A_1100, %shift_right_arithmetic3A_4, %broadcast_in_dim3A_5, %and3A_7, %broadcast_in_dim3A_1118], %get3A_1116 : memref<100x2x1x8x13xf32, #tpu.memory_space<vmem>>[vector<16xi32>, vector<16xi32>, vector<16xi32>, vector<16xi32>, vector<16xi32>], vector<16xf32>,
        %add3A_1119 = arith.constant 100 : i32
        %add3A_1120 = arith.addi %add3A_1119, %scan3A_1099 : i32
        %get3A_1121 = arith.constant 2 : i32
        %get3A_1122 = arith.index_cast %get3A_1121 : i32 to index
        %get3A_1123 = arith.index_cast %add3A_1120 : i32 to index
        %get3A_1124 = arith.constant 0 : index
        %get3A_1125 = tpu.vector_load %arg7[%get3A_1122, %get3A_1123, %get3A_1124] {strides = array<i32>} : memref<8x200x16xf32, #tpu.memory_space<vmem>>, vector<16xf32>,
        %broadcast_in_dim3A_1126 = arith.constant 2 : i32
        %broadcast_in_dim3A_1127 = vector.broadcast %broadcast_in_dim3A_1126 : i32 to vector<16xi32>
        tpu.vector_store_idx %arg10[%broadcast_in_dim3A_1100, %shift_right_arithmetic3A_4, %broadcast_in_dim3A_5, %and3A_7, %broadcast_in_dim3A_1127], %get3A_1125 : memref<100x2x1x8x13xf32, #tpu.memory_space<vmem>>[vector<16xi32>, vector<16xi32>, vector<16xi32>, vector<16xi32>, vector<16xi32>], vector<16xf32>,
        %add3A_1128 = arith.constant 100 : i32
        %add3A_1129 = arith.addi %add3A_1128, %scan3A_1099 : i32
        %get3A_1130 = arith.constant 3 : i32
        %get3A_1131 = arith.index_cast %get3A_1130 : i32 to index
        %get3A_1132 = arith.index_cast %add3A_1129 : i32 to index
        %get3A_1133 = arith.constant 0 : index
        %get3A_1134 = tpu.vector_load %arg7[%get3A_1131, %get3A_1132, %get3A_1133] {strides = array<i32>} : memref<8x200x16xf32, #tpu.memory_space<vmem>>, vector<16xf32>,
        %broadcast_in_dim3A_1135 = arith.constant 3 : i32
        %broadcast_in_dim3A_1136 = vector.broadcast %broadcast_in_dim3A_1135 : i32 to vector<16xi32>
        tpu.vector_store_idx %arg10[%broadcast_in_dim3A_1100, %shift_right_arithmetic3A_4, %broadcast_in_dim3A_5, %and3A_7, %broadcast_in_dim3A_1136], %get3A_1134 : memref<100x2x1x8x13xf32, #tpu.memory_space<vmem>>[vector<16xi32>, vector<16xi32>, vector<16xi32>, vector<16xi32>, vector<16xi32>], vector<16xf32>,
        %add3A_1137 = arith.constant 100 : i32
        %add3A_1138 = arith.addi %add3A_1137, %scan3A_1099 : i32
        %get3A_1139 = arith.constant 4 : i32
        %get3A_1140 = arith.index_cast %get3A_1139 : i32 to index
        %get3A_1141 = arith.index_cast %add3A_1138 : i32 to index
        %get3A_1142 = arith.constant 0 : index
        %get3A_1143 = tpu.vector_load %arg7[%get3A_1140, %get3A_1141, %get3A_1142] {strides = array<i32>} : memref<8x200x16xf32, #tpu.memory_space<vmem>>, vector<16xf32>,
        %broadcast_in_dim3A_1144 = arith.constant 4 : i32
        %broadcast_in_dim3A_1145 = vector.broadcast %broadcast_in_dim3A_1144 : i32 to vector<16xi32>
        tpu.vector_store_idx %arg10[%broadcast_in_dim3A_1100, %shift_right_arithmetic3A_4, %broadcast_in_dim3A_5, %and3A_7, %broadcast_in_dim3A_1145], %get3A_1143 : memref<100x2x1x8x13xf32, #tpu.memory_space<vmem>>[vector<16xi32>, vector<16xi32>, vector<16xi32>, vector<16xi32>, vector<16xi32>], vector<16xf32>,
        %add3A_1146 = arith.constant 100 : i32
        %add3A_1147 = arith.addi %add3A_1146, %scan3A_1099 : i32
        %get3A_1148 = arith.constant 5 : i32
        %get3A_1149 = arith.index_cast %get3A_1148 : i32 to index
        %get3A_1150 = arith.index_cast %add3A_1147 : i32 to index
        %get3A_1151 = arith.constant 0 : index
        %get3A_1152 = tpu.vector_load %arg7[%get3A_1149, %get3A_1150, %get3A_1151] {strides = array<i32>} : memref<8x200x16xf32, #tpu.memory_space<vmem>>, vector<16xf32>,
        %broadcast_in_dim3A_1153 = arith.constant 5 : i32
        %broadcast_in_dim3A_1154 = vector.broadcast %broadcast_in_dim3A_1153 : i32 to vector<16xi32>
        tpu.vector_store_idx %arg10[%broadcast_in_dim3A_1100, %shift_right_arithmetic3A_4, %broadcast_in_dim3A_5, %and3A_7, %broadcast_in_dim3A_1154], %get3A_1152 : memref<100x2x1x8x13xf32, #tpu.memory_space<vmem>>[vector<16xi32>, vector<16xi32>, vector<16xi32>, vector<16xi32>, vector<16xi32>], vector<16xf32>,
        %add3A_1155 = arith.constant 100 : i32
        %add3A_1156 = arith.addi %add3A_1155, %scan3A_1099 : i32
        %get3A_1157 = arith.constant 6 : i32
        %get3A_1158 = arith.index_cast %get3A_1157 : i32 to index
        %get3A_1159 = arith.index_cast %add3A_1156 : i32 to index
        %get3A_1160 = arith.constant 0 : index
        %get3A_1161 = tpu.vector_load %arg7[%get3A_1158, %get3A_1159, %get3A_1160] {strides = array<i32>} : memref<8x200x16xf32, #tpu.memory_space<vmem>>, vector<16xf32>,
        %broadcast_in_dim3A_1162 = arith.constant 6 : i32
        %broadcast_in_dim3A_1163 = vector.broadcast %broadcast_in_dim3A_1162 : i32 to vector<16xi32>
        tpu.vector_store_idx %arg10[%broadcast_in_dim3A_1100, %shift_right_arithmetic3A_4, %broadcast_in_dim3A_5, %and3A_7, %broadcast_in_dim3A_1163], %get3A_1161 : memref<100x2x1x8x13xf32, #tpu.memory_space<vmem>>[vector<16xi32>, vector<16xi32>, vector<16xi32>, vector<16xi32>, vector<16xi32>], vector<16xf32>,
        %add3A_1164 = arith.constant 100 : i32
        %add3A_1165 = arith.addi %add3A_1164, %scan3A_1099 : i32
        %get3A_1166 = arith.constant 7 : i32
        %get3A_1167 = arith.index_cast %get3A_1166 : i32 to index
        %get3A_1168 = arith.index_cast %add3A_1165 : i32 to index
        %get3A_1169 = arith.constant 0 : index
        %get3A_1170 = tpu.vector_load %arg7[%get3A_1167, %get3A_1168, %get3A_1169] {strides = array<i32>} : memref<8x200x16xf32, #tpu.memory_space<vmem>>, vector<16xf32>,
        %broadcast_in_dim3A_1171 = arith.constant 7 : i32
        %broadcast_in_dim3A_1172 = vector.broadcast %broadcast_in_dim3A_1171 : i32 to vector<16xi32>
        tpu.vector_store_idx %arg10[%broadcast_in_dim3A_1100, %shift_right_arithmetic3A_4, %broadcast_in_dim3A_5, %and3A_7, %broadcast_in_dim3A_1172], %get3A_1170 : memref<100x2x1x8x13xf32, #tpu.memory_space<vmem>>[vector<16xi32>, vector<16xi32>, vector<16xi32>, vector<16xi32>, vector<16xi32>], vector<16xf32>,
        %scan3A_1173 = arith.constant 8 : i32
        %scan3A_1174 = arith.addi %scan3A_575, %scan3A_1173 : i32
        %broadcast_in_dim3A_1175 = vector.broadcast %scan3A_1174 : i32 to vector<16xi32>
        %add3A_1176 = arith.constant 100 : i32
        %add3A_1177 = arith.addi %add3A_1176, %scan3A_1174 : i32
        %get3A_1178 = arith.constant 0 : i32
        %get3A_1179 = arith.index_cast %get3A_1178 : i32 to index
        %get3A_1180 = arith.index_cast %add3A_1177 : i32 to index
        %get3A_1181 = arith.constant 0 : index
        %get3A_1182 = tpu.vector_load %arg7[%get3A_1179, %get3A_1180, %get3A_1181] {strides = array<i32>} : memref<8x200x16xf32, #tpu.memory_space<vmem>>, vector<16xf32>,
        %broadcast_in_dim3A_1183 = arith.constant 0 : i32
        %broadcast_in_dim3A_1184 = vector.broadcast %broadcast_in_dim3A_1183 : i32 to vector<16xi32>
        tpu.vector_store_idx %arg10[%broadcast_in_dim3A_1175, %shift_right_arithmetic3A_4, %broadcast_in_dim3A_5, %and3A_7, %broadcast_in_dim3A_1184], %get3A_1182 : memref<100x2x1x8x13xf32, #tpu.memory_space<vmem>>[vector<16xi32>, vector<16xi32>, vector<16xi32>, vector<16xi32>, vector<16xi32>], vector<16xf32>,
        %add3A_1185 = arith.constant 100 : i32
        %add3A_1186 = arith.addi %add3A_1185, %scan3A_1174 : i32
        %get3A_1187 = arith.constant 1 : i32
        %get3A_1188 = arith.index_cast %get3A_1187 : i32 to index
        %get3A_1189 = arith.index_cast %add3A_1186 : i32 to index
        %get3A_1190 = arith.constant 0 : index
        %get3A_1191 = tpu.vector_load %arg7[%get3A_1188, %get3A_1189, %get3A_1190] {strides = array<i32>} : memref<8x200x16xf32, #tpu.memory_space<vmem>>, vector<16xf32>,
        %broadcast_in_dim3A_1192 = arith.constant 1 : i32
        %broadcast_in_dim3A_1193 = vector.broadcast %broadcast_in_dim3A_1192 : i32 to vector<16xi32>
        tpu.vector_store_idx %arg10[%broadcast_in_dim3A_1175, %shift_right_arithmetic3A_4, %broadcast_in_dim3A_5, %and3A_7, %broadcast_in_dim3A_1193], %get3A_1191 : memref<100x2x1x8x13xf32, #tpu.memory_space<vmem>>[vector<16xi32>, vector<16xi32>, vector<16xi32>, vector<16xi32>, vector<16xi32>], vector<16xf32>,
        %add3A_1194 = arith.constant 100 : i32
        %add3A_1195 = arith.addi %add3A_1194, %scan3A_1174 : i32
        %get3A_1196 = arith.constant 2 : i32
        %get3A_1197 = arith.index_cast %get3A_1196 : i32 to index
        %get3A_1198 = arith.index_cast %add3A_1195 : i32 to index
        %get3A_1199 = arith.constant 0 : index
        %get3A_1200 = tpu.vector_load %arg7[%get3A_1197, %get3A_1198, %get3A_1199] {strides = array<i32>} : memref<8x200x16xf32, #tpu.memory_space<vmem>>, vector<16xf32>,
        %broadcast_in_dim3A_1201 = arith.constant 2 : i32
        %broadcast_in_dim3A_1202 = vector.broadcast %broadcast_in_dim3A_1201 : i32 to vector<16xi32>
        tpu.vector_store_idx %arg10[%broadcast_in_dim3A_1175, %shift_right_arithmetic3A_4, %broadcast_in_dim3A_5, %and3A_7, %broadcast_in_dim3A_1202], %get3A_1200 : memref<100x2x1x8x13xf32, #tpu.memory_space<vmem>>[vector<16xi32>, vector<16xi32>, vector<16xi32>, vector<16xi32>, vector<16xi32>], vector<16xf32>,
        %add3A_1203 = arith.constant 100 : i32
        %add3A_1204 = arith.addi %add3A_1203, %scan3A_1174 : i32
        %get3A_1205 = arith.constant 3 : i32
        %get3A_1206 = arith.index_cast %get3A_1205 : i32 to index
        %get3A_1207 = arith.index_cast %add3A_1204 : i32 to index
        %get3A_1208 = arith.constant 0 : index
        %get3A_1209 = tpu.vector_load %arg7[%get3A_1206, %get3A_1207, %get3A_1208] {strides = array<i32>} : memref<8x200x16xf32, #tpu.memory_space<vmem>>, vector<16xf32>,
        %broadcast_in_dim3A_1210 = arith.constant 3 : i32
        %broadcast_in_dim3A_1211 = vector.broadcast %broadcast_in_dim3A_1210 : i32 to vector<16xi32>
        tpu.vector_store_idx %arg10[%broadcast_in_dim3A_1175, %shift_right_arithmetic3A_4, %broadcast_in_dim3A_5, %and3A_7, %broadcast_in_dim3A_1211], %get3A_1209 : memref<100x2x1x8x13xf32, #tpu.memory_space<vmem>>[vector<16xi32>, vector<16xi32>, vector<16xi32>, vector<16xi32>, vector<16xi32>], vector<16xf32>,
        %add3A_1212 = arith.constant 100 : i32
        %add3A_1213 = arith.addi %add3A_1212, %scan3A_1174 : i32
        %get3A_1214 = arith.constant 4 : i32
        %get3A_1215 = arith.index_cast %get3A_1214 : i32 to index
        %get3A_1216 = arith.index_cast %add3A_1213 : i32 to index
        %get3A_1217 = arith.constant 0 : index
        %get3A_1218 = tpu.vector_load %arg7[%get3A_1215, %get3A_1216, %get3A_1217] {strides = array<i32>} : memref<8x200x16xf32, #tpu.memory_space<vmem>>, vector<16xf32>,
        %broadcast_in_dim3A_1219 = arith.constant 4 : i32
        %broadcast_in_dim3A_1220 = vector.broadcast %broadcast_in_dim3A_1219 : i32 to vector<16xi32>
        tpu.vector_store_idx %arg10[%broadcast_in_dim3A_1175, %shift_right_arithmetic3A_4, %broadcast_in_dim3A_5, %and3A_7, %broadcast_in_dim3A_1220], %get3A_1218 : memref<100x2x1x8x13xf32, #tpu.memory_space<vmem>>[vector<16xi32>, vector<16xi32>, vector<16xi32>, vector<16xi32>, vector<16xi32>], vector<16xf32>,
        %add3A_1221 = arith.constant 100 : i32
        %add3A_1222 = arith.addi %add3A_1221, %scan3A_1174 : i32
        %get3A_1223 = arith.constant 5 : i32
        %get3A_1224 = arith.index_cast %get3A_1223 : i32 to index
        %get3A_1225 = arith.index_cast %add3A_1222 : i32 to index
        %get3A_1226 = arith.constant 0 : index
        %get3A_1227 = tpu.vector_load %arg7[%get3A_1224, %get3A_1225, %get3A_1226] {strides = array<i32>} : memref<8x200x16xf32, #tpu.memory_space<vmem>>, vector<16xf32>,
        %broadcast_in_dim3A_1228 = arith.constant 5 : i32
        %broadcast_in_dim3A_1229 = vector.broadcast %broadcast_in_dim3A_1228 : i32 to vector<16xi32>
        tpu.vector_store_idx %arg10[%broadcast_in_dim3A_1175, %shift_right_arithmetic3A_4, %broadcast_in_dim3A_5, %and3A_7, %broadcast_in_dim3A_1229], %get3A_1227 : memref<100x2x1x8x13xf32, #tpu.memory_space<vmem>>[vector<16xi32>, vector<16xi32>, vector<16xi32>, vector<16xi32>, vector<16xi32>], vector<16xf32>,
        %add3A_1230 = arith.constant 100 : i32
        %add3A_1231 = arith.addi %add3A_1230, %scan3A_1174 : i32
        %get3A_1232 = arith.constant 6 : i32
        %get3A_1233 = arith.index_cast %get3A_1232 : i32 to index
        %get3A_1234 = arith.index_cast %add3A_1231 : i32 to index
        %get3A_1235 = arith.constant 0 : index
        %get3A_1236 = tpu.vector_load %arg7[%get3A_1233, %get3A_1234, %get3A_1235] {strides = array<i32>} : memref<8x200x16xf32, #tpu.memory_space<vmem>>, vector<16xf32>,
        %broadcast_in_dim3A_1237 = arith.constant 6 : i32
        %broadcast_in_dim3A_1238 = vector.broadcast %broadcast_in_dim3A_1237 : i32 to vector<16xi32>
        tpu.vector_store_idx %arg10[%broadcast_in_dim3A_1175, %shift_right_arithmetic3A_4, %broadcast_in_dim3A_5, %and3A_7, %broadcast_in_dim3A_1238], %get3A_1236 : memref<100x2x1x8x13xf32, #tpu.memory_space<vmem>>[vector<16xi32>, vector<16xi32>, vector<16xi32>, vector<16xi32>, vector<16xi32>], vector<16xf32>,
        %add3A_1239 = arith.constant 100 : i32
        %add3A_1240 = arith.addi %add3A_1239, %scan3A_1174 : i32
        %get3A_1241 = arith.constant 7 : i32
        %get3A_1242 = arith.index_cast %get3A_1241 : i32 to index
        %get3A_1243 = arith.index_cast %add3A_1240 : i32 to index
        %get3A_1244 = arith.constant 0 : index
        %get3A_1245 = tpu.vector_load %arg7[%get3A_1242, %get3A_1243, %get3A_1244] {strides = array<i32>} : memref<8x200x16xf32, #tpu.memory_space<vmem>>, vector<16xf32>,
        %broadcast_in_dim3A_1246 = arith.constant 7 : i32
        %broadcast_in_dim3A_1247 = vector.broadcast %broadcast_in_dim3A_1246 : i32 to vector<16xi32>
        tpu.vector_store_idx %arg10[%broadcast_in_dim3A_1175, %shift_right_arithmetic3A_4, %broadcast_in_dim3A_5, %and3A_7, %broadcast_in_dim3A_1247], %get3A_1245 : memref<100x2x1x8x13xf32, #tpu.memory_space<vmem>>[vector<16xi32>, vector<16xi32>, vector<16xi32>, vector<16xi32>, vector<16xi32>], vector<16xf32>,
        %scan3A_1248 = arith.constant 9 : i32
        %scan3A_1249 = arith.addi %scan3A_575, %scan3A_1248 : i32
        %broadcast_in_dim3A_1250 = vector.broadcast %scan3A_1249 : i32 to vector<16xi32>
        %add3A_1251 = arith.constant 100 : i32
        %add3A_1252 = arith.addi %add3A_1251, %scan3A_1249 : i32
        %get3A_1253 = arith.constant 0 : i32
        %get3A_1254 = arith.index_cast %get3A_1253 : i32 to index
        %get3A_1255 = arith.index_cast %add3A_1252 : i32 to index
        %get3A_1256 = arith.constant 0 : index
        %get3A_1257 = tpu.vector_load %arg7[%get3A_1254, %get3A_1255, %get3A_1256] {strides = array<i32>} : memref<8x200x16xf32, #tpu.memory_space<vmem>>, vector<16xf32>,
        %broadcast_in_dim3A_1258 = arith.constant 0 : i32
        %broadcast_in_dim3A_1259 = vector.broadcast %broadcast_in_dim3A_1258 : i32 to vector<16xi32>
        tpu.vector_store_idx %arg10[%broadcast_in_dim3A_1250, %shift_right_arithmetic3A_4, %broadcast_in_dim3A_5, %and3A_7, %broadcast_in_dim3A_1259], %get3A_1257 : memref<100x2x1x8x13xf32, #tpu.memory_space<vmem>>[vector<16xi32>, vector<16xi32>, vector<16xi32>, vector<16xi32>, vector<16xi32>], vector<16xf32>,
        %add3A_1260 = arith.constant 100 : i32
        %add3A_1261 = arith.addi %add3A_1260, %scan3A_1249 : i32
        %get3A_1262 = arith.constant 1 : i32
        %get3A_1263 = arith.index_cast %get3A_1262 : i32 to index
        %get3A_1264 = arith.index_cast %add3A_1261 : i32 to index
        %get3A_1265 = arith.constant 0 : index
        %get3A_1266 = tpu.vector_load %arg7[%get3A_1263, %get3A_1264, %get3A_1265] {strides = array<i32>} : memref<8x200x16xf32, #tpu.memory_space<vmem>>, vector<16xf32>,
        %broadcast_in_dim3A_1267 = arith.constant 1 : i32
        %broadcast_in_dim3A_1268 = vector.broadcast %broadcast_in_dim3A_1267 : i32 to vector<16xi32>
        tpu.vector_store_idx %arg10[%broadcast_in_dim3A_1250, %shift_right_arithmetic3A_4, %broadcast_in_dim3A_5, %and3A_7, %broadcast_in_dim3A_1268], %get3A_1266 : memref<100x2x1x8x13xf32, #tpu.memory_space<vmem>>[vector<16xi32>, vector<16xi32>, vector<16xi32>, vector<16xi32>, vector<16xi32>], vector<16xf32>,
        %add3A_1269 = arith.constant 100 : i32
        %add3A_1270 = arith.addi %add3A_1269, %scan3A_1249 : i32
        %get3A_1271 = arith.constant 2 : i32
        %get3A_1272 = arith.index_cast %get3A_1271 : i32 to index
        %get3A_1273 = arith.index_cast %add3A_1270 : i32 to index
        %get3A_1274 = arith.constant 0 : index
        %get3A_1275 = tpu.vector_load %arg7[%get3A_1272, %get3A_1273, %get3A_1274] {strides = array<i32>} : memref<8x200x16xf32, #tpu.memory_space<vmem>>, vector<16xf32>,
        %broadcast_in_dim3A_1276 = arith.constant 2 : i32
        %broadcast_in_dim3A_1277 = vector.broadcast %broadcast_in_dim3A_1276 : i32 to vector<16xi32>
        tpu.vector_store_idx %arg10[%broadcast_in_dim3A_1250, %shift_right_arithmetic3A_4, %broadcast_in_dim3A_5, %and3A_7, %broadcast_in_dim3A_1277], %get3A_1275 : memref<100x2x1x8x13xf32, #tpu.memory_space<vmem>>[vector<16xi32>, vector<16xi32>, vector<16xi32>, vector<16xi32>, vector<16xi32>], vector<16xf32>,
        %add3A_1278 = arith.constant 100 : i32
        %add3A_1279 = arith.addi %add3A_1278, %scan3A_1249 : i32
        %get3A_1280 = arith.constant 3 : i32
        %get3A_1281 = arith.index_cast %get3A_1280 : i32 to index
        %get3A_1282 = arith.index_cast %add3A_1279 : i32 to index
        %get3A_1283 = arith.constant 0 : index
        %get3A_1284 = tpu.vector_load %arg7[%get3A_1281, %get3A_1282, %get3A_1283] {strides = array<i32>} : memref<8x200x16xf32, #tpu.memory_space<vmem>>, vector<16xf32>,
        %broadcast_in_dim3A_1285 = arith.constant 3 : i32
        %broadcast_in_dim3A_1286 = vector.broadcast %broadcast_in_dim3A_1285 : i32 to vector<16xi32>
        tpu.vector_store_idx %arg10[%broadcast_in_dim3A_1250, %shift_right_arithmetic3A_4, %broadcast_in_dim3A_5, %and3A_7, %broadcast_in_dim3A_1286], %get3A_1284 : memref<100x2x1x8x13xf32, #tpu.memory_space<vmem>>[vector<16xi32>, vector<16xi32>, vector<16xi32>, vector<16xi32>, vector<16xi32>], vector<16xf32>,
        %add3A_1287 = arith.constant 100 : i32
        %add3A_1288 = arith.addi %add3A_1287, %scan3A_1249 : i32
        %get3A_1289 = arith.constant 4 : i32
        %get3A_1290 = arith.index_cast %get3A_1289 : i32 to index
        %get3A_1291 = arith.index_cast %add3A_1288 : i32 to index
        %get3A_1292 = arith.constant 0 : index
        %get3A_1293 = tpu.vector_load %arg7[%get3A_1290, %get3A_1291, %get3A_1292] {strides = array<i32>} : memref<8x200x16xf32, #tpu.memory_space<vmem>>, vector<16xf32>,
        %broadcast_in_dim3A_1294 = arith.constant 4 : i32
        %broadcast_in_dim3A_1295 = vector.broadcast %broadcast_in_dim3A_1294 : i32 to vector<16xi32>
        tpu.vector_store_idx %arg10[%broadcast_in_dim3A_1250, %shift_right_arithmetic3A_4, %broadcast_in_dim3A_5, %and3A_7, %broadcast_in_dim3A_1295], %get3A_1293 : memref<100x2x1x8x13xf32, #tpu.memory_space<vmem>>[vector<16xi32>, vector<16xi32>, vector<16xi32>, vector<16xi32>, vector<16xi32>], vector<16xf32>,
        %add3A_1296 = arith.constant 100 : i32
        %add3A_1297 = arith.addi %add3A_1296, %scan3A_1249 : i32
        %get3A_1298 = arith.constant 5 : i32
        %get3A_1299 = arith.index_cast %get3A_1298 : i32 to index
        %get3A_1300 = arith.index_cast %add3A_1297 : i32 to index
        %get3A_1301 = arith.constant 0 : index
        %get3A_1302 = tpu.vector_load %arg7[%get3A_1299, %get3A_1300, %get3A_1301] {strides = array<i32>} : memref<8x200x16xf32, #tpu.memory_space<vmem>>, vector<16xf32>,
        %broadcast_in_dim3A_1303 = arith.constant 5 : i32
        %broadcast_in_dim3A_1304 = vector.broadcast %broadcast_in_dim3A_1303 : i32 to vector<16xi32>
        tpu.vector_store_idx %arg10[%broadcast_in_dim3A_1250, %shift_right_arithmetic3A_4, %broadcast_in_dim3A_5, %and3A_7, %broadcast_in_dim3A_1304], %get3A_1302 : memref<100x2x1x8x13xf32, #tpu.memory_space<vmem>>[vector<16xi32>, vector<16xi32>, vector<16xi32>, vector<16xi32>, vector<16xi32>], vector<16xf32>,
        %add3A_1305 = arith.constant 100 : i32
        %add3A_1306 = arith.addi %add3A_1305, %scan3A_1249 : i32
        %get3A_1307 = arith.constant 6 : i32
        %get3A_1308 = arith.index_cast %get3A_1307 : i32 to index
        %get3A_1309 = arith.index_cast %add3A_1306 : i32 to index
        %get3A_1310 = arith.constant 0 : index
        %get3A_1311 = tpu.vector_load %arg7[%get3A_1308, %get3A_1309, %get3A_1310] {strides = array<i32>} : memref<8x200x16xf32, #tpu.memory_space<vmem>>, vector<16xf32>,
        %broadcast_in_dim3A_1312 = arith.constant 6 : i32
        %broadcast_in_dim3A_1313 = vector.broadcast %broadcast_in_dim3A_1312 : i32 to vector<16xi32>
        tpu.vector_store_idx %arg10[%broadcast_in_dim3A_1250, %shift_right_arithmetic3A_4, %broadcast_in_dim3A_5, %and3A_7, %broadcast_in_dim3A_1313], %get3A_1311 : memref<100x2x1x8x13xf32, #tpu.memory_space<vmem>>[vector<16xi32>, vector<16xi32>, vector<16xi32>, vector<16xi32>, vector<16xi32>], vector<16xf32>,
        %add3A_1314 = arith.constant 100 : i32
        %add3A_1315 = arith.addi %add3A_1314, %scan3A_1249 : i32
        %get3A_1316 = arith.constant 7 : i32
        %get3A_1317 = arith.index_cast %get3A_1316 : i32 to index
        %get3A_1318 = arith.index_cast %add3A_1315 : i32 to index
        %get3A_1319 = arith.constant 0 : index
        %get3A_1320 = tpu.vector_load %arg7[%get3A_1317, %get3A_1318, %get3A_1319] {strides = array<i32>} : memref<8x200x16xf32, #tpu.memory_space<vmem>>, vector<16xf32>,
        %broadcast_in_dim3A_1321 = arith.constant 7 : i32
        %broadcast_in_dim3A_1322 = vector.broadcast %broadcast_in_dim3A_1321 : i32 to vector<16xi32>
        tpu.vector_store_idx %arg10[%broadcast_in_dim3A_1250, %shift_right_arithmetic3A_4, %broadcast_in_dim3A_5, %and3A_7, %broadcast_in_dim3A_1322], %get3A_1320 : memref<100x2x1x8x13xf32, #tpu.memory_space<vmem>>[vector<16xi32>, vector<16xi32>, vector<16xi32>, vector<16xi32>, vector<16xi32>], vector<16xf32>,
      }
      %scan3A_345 = arith.constant 100 : i32
      %mul3A_346 = arith.constant 8 : i32
      %mul3A_347 = arith.muli %add3A_186, %mul3A_346 : i32
      %add3A_348 = arith.addi %mul3A_2, %mul3A_347 : i32
      %shift_right_arithmetic3A_349 = arith.constant 7 : i32
      %shift_right_arithmetic3A_350 = arith.shrsi %add3A_348, %shift_right_arithmetic3A_349 : i32
      %mul3A_351 = arith.constant 8 : i32
      %mul3A_352 = arith.muli %add3A_186, %mul3A_351 : i32
      %add3A_353 = arith.addi %mul3A_2, %mul3A_352 : i32
      %and3A_354 = arith.constant 127 : i32
      %and3A_355 = arith.andi %add3A_353, %and3A_354 : i32
      %multiple_of3A_356 = tpu.assume_multiple %and3A_355, 8 : i32
      %dma_start3A_357 = arith.constant 0 : i32
      %dma_start3A_358 = arith.constant 0 : i32
      %dma_start3A_359 = arith.constant 0 : i32
      %dma_start3A_360 = arith.constant 0 : i32
      %dma_start3A_361 = arith.constant 0 : i32
      %dma_start3A_362 = tpu.memref_slice %arg10[%dma_start3A_357, %dma_start3A_358, %dma_start3A_359, %dma_start3A_360, %dma_start3A_361] : memref<100x2x1x8x13xf32, #tpu.memory_space<vmem>> -> memref<100x2x1x8x8xf32, #tpu.memory_space<vmem>>
      %dma_start3A_363 = arith.constant 100 : i32
      %dma_start3A_364 = arith.constant 0 : i32
      %dma_start3A_365 = arith.constant 0 : i32
      %dma_start3A_366 = tpu.memref_slice %arg4[%dma_start3A_363, %dma_start3A_364, %shift_right_arithmetic3A_350, %dma_start3A_365, %multiple_of3A_356] : memref<200x2x128x8x128xf32, #tpu.memory_space<hbm>> -> memref<100x2x1x8x8xf32, #tpu.memory_space<hbm>>
      %dma_start3A_367 = arith.constant 100 : i32
      %dma_start3A_368 = arith.constant 0 : i32
      %dma_start3A_369 = arith.constant 0 : i32
      %dma_start3A_370 = tpu.memref_slice %arg4[%dma_start3A_367, %dma_start3A_368, %shift_right_arithmetic3A_350, %dma_start3A_369, %multiple_of3A_356] : memref<200x2x128x8x128xf32, #tpu.memory_space<hbm>> -> memref<100x2x1x8x8xf32, #tpu.memory_space<hbm>>
      %dma_start3A_371 = arith.constant 0 : i32
      %dma_start3A_372 = arith.constant 0 : i32
      %dma_start3A_373 = arith.constant 0 : i32
      %dma_start3A_374 = arith.constant 0 : i32
      %dma_start3A_375 = arith.constant 0 : i32
      %dma_start3A_376 = tpu.memref_slice %arg10[%dma_start3A_371, %dma_start3A_372, %dma_start3A_373, %dma_start3A_374, %dma_start3A_375] : memref<100x2x1x8x13xf32, #tpu.memory_space<vmem>> -> memref<100x2x1x8x8xf32, #tpu.memory_space<vmem>>
      tpu.enqueue_dma source(%dma_start3A_376 : memref<100x2x1x8x8xf32, #tpu.memory_space<vmem>>) target(%dma_start3A_370 : memref<100x2x1x8x8xf32, #tpu.memory_space<hbm>>) target_semaphore(%arg16 : memref<!tpu.dma_semaphore, #tpu.memory_space<semaphore_mem>>)
      %mul3A_377 = arith.constant 2 : i32
      %mul3A_378 = arith.muli %scan3A_182, %mul3A_377 : i32
      %add3A_379 = arith.constant 1 : i32
      %add3A_380 = arith.addi %mul3A_378, %add3A_379 : i32
      %add3A_381 = arith.constant 1 : i32
      %add3A_382 = arith.addi %add3A_380, %add3A_381 : i32
      %lt3A_383 = arith.constant 64 : i32
      %lt3A_384 = arith.cmpi slt, %add3A_382, %lt3A_383 : i32
      %convert_element_type3A_385 = arith.extui %lt3A_384 : i1 to i32
      %cond3A_386 = arith.constant 0 : i32
      %cond3A_387 = arith.cmpi ne, %convert_element_type3A_385, %cond3A_386 : i32
      scf.if %cond3A_387 {
        %add3A_575 = arith.constant 1 : i32
        %add3A_576 = arith.addi %add3A_380, %add3A_575 : i32
        %mul3A_577 = arith.constant 8 : i32
        %mul3A_578 = arith.muli %add3A_576, %mul3A_577 : i32
        %add3A_579 = arith.addi %mul3A_2, %mul3A_578 : i32
        %dma_wait3A_580 = arith.constant 0 : i32
        %dma_wait3A_581 = tpu.memref_slice %arg2[%add3A_579, %dma_wait3A_580] : memref<16384x200xi32, #tpu.memory_space<hbm>> -> memref<8x200xi32, #tpu.memory_space<hbm>>
        %dma_wait3A_582 = arith.constant 0 : i32
        %dma_wait3A_583 = tpu.memref_slice %arg2[%add3A_579, %dma_wait3A_582] : memref<16384x200xi32, #tpu.memory_space<hbm>> -> memref<8x200xi32, #tpu.memory_space<hbm>>
        tpu.wait_dma2 semaphore(%arg11 : memref<!tpu.dma_semaphore, #tpu.memory_space<semaphore_mem>>) src(%dma_wait3A_583 : memref<8x200xi32, #tpu.memory_space<hbm>>) dst(%arg5 : memref<8x200xi32, #tpu.memory_space<vmem>>)
        %dma_start3A_584 = arith.constant 0 : i32
        %dma_start3A_585 = arith.constant 0 : i32
        %dma_start3A_586 = arith.constant 0 : i32
        %dma_start3A_587 = arith.constant 0 : i32
        %dma_start3A_588 = tpu.memref_slice %arg7[%dma_start3A_585, %dma_start3A_586, %dma_start3A_587] : memref<8x200x16xf32, #tpu.memory_space<vmem>> -> memref<1x200x16xf32, #tpu.memory_space<vmem>>
        %dma_start3A_589 = tpu.memref_squeeze %dma_start3A_588 : memref<1x200x16xf32, #tpu.memory_space<vmem>> -> memref<200x16xf32, #tpu.memory_space<vmem>>
        %dma_start3A_590 = arith.constant 0 : i32
        %dma_start3A_591 = tpu.memref_slice %arg5[%dma_start3A_584, %dma_start3A_590] : memref<8x200xi32, #tpu.memory_space<vmem>> -> memref<1x200xi32, #tpu.memory_space<vmem>>
        %dma_start3A_592 = tpu.memref_squeeze %dma_start3A_591 : memref<1x200xi32, #tpu.memory_space<vmem>> -> memref<200xi32, #tpu.memory_space<vmem>>
        %dma_start3A_593 = arith.constant 0 : i32
        %dma_start3A_594 = arith.constant 0 : i32
        %dma_start3A_595 = tpu.memref_slice %arg3[%dma_start3A_593, %dma_start3A_594] : memref<1000000x16xf32, #tpu.memory_space<hbm>> -> memref<1000000x16xf32, #tpu.memory_space<hbm>>
        tpu.enqueue_indirect_dma source(%dma_start3A_595 : memref<1000000x16xf32, #tpu.memory_space<hbm>>) target(%dma_start3A_589 : memref<200x16xf32, #tpu.memory_space<vmem>>) offsets(%dma_start3A_592 : memref<200xi32, #tpu.memory_space<vmem>>) semaphore(%arg13 : memref<!tpu.dma_semaphore, #tpu.memory_space<semaphore_mem>>)
        %dma_start3A_596 = arith.constant 1 : i32
        %dma_start3A_597 = arith.constant 1 : i32
        %dma_start3A_598 = arith.constant 0 : i32
        %dma_start3A_599 = arith.constant 0 : i32
        %dma_start3A_600 = tpu.memref_slice %arg7[%dma_start3A_597, %dma_start3A_598, %dma_start3A_599] : memref<8x200x16xf32, #tpu.memory_space<vmem>> -> memref<1x200x16xf32, #tpu.memory_space<vmem>>
        %dma_start3A_601 = tpu.memref_squeeze %dma_start3A_600 : memref<1x200x16xf32, #tpu.memory_space<vmem>> -> memref<200x16xf32, #tpu.memory_space<vmem>>
        %dma_start3A_602 = arith.constant 0 : i32
        %dma_start3A_603 = tpu.memref_slice %arg5[%dma_start3A_596, %dma_start3A_602] : memref<8x200xi32, #tpu.memory_space<vmem>> -> memref<1x200xi32, #tpu.memory_space<vmem>>
        %dma_start3A_604 = tpu.memref_squeeze %dma_start3A_603 : memref<1x200xi32, #tpu.memory_space<vmem>> -> memref<200xi32, #tpu.memory_space<vmem>>
        %dma_start3A_605 = arith.constant 0 : i32
        %dma_start3A_606 = arith.constant 0 : i32
        %dma_start3A_607 = tpu.memref_slice %arg3[%dma_start3A_605, %dma_start3A_606] : memref<1000000x16xf32, #tpu.memory_space<hbm>> -> memref<1000000x16xf32, #tpu.memory_space<hbm>>
        tpu.enqueue_indirect_dma source(%dma_start3A_607 : memref<1000000x16xf32, #tpu.memory_space<hbm>>) target(%dma_start3A_601 : memref<200x16xf32, #tpu.memory_space<vmem>>) offsets(%dma_start3A_604 : memref<200xi32, #tpu.memory_space<vmem>>) semaphore(%arg13 : memref<!tpu.dma_semaphore, #tpu.memory_space<semaphore_mem>>)
        %dma_start3A_608 = arith.constant 2 : i32
        %dma_start3A_609 = arith.constant 2 : i32
        %dma_start3A_610 = arith.constant 0 : i32
        %dma_start3A_611 = arith.constant 0 : i32
        %dma_start3A_612 = tpu.memref_slice %arg7[%dma_start3A_609, %dma_start3A_610, %dma_start3A_611] : memref<8x200x16xf32, #tpu.memory_space<vmem>> -> memref<1x200x16xf32, #tpu.memory_space<vmem>>
        %dma_start3A_613 = tpu.memref_squeeze %dma_start3A_612 : memref<1x200x16xf32, #tpu.memory_space<vmem>> -> memref<200x16xf32, #tpu.memory_space<vmem>>
        %dma_start3A_614 = arith.constant 0 : i32
        %dma_start3A_615 = tpu.memref_slice %arg5[%dma_start3A_608, %dma_start3A_614] : memref<8x200xi32, #tpu.memory_space<vmem>> -> memref<1x200xi32, #tpu.memory_space<vmem>>
        %dma_start3A_616 = tpu.memref_squeeze %dma_start3A_615 : memref<1x200xi32, #tpu.memory_space<vmem>> -> memref<200xi32, #tpu.memory_space<vmem>>
        %dma_start3A_617 = arith.constant 0 : i32
        %dma_start3A_618 = arith.constant 0 : i32
        %dma_start3A_619 = tpu.memref_slice %arg3[%dma_start3A_617, %dma_start3A_618] : memref<1000000x16xf32, #tpu.memory_space<hbm>> -> memref<1000000x16xf32, #tpu.memory_space<hbm>>
        tpu.enqueue_indirect_dma source(%dma_start3A_619 : memref<1000000x16xf32, #tpu.memory_space<hbm>>) target(%dma_start3A_613 : memref<200x16xf32, #tpu.memory_space<vmem>>) offsets(%dma_start3A_616 : memref<200xi32, #tpu.memory_space<vmem>>) semaphore(%arg13 : memref<!tpu.dma_semaphore, #tpu.memory_space<semaphore_mem>>)
        %dma_start3A_620 = arith.constant 3 : i32
        %dma_start3A_621 = arith.constant 3 : i32
        %dma_start3A_622 = arith.constant 0 : i32
        %dma_start3A_623 = arith.constant 0 : i32
        %dma_start3A_624 = tpu.memref_slice %arg7[%dma_start3A_621, %dma_start3A_622, %dma_start3A_623] : memref<8x200x16xf32, #tpu.memory_space<vmem>> -> memref<1x200x16xf32, #tpu.memory_space<vmem>>
        %dma_start3A_625 = tpu.memref_squeeze %dma_start3A_624 : memref<1x200x16xf32, #tpu.memory_space<vmem>> -> memref<200x16xf32, #tpu.memory_space<vmem>>
        %dma_start3A_626 = arith.constant 0 : i32
        %dma_start3A_627 = tpu.memref_slice %arg5[%dma_start3A_620, %dma_start3A_626] : memref<8x200xi32, #tpu.memory_space<vmem>> -> memref<1x200xi32, #tpu.memory_space<vmem>>
        %dma_start3A_628 = tpu.memref_squeeze %dma_start3A_627 : memref<1x200xi32, #tpu.memory_space<vmem>> -> memref<200xi32, #tpu.memory_space<vmem>>
        %dma_start3A_629 = arith.constant 0 : i32
        %dma_start3A_630 = arith.constant 0 : i32
        %dma_start3A_631 = tpu.memref_slice %arg3[%dma_start3A_629, %dma_start3A_630] : memref<1000000x16xf32, #tpu.memory_space<hbm>> -> memref<1000000x16xf32, #tpu.memory_space<hbm>>
        tpu.enqueue_indirect_dma source(%dma_start3A_631 : memref<1000000x16xf32, #tpu.memory_space<hbm>>) target(%dma_start3A_625 : memref<200x16xf32, #tpu.memory_space<vmem>>) offsets(%dma_start3A_628 : memref<200xi32, #tpu.memory_space<vmem>>) semaphore(%arg13 : memref<!tpu.dma_semaphore, #tpu.memory_space<semaphore_mem>>)
        %dma_start3A_632 = arith.constant 4 : i32
        %dma_start3A_633 = arith.constant 4 : i32
        %dma_start3A_634 = arith.constant 0 : i32
        %dma_start3A_635 = arith.constant 0 : i32
        %dma_start3A_636 = tpu.memref_slice %arg7[%dma_start3A_633, %dma_start3A_634, %dma_start3A_635] : memref<8x200x16xf32, #tpu.memory_space<vmem>> -> memref<1x200x16xf32, #tpu.memory_space<vmem>>
        %dma_start3A_637 = tpu.memref_squeeze %dma_start3A_636 : memref<1x200x16xf32, #tpu.memory_space<vmem>> -> memref<200x16xf32, #tpu.memory_space<vmem>>
        %dma_start3A_638 = arith.constant 0 : i32
        %dma_start3A_639 = tpu.memref_slice %arg5[%dma_start3A_632, %dma_start3A_638] : memref<8x200xi32, #tpu.memory_space<vmem>> -> memref<1x200xi32, #tpu.memory_space<vmem>>
        %dma_start3A_640 = tpu.memref_squeeze %dma_start3A_639 : memref<1x200xi32, #tpu.memory_space<vmem>> -> memref<200xi32, #tpu.memory_space<vmem>>
        %dma_start3A_641 = arith.constant 0 : i32
        %dma_start3A_642 = arith.constant 0 : i32
        %dma_start3A_643 = tpu.memref_slice %arg3[%dma_start3A_641, %dma_start3A_642] : memref<1000000x16xf32, #tpu.memory_space<hbm>> -> memref<1000000x16xf32, #tpu.memory_space<hbm>>
        tpu.enqueue_indirect_dma source(%dma_start3A_643 : memref<1000000x16xf32, #tpu.memory_space<hbm>>) target(%dma_start3A_637 : memref<200x16xf32, #tpu.memory_space<vmem>>) offsets(%dma_start3A_640 : memref<200xi32, #tpu.memory_space<vmem>>) semaphore(%arg13 : memref<!tpu.dma_semaphore, #tpu.memory_space<semaphore_mem>>)
        %dma_start3A_644 = arith.constant 5 : i32
        %dma_start3A_645 = arith.constant 5 : i32
        %dma_start3A_646 = arith.constant 0 : i32
        %dma_start3A_647 = arith.constant 0 : i32
        %dma_start3A_648 = tpu.memref_slice %arg7[%dma_start3A_645, %dma_start3A_646, %dma_start3A_647] : memref<8x200x16xf32, #tpu.memory_space<vmem>> -> memref<1x200x16xf32, #tpu.memory_space<vmem>>
        %dma_start3A_649 = tpu.memref_squeeze %dma_start3A_648 : memref<1x200x16xf32, #tpu.memory_space<vmem>> -> memref<200x16xf32, #tpu.memory_space<vmem>>
        %dma_start3A_650 = arith.constant 0 : i32
        %dma_start3A_651 = tpu.memref_slice %arg5[%dma_start3A_644, %dma_start3A_650] : memref<8x200xi32, #tpu.memory_space<vmem>> -> memref<1x200xi32, #tpu.memory_space<vmem>>
        %dma_start3A_652 = tpu.memref_squeeze %dma_start3A_651 : memref<1x200xi32, #tpu.memory_space<vmem>> -> memref<200xi32, #tpu.memory_space<vmem>>
        %dma_start3A_653 = arith.constant 0 : i32
        %dma_start3A_654 = arith.constant 0 : i32
        %dma_start3A_655 = tpu.memref_slice %arg3[%dma_start3A_653, %dma_start3A_654] : memref<1000000x16xf32, #tpu.memory_space<hbm>> -> memref<1000000x16xf32, #tpu.memory_space<hbm>>
        tpu.enqueue_indirect_dma source(%dma_start3A_655 : memref<1000000x16xf32, #tpu.memory_space<hbm>>) target(%dma_start3A_649 : memref<200x16xf32, #tpu.memory_space<vmem>>) offsets(%dma_start3A_652 : memref<200xi32, #tpu.memory_space<vmem>>) semaphore(%arg13 : memref<!tpu.dma_semaphore, #tpu.memory_space<semaphore_mem>>)
        %dma_start3A_656 = arith.constant 6 : i32
        %dma_start3A_657 = arith.constant 6 : i32
        %dma_start3A_658 = arith.constant 0 : i32
        %dma_start3A_659 = arith.constant 0 : i32
        %dma_start3A_660 = tpu.memref_slice %arg7[%dma_start3A_657, %dma_start3A_658, %dma_start3A_659] : memref<8x200x16xf32, #tpu.memory_space<vmem>> -> memref<1x200x16xf32, #tpu.memory_space<vmem>>
        %dma_start3A_661 = tpu.memref_squeeze %dma_start3A_660 : memref<1x200x16xf32, #tpu.memory_space<vmem>> -> memref<200x16xf32, #tpu.memory_space<vmem>>
        %dma_start3A_662 = arith.constant 0 : i32
        %dma_start3A_663 = tpu.memref_slice %arg5[%dma_start3A_656, %dma_start3A_662] : memref<8x200xi32, #tpu.memory_space<vmem>> -> memref<1x200xi32, #tpu.memory_space<vmem>>
        %dma_start3A_664 = tpu.memref_squeeze %dma_start3A_663 : memref<1x200xi32, #tpu.memory_space<vmem>> -> memref<200xi32, #tpu.memory_space<vmem>>
        %dma_start3A_665 = arith.constant 0 : i32
        %dma_start3A_666 = arith.constant 0 : i32
        %dma_start3A_667 = tpu.memref_slice %arg3[%dma_start3A_665, %dma_start3A_666] : memref<1000000x16xf32, #tpu.memory_space<hbm>> -> memref<1000000x16xf32, #tpu.memory_space<hbm>>
        tpu.enqueue_indirect_dma source(%dma_start3A_667 : memref<1000000x16xf32, #tpu.memory_space<hbm>>) target(%dma_start3A_661 : memref<200x16xf32, #tpu.memory_space<vmem>>) offsets(%dma_start3A_664 : memref<200xi32, #tpu.memory_space<vmem>>) semaphore(%arg13 : memref<!tpu.dma_semaphore, #tpu.memory_space<semaphore_mem>>)
        %dma_start3A_668 = arith.constant 7 : i32
        %dma_start3A_669 = arith.constant 7 : i32
        %dma_start3A_670 = arith.constant 0 : i32
        %dma_start3A_671 = arith.constant 0 : i32
        %dma_start3A_672 = tpu.memref_slice %arg7[%dma_start3A_669, %dma_start3A_670, %dma_start3A_671] : memref<8x200x16xf32, #tpu.memory_space<vmem>> -> memref<1x200x16xf32, #tpu.memory_space<vmem>>
        %dma_start3A_673 = tpu.memref_squeeze %dma_start3A_672 : memref<1x200x16xf32, #tpu.memory_space<vmem>> -> memref<200x16xf32, #tpu.memory_space<vmem>>
        %dma_start3A_674 = arith.constant 0 : i32
        %dma_start3A_675 = tpu.memref_slice %arg5[%dma_start3A_668, %dma_start3A_674] : memref<8x200xi32, #tpu.memory_space<vmem>> -> memref<1x200xi32, #tpu.memory_space<vmem>>
        %dma_start3A_676 = tpu.memref_squeeze %dma_start3A_675 : memref<1x200xi32, #tpu.memory_space<vmem>> -> memref<200xi32, #tpu.memory_space<vmem>>
        %dma_start3A_677 = arith.constant 0 : i32
        %dma_start3A_678 = arith.constant 0 : i32
        %dma_start3A_679 = tpu.memref_slice %arg3[%dma_start3A_677, %dma_start3A_678] : memref<1000000x16xf32, #tpu.memory_space<hbm>> -> memref<1000000x16xf32, #tpu.memory_space<hbm>>
        tpu.enqueue_indirect_dma source(%dma_start3A_679 : memref<1000000x16xf32, #tpu.memory_space<hbm>>) target(%dma_start3A_673 : memref<200x16xf32, #tpu.memory_space<vmem>>) offsets(%dma_start3A_676 : memref<200xi32, #tpu.memory_space<vmem>>) semaphore(%arg13 : memref<!tpu.dma_semaphore, #tpu.memory_space<semaphore_mem>>)
      } else {
      }
      %dma_wait3A_388 = arith.constant 0 : i32
      %dma_wait3A_389 = arith.constant 0 : i32
      %dma_wait3A_390 = arith.constant 0 : i32
      %dma_wait3A_391 = arith.constant 0 : i32
      %dma_wait3A_392 = tpu.memref_slice %arg8[%dma_wait3A_389, %dma_wait3A_390, %dma_wait3A_391] : memref<8x200x16xf32, #tpu.memory_space<vmem>> -> memref<1x200x16xf32, #tpu.memory_space<vmem>>
      %dma_wait3A_393 = tpu.memref_squeeze %dma_wait3A_392 : memref<1x200x16xf32, #tpu.memory_space<vmem>> -> memref<200x16xf32, #tpu.memory_space<vmem>>
      %dma_wait3A_394 = arith.constant 0 : i32
      %dma_wait3A_395 = tpu.memref_slice %arg6[%dma_wait3A_388, %dma_wait3A_394] : memref<8x200xi32, #tpu.memory_space<vmem>> -> memref<1x200xi32, #tpu.memory_space<vmem>>
      %dma_wait3A_396 = tpu.memref_squeeze %dma_wait3A_395 : memref<1x200xi32, #tpu.memory_space<vmem>> -> memref<200xi32, #tpu.memory_space<vmem>>
      %dma_wait3A_397 = arith.constant 0 : i32
      %dma_wait3A_398 = arith.constant 0 : i32
      %dma_wait3A_399 = tpu.memref_slice %arg3[%dma_wait3A_397, %dma_wait3A_398] : memref<1000000x16xf32, #tpu.memory_space<hbm>> -> memref<1000000x16xf32, #tpu.memory_space<hbm>>
      tpu.wait_indirect_dma semaphore(%arg14 : memref<!tpu.dma_semaphore, #tpu.memory_space<semaphore_mem>>) src(%dma_wait3A_399 : memref<1000000x16xf32, #tpu.memory_space<hbm>>) dst(%dma_wait3A_393 : memref<200x16xf32, #tpu.memory_space<vmem>>)
      %dma_wait3A_400 = arith.constant 1 : i32
      %dma_wait3A_401 = arith.constant 1 : i32
      %dma_wait3A_402 = arith.constant 0 : i32
      %dma_wait3A_403 = arith.constant 0 : i32
      %dma_wait3A_404 = tpu.memref_slice %arg8[%dma_wait3A_401, %dma_wait3A_402, %dma_wait3A_403] : memref<8x200x16xf32, #tpu.memory_space<vmem>> -> memref<1x200x16xf32, #tpu.memory_space<vmem>>
      %dma_wait3A_405 = tpu.memref_squeeze %dma_wait3A_404 : memref<1x200x16xf32, #tpu.memory_space<vmem>> -> memref<200x16xf32, #tpu.memory_space<vmem>>
      %dma_wait3A_406 = arith.constant 0 : i32
      %dma_wait3A_407 = tpu.memref_slice %arg6[%dma_wait3A_400, %dma_wait3A_406] : memref<8x200xi32, #tpu.memory_space<vmem>> -> memref<1x200xi32, #tpu.memory_space<vmem>>
      %dma_wait3A_408 = tpu.memref_squeeze %dma_wait3A_407 : memref<1x200xi32, #tpu.memory_space<vmem>> -> memref<200xi32, #tpu.memory_space<vmem>>
      %dma_wait3A_409 = arith.constant 0 : i32
      %dma_wait3A_410 = arith.constant 0 : i32
      %dma_wait3A_411 = tpu.memref_slice %arg3[%dma_wait3A_409, %dma_wait3A_410] : memref<1000000x16xf32, #tpu.memory_space<hbm>> -> memref<1000000x16xf32, #tpu.memory_space<hbm>>
      tpu.wait_indirect_dma semaphore(%arg14 : memref<!tpu.dma_semaphore, #tpu.memory_space<semaphore_mem>>) src(%dma_wait3A_411 : memref<1000000x16xf32, #tpu.memory_space<hbm>>) dst(%dma_wait3A_405 : memref<200x16xf32, #tpu.memory_space<vmem>>)
      %dma_wait3A_412 = arith.constant 2 : i32
      %dma_wait3A_413 = arith.constant 2 : i32
      %dma_wait3A_414 = arith.constant 0 : i32
      %dma_wait3A_415 = arith.constant 0 : i32
      %dma_wait3A_416 = tpu.memref_slice %arg8[%dma_wait3A_413, %dma_wait3A_414, %dma_wait3A_415] : memref<8x200x16xf32, #tpu.memory_space<vmem>> -> memref<1x200x16xf32, #tpu.memory_space<vmem>>
      %dma_wait3A_417 = tpu.memref_squeeze %dma_wait3A_416 : memref<1x200x16xf32, #tpu.memory_space<vmem>> -> memref<200x16xf32, #tpu.memory_space<vmem>>
      %dma_wait3A_418 = arith.constant 0 : i32
      %dma_wait3A_419 = tpu.memref_slice %arg6[%dma_wait3A_412, %dma_wait3A_418] : memref<8x200xi32, #tpu.memory_space<vmem>> -> memref<1x200xi32, #tpu.memory_space<vmem>>
      %dma_wait3A_420 = tpu.memref_squeeze %dma_wait3A_419 : memref<1x200xi32, #tpu.memory_space<vmem>> -> memref<200xi32, #tpu.memory_space<vmem>>
      %dma_wait3A_421 = arith.constant 0 : i32
      %dma_wait3A_422 = arith.constant 0 : i32
      %dma_wait3A_423 = tpu.memref_slice %arg3[%dma_wait3A_421, %dma_wait3A_422] : memref<1000000x16xf32, #tpu.memory_space<hbm>> -> memref<1000000x16xf32, #tpu.memory_space<hbm>>
      tpu.wait_indirect_dma semaphore(%arg14 : memref<!tpu.dma_semaphore, #tpu.memory_space<semaphore_mem>>) src(%dma_wait3A_423 : memref<1000000x16xf32, #tpu.memory_space<hbm>>) dst(%dma_wait3A_417 : memref<200x16xf32, #tpu.memory_space<vmem>>)
      %dma_wait3A_424 = arith.constant 3 : i32
      %dma_wait3A_425 = arith.constant 3 : i32
      %dma_wait3A_426 = arith.constant 0 : i32
      %dma_wait3A_427 = arith.constant 0 : i32
      %dma_wait3A_428 = tpu.memref_slice %arg8[%dma_wait3A_425, %dma_wait3A_426, %dma_wait3A_427] : memref<8x200x16xf32, #tpu.memory_space<vmem>> -> memref<1x200x16xf32, #tpu.memory_space<vmem>>
      %dma_wait3A_429 = tpu.memref_squeeze %dma_wait3A_428 : memref<1x200x16xf32, #tpu.memory_space<vmem>> -> memref<200x16xf32, #tpu.memory_space<vmem>>
      %dma_wait3A_430 = arith.constant 0 : i32
      %dma_wait3A_431 = tpu.memref_slice %arg6[%dma_wait3A_424, %dma_wait3A_430] : memref<8x200xi32, #tpu.memory_space<vmem>> -> memref<1x200xi32, #tpu.memory_space<vmem>>
      %dma_wait3A_432 = tpu.memref_squeeze %dma_wait3A_431 : memref<1x200xi32, #tpu.memory_space<vmem>> -> memref<200xi32, #tpu.memory_space<vmem>>
      %dma_wait3A_433 = arith.constant 0 : i32
      %dma_wait3A_434 = arith.constant 0 : i32
      %dma_wait3A_435 = tpu.memref_slice %arg3[%dma_wait3A_433, %dma_wait3A_434] : memref<1000000x16xf32, #tpu.memory_space<hbm>> -> memref<1000000x16xf32, #tpu.memory_space<hbm>>
      tpu.wait_indirect_dma semaphore(%arg14 : memref<!tpu.dma_semaphore, #tpu.memory_space<semaphore_mem>>) src(%dma_wait3A_435 : memref<1000000x16xf32, #tpu.memory_space<hbm>>) dst(%dma_wait3A_429 : memref<200x16xf32, #tpu.memory_space<vmem>>)
      %dma_wait3A_436 = arith.constant 4 : i32
      %dma_wait3A_437 = arith.constant 4 : i32
      %dma_wait3A_438 = arith.constant 0 : i32
      %dma_wait3A_439 = arith.constant 0 : i32
      %dma_wait3A_440 = tpu.memref_slice %arg8[%dma_wait3A_437, %dma_wait3A_438, %dma_wait3A_439] : memref<8x200x16xf32, #tpu.memory_space<vmem>> -> memref<1x200x16xf32, #tpu.memory_space<vmem>>
      %dma_wait3A_441 = tpu.memref_squeeze %dma_wait3A_440 : memref<1x200x16xf32, #tpu.memory_space<vmem>> -> memref<200x16xf32, #tpu.memory_space<vmem>>
      %dma_wait3A_442 = arith.constant 0 : i32
      %dma_wait3A_443 = tpu.memref_slice %arg6[%dma_wait3A_436, %dma_wait3A_442] : memref<8x200xi32, #tpu.memory_space<vmem>> -> memref<1x200xi32, #tpu.memory_space<vmem>>
      %dma_wait3A_444 = tpu.memref_squeeze %dma_wait3A_443 : memref<1x200xi32, #tpu.memory_space<vmem>> -> memref<200xi32, #tpu.memory_space<vmem>>
      %dma_wait3A_445 = arith.constant 0 : i32
      %dma_wait3A_446 = arith.constant 0 : i32
      %dma_wait3A_447 = tpu.memref_slice %arg3[%dma_wait3A_445, %dma_wait3A_446] : memref<1000000x16xf32, #tpu.memory_space<hbm>> -> memref<1000000x16xf32, #tpu.memory_space<hbm>>
      tpu.wait_indirect_dma semaphore(%arg14 : memref<!tpu.dma_semaphore, #tpu.memory_space<semaphore_mem>>) src(%dma_wait3A_447 : memref<1000000x16xf32, #tpu.memory_space<hbm>>) dst(%dma_wait3A_441 : memref<200x16xf32, #tpu.memory_space<vmem>>)
      %dma_wait3A_448 = arith.constant 5 : i32
      %dma_wait3A_449 = arith.constant 5 : i32
      %dma_wait3A_450 = arith.constant 0 : i32
      %dma_wait3A_451 = arith.constant 0 : i32
      %dma_wait3A_452 = tpu.memref_slice %arg8[%dma_wait3A_449, %dma_wait3A_450, %dma_wait3A_451] : memref<8x200x16xf32, #tpu.memory_space<vmem>> -> memref<1x200x16xf32, #tpu.memory_space<vmem>>
      %dma_wait3A_453 = tpu.memref_squeeze %dma_wait3A_452 : memref<1x200x16xf32, #tpu.memory_space<vmem>> -> memref<200x16xf32, #tpu.memory_space<vmem>>
      %dma_wait3A_454 = arith.constant 0 : i32
      %dma_wait3A_455 = tpu.memref_slice %arg6[%dma_wait3A_448, %dma_wait3A_454] : memref<8x200xi32, #tpu.memory_space<vmem>> -> memref<1x200xi32, #tpu.memory_space<vmem>>
      %dma_wait3A_456 = tpu.memref_squeeze %dma_wait3A_455 : memref<1x200xi32, #tpu.memory_space<vmem>> -> memref<200xi32, #tpu.memory_space<vmem>>
      %dma_wait3A_457 = arith.constant 0 : i32
      %dma_wait3A_458 = arith.constant 0 : i32
      %dma_wait3A_459 = tpu.memref_slice %arg3[%dma_wait3A_457, %dma_wait3A_458] : memref<1000000x16xf32, #tpu.memory_space<hbm>> -> memref<1000000x16xf32, #tpu.memory_space<hbm>>
      tpu.wait_indirect_dma semaphore(%arg14 : memref<!tpu.dma_semaphore, #tpu.memory_space<semaphore_mem>>) src(%dma_wait3A_459 : memref<1000000x16xf32, #tpu.memory_space<hbm>>) dst(%dma_wait3A_453 : memref<200x16xf32, #tpu.memory_space<vmem>>)
      %dma_wait3A_460 = arith.constant 6 : i32
      %dma_wait3A_461 = arith.constant 6 : i32
      %dma_wait3A_462 = arith.constant 0 : i32
      %dma_wait3A_463 = arith.constant 0 : i32
      %dma_wait3A_464 = tpu.memref_slice %arg8[%dma_wait3A_461, %dma_wait3A_462, %dma_wait3A_463] : memref<8x200x16xf32, #tpu.memory_space<vmem>> -> memref<1x200x16xf32, #tpu.memory_space<vmem>>
      %dma_wait3A_465 = tpu.memref_squeeze %dma_wait3A_464 : memref<1x200x16xf32, #tpu.memory_space<vmem>> -> memref<200x16xf32, #tpu.memory_space<vmem>>
      %dma_wait3A_466 = arith.constant 0 : i32
      %dma_wait3A_467 = tpu.memref_slice %arg6[%dma_wait3A_460, %dma_wait3A_466] : memref<8x200xi32, #tpu.memory_space<vmem>> -> memref<1x200xi32, #tpu.memory_space<vmem>>
      %dma_wait3A_468 = tpu.memref_squeeze %dma_wait3A_467 : memref<1x200xi32, #tpu.memory_space<vmem>> -> memref<200xi32, #tpu.memory_space<vmem>>
      %dma_wait3A_469 = arith.constant 0 : i32
      %dma_wait3A_470 = arith.constant 0 : i32
      %dma_wait3A_471 = tpu.memref_slice %arg3[%dma_wait3A_469, %dma_wait3A_470] : memref<1000000x16xf32, #tpu.memory_space<hbm>> -> memref<1000000x16xf32, #tpu.memory_space<hbm>>
      tpu.wait_indirect_dma semaphore(%arg14 : memref<!tpu.dma_semaphore, #tpu.memory_space<semaphore_mem>>) src(%dma_wait3A_471 : memref<1000000x16xf32, #tpu.memory_space<hbm>>) dst(%dma_wait3A_465 : memref<200x16xf32, #tpu.memory_space<vmem>>)
      %dma_wait3A_472 = arith.constant 7 : i32
      %dma_wait3A_473 = arith.constant 7 : i32
      %dma_wait3A_474 = arith.constant 0 : i32
      %dma_wait3A_475 = arith.constant 0 : i32
      %dma_wait3A_476 = tpu.memref_slice %arg8[%dma_wait3A_473, %dma_wait3A_474, %dma_wait3A_475] : memref<8x200x16xf32, #tpu.memory_space<vmem>> -> memref<1x200x16xf32, #tpu.memory_space<vmem>>
      %dma_wait3A_477 = tpu.memref_squeeze %dma_wait3A_476 : memref<1x200x16xf32, #tpu.memory_space<vmem>> -> memref<200x16xf32, #tpu.memory_space<vmem>>
      %dma_wait3A_478 = arith.constant 0 : i32
      %dma_wait3A_479 = tpu.memref_slice %arg6[%dma_wait3A_472, %dma_wait3A_478] : memref<8x200xi32, #tpu.memory_space<vmem>> -> memref<1x200xi32, #tpu.memory_space<vmem>>
      %dma_wait3A_480 = tpu.memref_squeeze %dma_wait3A_479 : memref<1x200xi32, #tpu.memory_space<vmem>> -> memref<200xi32, #tpu.memory_space<vmem>>
      %dma_wait3A_481 = arith.constant 0 : i32
      %dma_wait3A_482 = arith.constant 0 : i32
      %dma_wait3A_483 = tpu.memref_slice %arg3[%dma_wait3A_481, %dma_wait3A_482] : memref<1000000x16xf32, #tpu.memory_space<hbm>> -> memref<1000000x16xf32, #tpu.memory_space<hbm>>
      tpu.wait_indirect_dma semaphore(%arg14 : memref<!tpu.dma_semaphore, #tpu.memory_space<semaphore_mem>>) src(%dma_wait3A_483 : memref<1000000x16xf32, #tpu.memory_space<hbm>>) dst(%dma_wait3A_477 : memref<200x16xf32, #tpu.memory_space<vmem>>)
      %add3A_484 = arith.constant 2 : i32
      %add3A_485 = arith.addi %add3A_380, %add3A_484 : i32
      %lt3A_486 = arith.constant 64 : i32
      %lt3A_487 = arith.cmpi slt, %add3A_485, %lt3A_486 : i32
      %convert_element_type3A_488 = arith.extui %lt3A_487 : i1 to i32
      %cond3A_489 = arith.constant 0 : i32
      %cond3A_490 = arith.cmpi ne, %convert_element_type3A_488, %cond3A_489 : i32
      scf.if %cond3A_490 {
        %add3A_575 = arith.constant 2 : i32
        %add3A_576 = arith.addi %add3A_380, %add3A_575 : i32
        %mul3A_577 = arith.constant 8 : i32
        %mul3A_578 = arith.muli %add3A_576, %mul3A_577 : i32
        %add3A_579 = arith.addi %mul3A_2, %mul3A_578 : i32
        %dma_start3A_580 = arith.constant 0 : i32
        %dma_start3A_581 = tpu.memref_slice %arg2[%add3A_579, %dma_start3A_580] : memref<16384x200xi32, #tpu.memory_space<hbm>> -> memref<8x200xi32, #tpu.memory_space<hbm>>
        %dma_start3A_582 = arith.constant 0 : i32
        %dma_start3A_583 = tpu.memref_slice %arg2[%add3A_579, %dma_start3A_582] : memref<16384x200xi32, #tpu.memory_space<hbm>> -> memref<8x200xi32, #tpu.memory_space<hbm>>
        tpu.enqueue_dma source(%dma_start3A_583 : memref<8x200xi32, #tpu.memory_space<hbm>>) target(%arg6 : memref<8x200xi32, #tpu.memory_space<vmem>>) target_semaphore(%arg12 : memref<!tpu.dma_semaphore, #tpu.memory_space<semaphore_mem>>)
      } else {
      }
      %gt3A_491 = arith.constant 0 : i32
      %gt3A_492 = arith.cmpi sgt, %add3A_380, %gt3A_491 : i32
      %convert_element_type3A_493 = arith.extui %gt3A_492 : i1 to i32
      %cond3A_494 = arith.constant 0 : i32
      %cond3A_495 = arith.cmpi ne, %convert_element_type3A_493, %cond3A_494 : i32
      scf.if %cond3A_495 {
        %sub3A = arith.constant 1 : i32
        %sub3A_575 = arith.subi %add3A_380, %sub3A : i32
        %mul3A_576 = arith.constant 8 : i32
        %mul3A_577 = arith.muli %sub3A_575, %mul3A_576 : i32
        %add3A_578 = arith.addi %mul3A_2, %mul3A_577 : i32
        %shift_right_arithmetic3A_579 = arith.constant 7 : i32
        %shift_right_arithmetic3A_580 = arith.shrsi %add3A_578, %shift_right_arithmetic3A_579 : i32
        %mul3A_581 = arith.constant 8 : i32
        %mul3A_582 = arith.muli %sub3A_575, %mul3A_581 : i32
        %add3A_583 = arith.addi %mul3A_2, %mul3A_582 : i32
        %and3A_584 = arith.constant 127 : i32
        %and3A_585 = arith.andi %add3A_583, %and3A_584 : i32
        %multiple_of3A_586 = tpu.assume_multiple %and3A_585, 8 : i32
        %dma_wait3A_587 = arith.constant 0 : i32
        %dma_wait3A_588 = arith.constant 0 : i32
        %dma_wait3A_589 = arith.constant 0 : i32
        %dma_wait3A_590 = arith.constant 0 : i32
        %dma_wait3A_591 = arith.constant 0 : i32
        %dma_wait3A_592 = tpu.memref_slice %arg9[%dma_wait3A_587, %dma_wait3A_588, %dma_wait3A_589, %dma_wait3A_590, %dma_wait3A_591] : memref<100x2x1x8x13xf32, #tpu.memory_space<vmem>> -> memref<100x2x1x8x8xf32, #tpu.memory_space<vmem>>
        %dma_wait3A_593 = arith.constant 0 : i32
        %dma_wait3A_594 = arith.constant 0 : i32
        %dma_wait3A_595 = arith.constant 0 : i32
        %dma_wait3A_596 = tpu.memref_slice %arg4[%dma_wait3A_593, %dma_wait3A_594, %shift_right_arithmetic3A_580, %dma_wait3A_595, %multiple_of3A_586] : memref<200x2x128x8x128xf32, #tpu.memory_space<hbm>> -> memref<100x2x1x8x8xf32, #tpu.memory_space<hbm>>
        %dma_wait3A_597 = arith.constant 0 : i32
        %dma_wait3A_598 = arith.constant 0 : i32
        %dma_wait3A_599 = arith.constant 0 : i32
        %dma_wait3A_600 = tpu.memref_slice %arg4[%dma_wait3A_597, %dma_wait3A_598, %shift_right_arithmetic3A_580, %dma_wait3A_599, %multiple_of3A_586] : memref<200x2x128x8x128xf32, #tpu.memory_space<hbm>> -> memref<100x2x1x8x8xf32, #tpu.memory_space<hbm>>
        %dma_wait3A_601 = arith.constant 0 : i32
        %dma_wait3A_602 = arith.constant 0 : i32
        %dma_wait3A_603 = arith.constant 0 : i32
        %dma_wait3A_604 = arith.constant 0 : i32
        %dma_wait3A_605 = arith.constant 0 : i32
        %dma_wait3A_606 = tpu.memref_slice %arg9[%dma_wait3A_601, %dma_wait3A_602, %dma_wait3A_603, %dma_wait3A_604, %dma_wait3A_605] : memref<100x2x1x8x13xf32, #tpu.memory_space<vmem>> -> memref<100x2x1x8x8xf32, #tpu.memory_space<vmem>>
        tpu.wait_dma2 semaphore(%arg15 : memref<!tpu.dma_semaphore, #tpu.memory_space<semaphore_mem>>) src(%dma_wait3A_606 : memref<100x2x1x8x8xf32, #tpu.memory_space<vmem>>) dst(%dma_wait3A_600 : memref<100x2x1x8x8xf32, #tpu.memory_space<hbm>>)
      } else {
      }
      %scan3A_496 = arith.constant 0 : i32
      %scan3A_497 = arith.constant 0 : i32
      %scan3A_498 = arith.constant 100 : i32
      %scan3A_499 = arith.addi %scan3A_497, %scan3A_498 : i32
      %scan3A_500 = arith.constant 10 : i32
      scf.for %scan3A_575 = %scan3A_497 to %scan3A_499 step %scan3A_500  : i32 {
        %broadcast_in_dim3A_576 = vector.broadcast %scan3A_575 : i32 to vector<16xi32>
        %add3A_577 = arith.constant 0 : i32
        %add3A_578 = arith.addi %add3A_577, %scan3A_575 : i32
        %get3A = arith.constant 0 : i32
        %get3A_579 = arith.index_cast %get3A : i32 to index
        %get3A_580 = arith.index_cast %add3A_578 : i32 to index
        %get3A_581 = arith.constant 0 : index
        %get3A_582 = tpu.vector_load %arg8[%get3A_579, %get3A_580, %get3A_581] {strides = array<i32>} : memref<8x200x16xf32, #tpu.memory_space<vmem>>, vector<16xf32>,
        %broadcast_in_dim3A_583 = arith.constant 0 : i32
        %broadcast_in_dim3A_584 = vector.broadcast %broadcast_in_dim3A_583 : i32 to vector<16xi32>
        tpu.vector_store_idx %arg9[%broadcast_in_dim3A_576, %shift_right_arithmetic3A_4, %broadcast_in_dim3A_5, %and3A_7, %broadcast_in_dim3A_584], %get3A_582 : memref<100x2x1x8x13xf32, #tpu.memory_space<vmem>>[vector<16xi32>, vector<16xi32>, vector<16xi32>, vector<16xi32>, vector<16xi32>], vector<16xf32>,
        %add3A_585 = arith.constant 0 : i32
        %add3A_586 = arith.addi %add3A_585, %scan3A_575 : i32
        %get3A_587 = arith.constant 1 : i32
        %get3A_588 = arith.index_cast %get3A_587 : i32 to index
        %get3A_589 = arith.index_cast %add3A_586 : i32 to index
        %get3A_590 = arith.constant 0 : index
        %get3A_591 = tpu.vector_load %arg8[%get3A_588, %get3A_589, %get3A_590] {strides = array<i32>} : memref<8x200x16xf32, #tpu.memory_space<vmem>>, vector<16xf32>,
        %broadcast_in_dim3A_592 = arith.constant 1 : i32
        %broadcast_in_dim3A_593 = vector.broadcast %broadcast_in_dim3A_592 : i32 to vector<16xi32>
        tpu.vector_store_idx %arg9[%broadcast_in_dim3A_576, %shift_right_arithmetic3A_4, %broadcast_in_dim3A_5, %and3A_7, %broadcast_in_dim3A_593], %get3A_591 : memref<100x2x1x8x13xf32, #tpu.memory_space<vmem>>[vector<16xi32>, vector<16xi32>, vector<16xi32>, vector<16xi32>, vector<16xi32>], vector<16xf32>,
        %add3A_594 = arith.constant 0 : i32
        %add3A_595 = arith.addi %add3A_594, %scan3A_575 : i32
        %get3A_596 = arith.constant 2 : i32
        %get3A_597 = arith.index_cast %get3A_596 : i32 to index
        %get3A_598 = arith.index_cast %add3A_595 : i32 to index
        %get3A_599 = arith.constant 0 : index
        %get3A_600 = tpu.vector_load %arg8[%get3A_597, %get3A_598, %get3A_599] {strides = array<i32>} : memref<8x200x16xf32, #tpu.memory_space<vmem>>, vector<16xf32>,
        %broadcast_in_dim3A_601 = arith.constant 2 : i32
        %broadcast_in_dim3A_602 = vector.broadcast %broadcast_in_dim3A_601 : i32 to vector<16xi32>
        tpu.vector_store_idx %arg9[%broadcast_in_dim3A_576, %shift_right_arithmetic3A_4, %broadcast_in_dim3A_5, %and3A_7, %broadcast_in_dim3A_602], %get3A_600 : memref<100x2x1x8x13xf32, #tpu.memory_space<vmem>>[vector<16xi32>, vector<16xi32>, vector<16xi32>, vector<16xi32>, vector<16xi32>], vector<16xf32>,
        %add3A_603 = arith.constant 0 : i32
        %add3A_604 = arith.addi %add3A_603, %scan3A_575 : i32
        %get3A_605 = arith.constant 3 : i32
        %get3A_606 = arith.index_cast %get3A_605 : i32 to index
        %get3A_607 = arith.index_cast %add3A_604 : i32 to index
        %get3A_608 = arith.constant 0 : index
        %get3A_609 = tpu.vector_load %arg8[%get3A_606, %get3A_607, %get3A_608] {strides = array<i32>} : memref<8x200x16xf32, #tpu.memory_space<vmem>>, vector<16xf32>,
        %broadcast_in_dim3A_610 = arith.constant 3 : i32
        %broadcast_in_dim3A_611 = vector.broadcast %broadcast_in_dim3A_610 : i32 to vector<16xi32>
        tpu.vector_store_idx %arg9[%broadcast_in_dim3A_576, %shift_right_arithmetic3A_4, %broadcast_in_dim3A_5, %and3A_7, %broadcast_in_dim3A_611], %get3A_609 : memref<100x2x1x8x13xf32, #tpu.memory_space<vmem>>[vector<16xi32>, vector<16xi32>, vector<16xi32>, vector<16xi32>, vector<16xi32>], vector<16xf32>,
        %add3A_612 = arith.constant 0 : i32
        %add3A_613 = arith.addi %add3A_612, %scan3A_575 : i32
        %get3A_614 = arith.constant 4 : i32
        %get3A_615 = arith.index_cast %get3A_614 : i32 to index
        %get3A_616 = arith.index_cast %add3A_613 : i32 to index
        %get3A_617 = arith.constant 0 : index
        %get3A_618 = tpu.vector_load %arg8[%get3A_615, %get3A_616, %get3A_617] {strides = array<i32>} : memref<8x200x16xf32, #tpu.memory_space<vmem>>, vector<16xf32>,
        %broadcast_in_dim3A_619 = arith.constant 4 : i32
        %broadcast_in_dim3A_620 = vector.broadcast %broadcast_in_dim3A_619 : i32 to vector<16xi32>
        tpu.vector_store_idx %arg9[%broadcast_in_dim3A_576, %shift_right_arithmetic3A_4, %broadcast_in_dim3A_5, %and3A_7, %broadcast_in_dim3A_620], %get3A_618 : memref<100x2x1x8x13xf32, #tpu.memory_space<vmem>>[vector<16xi32>, vector<16xi32>, vector<16xi32>, vector<16xi32>, vector<16xi32>], vector<16xf32>,
        %add3A_621 = arith.constant 0 : i32
        %add3A_622 = arith.addi %add3A_621, %scan3A_575 : i32
        %get3A_623 = arith.constant 5 : i32
        %get3A_624 = arith.index_cast %get3A_623 : i32 to index
        %get3A_625 = arith.index_cast %add3A_622 : i32 to index
        %get3A_626 = arith.constant 0 : index
        %get3A_627 = tpu.vector_load %arg8[%get3A_624, %get3A_625, %get3A_626] {strides = array<i32>} : memref<8x200x16xf32, #tpu.memory_space<vmem>>, vector<16xf32>,
        %broadcast_in_dim3A_628 = arith.constant 5 : i32
        %broadcast_in_dim3A_629 = vector.broadcast %broadcast_in_dim3A_628 : i32 to vector<16xi32>
        tpu.vector_store_idx %arg9[%broadcast_in_dim3A_576, %shift_right_arithmetic3A_4, %broadcast_in_dim3A_5, %and3A_7, %broadcast_in_dim3A_629], %get3A_627 : memref<100x2x1x8x13xf32, #tpu.memory_space<vmem>>[vector<16xi32>, vector<16xi32>, vector<16xi32>, vector<16xi32>, vector<16xi32>], vector<16xf32>,
        %add3A_630 = arith.constant 0 : i32
        %add3A_631 = arith.addi %add3A_630, %scan3A_575 : i32
        %get3A_632 = arith.constant 6 : i32
        %get3A_633 = arith.index_cast %get3A_632 : i32 to index
        %get3A_634 = arith.index_cast %add3A_631 : i32 to index
        %get3A_635 = arith.constant 0 : index
        %get3A_636 = tpu.vector_load %arg8[%get3A_633, %get3A_634, %get3A_635] {strides = array<i32>} : memref<8x200x16xf32, #tpu.memory_space<vmem>>, vector<16xf32>,
        %broadcast_in_dim3A_637 = arith.constant 6 : i32
        %broadcast_in_dim3A_638 = vector.broadcast %broadcast_in_dim3A_637 : i32 to vector<16xi32>
        tpu.vector_store_idx %arg9[%broadcast_in_dim3A_576, %shift_right_arithmetic3A_4, %broadcast_in_dim3A_5, %and3A_7, %broadcast_in_dim3A_638], %get3A_636 : memref<100x2x1x8x13xf32, #tpu.memory_space<vmem>>[vector<16xi32>, vector<16xi32>, vector<16xi32>, vector<16xi32>, vector<16xi32>], vector<16xf32>,
        %add3A_639 = arith.constant 0 : i32
        %add3A_640 = arith.addi %add3A_639, %scan3A_575 : i32
        %get3A_641 = arith.constant 7 : i32
        %get3A_642 = arith.index_cast %get3A_641 : i32 to index
        %get3A_643 = arith.index_cast %add3A_640 : i32 to index
        %get3A_644 = arith.constant 0 : index
        %get3A_645 = tpu.vector_load %arg8[%get3A_642, %get3A_643, %get3A_644] {strides = array<i32>} : memref<8x200x16xf32, #tpu.memory_space<vmem>>, vector<16xf32>,
        %broadcast_in_dim3A_646 = arith.constant 7 : i32
        %broadcast_in_dim3A_647 = vector.broadcast %broadcast_in_dim3A_646 : i32 to vector<16xi32>
        tpu.vector_store_idx %arg9[%broadcast_in_dim3A_576, %shift_right_arithmetic3A_4, %broadcast_in_dim3A_5, %and3A_7, %broadcast_in_dim3A_647], %get3A_645 : memref<100x2x1x8x13xf32, #tpu.memory_space<vmem>>[vector<16xi32>, vector<16xi32>, vector<16xi32>, vector<16xi32>, vector<16xi32>], vector<16xf32>,
        %scan3A_648 = arith.constant 1 : i32
        %scan3A_649 = arith.addi %scan3A_575, %scan3A_648 : i32
        %broadcast_in_dim3A_650 = vector.broadcast %scan3A_649 : i32 to vector<16xi32>
        %add3A_651 = arith.constant 0 : i32
        %add3A_652 = arith.addi %add3A_651, %scan3A_649 : i32
        %get3A_653 = arith.constant 0 : i32
        %get3A_654 = arith.index_cast %get3A_653 : i32 to index
        %get3A_655 = arith.index_cast %add3A_652 : i32 to index
        %get3A_656 = arith.constant 0 : index
        %get3A_657 = tpu.vector_load %arg8[%get3A_654, %get3A_655, %get3A_656] {strides = array<i32>} : memref<8x200x16xf32, #tpu.memory_space<vmem>>, vector<16xf32>,
        %broadcast_in_dim3A_658 = arith.constant 0 : i32
        %broadcast_in_dim3A_659 = vector.broadcast %broadcast_in_dim3A_658 : i32 to vector<16xi32>
        tpu.vector_store_idx %arg9[%broadcast_in_dim3A_650, %shift_right_arithmetic3A_4, %broadcast_in_dim3A_5, %and3A_7, %broadcast_in_dim3A_659], %get3A_657 : memref<100x2x1x8x13xf32, #tpu.memory_space<vmem>>[vector<16xi32>, vector<16xi32>, vector<16xi32>, vector<16xi32>, vector<16xi32>], vector<16xf32>,
        %add3A_660 = arith.constant 0 : i32
        %add3A_661 = arith.addi %add3A_660, %scan3A_649 : i32
        %get3A_662 = arith.constant 1 : i32
        %get3A_663 = arith.index_cast %get3A_662 : i32 to index
        %get3A_664 = arith.index_cast %add3A_661 : i32 to index
        %get3A_665 = arith.constant 0 : index
        %get3A_666 = tpu.vector_load %arg8[%get3A_663, %get3A_664, %get3A_665] {strides = array<i32>} : memref<8x200x16xf32, #tpu.memory_space<vmem>>, vector<16xf32>,
        %broadcast_in_dim3A_667 = arith.constant 1 : i32
        %broadcast_in_dim3A_668 = vector.broadcast %broadcast_in_dim3A_667 : i32 to vector<16xi32>
        tpu.vector_store_idx %arg9[%broadcast_in_dim3A_650, %shift_right_arithmetic3A_4, %broadcast_in_dim3A_5, %and3A_7, %broadcast_in_dim3A_668], %get3A_666 : memref<100x2x1x8x13xf32, #tpu.memory_space<vmem>>[vector<16xi32>, vector<16xi32>, vector<16xi32>, vector<16xi32>, vector<16xi32>], vector<16xf32>,
        %add3A_669 = arith.constant 0 : i32
        %add3A_670 = arith.addi %add3A_669, %scan3A_649 : i32
        %get3A_671 = arith.constant 2 : i32
        %get3A_672 = arith.index_cast %get3A_671 : i32 to index
        %get3A_673 = arith.index_cast %add3A_670 : i32 to index
        %get3A_674 = arith.constant 0 : index
        %get3A_675 = tpu.vector_load %arg8[%get3A_672, %get3A_673, %get3A_674] {strides = array<i32>} : memref<8x200x16xf32, #tpu.memory_space<vmem>>, vector<16xf32>,
        %broadcast_in_dim3A_676 = arith.constant 2 : i32
        %broadcast_in_dim3A_677 = vector.broadcast %broadcast_in_dim3A_676 : i32 to vector<16xi32>
        tpu.vector_store_idx %arg9[%broadcast_in_dim3A_650, %shift_right_arithmetic3A_4, %broadcast_in_dim3A_5, %and3A_7, %broadcast_in_dim3A_677], %get3A_675 : memref<100x2x1x8x13xf32, #tpu.memory_space<vmem>>[vector<16xi32>, vector<16xi32>, vector<16xi32>, vector<16xi32>, vector<16xi32>], vector<16xf32>,
        %add3A_678 = arith.constant 0 : i32
        %add3A_679 = arith.addi %add3A_678, %scan3A_649 : i32
        %get3A_680 = arith.constant 3 : i32
        %get3A_681 = arith.index_cast %get3A_680 : i32 to index
        %get3A_682 = arith.index_cast %add3A_679 : i32 to index
        %get3A_683 = arith.constant 0 : index
        %get3A_684 = tpu.vector_load %arg8[%get3A_681, %get3A_682, %get3A_683] {strides = array<i32>} : memref<8x200x16xf32, #tpu.memory_space<vmem>>, vector<16xf32>,
        %broadcast_in_dim3A_685 = arith.constant 3 : i32
        %broadcast_in_dim3A_686 = vector.broadcast %broadcast_in_dim3A_685 : i32 to vector<16xi32>
        tpu.vector_store_idx %arg9[%broadcast_in_dim3A_650, %shift_right_arithmetic3A_4, %broadcast_in_dim3A_5, %and3A_7, %broadcast_in_dim3A_686], %get3A_684 : memref<100x2x1x8x13xf32, #tpu.memory_space<vmem>>[vector<16xi32>, vector<16xi32>, vector<16xi32>, vector<16xi32>, vector<16xi32>], vector<16xf32>,
        %add3A_687 = arith.constant 0 : i32
        %add3A_688 = arith.addi %add3A_687, %scan3A_649 : i32
        %get3A_689 = arith.constant 4 : i32
        %get3A_690 = arith.index_cast %get3A_689 : i32 to index
        %get3A_691 = arith.index_cast %add3A_688 : i32 to index
        %get3A_692 = arith.constant 0 : index
        %get3A_693 = tpu.vector_load %arg8[%get3A_690, %get3A_691, %get3A_692] {strides = array<i32>} : memref<8x200x16xf32, #tpu.memory_space<vmem>>, vector<16xf32>,
        %broadcast_in_dim3A_694 = arith.constant 4 : i32
        %broadcast_in_dim3A_695 = vector.broadcast %broadcast_in_dim3A_694 : i32 to vector<16xi32>
        tpu.vector_store_idx %arg9[%broadcast_in_dim3A_650, %shift_right_arithmetic3A_4, %broadcast_in_dim3A_5, %and3A_7, %broadcast_in_dim3A_695], %get3A_693 : memref<100x2x1x8x13xf32, #tpu.memory_space<vmem>>[vector<16xi32>, vector<16xi32>, vector<16xi32>, vector<16xi32>, vector<16xi32>], vector<16xf32>,
        %add3A_696 = arith.constant 0 : i32
        %add3A_697 = arith.addi %add3A_696, %scan3A_649 : i32
        %get3A_698 = arith.constant 5 : i32
        %get3A_699 = arith.index_cast %get3A_698 : i32 to index
        %get3A_700 = arith.index_cast %add3A_697 : i32 to index
        %get3A_701 = arith.constant 0 : index
        %get3A_702 = tpu.vector_load %arg8[%get3A_699, %get3A_700, %get3A_701] {strides = array<i32>} : memref<8x200x16xf32, #tpu.memory_space<vmem>>, vector<16xf32>,
        %broadcast_in_dim3A_703 = arith.constant 5 : i32
        %broadcast_in_dim3A_704 = vector.broadcast %broadcast_in_dim3A_703 : i32 to vector<16xi32>
        tpu.vector_store_idx %arg9[%broadcast_in_dim3A_650, %shift_right_arithmetic3A_4, %broadcast_in_dim3A_5, %and3A_7, %broadcast_in_dim3A_704], %get3A_702 : memref<100x2x1x8x13xf32, #tpu.memory_space<vmem>>[vector<16xi32>, vector<16xi32>, vector<16xi32>, vector<16xi32>, vector<16xi32>], vector<16xf32>,
        %add3A_705 = arith.constant 0 : i32
        %add3A_706 = arith.addi %add3A_705, %scan3A_649 : i32
        %get3A_707 = arith.constant 6 : i32
        %get3A_708 = arith.index_cast %get3A_707 : i32 to index
        %get3A_709 = arith.index_cast %add3A_706 : i32 to index
        %get3A_710 = arith.constant 0 : index
        %get3A_711 = tpu.vector_load %arg8[%get3A_708, %get3A_709, %get3A_710] {strides = array<i32>} : memref<8x200x16xf32, #tpu.memory_space<vmem>>, vector<16xf32>,
        %broadcast_in_dim3A_712 = arith.constant 6 : i32
        %broadcast_in_dim3A_713 = vector.broadcast %broadcast_in_dim3A_712 : i32 to vector<16xi32>
        tpu.vector_store_idx %arg9[%broadcast_in_dim3A_650, %shift_right_arithmetic3A_4, %broadcast_in_dim3A_5, %and3A_7, %broadcast_in_dim3A_713], %get3A_711 : memref<100x2x1x8x13xf32, #tpu.memory_space<vmem>>[vector<16xi32>, vector<16xi32>, vector<16xi32>, vector<16xi32>, vector<16xi32>], vector<16xf32>,
        %add3A_714 = arith.constant 0 : i32
        %add3A_715 = arith.addi %add3A_714, %scan3A_649 : i32
        %get3A_716 = arith.constant 7 : i32
        %get3A_717 = arith.index_cast %get3A_716 : i32 to index
        %get3A_718 = arith.index_cast %add3A_715 : i32 to index
        %get3A_719 = arith.constant 0 : index
        %get3A_720 = tpu.vector_load %arg8[%get3A_717, %get3A_718, %get3A_719] {strides = array<i32>} : memref<8x200x16xf32, #tpu.memory_space<vmem>>, vector<16xf32>,
        %broadcast_in_dim3A_721 = arith.constant 7 : i32
        %broadcast_in_dim3A_722 = vector.broadcast %broadcast_in_dim3A_721 : i32 to vector<16xi32>
        tpu.vector_store_idx %arg9[%broadcast_in_dim3A_650, %shift_right_arithmetic3A_4, %broadcast_in_dim3A_5, %and3A_7, %broadcast_in_dim3A_722], %get3A_720 : memref<100x2x1x8x13xf32, #tpu.memory_space<vmem>>[vector<16xi32>, vector<16xi32>, vector<16xi32>, vector<16xi32>, vector<16xi32>], vector<16xf32>,
        %scan3A_723 = arith.constant 2 : i32
        %scan3A_724 = arith.addi %scan3A_575, %scan3A_723 : i32
        %broadcast_in_dim3A_725 = vector.broadcast %scan3A_724 : i32 to vector<16xi32>
        %add3A_726 = arith.constant 0 : i32
        %add3A_727 = arith.addi %add3A_726, %scan3A_724 : i32
        %get3A_728 = arith.constant 0 : i32
        %get3A_729 = arith.index_cast %get3A_728 : i32 to index
        %get3A_730 = arith.index_cast %add3A_727 : i32 to index
        %get3A_731 = arith.constant 0 : index
        %get3A_732 = tpu.vector_load %arg8[%get3A_729, %get3A_730, %get3A_731] {strides = array<i32>} : memref<8x200x16xf32, #tpu.memory_space<vmem>>, vector<16xf32>,
        %broadcast_in_dim3A_733 = arith.constant 0 : i32
        %broadcast_in_dim3A_734 = vector.broadcast %broadcast_in_dim3A_733 : i32 to vector<16xi32>
        tpu.vector_store_idx %arg9[%broadcast_in_dim3A_725, %shift_right_arithmetic3A_4, %broadcast_in_dim3A_5, %and3A_7, %broadcast_in_dim3A_734], %get3A_732 : memref<100x2x1x8x13xf32, #tpu.memory_space<vmem>>[vector<16xi32>, vector<16xi32>, vector<16xi32>, vector<16xi32>, vector<16xi32>], vector<16xf32>,
        %add3A_735 = arith.constant 0 : i32
        %add3A_736 = arith.addi %add3A_735, %scan3A_724 : i32
        %get3A_737 = arith.constant 1 : i32
        %get3A_738 = arith.index_cast %get3A_737 : i32 to index
        %get3A_739 = arith.index_cast %add3A_736 : i32 to index
        %get3A_740 = arith.constant 0 : index
        %get3A_741 = tpu.vector_load %arg8[%get3A_738, %get3A_739, %get3A_740] {strides = array<i32>} : memref<8x200x16xf32, #tpu.memory_space<vmem>>, vector<16xf32>,
        %broadcast_in_dim3A_742 = arith.constant 1 : i32
        %broadcast_in_dim3A_743 = vector.broadcast %broadcast_in_dim3A_742 : i32 to vector<16xi32>
        tpu.vector_store_idx %arg9[%broadcast_in_dim3A_725, %shift_right_arithmetic3A_4, %broadcast_in_dim3A_5, %and3A_7, %broadcast_in_dim3A_743], %get3A_741 : memref<100x2x1x8x13xf32, #tpu.memory_space<vmem>>[vector<16xi32>, vector<16xi32>, vector<16xi32>, vector<16xi32>, vector<16xi32>], vector<16xf32>,
        %add3A_744 = arith.constant 0 : i32
        %add3A_745 = arith.addi %add3A_744, %scan3A_724 : i32
        %get3A_746 = arith.constant 2 : i32
        %get3A_747 = arith.index_cast %get3A_746 : i32 to index
        %get3A_748 = arith.index_cast %add3A_745 : i32 to index
        %get3A_749 = arith.constant 0 : index
        %get3A_750 = tpu.vector_load %arg8[%get3A_747, %get3A_748, %get3A_749] {strides = array<i32>} : memref<8x200x16xf32, #tpu.memory_space<vmem>>, vector<16xf32>,
        %broadcast_in_dim3A_751 = arith.constant 2 : i32
        %broadcast_in_dim3A_752 = vector.broadcast %broadcast_in_dim3A_751 : i32 to vector<16xi32>
        tpu.vector_store_idx %arg9[%broadcast_in_dim3A_725, %shift_right_arithmetic3A_4, %broadcast_in_dim3A_5, %and3A_7, %broadcast_in_dim3A_752], %get3A_750 : memref<100x2x1x8x13xf32, #tpu.memory_space<vmem>>[vector<16xi32>, vector<16xi32>, vector<16xi32>, vector<16xi32>, vector<16xi32>], vector<16xf32>,
        %add3A_753 = arith.constant 0 : i32
        %add3A_754 = arith.addi %add3A_753, %scan3A_724 : i32
        %get3A_755 = arith.constant 3 : i32
        %get3A_756 = arith.index_cast %get3A_755 : i32 to index
        %get3A_757 = arith.index_cast %add3A_754 : i32 to index
        %get3A_758 = arith.constant 0 : index
        %get3A_759 = tpu.vector_load %arg8[%get3A_756, %get3A_757, %get3A_758] {strides = array<i32>} : memref<8x200x16xf32, #tpu.memory_space<vmem>>, vector<16xf32>,
        %broadcast_in_dim3A_760 = arith.constant 3 : i32
        %broadcast_in_dim3A_761 = vector.broadcast %broadcast_in_dim3A_760 : i32 to vector<16xi32>
        tpu.vector_store_idx %arg9[%broadcast_in_dim3A_725, %shift_right_arithmetic3A_4, %broadcast_in_dim3A_5, %and3A_7, %broadcast_in_dim3A_761], %get3A_759 : memref<100x2x1x8x13xf32, #tpu.memory_space<vmem>>[vector<16xi32>, vector<16xi32>, vector<16xi32>, vector<16xi32>, vector<16xi32>], vector<16xf32>,
        %add3A_762 = arith.constant 0 : i32
        %add3A_763 = arith.addi %add3A_762, %scan3A_724 : i32
        %get3A_764 = arith.constant 4 : i32
        %get3A_765 = arith.index_cast %get3A_764 : i32 to index
        %get3A_766 = arith.index_cast %add3A_763 : i32 to index
        %get3A_767 = arith.constant 0 : index
        %get3A_768 = tpu.vector_load %arg8[%get3A_765, %get3A_766, %get3A_767] {strides = array<i32>} : memref<8x200x16xf32, #tpu.memory_space<vmem>>, vector<16xf32>,
        %broadcast_in_dim3A_769 = arith.constant 4 : i32
        %broadcast_in_dim3A_770 = vector.broadcast %broadcast_in_dim3A_769 : i32 to vector<16xi32>
        tpu.vector_store_idx %arg9[%broadcast_in_dim3A_725, %shift_right_arithmetic3A_4, %broadcast_in_dim3A_5, %and3A_7, %broadcast_in_dim3A_770], %get3A_768 : memref<100x2x1x8x13xf32, #tpu.memory_space<vmem>>[vector<16xi32>, vector<16xi32>, vector<16xi32>, vector<16xi32>, vector<16xi32>], vector<16xf32>,
        %add3A_771 = arith.constant 0 : i32
        %add3A_772 = arith.addi %add3A_771, %scan3A_724 : i32
        %get3A_773 = arith.constant 5 : i32
        %get3A_774 = arith.index_cast %get3A_773 : i32 to index
        %get3A_775 = arith.index_cast %add3A_772 : i32 to index
        %get3A_776 = arith.constant 0 : index
        %get3A_777 = tpu.vector_load %arg8[%get3A_774, %get3A_775, %get3A_776] {strides = array<i32>} : memref<8x200x16xf32, #tpu.memory_space<vmem>>, vector<16xf32>,
        %broadcast_in_dim3A_778 = arith.constant 5 : i32
        %broadcast_in_dim3A_779 = vector.broadcast %broadcast_in_dim3A_778 : i32 to vector<16xi32>
        tpu.vector_store_idx %arg9[%broadcast_in_dim3A_725, %shift_right_arithmetic3A_4, %broadcast_in_dim3A_5, %and3A_7, %broadcast_in_dim3A_779], %get3A_777 : memref<100x2x1x8x13xf32, #tpu.memory_space<vmem>>[vector<16xi32>, vector<16xi32>, vector<16xi32>, vector<16xi32>, vector<16xi32>], vector<16xf32>,
        %add3A_780 = arith.constant 0 : i32
        %add3A_781 = arith.addi %add3A_780, %scan3A_724 : i32
        %get3A_782 = arith.constant 6 : i32
        %get3A_783 = arith.index_cast %get3A_782 : i32 to index
        %get3A_784 = arith.index_cast %add3A_781 : i32 to index
        %get3A_785 = arith.constant 0 : index
        %get3A_786 = tpu.vector_load %arg8[%get3A_783, %get3A_784, %get3A_785] {strides = array<i32>} : memref<8x200x16xf32, #tpu.memory_space<vmem>>, vector<16xf32>,
        %broadcast_in_dim3A_787 = arith.constant 6 : i32
        %broadcast_in_dim3A_788 = vector.broadcast %broadcast_in_dim3A_787 : i32 to vector<16xi32>
        tpu.vector_store_idx %arg9[%broadcast_in_dim3A_725, %shift_right_arithmetic3A_4, %broadcast_in_dim3A_5, %and3A_7, %broadcast_in_dim3A_788], %get3A_786 : memref<100x2x1x8x13xf32, #tpu.memory_space<vmem>>[vector<16xi32>, vector<16xi32>, vector<16xi32>, vector<16xi32>, vector<16xi32>], vector<16xf32>,
        %add3A_789 = arith.constant 0 : i32
        %add3A_790 = arith.addi %add3A_789, %scan3A_724 : i32
        %get3A_791 = arith.constant 7 : i32
        %get3A_792 = arith.index_cast %get3A_791 : i32 to index
        %get3A_793 = arith.index_cast %add3A_790 : i32 to index
        %get3A_794 = arith.constant 0 : index
        %get3A_795 = tpu.vector_load %arg8[%get3A_792, %get3A_793, %get3A_794] {strides = array<i32>} : memref<8x200x16xf32, #tpu.memory_space<vmem>>, vector<16xf32>,
        %broadcast_in_dim3A_796 = arith.constant 7 : i32
        %broadcast_in_dim3A_797 = vector.broadcast %broadcast_in_dim3A_796 : i32 to vector<16xi32>
        tpu.vector_store_idx %arg9[%broadcast_in_dim3A_725, %shift_right_arithmetic3A_4, %broadcast_in_dim3A_5, %and3A_7, %broadcast_in_dim3A_797], %get3A_795 : memref<100x2x1x8x13xf32, #tpu.memory_space<vmem>>[vector<16xi32>, vector<16xi32>, vector<16xi32>, vector<16xi32>, vector<16xi32>], vector<16xf32>,
        %scan3A_798 = arith.constant 3 : i32
        %scan3A_799 = arith.addi %scan3A_575, %scan3A_798 : i32
        %broadcast_in_dim3A_800 = vector.broadcast %scan3A_799 : i32 to vector<16xi32>
        %add3A_801 = arith.constant 0 : i32
        %add3A_802 = arith.addi %add3A_801, %scan3A_799 : i32
        %get3A_803 = arith.constant 0 : i32
        %get3A_804 = arith.index_cast %get3A_803 : i32 to index
        %get3A_805 = arith.index_cast %add3A_802 : i32 to index
        %get3A_806 = arith.constant 0 : index
        %get3A_807 = tpu.vector_load %arg8[%get3A_804, %get3A_805, %get3A_806] {strides = array<i32>} : memref<8x200x16xf32, #tpu.memory_space<vmem>>, vector<16xf32>,
        %broadcast_in_dim3A_808 = arith.constant 0 : i32
        %broadcast_in_dim3A_809 = vector.broadcast %broadcast_in_dim3A_808 : i32 to vector<16xi32>
        tpu.vector_store_idx %arg9[%broadcast_in_dim3A_800, %shift_right_arithmetic3A_4, %broadcast_in_dim3A_5, %and3A_7, %broadcast_in_dim3A_809], %get3A_807 : memref<100x2x1x8x13xf32, #tpu.memory_space<vmem>>[vector<16xi32>, vector<16xi32>, vector<16xi32>, vector<16xi32>, vector<16xi32>], vector<16xf32>,
        %add3A_810 = arith.constant 0 : i32
        %add3A_811 = arith.addi %add3A_810, %scan3A_799 : i32
        %get3A_812 = arith.constant 1 : i32
        %get3A_813 = arith.index_cast %get3A_812 : i32 to index
        %get3A_814 = arith.index_cast %add3A_811 : i32 to index
        %get3A_815 = arith.constant 0 : index
        %get3A_816 = tpu.vector_load %arg8[%get3A_813, %get3A_814, %get3A_815] {strides = array<i32>} : memref<8x200x16xf32, #tpu.memory_space<vmem>>, vector<16xf32>,
        %broadcast_in_dim3A_817 = arith.constant 1 : i32
        %broadcast_in_dim3A_818 = vector.broadcast %broadcast_in_dim3A_817 : i32 to vector<16xi32>
        tpu.vector_store_idx %arg9[%broadcast_in_dim3A_800, %shift_right_arithmetic3A_4, %broadcast_in_dim3A_5, %and3A_7, %broadcast_in_dim3A_818], %get3A_816 : memref<100x2x1x8x13xf32, #tpu.memory_space<vmem>>[vector<16xi32>, vector<16xi32>, vector<16xi32>, vector<16xi32>, vector<16xi32>], vector<16xf32>,
        %add3A_819 = arith.constant 0 : i32
        %add3A_820 = arith.addi %add3A_819, %scan3A_799 : i32
        %get3A_821 = arith.constant 2 : i32
        %get3A_822 = arith.index_cast %get3A_821 : i32 to index
        %get3A_823 = arith.index_cast %add3A_820 : i32 to index
        %get3A_824 = arith.constant 0 : index
        %get3A_825 = tpu.vector_load %arg8[%get3A_822, %get3A_823, %get3A_824] {strides = array<i32>} : memref<8x200x16xf32, #tpu.memory_space<vmem>>, vector<16xf32>,
        %broadcast_in_dim3A_826 = arith.constant 2 : i32
        %broadcast_in_dim3A_827 = vector.broadcast %broadcast_in_dim3A_826 : i32 to vector<16xi32>
        tpu.vector_store_idx %arg9[%broadcast_in_dim3A_800, %shift_right_arithmetic3A_4, %broadcast_in_dim3A_5, %and3A_7, %broadcast_in_dim3A_827], %get3A_825 : memref<100x2x1x8x13xf32, #tpu.memory_space<vmem>>[vector<16xi32>, vector<16xi32>, vector<16xi32>, vector<16xi32>, vector<16xi32>], vector<16xf32>,
        %add3A_828 = arith.constant 0 : i32
        %add3A_829 = arith.addi %add3A_828, %scan3A_799 : i32
        %get3A_830 = arith.constant 3 : i32
        %get3A_831 = arith.index_cast %get3A_830 : i32 to index
        %get3A_832 = arith.index_cast %add3A_829 : i32 to index
        %get3A_833 = arith.constant 0 : index
        %get3A_834 = tpu.vector_load %arg8[%get3A_831, %get3A_832, %get3A_833] {strides = array<i32>} : memref<8x200x16xf32, #tpu.memory_space<vmem>>, vector<16xf32>,
        %broadcast_in_dim3A_835 = arith.constant 3 : i32
        %broadcast_in_dim3A_836 = vector.broadcast %broadcast_in_dim3A_835 : i32 to vector<16xi32>
        tpu.vector_store_idx %arg9[%broadcast_in_dim3A_800, %shift_right_arithmetic3A_4, %broadcast_in_dim3A_5, %and3A_7, %broadcast_in_dim3A_836], %get3A_834 : memref<100x2x1x8x13xf32, #tpu.memory_space<vmem>>[vector<16xi32>, vector<16xi32>, vector<16xi32>, vector<16xi32>, vector<16xi32>], vector<16xf32>,
        %add3A_837 = arith.constant 0 : i32
        %add3A_838 = arith.addi %add3A_837, %scan3A_799 : i32
        %get3A_839 = arith.constant 4 : i32
        %get3A_840 = arith.index_cast %get3A_839 : i32 to index
        %get3A_841 = arith.index_cast %add3A_838 : i32 to index
        %get3A_842 = arith.constant 0 : index
        %get3A_843 = tpu.vector_load %arg8[%get3A_840, %get3A_841, %get3A_842] {strides = array<i32>} : memref<8x200x16xf32, #tpu.memory_space<vmem>>, vector<16xf32>,
        %broadcast_in_dim3A_844 = arith.constant 4 : i32
        %broadcast_in_dim3A_845 = vector.broadcast %broadcast_in_dim3A_844 : i32 to vector<16xi32>
        tpu.vector_store_idx %arg9[%broadcast_in_dim3A_800, %shift_right_arithmetic3A_4, %broadcast_in_dim3A_5, %and3A_7, %broadcast_in_dim3A_845], %get3A_843 : memref<100x2x1x8x13xf32, #tpu.memory_space<vmem>>[vector<16xi32>, vector<16xi32>, vector<16xi32>, vector<16xi32>, vector<16xi32>], vector<16xf32>,
        %add3A_846 = arith.constant 0 : i32
        %add3A_847 = arith.addi %add3A_846, %scan3A_799 : i32
        %get3A_848 = arith.constant 5 : i32
        %get3A_849 = arith.index_cast %get3A_848 : i32 to index
        %get3A_850 = arith.index_cast %add3A_847 : i32 to index
        %get3A_851 = arith.constant 0 : index
        %get3A_852 = tpu.vector_load %arg8[%get3A_849, %get3A_850, %get3A_851] {strides = array<i32>} : memref<8x200x16xf32, #tpu.memory_space<vmem>>, vector<16xf32>,
        %broadcast_in_dim3A_853 = arith.constant 5 : i32
        %broadcast_in_dim3A_854 = vector.broadcast %broadcast_in_dim3A_853 : i32 to vector<16xi32>
        tpu.vector_store_idx %arg9[%broadcast_in_dim3A_800, %shift_right_arithmetic3A_4, %broadcast_in_dim3A_5, %and3A_7, %broadcast_in_dim3A_854], %get3A_852 : memref<100x2x1x8x13xf32, #tpu.memory_space<vmem>>[vector<16xi32>, vector<16xi32>, vector<16xi32>, vector<16xi32>, vector<16xi32>], vector<16xf32>,
        %add3A_855 = arith.constant 0 : i32
        %add3A_856 = arith.addi %add3A_855, %scan3A_799 : i32
        %get3A_857 = arith.constant 6 : i32
        %get3A_858 = arith.index_cast %get3A_857 : i32 to index
        %get3A_859 = arith.index_cast %add3A_856 : i32 to index
        %get3A_860 = arith.constant 0 : index
        %get3A_861 = tpu.vector_load %arg8[%get3A_858, %get3A_859, %get3A_860] {strides = array<i32>} : memref<8x200x16xf32, #tpu.memory_space<vmem>>, vector<16xf32>,
        %broadcast_in_dim3A_862 = arith.constant 6 : i32
        %broadcast_in_dim3A_863 = vector.broadcast %broadcast_in_dim3A_862 : i32 to vector<16xi32>
        tpu.vector_store_idx %arg9[%broadcast_in_dim3A_800, %shift_right_arithmetic3A_4, %broadcast_in_dim3A_5, %and3A_7, %broadcast_in_dim3A_863], %get3A_861 : memref<100x2x1x8x13xf32, #tpu.memory_space<vmem>>[vector<16xi32>, vector<16xi32>, vector<16xi32>, vector<16xi32>, vector<16xi32>], vector<16xf32>,
        %add3A_864 = arith.constant 0 : i32
        %add3A_865 = arith.addi %add3A_864, %scan3A_799 : i32
        %get3A_866 = arith.constant 7 : i32
        %get3A_867 = arith.index_cast %get3A_866 : i32 to index
        %get3A_868 = arith.index_cast %add3A_865 : i32 to index
        %get3A_869 = arith.constant 0 : index
        %get3A_870 = tpu.vector_load %arg8[%get3A_867, %get3A_868, %get3A_869] {strides = array<i32>} : memref<8x200x16xf32, #tpu.memory_space<vmem>>, vector<16xf32>,
        %broadcast_in_dim3A_871 = arith.constant 7 : i32
        %broadcast_in_dim3A_872 = vector.broadcast %broadcast_in_dim3A_871 : i32 to vector<16xi32>
        tpu.vector_store_idx %arg9[%broadcast_in_dim3A_800, %shift_right_arithmetic3A_4, %broadcast_in_dim3A_5, %and3A_7, %broadcast_in_dim3A_872], %get3A_870 : memref<100x2x1x8x13xf32, #tpu.memory_space<vmem>>[vector<16xi32>, vector<16xi32>, vector<16xi32>, vector<16xi32>, vector<16xi32>], vector<16xf32>,
        %scan3A_873 = arith.constant 4 : i32
        %scan3A_874 = arith.addi %scan3A_575, %scan3A_873 : i32
        %broadcast_in_dim3A_875 = vector.broadcast %scan3A_874 : i32 to vector<16xi32>
        %add3A_876 = arith.constant 0 : i32
        %add3A_877 = arith.addi %add3A_876, %scan3A_874 : i32
        %get3A_878 = arith.constant 0 : i32
        %get3A_879 = arith.index_cast %get3A_878 : i32 to index
        %get3A_880 = arith.index_cast %add3A_877 : i32 to index
        %get3A_881 = arith.constant 0 : index
        %get3A_882 = tpu.vector_load %arg8[%get3A_879, %get3A_880, %get3A_881] {strides = array<i32>} : memref<8x200x16xf32, #tpu.memory_space<vmem>>, vector<16xf32>,
        %broadcast_in_dim3A_883 = arith.constant 0 : i32
        %broadcast_in_dim3A_884 = vector.broadcast %broadcast_in_dim3A_883 : i32 to vector<16xi32>
        tpu.vector_store_idx %arg9[%broadcast_in_dim3A_875, %shift_right_arithmetic3A_4, %broadcast_in_dim3A_5, %and3A_7, %broadcast_in_dim3A_884], %get3A_882 : memref<100x2x1x8x13xf32, #tpu.memory_space<vmem>>[vector<16xi32>, vector<16xi32>, vector<16xi32>, vector<16xi32>, vector<16xi32>], vector<16xf32>,
        %add3A_885 = arith.constant 0 : i32
        %add3A_886 = arith.addi %add3A_885, %scan3A_874 : i32
        %get3A_887 = arith.constant 1 : i32
        %get3A_888 = arith.index_cast %get3A_887 : i32 to index
        %get3A_889 = arith.index_cast %add3A_886 : i32 to index
        %get3A_890 = arith.constant 0 : index
        %get3A_891 = tpu.vector_load %arg8[%get3A_888, %get3A_889, %get3A_890] {strides = array<i32>} : memref<8x200x16xf32, #tpu.memory_space<vmem>>, vector<16xf32>,
        %broadcast_in_dim3A_892 = arith.constant 1 : i32
        %broadcast_in_dim3A_893 = vector.broadcast %broadcast_in_dim3A_892 : i32 to vector<16xi32>
        tpu.vector_store_idx %arg9[%broadcast_in_dim3A_875, %shift_right_arithmetic3A_4, %broadcast_in_dim3A_5, %and3A_7, %broadcast_in_dim3A_893], %get3A_891 : memref<100x2x1x8x13xf32, #tpu.memory_space<vmem>>[vector<16xi32>, vector<16xi32>, vector<16xi32>, vector<16xi32>, vector<16xi32>], vector<16xf32>,
        %add3A_894 = arith.constant 0 : i32
        %add3A_895 = arith.addi %add3A_894, %scan3A_874 : i32
        %get3A_896 = arith.constant 2 : i32
        %get3A_897 = arith.index_cast %get3A_896 : i32 to index
        %get3A_898 = arith.index_cast %add3A_895 : i32 to index
        %get3A_899 = arith.constant 0 : index
        %get3A_900 = tpu.vector_load %arg8[%get3A_897, %get3A_898, %get3A_899] {strides = array<i32>} : memref<8x200x16xf32, #tpu.memory_space<vmem>>, vector<16xf32>,
        %broadcast_in_dim3A_901 = arith.constant 2 : i32
        %broadcast_in_dim3A_902 = vector.broadcast %broadcast_in_dim3A_901 : i32 to vector<16xi32>
        tpu.vector_store_idx %arg9[%broadcast_in_dim3A_875, %shift_right_arithmetic3A_4, %broadcast_in_dim3A_5, %and3A_7, %broadcast_in_dim3A_902], %get3A_900 : memref<100x2x1x8x13xf32, #tpu.memory_space<vmem>>[vector<16xi32>, vector<16xi32>, vector<16xi32>, vector<16xi32>, vector<16xi32>], vector<16xf32>,
        %add3A_903 = arith.constant 0 : i32
        %add3A_904 = arith.addi %add3A_903, %scan3A_874 : i32
        %get3A_905 = arith.constant 3 : i32
        %get3A_906 = arith.index_cast %get3A_905 : i32 to index
        %get3A_907 = arith.index_cast %add3A_904 : i32 to index
        %get3A_908 = arith.constant 0 : index
        %get3A_909 = tpu.vector_load %arg8[%get3A_906, %get3A_907, %get3A_908] {strides = array<i32>} : memref<8x200x16xf32, #tpu.memory_space<vmem>>, vector<16xf32>,
        %broadcast_in_dim3A_910 = arith.constant 3 : i32
        %broadcast_in_dim3A_911 = vector.broadcast %broadcast_in_dim3A_910 : i32 to vector<16xi32>
        tpu.vector_store_idx %arg9[%broadcast_in_dim3A_875, %shift_right_arithmetic3A_4, %broadcast_in_dim3A_5, %and3A_7, %broadcast_in_dim3A_911], %get3A_909 : memref<100x2x1x8x13xf32, #tpu.memory_space<vmem>>[vector<16xi32>, vector<16xi32>, vector<16xi32>, vector<16xi32>, vector<16xi32>], vector<16xf32>,
        %add3A_912 = arith.constant 0 : i32
        %add3A_913 = arith.addi %add3A_912, %scan3A_874 : i32
        %get3A_914 = arith.constant 4 : i32
        %get3A_915 = arith.index_cast %get3A_914 : i32 to index
        %get3A_916 = arith.index_cast %add3A_913 : i32 to index
        %get3A_917 = arith.constant 0 : index
        %get3A_918 = tpu.vector_load %arg8[%get3A_915, %get3A_916, %get3A_917] {strides = array<i32>} : memref<8x200x16xf32, #tpu.memory_space<vmem>>, vector<16xf32>,
        %broadcast_in_dim3A_919 = arith.constant 4 : i32
        %broadcast_in_dim3A_920 = vector.broadcast %broadcast_in_dim3A_919 : i32 to vector<16xi32>
        tpu.vector_store_idx %arg9[%broadcast_in_dim3A_875, %shift_right_arithmetic3A_4, %broadcast_in_dim3A_5, %and3A_7, %broadcast_in_dim3A_920], %get3A_918 : memref<100x2x1x8x13xf32, #tpu.memory_space<vmem>>[vector<16xi32>, vector<16xi32>, vector<16xi32>, vector<16xi32>, vector<16xi32>], vector<16xf32>,
        %add3A_921 = arith.constant 0 : i32
        %add3A_922 = arith.addi %add3A_921, %scan3A_874 : i32
        %get3A_923 = arith.constant 5 : i32
        %get3A_924 = arith.index_cast %get3A_923 : i32 to index
        %get3A_925 = arith.index_cast %add3A_922 : i32 to index
        %get3A_926 = arith.constant 0 : index
        %get3A_927 = tpu.vector_load %arg8[%get3A_924, %get3A_925, %get3A_926] {strides = array<i32>} : memref<8x200x16xf32, #tpu.memory_space<vmem>>, vector<16xf32>,
        %broadcast_in_dim3A_928 = arith.constant 5 : i32
        %broadcast_in_dim3A_929 = vector.broadcast %broadcast_in_dim3A_928 : i32 to vector<16xi32>
        tpu.vector_store_idx %arg9[%broadcast_in_dim3A_875, %shift_right_arithmetic3A_4, %broadcast_in_dim3A_5, %and3A_7, %broadcast_in_dim3A_929], %get3A_927 : memref<100x2x1x8x13xf32, #tpu.memory_space<vmem>>[vector<16xi32>, vector<16xi32>, vector<16xi32>, vector<16xi32>, vector<16xi32>], vector<16xf32>,
        %add3A_930 = arith.constant 0 : i32
        %add3A_931 = arith.addi %add3A_930, %scan3A_874 : i32
        %get3A_932 = arith.constant 6 : i32
        %get3A_933 = arith.index_cast %get3A_932 : i32 to index
        %get3A_934 = arith.index_cast %add3A_931 : i32 to index
        %get3A_935 = arith.constant 0 : index
        %get3A_936 = tpu.vector_load %arg8[%get3A_933, %get3A_934, %get3A_935] {strides = array<i32>} : memref<8x200x16xf32, #tpu.memory_space<vmem>>, vector<16xf32>,
        %broadcast_in_dim3A_937 = arith.constant 6 : i32
        %broadcast_in_dim3A_938 = vector.broadcast %broadcast_in_dim3A_937 : i32 to vector<16xi32>
        tpu.vector_store_idx %arg9[%broadcast_in_dim3A_875, %shift_right_arithmetic3A_4, %broadcast_in_dim3A_5, %and3A_7, %broadcast_in_dim3A_938], %get3A_936 : memref<100x2x1x8x13xf32, #tpu.memory_space<vmem>>[vector<16xi32>, vector<16xi32>, vector<16xi32>, vector<16xi32>, vector<16xi32>], vector<16xf32>,
        %add3A_939 = arith.constant 0 : i32
        %add3A_940 = arith.addi %add3A_939, %scan3A_874 : i32
        %get3A_941 = arith.constant 7 : i32
        %get3A_942 = arith.index_cast %get3A_941 : i32 to index
        %get3A_943 = arith.index_cast %add3A_940 : i32 to index
        %get3A_944 = arith.constant 0 : index
        %get3A_945 = tpu.vector_load %arg8[%get3A_942, %get3A_943, %get3A_944] {strides = array<i32>} : memref<8x200x16xf32, #tpu.memory_space<vmem>>, vector<16xf32>,
        %broadcast_in_dim3A_946 = arith.constant 7 : i32
        %broadcast_in_dim3A_947 = vector.broadcast %broadcast_in_dim3A_946 : i32 to vector<16xi32>
        tpu.vector_store_idx %arg9[%broadcast_in_dim3A_875, %shift_right_arithmetic3A_4, %broadcast_in_dim3A_5, %and3A_7, %broadcast_in_dim3A_947], %get3A_945 : memref<100x2x1x8x13xf32, #tpu.memory_space<vmem>>[vector<16xi32>, vector<16xi32>, vector<16xi32>, vector<16xi32>, vector<16xi32>], vector<16xf32>,
        %scan3A_948 = arith.constant 5 : i32
        %scan3A_949 = arith.addi %scan3A_575, %scan3A_948 : i32
        %broadcast_in_dim3A_950 = vector.broadcast %scan3A_949 : i32 to vector<16xi32>
        %add3A_951 = arith.constant 0 : i32
        %add3A_952 = arith.addi %add3A_951, %scan3A_949 : i32
        %get3A_953 = arith.constant 0 : i32
        %get3A_954 = arith.index_cast %get3A_953 : i32 to index
        %get3A_955 = arith.index_cast %add3A_952 : i32 to index
        %get3A_956 = arith.constant 0 : index
        %get3A_957 = tpu.vector_load %arg8[%get3A_954, %get3A_955, %get3A_956] {strides = array<i32>} : memref<8x200x16xf32, #tpu.memory_space<vmem>>, vector<16xf32>,
        %broadcast_in_dim3A_958 = arith.constant 0 : i32
        %broadcast_in_dim3A_959 = vector.broadcast %broadcast_in_dim3A_958 : i32 to vector<16xi32>
        tpu.vector_store_idx %arg9[%broadcast_in_dim3A_950, %shift_right_arithmetic3A_4, %broadcast_in_dim3A_5, %and3A_7, %broadcast_in_dim3A_959], %get3A_957 : memref<100x2x1x8x13xf32, #tpu.memory_space<vmem>>[vector<16xi32>, vector<16xi32>, vector<16xi32>, vector<16xi32>, vector<16xi32>], vector<16xf32>,
        %add3A_960 = arith.constant 0 : i32
        %add3A_961 = arith.addi %add3A_960, %scan3A_949 : i32
        %get3A_962 = arith.constant 1 : i32
        %get3A_963 = arith.index_cast %get3A_962 : i32 to index
        %get3A_964 = arith.index_cast %add3A_961 : i32 to index
        %get3A_965 = arith.constant 0 : index
        %get3A_966 = tpu.vector_load %arg8[%get3A_963, %get3A_964, %get3A_965] {strides = array<i32>} : memref<8x200x16xf32, #tpu.memory_space<vmem>>, vector<16xf32>,
        %broadcast_in_dim3A_967 = arith.constant 1 : i32
        %broadcast_in_dim3A_968 = vector.broadcast %broadcast_in_dim3A_967 : i32 to vector<16xi32>
        tpu.vector_store_idx %arg9[%broadcast_in_dim3A_950, %shift_right_arithmetic3A_4, %broadcast_in_dim3A_5, %and3A_7, %broadcast_in_dim3A_968], %get3A_966 : memref<100x2x1x8x13xf32, #tpu.memory_space<vmem>>[vector<16xi32>, vector<16xi32>, vector<16xi32>, vector<16xi32>, vector<16xi32>], vector<16xf32>,
        %add3A_969 = arith.constant 0 : i32
        %add3A_970 = arith.addi %add3A_969, %scan3A_949 : i32
        %get3A_971 = arith.constant 2 : i32
        %get3A_972 = arith.index_cast %get3A_971 : i32 to index
        %get3A_973 = arith.index_cast %add3A_970 : i32 to index
        %get3A_974 = arith.constant 0 : index
        %get3A_975 = tpu.vector_load %arg8[%get3A_972, %get3A_973, %get3A_974] {strides = array<i32>} : memref<8x200x16xf32, #tpu.memory_space<vmem>>, vector<16xf32>,
        %broadcast_in_dim3A_976 = arith.constant 2 : i32
        %broadcast_in_dim3A_977 = vector.broadcast %broadcast_in_dim3A_976 : i32 to vector<16xi32>
        tpu.vector_store_idx %arg9[%broadcast_in_dim3A_950, %shift_right_arithmetic3A_4, %broadcast_in_dim3A_5, %and3A_7, %broadcast_in_dim3A_977], %get3A_975 : memref<100x2x1x8x13xf32, #tpu.memory_space<vmem>>[vector<16xi32>, vector<16xi32>, vector<16xi32>, vector<16xi32>, vector<16xi32>], vector<16xf32>,
        %add3A_978 = arith.constant 0 : i32
        %add3A_979 = arith.addi %add3A_978, %scan3A_949 : i32
        %get3A_980 = arith.constant 3 : i32
        %get3A_981 = arith.index_cast %get3A_980 : i32 to index
        %get3A_982 = arith.index_cast %add3A_979 : i32 to index
        %get3A_983 = arith.constant 0 : index
        %get3A_984 = tpu.vector_load %arg8[%get3A_981, %get3A_982, %get3A_983] {strides = array<i32>} : memref<8x200x16xf32, #tpu.memory_space<vmem>>, vector<16xf32>,
        %broadcast_in_dim3A_985 = arith.constant 3 : i32
        %broadcast_in_dim3A_986 = vector.broadcast %broadcast_in_dim3A_985 : i32 to vector<16xi32>
        tpu.vector_store_idx %arg9[%broadcast_in_dim3A_950, %shift_right_arithmetic3A_4, %broadcast_in_dim3A_5, %and3A_7, %broadcast_in_dim3A_986], %get3A_984 : memref<100x2x1x8x13xf32, #tpu.memory_space<vmem>>[vector<16xi32>, vector<16xi32>, vector<16xi32>, vector<16xi32>, vector<16xi32>], vector<16xf32>,
        %add3A_987 = arith.constant 0 : i32
        %add3A_988 = arith.addi %add3A_987, %scan3A_949 : i32
        %get3A_989 = arith.constant 4 : i32
        %get3A_990 = arith.index_cast %get3A_989 : i32 to index
        %get3A_991 = arith.index_cast %add3A_988 : i32 to index
        %get3A_992 = arith.constant 0 : index
        %get3A_993 = tpu.vector_load %arg8[%get3A_990, %get3A_991, %get3A_992] {strides = array<i32>} : memref<8x200x16xf32, #tpu.memory_space<vmem>>, vector<16xf32>,
        %broadcast_in_dim3A_994 = arith.constant 4 : i32
        %broadcast_in_dim3A_995 = vector.broadcast %broadcast_in_dim3A_994 : i32 to vector<16xi32>
        tpu.vector_store_idx %arg9[%broadcast_in_dim3A_950, %shift_right_arithmetic3A_4, %broadcast_in_dim3A_5, %and3A_7, %broadcast_in_dim3A_995], %get3A_993 : memref<100x2x1x8x13xf32, #tpu.memory_space<vmem>>[vector<16xi32>, vector<16xi32>, vector<16xi32>, vector<16xi32>, vector<16xi32>], vector<16xf32>,
        %add3A_996 = arith.constant 0 : i32
        %add3A_997 = arith.addi %add3A_996, %scan3A_949 : i32
        %get3A_998 = arith.constant 5 : i32
        %get3A_999 = arith.index_cast %get3A_998 : i32 to index
        %get3A_1000 = arith.index_cast %add3A_997 : i32 to index
        %get3A_1001 = arith.constant 0 : index
        %get3A_1002 = tpu.vector_load %arg8[%get3A_999, %get3A_1000, %get3A_1001] {strides = array<i32>} : memref<8x200x16xf32, #tpu.memory_space<vmem>>, vector<16xf32>,
        %broadcast_in_dim3A_1003 = arith.constant 5 : i32
        %broadcast_in_dim3A_1004 = vector.broadcast %broadcast_in_dim3A_1003 : i32 to vector<16xi32>
        tpu.vector_store_idx %arg9[%broadcast_in_dim3A_950, %shift_right_arithmetic3A_4, %broadcast_in_dim3A_5, %and3A_7, %broadcast_in_dim3A_1004], %get3A_1002 : memref<100x2x1x8x13xf32, #tpu.memory_space<vmem>>[vector<16xi32>, vector<16xi32>, vector<16xi32>, vector<16xi32>, vector<16xi32>], vector<16xf32>,
        %add3A_1005 = arith.constant 0 : i32
        %add3A_1006 = arith.addi %add3A_1005, %scan3A_949 : i32
        %get3A_1007 = arith.constant 6 : i32
        %get3A_1008 = arith.index_cast %get3A_1007 : i32 to index
        %get3A_1009 = arith.index_cast %add3A_1006 : i32 to index
        %get3A_1010 = arith.constant 0 : index
        %get3A_1011 = tpu.vector_load %arg8[%get3A_1008, %get3A_1009, %get3A_1010] {strides = array<i32>} : memref<8x200x16xf32, #tpu.memory_space<vmem>>, vector<16xf32>,
        %broadcast_in_dim3A_1012 = arith.constant 6 : i32
        %broadcast_in_dim3A_1013 = vector.broadcast %broadcast_in_dim3A_1012 : i32 to vector<16xi32>
        tpu.vector_store_idx %arg9[%broadcast_in_dim3A_950, %shift_right_arithmetic3A_4, %broadcast_in_dim3A_5, %and3A_7, %broadcast_in_dim3A_1013], %get3A_1011 : memref<100x2x1x8x13xf32, #tpu.memory_space<vmem>>[vector<16xi32>, vector<16xi32>, vector<16xi32>, vector<16xi32>, vector<16xi32>], vector<16xf32>,
        %add3A_1014 = arith.constant 0 : i32
        %add3A_1015 = arith.addi %add3A_1014, %scan3A_949 : i32
        %get3A_1016 = arith.constant 7 : i32
        %get3A_1017 = arith.index_cast %get3A_1016 : i32 to index
        %get3A_1018 = arith.index_cast %add3A_1015 : i32 to index
        %get3A_1019 = arith.constant 0 : index
        %get3A_1020 = tpu.vector_load %arg8[%get3A_1017, %get3A_1018, %get3A_1019] {strides = array<i32>} : memref<8x200x16xf32, #tpu.memory_space<vmem>>, vector<16xf32>,
        %broadcast_in_dim3A_1021 = arith.constant 7 : i32
        %broadcast_in_dim3A_1022 = vector.broadcast %broadcast_in_dim3A_1021 : i32 to vector<16xi32>
        tpu.vector_store_idx %arg9[%broadcast_in_dim3A_950, %shift_right_arithmetic3A_4, %broadcast_in_dim3A_5, %and3A_7, %broadcast_in_dim3A_1022], %get3A_1020 : memref<100x2x1x8x13xf32, #tpu.memory_space<vmem>>[vector<16xi32>, vector<16xi32>, vector<16xi32>, vector<16xi32>, vector<16xi32>], vector<16xf32>,
        %scan3A_1023 = arith.constant 6 : i32
        %scan3A_1024 = arith.addi %scan3A_575, %scan3A_1023 : i32
        %broadcast_in_dim3A_1025 = vector.broadcast %scan3A_1024 : i32 to vector<16xi32>
        %add3A_1026 = arith.constant 0 : i32
        %add3A_1027 = arith.addi %add3A_1026, %scan3A_1024 : i32
        %get3A_1028 = arith.constant 0 : i32
        %get3A_1029 = arith.index_cast %get3A_1028 : i32 to index
        %get3A_1030 = arith.index_cast %add3A_1027 : i32 to index
        %get3A_1031 = arith.constant 0 : index
        %get3A_1032 = tpu.vector_load %arg8[%get3A_1029, %get3A_1030, %get3A_1031] {strides = array<i32>} : memref<8x200x16xf32, #tpu.memory_space<vmem>>, vector<16xf32>,
        %broadcast_in_dim3A_1033 = arith.constant 0 : i32
        %broadcast_in_dim3A_1034 = vector.broadcast %broadcast_in_dim3A_1033 : i32 to vector<16xi32>
        tpu.vector_store_idx %arg9[%broadcast_in_dim3A_1025, %shift_right_arithmetic3A_4, %broadcast_in_dim3A_5, %and3A_7, %broadcast_in_dim3A_1034], %get3A_1032 : memref<100x2x1x8x13xf32, #tpu.memory_space<vmem>>[vector<16xi32>, vector<16xi32>, vector<16xi32>, vector<16xi32>, vector<16xi32>], vector<16xf32>,
        %add3A_1035 = arith.constant 0 : i32
        %add3A_1036 = arith.addi %add3A_1035, %scan3A_1024 : i32
        %get3A_1037 = arith.constant 1 : i32
        %get3A_1038 = arith.index_cast %get3A_1037 : i32 to index
        %get3A_1039 = arith.index_cast %add3A_1036 : i32 to index
        %get3A_1040 = arith.constant 0 : index
        %get3A_1041 = tpu.vector_load %arg8[%get3A_1038, %get3A_1039, %get3A_1040] {strides = array<i32>} : memref<8x200x16xf32, #tpu.memory_space<vmem>>, vector<16xf32>,
        %broadcast_in_dim3A_1042 = arith.constant 1 : i32
        %broadcast_in_dim3A_1043 = vector.broadcast %broadcast_in_dim3A_1042 : i32 to vector<16xi32>
        tpu.vector_store_idx %arg9[%broadcast_in_dim3A_1025, %shift_right_arithmetic3A_4, %broadcast_in_dim3A_5, %and3A_7, %broadcast_in_dim3A_1043], %get3A_1041 : memref<100x2x1x8x13xf32, #tpu.memory_space<vmem>>[vector<16xi32>, vector<16xi32>, vector<16xi32>, vector<16xi32>, vector<16xi32>], vector<16xf32>,
        %add3A_1044 = arith.constant 0 : i32
        %add3A_1045 = arith.addi %add3A_1044, %scan3A_1024 : i32
        %get3A_1046 = arith.constant 2 : i32
        %get3A_1047 = arith.index_cast %get3A_1046 : i32 to index
        %get3A_1048 = arith.index_cast %add3A_1045 : i32 to index
        %get3A_1049 = arith.constant 0 : index
        %get3A_1050 = tpu.vector_load %arg8[%get3A_1047, %get3A_1048, %get3A_1049] {strides = array<i32>} : memref<8x200x16xf32, #tpu.memory_space<vmem>>, vector<16xf32>,
        %broadcast_in_dim3A_1051 = arith.constant 2 : i32
        %broadcast_in_dim3A_1052 = vector.broadcast %broadcast_in_dim3A_1051 : i32 to vector<16xi32>
        tpu.vector_store_idx %arg9[%broadcast_in_dim3A_1025, %shift_right_arithmetic3A_4, %broadcast_in_dim3A_5, %and3A_7, %broadcast_in_dim3A_1052], %get3A_1050 : memref<100x2x1x8x13xf32, #tpu.memory_space<vmem>>[vector<16xi32>, vector<16xi32>, vector<16xi32>, vector<16xi32>, vector<16xi32>], vector<16xf32>,
        %add3A_1053 = arith.constant 0 : i32
        %add3A_1054 = arith.addi %add3A_1053, %scan3A_1024 : i32
        %get3A_1055 = arith.constant 3 : i32
        %get3A_1056 = arith.index_cast %get3A_1055 : i32 to index
        %get3A_1057 = arith.index_cast %add3A_1054 : i32 to index
        %get3A_1058 = arith.constant 0 : index
        %get3A_1059 = tpu.vector_load %arg8[%get3A_1056, %get3A_1057, %get3A_1058] {strides = array<i32>} : memref<8x200x16xf32, #tpu.memory_space<vmem>>, vector<16xf32>,
        %broadcast_in_dim3A_1060 = arith.constant 3 : i32
        %broadcast_in_dim3A_1061 = vector.broadcast %broadcast_in_dim3A_1060 : i32 to vector<16xi32>
        tpu.vector_store_idx %arg9[%broadcast_in_dim3A_1025, %shift_right_arithmetic3A_4, %broadcast_in_dim3A_5, %and3A_7, %broadcast_in_dim3A_1061], %get3A_1059 : memref<100x2x1x8x13xf32, #tpu.memory_space<vmem>>[vector<16xi32>, vector<16xi32>, vector<16xi32>, vector<16xi32>, vector<16xi32>], vector<16xf32>,
        %add3A_1062 = arith.constant 0 : i32
        %add3A_1063 = arith.addi %add3A_1062, %scan3A_1024 : i32
        %get3A_1064 = arith.constant 4 : i32
        %get3A_1065 = arith.index_cast %get3A_1064 : i32 to index
        %get3A_1066 = arith.index_cast %add3A_1063 : i32 to index
        %get3A_1067 = arith.constant 0 : index
        %get3A_1068 = tpu.vector_load %arg8[%get3A_1065, %get3A_1066, %get3A_1067] {strides = array<i32>} : memref<8x200x16xf32, #tpu.memory_space<vmem>>, vector<16xf32>,
        %broadcast_in_dim3A_1069 = arith.constant 4 : i32
        %broadcast_in_dim3A_1070 = vector.broadcast %broadcast_in_dim3A_1069 : i32 to vector<16xi32>
        tpu.vector_store_idx %arg9[%broadcast_in_dim3A_1025, %shift_right_arithmetic3A_4, %broadcast_in_dim3A_5, %and3A_7, %broadcast_in_dim3A_1070], %get3A_1068 : memref<100x2x1x8x13xf32, #tpu.memory_space<vmem>>[vector<16xi32>, vector<16xi32>, vector<16xi32>, vector<16xi32>, vector<16xi32>], vector<16xf32>,
        %add3A_1071 = arith.constant 0 : i32
        %add3A_1072 = arith.addi %add3A_1071, %scan3A_1024 : i32
        %get3A_1073 = arith.constant 5 : i32
        %get3A_1074 = arith.index_cast %get3A_1073 : i32 to index
        %get3A_1075 = arith.index_cast %add3A_1072 : i32 to index
        %get3A_1076 = arith.constant 0 : index
        %get3A_1077 = tpu.vector_load %arg8[%get3A_1074, %get3A_1075, %get3A_1076] {strides = array<i32>} : memref<8x200x16xf32, #tpu.memory_space<vmem>>, vector<16xf32>,
        %broadcast_in_dim3A_1078 = arith.constant 5 : i32
        %broadcast_in_dim3A_1079 = vector.broadcast %broadcast_in_dim3A_1078 : i32 to vector<16xi32>
        tpu.vector_store_idx %arg9[%broadcast_in_dim3A_1025, %shift_right_arithmetic3A_4, %broadcast_in_dim3A_5, %and3A_7, %broadcast_in_dim3A_1079], %get3A_1077 : memref<100x2x1x8x13xf32, #tpu.memory_space<vmem>>[vector<16xi32>, vector<16xi32>, vector<16xi32>, vector<16xi32>, vector<16xi32>], vector<16xf32>,
        %add3A_1080 = arith.constant 0 : i32
        %add3A_1081 = arith.addi %add3A_1080, %scan3A_1024 : i32
        %get3A_1082 = arith.constant 6 : i32
        %get3A_1083 = arith.index_cast %get3A_1082 : i32 to index
        %get3A_1084 = arith.index_cast %add3A_1081 : i32 to index
        %get3A_1085 = arith.constant 0 : index
        %get3A_1086 = tpu.vector_load %arg8[%get3A_1083, %get3A_1084, %get3A_1085] {strides = array<i32>} : memref<8x200x16xf32, #tpu.memory_space<vmem>>, vector<16xf32>,
        %broadcast_in_dim3A_1087 = arith.constant 6 : i32
        %broadcast_in_dim3A_1088 = vector.broadcast %broadcast_in_dim3A_1087 : i32 to vector<16xi32>
        tpu.vector_store_idx %arg9[%broadcast_in_dim3A_1025, %shift_right_arithmetic3A_4, %broadcast_in_dim3A_5, %and3A_7, %broadcast_in_dim3A_1088], %get3A_1086 : memref<100x2x1x8x13xf32, #tpu.memory_space<vmem>>[vector<16xi32>, vector<16xi32>, vector<16xi32>, vector<16xi32>, vector<16xi32>], vector<16xf32>,
        %add3A_1089 = arith.constant 0 : i32
        %add3A_1090 = arith.addi %add3A_1089, %scan3A_1024 : i32
        %get3A_1091 = arith.constant 7 : i32
        %get3A_1092 = arith.index_cast %get3A_1091 : i32 to index
        %get3A_1093 = arith.index_cast %add3A_1090 : i32 to index
        %get3A_1094 = arith.constant 0 : index
        %get3A_1095 = tpu.vector_load %arg8[%get3A_1092, %get3A_1093, %get3A_1094] {strides = array<i32>} : memref<8x200x16xf32, #tpu.memory_space<vmem>>, vector<16xf32>,
        %broadcast_in_dim3A_1096 = arith.constant 7 : i32
        %broadcast_in_dim3A_1097 = vector.broadcast %broadcast_in_dim3A_1096 : i32 to vector<16xi32>
        tpu.vector_store_idx %arg9[%broadcast_in_dim3A_1025, %shift_right_arithmetic3A_4, %broadcast_in_dim3A_5, %and3A_7, %broadcast_in_dim3A_1097], %get3A_1095 : memref<100x2x1x8x13xf32, #tpu.memory_space<vmem>>[vector<16xi32>, vector<16xi32>, vector<16xi32>, vector<16xi32>, vector<16xi32>], vector<16xf32>,
        %scan3A_1098 = arith.constant 7 : i32
        %scan3A_1099 = arith.addi %scan3A_575, %scan3A_1098 : i32
        %broadcast_in_dim3A_1100 = vector.broadcast %scan3A_1099 : i32 to vector<16xi32>
        %add3A_1101 = arith.constant 0 : i32
        %add3A_1102 = arith.addi %add3A_1101, %scan3A_1099 : i32
        %get3A_1103 = arith.constant 0 : i32
        %get3A_1104 = arith.index_cast %get3A_1103 : i32 to index
        %get3A_1105 = arith.index_cast %add3A_1102 : i32 to index
        %get3A_1106 = arith.constant 0 : index
        %get3A_1107 = tpu.vector_load %arg8[%get3A_1104, %get3A_1105, %get3A_1106] {strides = array<i32>} : memref<8x200x16xf32, #tpu.memory_space<vmem>>, vector<16xf32>,
        %broadcast_in_dim3A_1108 = arith.constant 0 : i32
        %broadcast_in_dim3A_1109 = vector.broadcast %broadcast_in_dim3A_1108 : i32 to vector<16xi32>
        tpu.vector_store_idx %arg9[%broadcast_in_dim3A_1100, %shift_right_arithmetic3A_4, %broadcast_in_dim3A_5, %and3A_7, %broadcast_in_dim3A_1109], %get3A_1107 : memref<100x2x1x8x13xf32, #tpu.memory_space<vmem>>[vector<16xi32>, vector<16xi32>, vector<16xi32>, vector<16xi32>, vector<16xi32>], vector<16xf32>,
        %add3A_1110 = arith.constant 0 : i32
        %add3A_1111 = arith.addi %add3A_1110, %scan3A_1099 : i32
        %get3A_1112 = arith.constant 1 : i32
        %get3A_1113 = arith.index_cast %get3A_1112 : i32 to index
        %get3A_1114 = arith.index_cast %add3A_1111 : i32 to index
        %get3A_1115 = arith.constant 0 : index
        %get3A_1116 = tpu.vector_load %arg8[%get3A_1113, %get3A_1114, %get3A_1115] {strides = array<i32>} : memref<8x200x16xf32, #tpu.memory_space<vmem>>, vector<16xf32>,
        %broadcast_in_dim3A_1117 = arith.constant 1 : i32
        %broadcast_in_dim3A_1118 = vector.broadcast %broadcast_in_dim3A_1117 : i32 to vector<16xi32>
        tpu.vector_store_idx %arg9[%broadcast_in_dim3A_1100, %shift_right_arithmetic3A_4, %broadcast_in_dim3A_5, %and3A_7, %broadcast_in_dim3A_1118], %get3A_1116 : memref<100x2x1x8x13xf32, #tpu.memory_space<vmem>>[vector<16xi32>, vector<16xi32>, vector<16xi32>, vector<16xi32>, vector<16xi32>], vector<16xf32>,
        %add3A_1119 = arith.constant 0 : i32
        %add3A_1120 = arith.addi %add3A_1119, %scan3A_1099 : i32
        %get3A_1121 = arith.constant 2 : i32
        %get3A_1122 = arith.index_cast %get3A_1121 : i32 to index
        %get3A_1123 = arith.index_cast %add3A_1120 : i32 to index
        %get3A_1124 = arith.constant 0 : index
        %get3A_1125 = tpu.vector_load %arg8[%get3A_1122, %get3A_1123, %get3A_1124] {strides = array<i32>} : memref<8x200x16xf32, #tpu.memory_space<vmem>>, vector<16xf32>,
        %broadcast_in_dim3A_1126 = arith.constant 2 : i32
        %broadcast_in_dim3A_1127 = vector.broadcast %broadcast_in_dim3A_1126 : i32 to vector<16xi32>
        tpu.vector_store_idx %arg9[%broadcast_in_dim3A_1100, %shift_right_arithmetic3A_4, %broadcast_in_dim3A_5, %and3A_7, %broadcast_in_dim3A_1127], %get3A_1125 : memref<100x2x1x8x13xf32, #tpu.memory_space<vmem>>[vector<16xi32>, vector<16xi32>, vector<16xi32>, vector<16xi32>, vector<16xi32>], vector<16xf32>,
        %add3A_1128 = arith.constant 0 : i32
        %add3A_1129 = arith.addi %add3A_1128, %scan3A_1099 : i32
        %get3A_1130 = arith.constant 3 : i32
        %get3A_1131 = arith.index_cast %get3A_1130 : i32 to index
        %get3A_1132 = arith.index_cast %add3A_1129 : i32 to index
        %get3A_1133 = arith.constant 0 : index
        %get3A_1134 = tpu.vector_load %arg8[%get3A_1131, %get3A_1132, %get3A_1133] {strides = array<i32>} : memref<8x200x16xf32, #tpu.memory_space<vmem>>, vector<16xf32>,
        %broadcast_in_dim3A_1135 = arith.constant 3 : i32
        %broadcast_in_dim3A_1136 = vector.broadcast %broadcast_in_dim3A_1135 : i32 to vector<16xi32>
        tpu.vector_store_idx %arg9[%broadcast_in_dim3A_1100, %shift_right_arithmetic3A_4, %broadcast_in_dim3A_5, %and3A_7, %broadcast_in_dim3A_1136], %get3A_1134 : memref<100x2x1x8x13xf32, #tpu.memory_space<vmem>>[vector<16xi32>, vector<16xi32>, vector<16xi32>, vector<16xi32>, vector<16xi32>], vector<16xf32>,
        %add3A_1137 = arith.constant 0 : i32
        %add3A_1138 = arith.addi %add3A_1137, %scan3A_1099 : i32
        %get3A_1139 = arith.constant 4 : i32
        %get3A_1140 = arith.index_cast %get3A_1139 : i32 to index
        %get3A_1141 = arith.index_cast %add3A_1138 : i32 to index
        %get3A_1142 = arith.constant 0 : index
        %get3A_1143 = tpu.vector_load %arg8[%get3A_1140, %get3A_1141, %get3A_1142] {strides = array<i32>} : memref<8x200x16xf32, #tpu.memory_space<vmem>>, vector<16xf32>,
        %broadcast_in_dim3A_1144 = arith.constant 4 : i32
        %broadcast_in_dim3A_1145 = vector.broadcast %broadcast_in_dim3A_1144 : i32 to vector<16xi32>
        tpu.vector_store_idx %arg9[%broadcast_in_dim3A_1100, %shift_right_arithmetic3A_4, %broadcast_in_dim3A_5, %and3A_7, %broadcast_in_dim3A_1145], %get3A_1143 : memref<100x2x1x8x13xf32, #tpu.memory_space<vmem>>[vector<16xi32>, vector<16xi32>, vector<16xi32>, vector<16xi32>, vector<16xi32>], vector<16xf32>,
        %add3A_1146 = arith.constant 0 : i32
        %add3A_1147 = arith.addi %add3A_1146, %scan3A_1099 : i32
        %get3A_1148 = arith.constant 5 : i32
        %get3A_1149 = arith.index_cast %get3A_1148 : i32 to index
        %get3A_1150 = arith.index_cast %add3A_1147 : i32 to index
        %get3A_1151 = arith.constant 0 : index
        %get3A_1152 = tpu.vector_load %arg8[%get3A_1149, %get3A_1150, %get3A_1151] {strides = array<i32>} : memref<8x200x16xf32, #tpu.memory_space<vmem>>, vector<16xf32>,
        %broadcast_in_dim3A_1153 = arith.constant 5 : i32
        %broadcast_in_dim3A_1154 = vector.broadcast %broadcast_in_dim3A_1153 : i32 to vector<16xi32>
        tpu.vector_store_idx %arg9[%broadcast_in_dim3A_1100, %shift_right_arithmetic3A_4, %broadcast_in_dim3A_5, %and3A_7, %broadcast_in_dim3A_1154], %get3A_1152 : memref<100x2x1x8x13xf32, #tpu.memory_space<vmem>>[vector<16xi32>, vector<16xi32>, vector<16xi32>, vector<16xi32>, vector<16xi32>], vector<16xf32>,
        %add3A_1155 = arith.constant 0 : i32
        %add3A_1156 = arith.addi %add3A_1155, %scan3A_1099 : i32
        %get3A_1157 = arith.constant 6 : i32
        %get3A_1158 = arith.index_cast %get3A_1157 : i32 to index
        %get3A_1159 = arith.index_cast %add3A_1156 : i32 to index
        %get3A_1160 = arith.constant 0 : index
        %get3A_1161 = tpu.vector_load %arg8[%get3A_1158, %get3A_1159, %get3A_1160] {strides = array<i32>} : memref<8x200x16xf32, #tpu.memory_space<vmem>>, vector<16xf32>,
        %broadcast_in_dim3A_1162 = arith.constant 6 : i32
        %broadcast_in_dim3A_1163 = vector.broadcast %broadcast_in_dim3A_1162 : i32 to vector<16xi32>
        tpu.vector_store_idx %arg9[%broadcast_in_dim3A_1100, %shift_right_arithmetic3A_4, %broadcast_in_dim3A_5, %and3A_7, %broadcast_in_dim3A_1163], %get3A_1161 : memref<100x2x1x8x13xf32, #tpu.memory_space<vmem>>[vector<16xi32>, vector<16xi32>, vector<16xi32>, vector<16xi32>, vector<16xi32>], vector<16xf32>,
        %add3A_1164 = arith.constant 0 : i32
        %add3A_1165 = arith.addi %add3A_1164, %scan3A_1099 : i32
        %get3A_1166 = arith.constant 7 : i32
        %get3A_1167 = arith.index_cast %get3A_1166 : i32 to index
        %get3A_1168 = arith.index_cast %add3A_1165 : i32 to index
        %get3A_1169 = arith.constant 0 : index
        %get3A_1170 = tpu.vector_load %arg8[%get3A_1167, %get3A_1168, %get3A_1169] {strides = array<i32>} : memref<8x200x16xf32, #tpu.memory_space<vmem>>, vector<16xf32>,
        %broadcast_in_dim3A_1171 = arith.constant 7 : i32
        %broadcast_in_dim3A_1172 = vector.broadcast %broadcast_in_dim3A_1171 : i32 to vector<16xi32>
        tpu.vector_store_idx %arg9[%broadcast_in_dim3A_1100, %shift_right_arithmetic3A_4, %broadcast_in_dim3A_5, %and3A_7, %broadcast_in_dim3A_1172], %get3A_1170 : memref<100x2x1x8x13xf32, #tpu.memory_space<vmem>>[vector<16xi32>, vector<16xi32>, vector<16xi32>, vector<16xi32>, vector<16xi32>], vector<16xf32>,
        %scan3A_1173 = arith.constant 8 : i32
        %scan3A_1174 = arith.addi %scan3A_575, %scan3A_1173 : i32
        %broadcast_in_dim3A_1175 = vector.broadcast %scan3A_1174 : i32 to vector<16xi32>
        %add3A_1176 = arith.constant 0 : i32
        %add3A_1177 = arith.addi %add3A_1176, %scan3A_1174 : i32
        %get3A_1178 = arith.constant 0 : i32
        %get3A_1179 = arith.index_cast %get3A_1178 : i32 to index
        %get3A_1180 = arith.index_cast %add3A_1177 : i32 to index
        %get3A_1181 = arith.constant 0 : index
        %get3A_1182 = tpu.vector_load %arg8[%get3A_1179, %get3A_1180, %get3A_1181] {strides = array<i32>} : memref<8x200x16xf32, #tpu.memory_space<vmem>>, vector<16xf32>,
        %broadcast_in_dim3A_1183 = arith.constant 0 : i32
        %broadcast_in_dim3A_1184 = vector.broadcast %broadcast_in_dim3A_1183 : i32 to vector<16xi32>
        tpu.vector_store_idx %arg9[%broadcast_in_dim3A_1175, %shift_right_arithmetic3A_4, %broadcast_in_dim3A_5, %and3A_7, %broadcast_in_dim3A_1184], %get3A_1182 : memref<100x2x1x8x13xf32, #tpu.memory_space<vmem>>[vector<16xi32>, vector<16xi32>, vector<16xi32>, vector<16xi32>, vector<16xi32>], vector<16xf32>,
        %add3A_1185 = arith.constant 0 : i32
        %add3A_1186 = arith.addi %add3A_1185, %scan3A_1174 : i32
        %get3A_1187 = arith.constant 1 : i32
        %get3A_1188 = arith.index_cast %get3A_1187 : i32 to index
        %get3A_1189 = arith.index_cast %add3A_1186 : i32 to index
        %get3A_1190 = arith.constant 0 : index
        %get3A_1191 = tpu.vector_load %arg8[%get3A_1188, %get3A_1189, %get3A_1190] {strides = array<i32>} : memref<8x200x16xf32, #tpu.memory_space<vmem>>, vector<16xf32>,
        %broadcast_in_dim3A_1192 = arith.constant 1 : i32
        %broadcast_in_dim3A_1193 = vector.broadcast %broadcast_in_dim3A_1192 : i32 to vector<16xi32>
        tpu.vector_store_idx %arg9[%broadcast_in_dim3A_1175, %shift_right_arithmetic3A_4, %broadcast_in_dim3A_5, %and3A_7, %broadcast_in_dim3A_1193], %get3A_1191 : memref<100x2x1x8x13xf32, #tpu.memory_space<vmem>>[vector<16xi32>, vector<16xi32>, vector<16xi32>, vector<16xi32>, vector<16xi32>], vector<16xf32>,
        %add3A_1194 = arith.constant 0 : i32
        %add3A_1195 = arith.addi %add3A_1194, %scan3A_1174 : i32
        %get3A_1196 = arith.constant 2 : i32
        %get3A_1197 = arith.index_cast %get3A_1196 : i32 to index
        %get3A_1198 = arith.index_cast %add3A_1195 : i32 to index
        %get3A_1199 = arith.constant 0 : index
        %get3A_1200 = tpu.vector_load %arg8[%get3A_1197, %get3A_1198, %get3A_1199] {strides = array<i32>} : memref<8x200x16xf32, #tpu.memory_space<vmem>>, vector<16xf32>,
        %broadcast_in_dim3A_1201 = arith.constant 2 : i32
        %broadcast_in_dim3A_1202 = vector.broadcast %broadcast_in_dim3A_1201 : i32 to vector<16xi32>
        tpu.vector_store_idx %arg9[%broadcast_in_dim3A_1175, %shift_right_arithmetic3A_4, %broadcast_in_dim3A_5, %and3A_7, %broadcast_in_dim3A_1202], %get3A_1200 : memref<100x2x1x8x13xf32, #tpu.memory_space<vmem>>[vector<16xi32>, vector<16xi32>, vector<16xi32>, vector<16xi32>, vector<16xi32>], vector<16xf32>,
        %add3A_1203 = arith.constant 0 : i32
        %add3A_1204 = arith.addi %add3A_1203, %scan3A_1174 : i32
        %get3A_1205 = arith.constant 3 : i32
        %get3A_1206 = arith.index_cast %get3A_1205 : i32 to index
        %get3A_1207 = arith.index_cast %add3A_1204 : i32 to index
        %get3A_1208 = arith.constant 0 : index
        %get3A_1209 = tpu.vector_load %arg8[%get3A_1206, %get3A_1207, %get3A_1208] {strides = array<i32>} : memref<8x200x16xf32, #tpu.memory_space<vmem>>, vector<16xf32>,
        %broadcast_in_dim3A_1210 = arith.constant 3 : i32
        %broadcast_in_dim3A_1211 = vector.broadcast %broadcast_in_dim3A_1210 : i32 to vector<16xi32>
        tpu.vector_store_idx %arg9[%broadcast_in_dim3A_1175, %shift_right_arithmetic3A_4, %broadcast_in_dim3A_5, %and3A_7, %broadcast_in_dim3A_1211], %get3A_1209 : memref<100x2x1x8x13xf32, #tpu.memory_space<vmem>>[vector<16xi32>, vector<16xi32>, vector<16xi32>, vector<16xi32>, vector<16xi32>], vector<16xf32>,
        %add3A_1212 = arith.constant 0 : i32
        %add3A_1213 = arith.addi %add3A_1212, %scan3A_1174 : i32
        %get3A_1214 = arith.constant 4 : i32
        %get3A_1215 = arith.index_cast %get3A_1214 : i32 to index
        %get3A_1216 = arith.index_cast %add3A_1213 : i32 to index
        %get3A_1217 = arith.constant 0 : index
        %get3A_1218 = tpu.vector_load %arg8[%get3A_1215, %get3A_1216, %get3A_1217] {strides = array<i32>} : memref<8x200x16xf32, #tpu.memory_space<vmem>>, vector<16xf32>,
        %broadcast_in_dim3A_1219 = arith.constant 4 : i32
        %broadcast_in_dim3A_1220 = vector.broadcast %broadcast_in_dim3A_1219 : i32 to vector<16xi32>
        tpu.vector_store_idx %arg9[%broadcast_in_dim3A_1175, %shift_right_arithmetic3A_4, %broadcast_in_dim3A_5, %and3A_7, %broadcast_in_dim3A_1220], %get3A_1218 : memref<100x2x1x8x13xf32, #tpu.memory_space<vmem>>[vector<16xi32>, vector<16xi32>, vector<16xi32>, vector<16xi32>, vector<16xi32>], vector<16xf32>,
        %add3A_1221 = arith.constant 0 : i32
        %add3A_1222 = arith.addi %add3A_1221, %scan3A_1174 : i32
        %get3A_1223 = arith.constant 5 : i32
        %get3A_1224 = arith.index_cast %get3A_1223 : i32 to index
        %get3A_1225 = arith.index_cast %add3A_1222 : i32 to index
        %get3A_1226 = arith.constant 0 : index
        %get3A_1227 = tpu.vector_load %arg8[%get3A_1224, %get3A_1225, %get3A_1226] {strides = array<i32>} : memref<8x200x16xf32, #tpu.memory_space<vmem>>, vector<16xf32>,
        %broadcast_in_dim3A_1228 = arith.constant 5 : i32
        %broadcast_in_dim3A_1229 = vector.broadcast %broadcast_in_dim3A_1228 : i32 to vector<16xi32>
        tpu.vector_store_idx %arg9[%broadcast_in_dim3A_1175, %shift_right_arithmetic3A_4, %broadcast_in_dim3A_5, %and3A_7, %broadcast_in_dim3A_1229], %get3A_1227 : memref<100x2x1x8x13xf32, #tpu.memory_space<vmem>>[vector<16xi32>, vector<16xi32>, vector<16xi32>, vector<16xi32>, vector<16xi32>], vector<16xf32>,
        %add3A_1230 = arith.constant 0 : i32
        %add3A_1231 = arith.addi %add3A_1230, %scan3A_1174 : i32
        %get3A_1232 = arith.constant 6 : i32
        %get3A_1233 = arith.index_cast %get3A_1232 : i32 to index
        %get3A_1234 = arith.index_cast %add3A_1231 : i32 to index
        %get3A_1235 = arith.constant 0 : index
        %get3A_1236 = tpu.vector_load %arg8[%get3A_1233, %get3A_1234, %get3A_1235] {strides = array<i32>} : memref<8x200x16xf32, #tpu.memory_space<vmem>>, vector<16xf32>,
        %broadcast_in_dim3A_1237 = arith.constant 6 : i32
        %broadcast_in_dim3A_1238 = vector.broadcast %broadcast_in_dim3A_1237 : i32 to vector<16xi32>
        tpu.vector_store_idx %arg9[%broadcast_in_dim3A_1175, %shift_right_arithmetic3A_4, %broadcast_in_dim3A_5, %and3A_7, %broadcast_in_dim3A_1238], %get3A_1236 : memref<100x2x1x8x13xf32, #tpu.memory_space<vmem>>[vector<16xi32>, vector<16xi32>, vector<16xi32>, vector<16xi32>, vector<16xi32>], vector<16xf32>,
        %add3A_1239 = arith.constant 0 : i32
        %add3A_1240 = arith.addi %add3A_1239, %scan3A_1174 : i32
        %get3A_1241 = arith.constant 7 : i32
        %get3A_1242 = arith.index_cast %get3A_1241 : i32 to index
        %get3A_1243 = arith.index_cast %add3A_1240 : i32 to index
        %get3A_1244 = arith.constant 0 : index
        %get3A_1245 = tpu.vector_load %arg8[%get3A_1242, %get3A_1243, %get3A_1244] {strides = array<i32>} : memref<8x200x16xf32, #tpu.memory_space<vmem>>, vector<16xf32>,
        %broadcast_in_dim3A_1246 = arith.constant 7 : i32
        %broadcast_in_dim3A_1247 = vector.broadcast %broadcast_in_dim3A_1246 : i32 to vector<16xi32>
        tpu.vector_store_idx %arg9[%broadcast_in_dim3A_1175, %shift_right_arithmetic3A_4, %broadcast_in_dim3A_5, %and3A_7, %broadcast_in_dim3A_1247], %get3A_1245 : memref<100x2x1x8x13xf32, #tpu.memory_space<vmem>>[vector<16xi32>, vector<16xi32>, vector<16xi32>, vector<16xi32>, vector<16xi32>], vector<16xf32>,
        %scan3A_1248 = arith.constant 9 : i32
        %scan3A_1249 = arith.addi %scan3A_575, %scan3A_1248 : i32
        %broadcast_in_dim3A_1250 = vector.broadcast %scan3A_1249 : i32 to vector<16xi32>
        %add3A_1251 = arith.constant 0 : i32
        %add3A_1252 = arith.addi %add3A_1251, %scan3A_1249 : i32
        %get3A_1253 = arith.constant 0 : i32
        %get3A_1254 = arith.index_cast %get3A_1253 : i32 to index
        %get3A_1255 = arith.index_cast %add3A_1252 : i32 to index
        %get3A_1256 = arith.constant 0 : index
        %get3A_1257 = tpu.vector_load %arg8[%get3A_1254, %get3A_1255, %get3A_1256] {strides = array<i32>} : memref<8x200x16xf32, #tpu.memory_space<vmem>>, vector<16xf32>,
        %broadcast_in_dim3A_1258 = arith.constant 0 : i32
        %broadcast_in_dim3A_1259 = vector.broadcast %broadcast_in_dim3A_1258 : i32 to vector<16xi32>
        tpu.vector_store_idx %arg9[%broadcast_in_dim3A_1250, %shift_right_arithmetic3A_4, %broadcast_in_dim3A_5, %and3A_7, %broadcast_in_dim3A_1259], %get3A_1257 : memref<100x2x1x8x13xf32, #tpu.memory_space<vmem>>[vector<16xi32>, vector<16xi32>, vector<16xi32>, vector<16xi32>, vector<16xi32>], vector<16xf32>,
        %add3A_1260 = arith.constant 0 : i32
        %add3A_1261 = arith.addi %add3A_1260, %scan3A_1249 : i32
        %get3A_1262 = arith.constant 1 : i32
        %get3A_1263 = arith.index_cast %get3A_1262 : i32 to index
        %get3A_1264 = arith.index_cast %add3A_1261 : i32 to index
        %get3A_1265 = arith.constant 0 : index
        %get3A_1266 = tpu.vector_load %arg8[%get3A_1263, %get3A_1264, %get3A_1265] {strides = array<i32>} : memref<8x200x16xf32, #tpu.memory_space<vmem>>, vector<16xf32>,
        %broadcast_in_dim3A_1267 = arith.constant 1 : i32
        %broadcast_in_dim3A_1268 = vector.broadcast %broadcast_in_dim3A_1267 : i32 to vector<16xi32>
        tpu.vector_store_idx %arg9[%broadcast_in_dim3A_1250, %shift_right_arithmetic3A_4, %broadcast_in_dim3A_5, %and3A_7, %broadcast_in_dim3A_1268], %get3A_1266 : memref<100x2x1x8x13xf32, #tpu.memory_space<vmem>>[vector<16xi32>, vector<16xi32>, vector<16xi32>, vector<16xi32>, vector<16xi32>], vector<16xf32>,
        %add3A_1269 = arith.constant 0 : i32
        %add3A_1270 = arith.addi %add3A_1269, %scan3A_1249 : i32
        %get3A_1271 = arith.constant 2 : i32
        %get3A_1272 = arith.index_cast %get3A_1271 : i32 to index
        %get3A_1273 = arith.index_cast %add3A_1270 : i32 to index
        %get3A_1274 = arith.constant 0 : index
        %get3A_1275 = tpu.vector_load %arg8[%get3A_1272, %get3A_1273, %get3A_1274] {strides = array<i32>} : memref<8x200x16xf32, #tpu.memory_space<vmem>>, vector<16xf32>,
        %broadcast_in_dim3A_1276 = arith.constant 2 : i32
        %broadcast_in_dim3A_1277 = vector.broadcast %broadcast_in_dim3A_1276 : i32 to vector<16xi32>
        tpu.vector_store_idx %arg9[%broadcast_in_dim3A_1250, %shift_right_arithmetic3A_4, %broadcast_in_dim3A_5, %and3A_7, %broadcast_in_dim3A_1277], %get3A_1275 : memref<100x2x1x8x13xf32, #tpu.memory_space<vmem>>[vector<16xi32>, vector<16xi32>, vector<16xi32>, vector<16xi32>, vector<16xi32>], vector<16xf32>,
        %add3A_1278 = arith.constant 0 : i32
        %add3A_1279 = arith.addi %add3A_1278, %scan3A_1249 : i32
        %get3A_1280 = arith.constant 3 : i32
        %get3A_1281 = arith.index_cast %get3A_1280 : i32 to index
        %get3A_1282 = arith.index_cast %add3A_1279 : i32 to index
        %get3A_1283 = arith.constant 0 : index
        %get3A_1284 = tpu.vector_load %arg8[%get3A_1281, %get3A_1282, %get3A_1283] {strides = array<i32>} : memref<8x200x16xf32, #tpu.memory_space<vmem>>, vector<16xf32>,
        %broadcast_in_dim3A_1285 = arith.constant 3 : i32
        %broadcast_in_dim3A_1286 = vector.broadcast %broadcast_in_dim3A_1285 : i32 to vector<16xi32>
        tpu.vector_store_idx %arg9[%broadcast_in_dim3A_1250, %shift_right_arithmetic3A_4, %broadcast_in_dim3A_5, %and3A_7, %broadcast_in_dim3A_1286], %get3A_1284 : memref<100x2x1x8x13xf32, #tpu.memory_space<vmem>>[vector<16xi32>, vector<16xi32>, vector<16xi32>, vector<16xi32>, vector<16xi32>], vector<16xf32>,
        %add3A_1287 = arith.constant 0 : i32
        %add3A_1288 = arith.addi %add3A_1287, %scan3A_1249 : i32
        %get3A_1289 = arith.constant 4 : i32
        %get3A_1290 = arith.index_cast %get3A_1289 : i32 to index
        %get3A_1291 = arith.index_cast %add3A_1288 : i32 to index
        %get3A_1292 = arith.constant 0 : index
        %get3A_1293 = tpu.vector_load %arg8[%get3A_1290, %get3A_1291, %get3A_1292] {strides = array<i32>} : memref<8x200x16xf32, #tpu.memory_space<vmem>>, vector<16xf32>,
        %broadcast_in_dim3A_1294 = arith.constant 4 : i32
        %broadcast_in_dim3A_1295 = vector.broadcast %broadcast_in_dim3A_1294 : i32 to vector<16xi32>
        tpu.vector_store_idx %arg9[%broadcast_in_dim3A_1250, %shift_right_arithmetic3A_4, %broadcast_in_dim3A_5, %and3A_7, %broadcast_in_dim3A_1295], %get3A_1293 : memref<100x2x1x8x13xf32, #tpu.memory_space<vmem>>[vector<16xi32>, vector<16xi32>, vector<16xi32>, vector<16xi32>, vector<16xi32>], vector<16xf32>,
        %add3A_1296 = arith.constant 0 : i32
        %add3A_1297 = arith.addi %add3A_1296, %scan3A_1249 : i32
        %get3A_1298 = arith.constant 5 : i32
        %get3A_1299 = arith.index_cast %get3A_1298 : i32 to index
        %get3A_1300 = arith.index_cast %add3A_1297 : i32 to index
        %get3A_1301 = arith.constant 0 : index
        %get3A_1302 = tpu.vector_load %arg8[%get3A_1299, %get3A_1300, %get3A_1301] {strides = array<i32>} : memref<8x200x16xf32, #tpu.memory_space<vmem>>, vector<16xf32>,
        %broadcast_in_dim3A_1303 = arith.constant 5 : i32
        %broadcast_in_dim3A_1304 = vector.broadcast %broadcast_in_dim3A_1303 : i32 to vector<16xi32>
        tpu.vector_store_idx %arg9[%broadcast_in_dim3A_1250, %shift_right_arithmetic3A_4, %broadcast_in_dim3A_5, %and3A_7, %broadcast_in_dim3A_1304], %get3A_1302 : memref<100x2x1x8x13xf32, #tpu.memory_space<vmem>>[vector<16xi32>, vector<16xi32>, vector<16xi32>, vector<16xi32>, vector<16xi32>], vector<16xf32>,
        %add3A_1305 = arith.constant 0 : i32
        %add3A_1306 = arith.addi %add3A_1305, %scan3A_1249 : i32
        %get3A_1307 = arith.constant 6 : i32
        %get3A_1308 = arith.index_cast %get3A_1307 : i32 to index
        %get3A_1309 = arith.index_cast %add3A_1306 : i32 to index
        %get3A_1310 = arith.constant 0 : index
        %get3A_1311 = tpu.vector_load %arg8[%get3A_1308, %get3A_1309, %get3A_1310] {strides = array<i32>} : memref<8x200x16xf32, #tpu.memory_space<vmem>>, vector<16xf32>,
        %broadcast_in_dim3A_1312 = arith.constant 6 : i32
        %broadcast_in_dim3A_1313 = vector.broadcast %broadcast_in_dim3A_1312 : i32 to vector<16xi32>
        tpu.vector_store_idx %arg9[%broadcast_in_dim3A_1250, %shift_right_arithmetic3A_4, %broadcast_in_dim3A_5, %and3A_7, %broadcast_in_dim3A_1313], %get3A_1311 : memref<100x2x1x8x13xf32, #tpu.memory_space<vmem>>[vector<16xi32>, vector<16xi32>, vector<16xi32>, vector<16xi32>, vector<16xi32>], vector<16xf32>,
        %add3A_1314 = arith.constant 0 : i32
        %add3A_1315 = arith.addi %add3A_1314, %scan3A_1249 : i32
        %get3A_1316 = arith.constant 7 : i32
        %get3A_1317 = arith.index_cast %get3A_1316 : i32 to index
        %get3A_1318 = arith.index_cast %add3A_1315 : i32 to index
        %get3A_1319 = arith.constant 0 : index
        %get3A_1320 = tpu.vector_load %arg8[%get3A_1317, %get3A_1318, %get3A_1319] {strides = array<i32>} : memref<8x200x16xf32, #tpu.memory_space<vmem>>, vector<16xf32>,
        %broadcast_in_dim3A_1321 = arith.constant 7 : i32
        %broadcast_in_dim3A_1322 = vector.broadcast %broadcast_in_dim3A_1321 : i32 to vector<16xi32>
        tpu.vector_store_idx %arg9[%broadcast_in_dim3A_1250, %shift_right_arithmetic3A_4, %broadcast_in_dim3A_5, %and3A_7, %broadcast_in_dim3A_1322], %get3A_1320 : memref<100x2x1x8x13xf32, #tpu.memory_space<vmem>>[vector<16xi32>, vector<16xi32>, vector<16xi32>, vector<16xi32>, vector<16xi32>], vector<16xf32>,
      }
      %scan3A_501 = arith.constant 100 : i32
      %mul3A_502 = arith.constant 8 : i32
      %mul3A_503 = arith.muli %add3A_380, %mul3A_502 : i32
      %add3A_504 = arith.addi %mul3A_2, %mul3A_503 : i32
      %shift_right_arithmetic3A_505 = arith.constant 7 : i32
      %shift_right_arithmetic3A_506 = arith.shrsi %add3A_504, %shift_right_arithmetic3A_505 : i32
      %mul3A_507 = arith.constant 8 : i32
      %mul3A_508 = arith.muli %add3A_380, %mul3A_507 : i32
      %add3A_509 = arith.addi %mul3A_2, %mul3A_508 : i32
      %and3A_510 = arith.constant 127 : i32
      %and3A_511 = arith.andi %add3A_509, %and3A_510 : i32
      %multiple_of3A_512 = tpu.assume_multiple %and3A_511, 8 : i32
      %dma_start3A_513 = arith.constant 0 : i32
      %dma_start3A_514 = arith.constant 0 : i32
      %dma_start3A_515 = arith.constant 0 : i32
      %dma_start3A_516 = arith.constant 0 : i32
      %dma_start3A_517 = arith.constant 0 : i32
      %dma_start3A_518 = tpu.memref_slice %arg9[%dma_start3A_513, %dma_start3A_514, %dma_start3A_515, %dma_start3A_516, %dma_start3A_517] : memref<100x2x1x8x13xf32, #tpu.memory_space<vmem>> -> memref<100x2x1x8x8xf32, #tpu.memory_space<vmem>>
      %dma_start3A_519 = arith.constant 0 : i32
      %dma_start3A_520 = arith.constant 0 : i32
      %dma_start3A_521 = arith.constant 0 : i32
      %dma_start3A_522 = tpu.memref_slice %arg4[%dma_start3A_519, %dma_start3A_520, %shift_right_arithmetic3A_506, %dma_start3A_521, %multiple_of3A_512] : memref<200x2x128x8x128xf32, #tpu.memory_space<hbm>> -> memref<100x2x1x8x8xf32, #tpu.memory_space<hbm>>
      %dma_start3A_523 = arith.constant 0 : i32
      %dma_start3A_524 = arith.constant 0 : i32
      %dma_start3A_525 = arith.constant 0 : i32
      %dma_start3A_526 = tpu.memref_slice %arg4[%dma_start3A_523, %dma_start3A_524, %shift_right_arithmetic3A_506, %dma_start3A_525, %multiple_of3A_512] : memref<200x2x128x8x128xf32, #tpu.memory_space<hbm>> -> memref<100x2x1x8x8xf32, #tpu.memory_space<hbm>>
      %dma_start3A_527 = arith.constant 0 : i32
      %dma_start3A_528 = arith.constant 0 : i32
      %dma_start3A_529 = arith.constant 0 : i32
      %dma_start3A_530 = arith.constant 0 : i32
      %dma_start3A_531 = arith.constant 0 : i32
      %dma_start3A_532 = tpu.memref_slice %arg9[%dma_start3A_527, %dma_start3A_528, %dma_start3A_529, %dma_start3A_530, %dma_start3A_531] : memref<100x2x1x8x13xf32, #tpu.memory_space<vmem>> -> memref<100x2x1x8x8xf32, #tpu.memory_space<vmem>>
      tpu.enqueue_dma source(%dma_start3A_532 : memref<100x2x1x8x8xf32, #tpu.memory_space<vmem>>) target(%dma_start3A_526 : memref<100x2x1x8x8xf32, #tpu.memory_space<hbm>>) target_semaphore(%arg15 : memref<!tpu.dma_semaphore, #tpu.memory_space<semaphore_mem>>)
      %gt3A_533 = arith.constant 0 : i32
      %gt3A_534 = arith.cmpi sgt, %add3A_380, %gt3A_533 : i32
      %convert_element_type3A_535 = arith.extui %gt3A_534 : i1 to i32
      %cond3A_536 = arith.constant 0 : i32
      %cond3A_537 = arith.cmpi ne, %convert_element_type3A_535, %cond3A_536 : i32
      scf.if %cond3A_537 {
        %sub3A = arith.constant 1 : i32
        %sub3A_575 = arith.subi %add3A_380, %sub3A : i32
        %mul3A_576 = arith.constant 8 : i32
        %mul3A_577 = arith.muli %sub3A_575, %mul3A_576 : i32
        %add3A_578 = arith.addi %mul3A_2, %mul3A_577 : i32
        %shift_right_arithmetic3A_579 = arith.constant 7 : i32
        %shift_right_arithmetic3A_580 = arith.shrsi %add3A_578, %shift_right_arithmetic3A_579 : i32
        %mul3A_581 = arith.constant 8 : i32
        %mul3A_582 = arith.muli %sub3A_575, %mul3A_581 : i32
        %add3A_583 = arith.addi %mul3A_2, %mul3A_582 : i32
        %and3A_584 = arith.constant 127 : i32
        %and3A_585 = arith.andi %add3A_583, %and3A_584 : i32
        %multiple_of3A_586 = tpu.assume_multiple %and3A_585, 8 : i32
        %dma_wait3A_587 = arith.constant 0 : i32
        %dma_wait3A_588 = arith.constant 0 : i32
        %dma_wait3A_589 = arith.constant 0 : i32
        %dma_wait3A_590 = arith.constant 0 : i32
        %dma_wait3A_591 = arith.constant 0 : i32
        %dma_wait3A_592 = tpu.memref_slice %arg10[%dma_wait3A_587, %dma_wait3A_588, %dma_wait3A_589, %dma_wait3A_590, %dma_wait3A_591] : memref<100x2x1x8x13xf32, #tpu.memory_space<vmem>> -> memref<100x2x1x8x8xf32, #tpu.memory_space<vmem>>
        %dma_wait3A_593 = arith.constant 100 : i32
        %dma_wait3A_594 = arith.constant 0 : i32
        %dma_wait3A_595 = arith.constant 0 : i32
        %dma_wait3A_596 = tpu.memref_slice %arg4[%dma_wait3A_593, %dma_wait3A_594, %shift_right_arithmetic3A_580, %dma_wait3A_595, %multiple_of3A_586] : memref<200x2x128x8x128xf32, #tpu.memory_space<hbm>> -> memref<100x2x1x8x8xf32, #tpu.memory_space<hbm>>
        %dma_wait3A_597 = arith.constant 100 : i32
        %dma_wait3A_598 = arith.constant 0 : i32
        %dma_wait3A_599 = arith.constant 0 : i32
        %dma_wait3A_600 = tpu.memref_slice %arg4[%dma_wait3A_597, %dma_wait3A_598, %shift_right_arithmetic3A_580, %dma_wait3A_599, %multiple_of3A_586] : memref<200x2x128x8x128xf32, #tpu.memory_space<hbm>> -> memref<100x2x1x8x8xf32, #tpu.memory_space<hbm>>
        %dma_wait3A_601 = arith.constant 0 : i32
        %dma_wait3A_602 = arith.constant 0 : i32
        %dma_wait3A_603 = arith.constant 0 : i32
        %dma_wait3A_604 = arith.constant 0 : i32
        %dma_wait3A_605 = arith.constant 0 : i32
        %dma_wait3A_606 = tpu.memref_slice %arg10[%dma_wait3A_601, %dma_wait3A_602, %dma_wait3A_603, %dma_wait3A_604, %dma_wait3A_605] : memref<100x2x1x8x13xf32, #tpu.memory_space<vmem>> -> memref<100x2x1x8x8xf32, #tpu.memory_space<vmem>>
        tpu.wait_dma2 semaphore(%arg16 : memref<!tpu.dma_semaphore, #tpu.memory_space<semaphore_mem>>) src(%dma_wait3A_606 : memref<100x2x1x8x8xf32, #tpu.memory_space<vmem>>) dst(%dma_wait3A_600 : memref<100x2x1x8x8xf32, #tpu.memory_space<hbm>>)
      } else {
      }
      %scan3A_538 = arith.constant 0 : i32
      %scan3A_539 = arith.constant 0 : i32
      %scan3A_540 = arith.constant 100 : i32
      %scan3A_541 = arith.addi %scan3A_539, %scan3A_540 : i32
      %scan3A_542 = arith.constant 10 : i32
      scf.for %scan3A_575 = %scan3A_539 to %scan3A_541 step %scan3A_542  : i32 {
        %broadcast_in_dim3A_576 = vector.broadcast %scan3A_575 : i32 to vector<16xi32>
        %add3A_577 = arith.constant 100 : i32
        %add3A_578 = arith.addi %add3A_577, %scan3A_575 : i32
        %get3A = arith.constant 0 : i32
        %get3A_579 = arith.index_cast %get3A : i32 to index
        %get3A_580 = arith.index_cast %add3A_578 : i32 to index
        %get3A_581 = arith.constant 0 : index
        %get3A_582 = tpu.vector_load %arg8[%get3A_579, %get3A_580, %get3A_581] {strides = array<i32>} : memref<8x200x16xf32, #tpu.memory_space<vmem>>, vector<16xf32>,
        %broadcast_in_dim3A_583 = arith.constant 0 : i32
        %broadcast_in_dim3A_584 = vector.broadcast %broadcast_in_dim3A_583 : i32 to vector<16xi32>
        tpu.vector_store_idx %arg10[%broadcast_in_dim3A_576, %shift_right_arithmetic3A_4, %broadcast_in_dim3A_5, %and3A_7, %broadcast_in_dim3A_584], %get3A_582 : memref<100x2x1x8x13xf32, #tpu.memory_space<vmem>>[vector<16xi32>, vector<16xi32>, vector<16xi32>, vector<16xi32>, vector<16xi32>], vector<16xf32>,
        %add3A_585 = arith.constant 100 : i32
        %add3A_586 = arith.addi %add3A_585, %scan3A_575 : i32
        %get3A_587 = arith.constant 1 : i32
        %get3A_588 = arith.index_cast %get3A_587 : i32 to index
        %get3A_589 = arith.index_cast %add3A_586 : i32 to index
        %get3A_590 = arith.constant 0 : index
        %get3A_591 = tpu.vector_load %arg8[%get3A_588, %get3A_589, %get3A_590] {strides = array<i32>} : memref<8x200x16xf32, #tpu.memory_space<vmem>>, vector<16xf32>,
        %broadcast_in_dim3A_592 = arith.constant 1 : i32
        %broadcast_in_dim3A_593 = vector.broadcast %broadcast_in_dim3A_592 : i32 to vector<16xi32>
        tpu.vector_store_idx %arg10[%broadcast_in_dim3A_576, %shift_right_arithmetic3A_4, %broadcast_in_dim3A_5, %and3A_7, %broadcast_in_dim3A_593], %get3A_591 : memref<100x2x1x8x13xf32, #tpu.memory_space<vmem>>[vector<16xi32>, vector<16xi32>, vector<16xi32>, vector<16xi32>, vector<16xi32>], vector<16xf32>,
        %add3A_594 = arith.constant 100 : i32
        %add3A_595 = arith.addi %add3A_594, %scan3A_575 : i32
        %get3A_596 = arith.constant 2 : i32
        %get3A_597 = arith.index_cast %get3A_596 : i32 to index
        %get3A_598 = arith.index_cast %add3A_595 : i32 to index
        %get3A_599 = arith.constant 0 : index
        %get3A_600 = tpu.vector_load %arg8[%get3A_597, %get3A_598, %get3A_599] {strides = array<i32>} : memref<8x200x16xf32, #tpu.memory_space<vmem>>, vector<16xf32>,
        %broadcast_in_dim3A_601 = arith.constant 2 : i32
        %broadcast_in_dim3A_602 = vector.broadcast %broadcast_in_dim3A_601 : i32 to vector<16xi32>
        tpu.vector_store_idx %arg10[%broadcast_in_dim3A_576, %shift_right_arithmetic3A_4, %broadcast_in_dim3A_5, %and3A_7, %broadcast_in_dim3A_602], %get3A_600 : memref<100x2x1x8x13xf32, #tpu.memory_space<vmem>>[vector<16xi32>, vector<16xi32>, vector<16xi32>, vector<16xi32>, vector<16xi32>], vector<16xf32>,
        %add3A_603 = arith.constant 100 : i32
        %add3A_604 = arith.addi %add3A_603, %scan3A_575 : i32
        %get3A_605 = arith.constant 3 : i32
        %get3A_606 = arith.index_cast %get3A_605 : i32 to index
        %get3A_607 = arith.index_cast %add3A_604 : i32 to index
        %get3A_608 = arith.constant 0 : index
        %get3A_609 = tpu.vector_load %arg8[%get3A_606, %get3A_607, %get3A_608] {strides = array<i32>} : memref<8x200x16xf32, #tpu.memory_space<vmem>>, vector<16xf32>,
        %broadcast_in_dim3A_610 = arith.constant 3 : i32
        %broadcast_in_dim3A_611 = vector.broadcast %broadcast_in_dim3A_610 : i32 to vector<16xi32>
        tpu.vector_store_idx %arg10[%broadcast_in_dim3A_576, %shift_right_arithmetic3A_4, %broadcast_in_dim3A_5, %and3A_7, %broadcast_in_dim3A_611], %get3A_609 : memref<100x2x1x8x13xf32, #tpu.memory_space<vmem>>[vector<16xi32>, vector<16xi32>, vector<16xi32>, vector<16xi32>, vector<16xi32>], vector<16xf32>,
        %add3A_612 = arith.constant 100 : i32
        %add3A_613 = arith.addi %add3A_612, %scan3A_575 : i32
        %get3A_614 = arith.constant 4 : i32
        %get3A_615 = arith.index_cast %get3A_614 : i32 to index
        %get3A_616 = arith.index_cast %add3A_613 : i32 to index
        %get3A_617 = arith.constant 0 : index
        %get3A_618 = tpu.vector_load %arg8[%get3A_615, %get3A_616, %get3A_617] {strides = array<i32>} : memref<8x200x16xf32, #tpu.memory_space<vmem>>, vector<16xf32>,
        %broadcast_in_dim3A_619 = arith.constant 4 : i32
        %broadcast_in_dim3A_620 = vector.broadcast %broadcast_in_dim3A_619 : i32 to vector<16xi32>
        tpu.vector_store_idx %arg10[%broadcast_in_dim3A_576, %shift_right_arithmetic3A_4, %broadcast_in_dim3A_5, %and3A_7, %broadcast_in_dim3A_620], %get3A_618 : memref<100x2x1x8x13xf32, #tpu.memory_space<vmem>>[vector<16xi32>, vector<16xi32>, vector<16xi32>, vector<16xi32>, vector<16xi32>], vector<16xf32>,
        %add3A_621 = arith.constant 100 : i32
        %add3A_622 = arith.addi %add3A_621, %scan3A_575 : i32
        %get3A_623 = arith.constant 5 : i32
        %get3A_624 = arith.index_cast %get3A_623 : i32 to index
        %get3A_625 = arith.index_cast %add3A_622 : i32 to index
        %get3A_626 = arith.constant 0 : index
        %get3A_627 = tpu.vector_load %arg8[%get3A_624, %get3A_625, %get3A_626] {strides = array<i32>} : memref<8x200x16xf32, #tpu.memory_space<vmem>>, vector<16xf32>,
        %broadcast_in_dim3A_628 = arith.constant 5 : i32
        %broadcast_in_dim3A_629 = vector.broadcast %broadcast_in_dim3A_628 : i32 to vector<16xi32>
        tpu.vector_store_idx %arg10[%broadcast_in_dim3A_576, %shift_right_arithmetic3A_4, %broadcast_in_dim3A_5, %and3A_7, %broadcast_in_dim3A_629], %get3A_627 : memref<100x2x1x8x13xf32, #tpu.memory_space<vmem>>[vector<16xi32>, vector<16xi32>, vector<16xi32>, vector<16xi32>, vector<16xi32>], vector<16xf32>,
        %add3A_630 = arith.constant 100 : i32
        %add3A_631 = arith.addi %add3A_630, %scan3A_575 : i32
        %get3A_632 = arith.constant 6 : i32
        %get3A_633 = arith.index_cast %get3A_632 : i32 to index
        %get3A_634 = arith.index_cast %add3A_631 : i32 to index
        %get3A_635 = arith.constant 0 : index
        %get3A_636 = tpu.vector_load %arg8[%get3A_633, %get3A_634, %get3A_635] {strides = array<i32>} : memref<8x200x16xf32, #tpu.memory_space<vmem>>, vector<16xf32>,
        %broadcast_in_dim3A_637 = arith.constant 6 : i32
        %broadcast_in_dim3A_638 = vector.broadcast %broadcast_in_dim3A_637 : i32 to vector<16xi32>
        tpu.vector_store_idx %arg10[%broadcast_in_dim3A_576, %shift_right_arithmetic3A_4, %broadcast_in_dim3A_5, %and3A_7, %broadcast_in_dim3A_638], %get3A_636 : memref<100x2x1x8x13xf32, #tpu.memory_space<vmem>>[vector<16xi32>, vector<16xi32>, vector<16xi32>, vector<16xi32>, vector<16xi32>], vector<16xf32>,
        %add3A_639 = arith.constant 100 : i32
        %add3A_640 = arith.addi %add3A_639, %scan3A_575 : i32
        %get3A_641 = arith.constant 7 : i32
        %get3A_642 = arith.index_cast %get3A_641 : i32 to index
        %get3A_643 = arith.index_cast %add3A_640 : i32 to index
        %get3A_644 = arith.constant 0 : index
        %get3A_645 = tpu.vector_load %arg8[%get3A_642, %get3A_643, %get3A_644] {strides = array<i32>} : memref<8x200x16xf32, #tpu.memory_space<vmem>>, vector<16xf32>,
        %broadcast_in_dim3A_646 = arith.constant 7 : i32
        %broadcast_in_dim3A_647 = vector.broadcast %broadcast_in_dim3A_646 : i32 to vector<16xi32>
        tpu.vector_store_idx %arg10[%broadcast_in_dim3A_576, %shift_right_arithmetic3A_4, %broadcast_in_dim3A_5, %and3A_7, %broadcast_in_dim3A_647], %get3A_645 : memref<100x2x1x8x13xf32, #tpu.memory_space<vmem>>[vector<16xi32>, vector<16xi32>, vector<16xi32>, vector<16xi32>, vector<16xi32>], vector<16xf32>,
        %scan3A_648 = arith.constant 1 : i32
        %scan3A_649 = arith.addi %scan3A_575, %scan3A_648 : i32
        %broadcast_in_dim3A_650 = vector.broadcast %scan3A_649 : i32 to vector<16xi32>
        %add3A_651 = arith.constant 100 : i32
        %add3A_652 = arith.addi %add3A_651, %scan3A_649 : i32
        %get3A_653 = arith.constant 0 : i32
        %get3A_654 = arith.index_cast %get3A_653 : i32 to index
        %get3A_655 = arith.index_cast %add3A_652 : i32 to index
        %get3A_656 = arith.constant 0 : index
        %get3A_657 = tpu.vector_load %arg8[%get3A_654, %get3A_655, %get3A_656] {strides = array<i32>} : memref<8x200x16xf32, #tpu.memory_space<vmem>>, vector<16xf32>,
        %broadcast_in_dim3A_658 = arith.constant 0 : i32
        %broadcast_in_dim3A_659 = vector.broadcast %broadcast_in_dim3A_658 : i32 to vector<16xi32>
        tpu.vector_store_idx %arg10[%broadcast_in_dim3A_650, %shift_right_arithmetic3A_4, %broadcast_in_dim3A_5, %and3A_7, %broadcast_in_dim3A_659], %get3A_657 : memref<100x2x1x8x13xf32, #tpu.memory_space<vmem>>[vector<16xi32>, vector<16xi32>, vector<16xi32>, vector<16xi32>, vector<16xi32>], vector<16xf32>,
        %add3A_660 = arith.constant 100 : i32
        %add3A_661 = arith.addi %add3A_660, %scan3A_649 : i32
        %get3A_662 = arith.constant 1 : i32
        %get3A_663 = arith.index_cast %get3A_662 : i32 to index
        %get3A_664 = arith.index_cast %add3A_661 : i32 to index
        %get3A_665 = arith.constant 0 : index
        %get3A_666 = tpu.vector_load %arg8[%get3A_663, %get3A_664, %get3A_665] {strides = array<i32>} : memref<8x200x16xf32, #tpu.memory_space<vmem>>, vector<16xf32>,
        %broadcast_in_dim3A_667 = arith.constant 1 : i32
        %broadcast_in_dim3A_668 = vector.broadcast %broadcast_in_dim3A_667 : i32 to vector<16xi32>
        tpu.vector_store_idx %arg10[%broadcast_in_dim3A_650, %shift_right_arithmetic3A_4, %broadcast_in_dim3A_5, %and3A_7, %broadcast_in_dim3A_668], %get3A_666 : memref<100x2x1x8x13xf32, #tpu.memory_space<vmem>>[vector<16xi32>, vector<16xi32>, vector<16xi32>, vector<16xi32>, vector<16xi32>], vector<16xf32>,
        %add3A_669 = arith.constant 100 : i32
        %add3A_670 = arith.addi %add3A_669, %scan3A_649 : i32
        %get3A_671 = arith.constant 2 : i32
        %get3A_672 = arith.index_cast %get3A_671 : i32 to index
        %get3A_673 = arith.index_cast %add3A_670 : i32 to index
        %get3A_674 = arith.constant 0 : index
        %get3A_675 = tpu.vector_load %arg8[%get3A_672, %get3A_673, %get3A_674] {strides = array<i32>} : memref<8x200x16xf32, #tpu.memory_space<vmem>>, vector<16xf32>,
        %broadcast_in_dim3A_676 = arith.constant 2 : i32
        %broadcast_in_dim3A_677 = vector.broadcast %broadcast_in_dim3A_676 : i32 to vector<16xi32>
        tpu.vector_store_idx %arg10[%broadcast_in_dim3A_650, %shift_right_arithmetic3A_4, %broadcast_in_dim3A_5, %and3A_7, %broadcast_in_dim3A_677], %get3A_675 : memref<100x2x1x8x13xf32, #tpu.memory_space<vmem>>[vector<16xi32>, vector<16xi32>, vector<16xi32>, vector<16xi32>, vector<16xi32>], vector<16xf32>,
        %add3A_678 = arith.constant 100 : i32
        %add3A_679 = arith.addi %add3A_678, %scan3A_649 : i32
        %get3A_680 = arith.constant 3 : i32
        %get3A_681 = arith.index_cast %get3A_680 : i32 to index
        %get3A_682 = arith.index_cast %add3A_679 : i32 to index
        %get3A_683 = arith.constant 0 : index
        %get3A_684 = tpu.vector_load %arg8[%get3A_681, %get3A_682, %get3A_683] {strides = array<i32>} : memref<8x200x16xf32, #tpu.memory_space<vmem>>, vector<16xf32>,
        %broadcast_in_dim3A_685 = arith.constant 3 : i32
        %broadcast_in_dim3A_686 = vector.broadcast %broadcast_in_dim3A_685 : i32 to vector<16xi32>
        tpu.vector_store_idx %arg10[%broadcast_in_dim3A_650, %shift_right_arithmetic3A_4, %broadcast_in_dim3A_5, %and3A_7, %broadcast_in_dim3A_686], %get3A_684 : memref<100x2x1x8x13xf32, #tpu.memory_space<vmem>>[vector<16xi32>, vector<16xi32>, vector<16xi32>, vector<16xi32>, vector<16xi32>], vector<16xf32>,
        %add3A_687 = arith.constant 100 : i32
        %add3A_688 = arith.addi %add3A_687, %scan3A_649 : i32
        %get3A_689 = arith.constant 4 : i32
        %get3A_690 = arith.index_cast %get3A_689 : i32 to index
        %get3A_691 = arith.index_cast %add3A_688 : i32 to index
        %get3A_692 = arith.constant 0 : index
        %get3A_693 = tpu.vector_load %arg8[%get3A_690, %get3A_691, %get3A_692] {strides = array<i32>} : memref<8x200x16xf32, #tpu.memory_space<vmem>>, vector<16xf32>,
        %broadcast_in_dim3A_694 = arith.constant 4 : i32
        %broadcast_in_dim3A_695 = vector.broadcast %broadcast_in_dim3A_694 : i32 to vector<16xi32>
        tpu.vector_store_idx %arg10[%broadcast_in_dim3A_650, %shift_right_arithmetic3A_4, %broadcast_in_dim3A_5, %and3A_7, %broadcast_in_dim3A_695], %get3A_693 : memref<100x2x1x8x13xf32, #tpu.memory_space<vmem>>[vector<16xi32>, vector<16xi32>, vector<16xi32>, vector<16xi32>, vector<16xi32>], vector<16xf32>,
        %add3A_696 = arith.constant 100 : i32
        %add3A_697 = arith.addi %add3A_696, %scan3A_649 : i32
        %get3A_698 = arith.constant 5 : i32
        %get3A_699 = arith.index_cast %get3A_698 : i32 to index
        %get3A_700 = arith.index_cast %add3A_697 : i32 to index
        %get3A_701 = arith.constant 0 : index
        %get3A_702 = tpu.vector_load %arg8[%get3A_699, %get3A_700, %get3A_701] {strides = array<i32>} : memref<8x200x16xf32, #tpu.memory_space<vmem>>, vector<16xf32>,
        %broadcast_in_dim3A_703 = arith.constant 5 : i32
        %broadcast_in_dim3A_704 = vector.broadcast %broadcast_in_dim3A_703 : i32 to vector<16xi32>
        tpu.vector_store_idx %arg10[%broadcast_in_dim3A_650, %shift_right_arithmetic3A_4, %broadcast_in_dim3A_5, %and3A_7, %broadcast_in_dim3A_704], %get3A_702 : memref<100x2x1x8x13xf32, #tpu.memory_space<vmem>>[vector<16xi32>, vector<16xi32>, vector<16xi32>, vector<16xi32>, vector<16xi32>], vector<16xf32>,
        %add3A_705 = arith.constant 100 : i32
        %add3A_706 = arith.addi %add3A_705, %scan3A_649 : i32
        %get3A_707 = arith.constant 6 : i32
        %get3A_708 = arith.index_cast %get3A_707 : i32 to index
        %get3A_709 = arith.index_cast %add3A_706 : i32 to index
        %get3A_710 = arith.constant 0 : index
        %get3A_711 = tpu.vector_load %arg8[%get3A_708, %get3A_709, %get3A_710] {strides = array<i32>} : memref<8x200x16xf32, #tpu.memory_space<vmem>>, vector<16xf32>,
        %broadcast_in_dim3A_712 = arith.constant 6 : i32
        %broadcast_in_dim3A_713 = vector.broadcast %broadcast_in_dim3A_712 : i32 to vector<16xi32>
        tpu.vector_store_idx %arg10[%broadcast_in_dim3A_650, %shift_right_arithmetic3A_4, %broadcast_in_dim3A_5, %and3A_7, %broadcast_in_dim3A_713], %get3A_711 : memref<100x2x1x8x13xf32, #tpu.memory_space<vmem>>[vector<16xi32>, vector<16xi32>, vector<16xi32>, vector<16xi32>, vector<16xi32>], vector<16xf32>,
        %add3A_714 = arith.constant 100 : i32
        %add3A_715 = arith.addi %add3A_714, %scan3A_649 : i32
        %get3A_716 = arith.constant 7 : i32
        %get3A_717 = arith.index_cast %get3A_716 : i32 to index
        %get3A_718 = arith.index_cast %add3A_715 : i32 to index
        %get3A_719 = arith.constant 0 : index
        %get3A_720 = tpu.vector_load %arg8[%get3A_717, %get3A_718, %get3A_719] {strides = array<i32>} : memref<8x200x16xf32, #tpu.memory_space<vmem>>, vector<16xf32>,
        %broadcast_in_dim3A_721 = arith.constant 7 : i32
        %broadcast_in_dim3A_722 = vector.broadcast %broadcast_in_dim3A_721 : i32 to vector<16xi32>
        tpu.vector_store_idx %arg10[%broadcast_in_dim3A_650, %shift_right_arithmetic3A_4, %broadcast_in_dim3A_5, %and3A_7, %broadcast_in_dim3A_722], %get3A_720 : memref<100x2x1x8x13xf32, #tpu.memory_space<vmem>>[vector<16xi32>, vector<16xi32>, vector<16xi32>, vector<16xi32>, vector<16xi32>], vector<16xf32>,
        %scan3A_723 = arith.constant 2 : i32
        %scan3A_724 = arith.addi %scan3A_575, %scan3A_723 : i32
        %broadcast_in_dim3A_725 = vector.broadcast %scan3A_724 : i32 to vector<16xi32>
        %add3A_726 = arith.constant 100 : i32
        %add3A_727 = arith.addi %add3A_726, %scan3A_724 : i32
        %get3A_728 = arith.constant 0 : i32
        %get3A_729 = arith.index_cast %get3A_728 : i32 to index
        %get3A_730 = arith.index_cast %add3A_727 : i32 to index
        %get3A_731 = arith.constant 0 : index
        %get3A_732 = tpu.vector_load %arg8[%get3A_729, %get3A_730, %get3A_731] {strides = array<i32>} : memref<8x200x16xf32, #tpu.memory_space<vmem>>, vector<16xf32>,
        %broadcast_in_dim3A_733 = arith.constant 0 : i32
        %broadcast_in_dim3A_734 = vector.broadcast %broadcast_in_dim3A_733 : i32 to vector<16xi32>
        tpu.vector_store_idx %arg10[%broadcast_in_dim3A_725, %shift_right_arithmetic3A_4, %broadcast_in_dim3A_5, %and3A_7, %broadcast_in_dim3A_734], %get3A_732 : memref<100x2x1x8x13xf32, #tpu.memory_space<vmem>>[vector<16xi32>, vector<16xi32>, vector<16xi32>, vector<16xi32>, vector<16xi32>], vector<16xf32>,
        %add3A_735 = arith.constant 100 : i32
        %add3A_736 = arith.addi %add3A_735, %scan3A_724 : i32
        %get3A_737 = arith.constant 1 : i32
        %get3A_738 = arith.index_cast %get3A_737 : i32 to index
        %get3A_739 = arith.index_cast %add3A_736 : i32 to index
        %get3A_740 = arith.constant 0 : index
        %get3A_741 = tpu.vector_load %arg8[%get3A_738, %get3A_739, %get3A_740] {strides = array<i32>} : memref<8x200x16xf32, #tpu.memory_space<vmem>>, vector<16xf32>,
        %broadcast_in_dim3A_742 = arith.constant 1 : i32
        %broadcast_in_dim3A_743 = vector.broadcast %broadcast_in_dim3A_742 : i32 to vector<16xi32>
        tpu.vector_store_idx %arg10[%broadcast_in_dim3A_725, %shift_right_arithmetic3A_4, %broadcast_in_dim3A_5, %and3A_7, %broadcast_in_dim3A_743], %get3A_741 : memref<100x2x1x8x13xf32, #tpu.memory_space<vmem>>[vector<16xi32>, vector<16xi32>, vector<16xi32>, vector<16xi32>, vector<16xi32>], vector<16xf32>,
        %add3A_744 = arith.constant 100 : i32
        %add3A_745 = arith.addi %add3A_744, %scan3A_724 : i32
        %get3A_746 = arith.constant 2 : i32
        %get3A_747 = arith.index_cast %get3A_746 : i32 to index
        %get3A_748 = arith.index_cast %add3A_745 : i32 to index
        %get3A_749 = arith.constant 0 : index
        %get3A_750 = tpu.vector_load %arg8[%get3A_747, %get3A_748, %get3A_749] {strides = array<i32>} : memref<8x200x16xf32, #tpu.memory_space<vmem>>, vector<16xf32>,
        %broadcast_in_dim3A_751 = arith.constant 2 : i32
        %broadcast_in_dim3A_752 = vector.broadcast %broadcast_in_dim3A_751 : i32 to vector<16xi32>
        tpu.vector_store_idx %arg10[%broadcast_in_dim3A_725, %shift_right_arithmetic3A_4, %broadcast_in_dim3A_5, %and3A_7, %broadcast_in_dim3A_752], %get3A_750 : memref<100x2x1x8x13xf32, #tpu.memory_space<vmem>>[vector<16xi32>, vector<16xi32>, vector<16xi32>, vector<16xi32>, vector<16xi32>], vector<16xf32>,
        %add3A_753 = arith.constant 100 : i32
        %add3A_754 = arith.addi %add3A_753, %scan3A_724 : i32
        %get3A_755 = arith.constant 3 : i32
        %get3A_756 = arith.index_cast %get3A_755 : i32 to index
        %get3A_757 = arith.index_cast %add3A_754 : i32 to index
        %get3A_758 = arith.constant 0 : index
        %get3A_759 = tpu.vector_load %arg8[%get3A_756, %get3A_757, %get3A_758] {strides = array<i32>} : memref<8x200x16xf32, #tpu.memory_space<vmem>>, vector<16xf32>,
        %broadcast_in_dim3A_760 = arith.constant 3 : i32
        %broadcast_in_dim3A_761 = vector.broadcast %broadcast_in_dim3A_760 : i32 to vector<16xi32>
        tpu.vector_store_idx %arg10[%broadcast_in_dim3A_725, %shift_right_arithmetic3A_4, %broadcast_in_dim3A_5, %and3A_7, %broadcast_in_dim3A_761], %get3A_759 : memref<100x2x1x8x13xf32, #tpu.memory_space<vmem>>[vector<16xi32>, vector<16xi32>, vector<16xi32>, vector<16xi32>, vector<16xi32>], vector<16xf32>,
        %add3A_762 = arith.constant 100 : i32
        %add3A_763 = arith.addi %add3A_762, %scan3A_724 : i32
        %get3A_764 = arith.constant 4 : i32
        %get3A_765 = arith.index_cast %get3A_764 : i32 to index
        %get3A_766 = arith.index_cast %add3A_763 : i32 to index
        %get3A_767 = arith.constant 0 : index
        %get3A_768 = tpu.vector_load %arg8[%get3A_765, %get3A_766, %get3A_767] {strides = array<i32>} : memref<8x200x16xf32, #tpu.memory_space<vmem>>, vector<16xf32>,
        %broadcast_in_dim3A_769 = arith.constant 4 : i32
        %broadcast_in_dim3A_770 = vector.broadcast %broadcast_in_dim3A_769 : i32 to vector<16xi32>
        tpu.vector_store_idx %arg10[%broadcast_in_dim3A_725, %shift_right_arithmetic3A_4, %broadcast_in_dim3A_5, %and3A_7, %broadcast_in_dim3A_770], %get3A_768 : memref<100x2x1x8x13xf32, #tpu.memory_space<vmem>>[vector<16xi32>, vector<16xi32>, vector<16xi32>, vector<16xi32>, vector<16xi32>], vector<16xf32>,
        %add3A_771 = arith.constant 100 : i32
        %add3A_772 = arith.addi %add3A_771, %scan3A_724 : i32
        %get3A_773 = arith.constant 5 : i32
        %get3A_774 = arith.index_cast %get3A_773 : i32 to index
        %get3A_775 = arith.index_cast %add3A_772 : i32 to index
        %get3A_776 = arith.constant 0 : index
        %get3A_777 = tpu.vector_load %arg8[%get3A_774, %get3A_775, %get3A_776] {strides = array<i32>} : memref<8x200x16xf32, #tpu.memory_space<vmem>>, vector<16xf32>,
        %broadcast_in_dim3A_778 = arith.constant 5 : i32
        %broadcast_in_dim3A_779 = vector.broadcast %broadcast_in_dim3A_778 : i32 to vector<16xi32>
        tpu.vector_store_idx %arg10[%broadcast_in_dim3A_725, %shift_right_arithmetic3A_4, %broadcast_in_dim3A_5, %and3A_7, %broadcast_in_dim3A_779], %get3A_777 : memref<100x2x1x8x13xf32, #tpu.memory_space<vmem>>[vector<16xi32>, vector<16xi32>, vector<16xi32>, vector<16xi32>, vector<16xi32>], vector<16xf32>,
        %add3A_780 = arith.constant 100 : i32
        %add3A_781 = arith.addi %add3A_780, %scan3A_724 : i32
        %get3A_782 = arith.constant 6 : i32
        %get3A_783 = arith.index_cast %get3A_782 : i32 to index
        %get3A_784 = arith.index_cast %add3A_781 : i32 to index
        %get3A_785 = arith.constant 0 : index
        %get3A_786 = tpu.vector_load %arg8[%get3A_783, %get3A_784, %get3A_785] {strides = array<i32>} : memref<8x200x16xf32, #tpu.memory_space<vmem>>, vector<16xf32>,
        %broadcast_in_dim3A_787 = arith.constant 6 : i32
        %broadcast_in_dim3A_788 = vector.broadcast %broadcast_in_dim3A_787 : i32 to vector<16xi32>
        tpu.vector_store_idx %arg10[%broadcast_in_dim3A_725, %shift_right_arithmetic3A_4, %broadcast_in_dim3A_5, %and3A_7, %broadcast_in_dim3A_788], %get3A_786 : memref<100x2x1x8x13xf32, #tpu.memory_space<vmem>>[vector<16xi32>, vector<16xi32>, vector<16xi32>, vector<16xi32>, vector<16xi32>], vector<16xf32>,
        %add3A_789 = arith.constant 100 : i32
        %add3A_790 = arith.addi %add3A_789, %scan3A_724 : i32
        %get3A_791 = arith.constant 7 : i32
        %get3A_792 = arith.index_cast %get3A_791 : i32 to index
        %get3A_793 = arith.index_cast %add3A_790 : i32 to index
        %get3A_794 = arith.constant 0 : index
        %get3A_795 = tpu.vector_load %arg8[%get3A_792, %get3A_793, %get3A_794] {strides = array<i32>} : memref<8x200x16xf32, #tpu.memory_space<vmem>>, vector<16xf32>,
        %broadcast_in_dim3A_796 = arith.constant 7 : i32
        %broadcast_in_dim3A_797 = vector.broadcast %broadcast_in_dim3A_796 : i32 to vector<16xi32>
        tpu.vector_store_idx %arg10[%broadcast_in_dim3A_725, %shift_right_arithmetic3A_4, %broadcast_in_dim3A_5, %and3A_7, %broadcast_in_dim3A_797], %get3A_795 : memref<100x2x1x8x13xf32, #tpu.memory_space<vmem>>[vector<16xi32>, vector<16xi32>, vector<16xi32>, vector<16xi32>, vector<16xi32>], vector<16xf32>,
        %scan3A_798 = arith.constant 3 : i32
        %scan3A_799 = arith.addi %scan3A_575, %scan3A_798 : i32
        %broadcast_in_dim3A_800 = vector.broadcast %scan3A_799 : i32 to vector<16xi32>
        %add3A_801 = arith.constant 100 : i32
        %add3A_802 = arith.addi %add3A_801, %scan3A_799 : i32
        %get3A_803 = arith.constant 0 : i32
        %get3A_804 = arith.index_cast %get3A_803 : i32 to index
        %get3A_805 = arith.index_cast %add3A_802 : i32 to index
        %get3A_806 = arith.constant 0 : index
        %get3A_807 = tpu.vector_load %arg8[%get3A_804, %get3A_805, %get3A_806] {strides = array<i32>} : memref<8x200x16xf32, #tpu.memory_space<vmem>>, vector<16xf32>,
        %broadcast_in_dim3A_808 = arith.constant 0 : i32
        %broadcast_in_dim3A_809 = vector.broadcast %broadcast_in_dim3A_808 : i32 to vector<16xi32>
        tpu.vector_store_idx %arg10[%broadcast_in_dim3A_800, %shift_right_arithmetic3A_4, %broadcast_in_dim3A_5, %and3A_7, %broadcast_in_dim3A_809], %get3A_807 : memref<100x2x1x8x13xf32, #tpu.memory_space<vmem>>[vector<16xi32>, vector<16xi32>, vector<16xi32>, vector<16xi32>, vector<16xi32>], vector<16xf32>,
        %add3A_810 = arith.constant 100 : i32
        %add3A_811 = arith.addi %add3A_810, %scan3A_799 : i32
        %get3A_812 = arith.constant 1 : i32
        %get3A_813 = arith.index_cast %get3A_812 : i32 to index
        %get3A_814 = arith.index_cast %add3A_811 : i32 to index
        %get3A_815 = arith.constant 0 : index
        %get3A_816 = tpu.vector_load %arg8[%get3A_813, %get3A_814, %get3A_815] {strides = array<i32>} : memref<8x200x16xf32, #tpu.memory_space<vmem>>, vector<16xf32>,
        %broadcast_in_dim3A_817 = arith.constant 1 : i32
        %broadcast_in_dim3A_818 = vector.broadcast %broadcast_in_dim3A_817 : i32 to vector<16xi32>
        tpu.vector_store_idx %arg10[%broadcast_in_dim3A_800, %shift_right_arithmetic3A_4, %broadcast_in_dim3A_5, %and3A_7, %broadcast_in_dim3A_818], %get3A_816 : memref<100x2x1x8x13xf32, #tpu.memory_space<vmem>>[vector<16xi32>, vector<16xi32>, vector<16xi32>, vector<16xi32>, vector<16xi32>], vector<16xf32>,
        %add3A_819 = arith.constant 100 : i32
        %add3A_820 = arith.addi %add3A_819, %scan3A_799 : i32
        %get3A_821 = arith.constant 2 : i32
        %get3A_822 = arith.index_cast %get3A_821 : i32 to index
        %get3A_823 = arith.index_cast %add3A_820 : i32 to index
        %get3A_824 = arith.constant 0 : index
        %get3A_825 = tpu.vector_load %arg8[%get3A_822, %get3A_823, %get3A_824] {strides = array<i32>} : memref<8x200x16xf32, #tpu.memory_space<vmem>>, vector<16xf32>,
        %broadcast_in_dim3A_826 = arith.constant 2 : i32
        %broadcast_in_dim3A_827 = vector.broadcast %broadcast_in_dim3A_826 : i32 to vector<16xi32>
        tpu.vector_store_idx %arg10[%broadcast_in_dim3A_800, %shift_right_arithmetic3A_4, %broadcast_in_dim3A_5, %and3A_7, %broadcast_in_dim3A_827], %get3A_825 : memref<100x2x1x8x13xf32, #tpu.memory_space<vmem>>[vector<16xi32>, vector<16xi32>, vector<16xi32>, vector<16xi32>, vector<16xi32>], vector<16xf32>,
        %add3A_828 = arith.constant 100 : i32
        %add3A_829 = arith.addi %add3A_828, %scan3A_799 : i32
        %get3A_830 = arith.constant 3 : i32
        %get3A_831 = arith.index_cast %get3A_830 : i32 to index
        %get3A_832 = arith.index_cast %add3A_829 : i32 to index
        %get3A_833 = arith.constant 0 : index
        %get3A_834 = tpu.vector_load %arg8[%get3A_831, %get3A_832, %get3A_833] {strides = array<i32>} : memref<8x200x16xf32, #tpu.memory_space<vmem>>, vector<16xf32>,
        %broadcast_in_dim3A_835 = arith.constant 3 : i32
        %broadcast_in_dim3A_836 = vector.broadcast %broadcast_in_dim3A_835 : i32 to vector<16xi32>
        tpu.vector_store_idx %arg10[%broadcast_in_dim3A_800, %shift_right_arithmetic3A_4, %broadcast_in_dim3A_5, %and3A_7, %broadcast_in_dim3A_836], %get3A_834 : memref<100x2x1x8x13xf32, #tpu.memory_space<vmem>>[vector<16xi32>, vector<16xi32>, vector<16xi32>, vector<16xi32>, vector<16xi32>], vector<16xf32>,
        %add3A_837 = arith.constant 100 : i32
        %add3A_838 = arith.addi %add3A_837, %scan3A_799 : i32
        %get3A_839 = arith.constant 4 : i32
        %get3A_840 = arith.index_cast %get3A_839 : i32 to index
        %get3A_841 = arith.index_cast %add3A_838 : i32 to index
        %get3A_842 = arith.constant 0 : index
        %get3A_843 = tpu.vector_load %arg8[%get3A_840, %get3A_841, %get3A_842] {strides = array<i32>} : memref<8x200x16xf32, #tpu.memory_space<vmem>>, vector<16xf32>,
        %broadcast_in_dim3A_844 = arith.constant 4 : i32
        %broadcast_in_dim3A_845 = vector.broadcast %broadcast_in_dim3A_844 : i32 to vector<16xi32>
        tpu.vector_store_idx %arg10[%broadcast_in_dim3A_800, %shift_right_arithmetic3A_4, %broadcast_in_dim3A_5, %and3A_7, %broadcast_in_dim3A_845], %get3A_843 : memref<100x2x1x8x13xf32, #tpu.memory_space<vmem>>[vector<16xi32>, vector<16xi32>, vector<16xi32>, vector<16xi32>, vector<16xi32>], vector<16xf32>,
        %add3A_846 = arith.constant 100 : i32
        %add3A_847 = arith.addi %add3A_846, %scan3A_799 : i32
        %get3A_848 = arith.constant 5 : i32
        %get3A_849 = arith.index_cast %get3A_848 : i32 to index
        %get3A_850 = arith.index_cast %add3A_847 : i32 to index
        %get3A_851 = arith.constant 0 : index
        %get3A_852 = tpu.vector_load %arg8[%get3A_849, %get3A_850, %get3A_851] {strides = array<i32>} : memref<8x200x16xf32, #tpu.memory_space<vmem>>, vector<16xf32>,
        %broadcast_in_dim3A_853 = arith.constant 5 : i32
        %broadcast_in_dim3A_854 = vector.broadcast %broadcast_in_dim3A_853 : i32 to vector<16xi32>
        tpu.vector_store_idx %arg10[%broadcast_in_dim3A_800, %shift_right_arithmetic3A_4, %broadcast_in_dim3A_5, %and3A_7, %broadcast_in_dim3A_854], %get3A_852 : memref<100x2x1x8x13xf32, #tpu.memory_space<vmem>>[vector<16xi32>, vector<16xi32>, vector<16xi32>, vector<16xi32>, vector<16xi32>], vector<16xf32>,
        %add3A_855 = arith.constant 100 : i32
        %add3A_856 = arith.addi %add3A_855, %scan3A_799 : i32
        %get3A_857 = arith.constant 6 : i32
        %get3A_858 = arith.index_cast %get3A_857 : i32 to index
        %get3A_859 = arith.index_cast %add3A_856 : i32 to index
        %get3A_860 = arith.constant 0 : index
        %get3A_861 = tpu.vector_load %arg8[%get3A_858, %get3A_859, %get3A_860] {strides = array<i32>} : memref<8x200x16xf32, #tpu.memory_space<vmem>>, vector<16xf32>,
        %broadcast_in_dim3A_862 = arith.constant 6 : i32
        %broadcast_in_dim3A_863 = vector.broadcast %broadcast_in_dim3A_862 : i32 to vector<16xi32>
        tpu.vector_store_idx %arg10[%broadcast_in_dim3A_800, %shift_right_arithmetic3A_4, %broadcast_in_dim3A_5, %and3A_7, %broadcast_in_dim3A_863], %get3A_861 : memref<100x2x1x8x13xf32, #tpu.memory_space<vmem>>[vector<16xi32>, vector<16xi32>, vector<16xi32>, vector<16xi32>, vector<16xi32>], vector<16xf32>,
        %add3A_864 = arith.constant 100 : i32
        %add3A_865 = arith.addi %add3A_864, %scan3A_799 : i32
        %get3A_866 = arith.constant 7 : i32
        %get3A_867 = arith.index_cast %get3A_866 : i32 to index
        %get3A_868 = arith.index_cast %add3A_865 : i32 to index
        %get3A_869 = arith.constant 0 : index
        %get3A_870 = tpu.vector_load %arg8[%get3A_867, %get3A_868, %get3A_869] {strides = array<i32>} : memref<8x200x16xf32, #tpu.memory_space<vmem>>, vector<16xf32>,
        %broadcast_in_dim3A_871 = arith.constant 7 : i32
        %broadcast_in_dim3A_872 = vector.broadcast %broadcast_in_dim3A_871 : i32 to vector<16xi32>
        tpu.vector_store_idx %arg10[%broadcast_in_dim3A_800, %shift_right_arithmetic3A_4, %broadcast_in_dim3A_5, %and3A_7, %broadcast_in_dim3A_872], %get3A_870 : memref<100x2x1x8x13xf32, #tpu.memory_space<vmem>>[vector<16xi32>, vector<16xi32>, vector<16xi32>, vector<16xi32>, vector<16xi32>], vector<16xf32>,
        %scan3A_873 = arith.constant 4 : i32
        %scan3A_874 = arith.addi %scan3A_575, %scan3A_873 : i32
        %broadcast_in_dim3A_875 = vector.broadcast %scan3A_874 : i32 to vector<16xi32>
        %add3A_876 = arith.constant 100 : i32
        %add3A_877 = arith.addi %add3A_876, %scan3A_874 : i32
        %get3A_878 = arith.constant 0 : i32
        %get3A_879 = arith.index_cast %get3A_878 : i32 to index
        %get3A_880 = arith.index_cast %add3A_877 : i32 to index
        %get3A_881 = arith.constant 0 : index
        %get3A_882 = tpu.vector_load %arg8[%get3A_879, %get3A_880, %get3A_881] {strides = array<i32>} : memref<8x200x16xf32, #tpu.memory_space<vmem>>, vector<16xf32>,
        %broadcast_in_dim3A_883 = arith.constant 0 : i32
        %broadcast_in_dim3A_884 = vector.broadcast %broadcast_in_dim3A_883 : i32 to vector<16xi32>
        tpu.vector_store_idx %arg10[%broadcast_in_dim3A_875, %shift_right_arithmetic3A_4, %broadcast_in_dim3A_5, %and3A_7, %broadcast_in_dim3A_884], %get3A_882 : memref<100x2x1x8x13xf32, #tpu.memory_space<vmem>>[vector<16xi32>, vector<16xi32>, vector<16xi32>, vector<16xi32>, vector<16xi32>], vector<16xf32>,
        %add3A_885 = arith.constant 100 : i32
        %add3A_886 = arith.addi %add3A_885, %scan3A_874 : i32
        %get3A_887 = arith.constant 1 : i32
        %get3A_888 = arith.index_cast %get3A_887 : i32 to index
        %get3A_889 = arith.index_cast %add3A_886 : i32 to index
        %get3A_890 = arith.constant 0 : index
        %get3A_891 = tpu.vector_load %arg8[%get3A_888, %get3A_889, %get3A_890] {strides = array<i32>} : memref<8x200x16xf32, #tpu.memory_space<vmem>>, vector<16xf32>,
        %broadcast_in_dim3A_892 = arith.constant 1 : i32
        %broadcast_in_dim3A_893 = vector.broadcast %broadcast_in_dim3A_892 : i32 to vector<16xi32>
        tpu.vector_store_idx %arg10[%broadcast_in_dim3A_875, %shift_right_arithmetic3A_4, %broadcast_in_dim3A_5, %and3A_7, %broadcast_in_dim3A_893], %get3A_891 : memref<100x2x1x8x13xf32, #tpu.memory_space<vmem>>[vector<16xi32>, vector<16xi32>, vector<16xi32>, vector<16xi32>, vector<16xi32>], vector<16xf32>,
        %add3A_894 = arith.constant 100 : i32
        %add3A_895 = arith.addi %add3A_894, %scan3A_874 : i32
        %get3A_896 = arith.constant 2 : i32
        %get3A_897 = arith.index_cast %get3A_896 : i32 to index
        %get3A_898 = arith.index_cast %add3A_895 : i32 to index
        %get3A_899 = arith.constant 0 : index
        %get3A_900 = tpu.vector_load %arg8[%get3A_897, %get3A_898, %get3A_899] {strides = array<i32>} : memref<8x200x16xf32, #tpu.memory_space<vmem>>, vector<16xf32>,
        %broadcast_in_dim3A_901 = arith.constant 2 : i32
        %broadcast_in_dim3A_902 = vector.broadcast %broadcast_in_dim3A_901 : i32 to vector<16xi32>
        tpu.vector_store_idx %arg10[%broadcast_in_dim3A_875, %shift_right_arithmetic3A_4, %broadcast_in_dim3A_5, %and3A_7, %broadcast_in_dim3A_902], %get3A_900 : memref<100x2x1x8x13xf32, #tpu.memory_space<vmem>>[vector<16xi32>, vector<16xi32>, vector<16xi32>, vector<16xi32>, vector<16xi32>], vector<16xf32>,
        %add3A_903 = arith.constant 100 : i32
        %add3A_904 = arith.addi %add3A_903, %scan3A_874 : i32
        %get3A_905 = arith.constant 3 : i32
        %get3A_906 = arith.index_cast %get3A_905 : i32 to index
        %get3A_907 = arith.index_cast %add3A_904 : i32 to index
        %get3A_908 = arith.constant 0 : index
        %get3A_909 = tpu.vector_load %arg8[%get3A_906, %get3A_907, %get3A_908] {strides = array<i32>} : memref<8x200x16xf32, #tpu.memory_space<vmem>>, vector<16xf32>,
        %broadcast_in_dim3A_910 = arith.constant 3 : i32
        %broadcast_in_dim3A_911 = vector.broadcast %broadcast_in_dim3A_910 : i32 to vector<16xi32>
        tpu.vector_store_idx %arg10[%broadcast_in_dim3A_875, %shift_right_arithmetic3A_4, %broadcast_in_dim3A_5, %and3A_7, %broadcast_in_dim3A_911], %get3A_909 : memref<100x2x1x8x13xf32, #tpu.memory_space<vmem>>[vector<16xi32>, vector<16xi32>, vector<16xi32>, vector<16xi32>, vector<16xi32>], vector<16xf32>,
        %add3A_912 = arith.constant 100 : i32
        %add3A_913 = arith.addi %add3A_912, %scan3A_874 : i32
        %get3A_914 = arith.constant 4 : i32
        %get3A_915 = arith.index_cast %get3A_914 : i32 to index
        %get3A_916 = arith.index_cast %add3A_913 : i32 to index
        %get3A_917 = arith.constant 0 : index
        %get3A_918 = tpu.vector_load %arg8[%get3A_915, %get3A_916, %get3A_917] {strides = array<i32>} : memref<8x200x16xf32, #tpu.memory_space<vmem>>, vector<16xf32>,
        %broadcast_in_dim3A_919 = arith.constant 4 : i32
        %broadcast_in_dim3A_920 = vector.broadcast %broadcast_in_dim3A_919 : i32 to vector<16xi32>
        tpu.vector_store_idx %arg10[%broadcast_in_dim3A_875, %shift_right_arithmetic3A_4, %broadcast_in_dim3A_5, %and3A_7, %broadcast_in_dim3A_920], %get3A_918 : memref<100x2x1x8x13xf32, #tpu.memory_space<vmem>>[vector<16xi32>, vector<16xi32>, vector<16xi32>, vector<16xi32>, vector<16xi32>], vector<16xf32>,
        %add3A_921 = arith.constant 100 : i32
        %add3A_922 = arith.addi %add3A_921, %scan3A_874 : i32
        %get3A_923 = arith.constant 5 : i32
        %get3A_924 = arith.index_cast %get3A_923 : i32 to index
        %get3A_925 = arith.index_cast %add3A_922 : i32 to index
        %get3A_926 = arith.constant 0 : index
        %get3A_927 = tpu.vector_load %arg8[%get3A_924, %get3A_925, %get3A_926] {strides = array<i32>} : memref<8x200x16xf32, #tpu.memory_space<vmem>>, vector<16xf32>,
        %broadcast_in_dim3A_928 = arith.constant 5 : i32
        %broadcast_in_dim3A_929 = vector.broadcast %broadcast_in_dim3A_928 : i32 to vector<16xi32>
        tpu.vector_store_idx %arg10[%broadcast_in_dim3A_875, %shift_right_arithmetic3A_4, %broadcast_in_dim3A_5, %and3A_7, %broadcast_in_dim3A_929], %get3A_927 : memref<100x2x1x8x13xf32, #tpu.memory_space<vmem>>[vector<16xi32>, vector<16xi32>, vector<16xi32>, vector<16xi32>, vector<16xi32>], vector<16xf32>,
        %add3A_930 = arith.constant 100 : i32
        %add3A_931 = arith.addi %add3A_930, %scan3A_874 : i32
        %get3A_932 = arith.constant 6 : i32
        %get3A_933 = arith.index_cast %get3A_932 : i32 to index
        %get3A_934 = arith.index_cast %add3A_931 : i32 to index
        %get3A_935 = arith.constant 0 : index
        %get3A_936 = tpu.vector_load %arg8[%get3A_933, %get3A_934, %get3A_935] {strides = array<i32>} : memref<8x200x16xf32, #tpu.memory_space<vmem>>, vector<16xf32>,
        %broadcast_in_dim3A_937 = arith.constant 6 : i32
        %broadcast_in_dim3A_938 = vector.broadcast %broadcast_in_dim3A_937 : i32 to vector<16xi32>
        tpu.vector_store_idx %arg10[%broadcast_in_dim3A_875, %shift_right_arithmetic3A_4, %broadcast_in_dim3A_5, %and3A_7, %broadcast_in_dim3A_938], %get3A_936 : memref<100x2x1x8x13xf32, #tpu.memory_space<vmem>>[vector<16xi32>, vector<16xi32>, vector<16xi32>, vector<16xi32>, vector<16xi32>], vector<16xf32>,
        %add3A_939 = arith.constant 100 : i32
        %add3A_940 = arith.addi %add3A_939, %scan3A_874 : i32
        %get3A_941 = arith.constant 7 : i32
        %get3A_942 = arith.index_cast %get3A_941 : i32 to index
        %get3A_943 = arith.index_cast %add3A_940 : i32 to index
        %get3A_944 = arith.constant 0 : index
        %get3A_945 = tpu.vector_load %arg8[%get3A_942, %get3A_943, %get3A_944] {strides = array<i32>} : memref<8x200x16xf32, #tpu.memory_space<vmem>>, vector<16xf32>,
        %broadcast_in_dim3A_946 = arith.constant 7 : i32
        %broadcast_in_dim3A_947 = vector.broadcast %broadcast_in_dim3A_946 : i32 to vector<16xi32>
        tpu.vector_store_idx %arg10[%broadcast_in_dim3A_875, %shift_right_arithmetic3A_4, %broadcast_in_dim3A_5, %and3A_7, %broadcast_in_dim3A_947], %get3A_945 : memref<100x2x1x8x13xf32, #tpu.memory_space<vmem>>[vector<16xi32>, vector<16xi32>, vector<16xi32>, vector<16xi32>, vector<16xi32>], vector<16xf32>,
        %scan3A_948 = arith.constant 5 : i32
        %scan3A_949 = arith.addi %scan3A_575, %scan3A_948 : i32
        %broadcast_in_dim3A_950 = vector.broadcast %scan3A_949 : i32 to vector<16xi32>
        %add3A_951 = arith.constant 100 : i32
        %add3A_952 = arith.addi %add3A_951, %scan3A_949 : i32
        %get3A_953 = arith.constant 0 : i32
        %get3A_954 = arith.index_cast %get3A_953 : i32 to index
        %get3A_955 = arith.index_cast %add3A_952 : i32 to index
        %get3A_956 = arith.constant 0 : index
        %get3A_957 = tpu.vector_load %arg8[%get3A_954, %get3A_955, %get3A_956] {strides = array<i32>} : memref<8x200x16xf32, #tpu.memory_space<vmem>>, vector<16xf32>,
        %broadcast_in_dim3A_958 = arith.constant 0 : i32
        %broadcast_in_dim3A_959 = vector.broadcast %broadcast_in_dim3A_958 : i32 to vector<16xi32>
        tpu.vector_store_idx %arg10[%broadcast_in_dim3A_950, %shift_right_arithmetic3A_4, %broadcast_in_dim3A_5, %and3A_7, %broadcast_in_dim3A_959], %get3A_957 : memref<100x2x1x8x13xf32, #tpu.memory_space<vmem>>[vector<16xi32>, vector<16xi32>, vector<16xi32>, vector<16xi32>, vector<16xi32>], vector<16xf32>,
        %add3A_960 = arith.constant 100 : i32
        %add3A_961 = arith.addi %add3A_960, %scan3A_949 : i32
        %get3A_962 = arith.constant 1 : i32
        %get3A_963 = arith.index_cast %get3A_962 : i32 to index
        %get3A_964 = arith.index_cast %add3A_961 : i32 to index
        %get3A_965 = arith.constant 0 : index
        %get3A_966 = tpu.vector_load %arg8[%get3A_963, %get3A_964, %get3A_965] {strides = array<i32>} : memref<8x200x16xf32, #tpu.memory_space<vmem>>, vector<16xf32>,
        %broadcast_in_dim3A_967 = arith.constant 1 : i32
        %broadcast_in_dim3A_968 = vector.broadcast %broadcast_in_dim3A_967 : i32 to vector<16xi32>
        tpu.vector_store_idx %arg10[%broadcast_in_dim3A_950, %shift_right_arithmetic3A_4, %broadcast_in_dim3A_5, %and3A_7, %broadcast_in_dim3A_968], %get3A_966 : memref<100x2x1x8x13xf32, #tpu.memory_space<vmem>>[vector<16xi32>, vector<16xi32>, vector<16xi32>, vector<16xi32>, vector<16xi32>], vector<16xf32>,
        %add3A_969 = arith.constant 100 : i32
        %add3A_970 = arith.addi %add3A_969, %scan3A_949 : i32
        %get3A_971 = arith.constant 2 : i32
        %get3A_972 = arith.index_cast %get3A_971 : i32 to index
        %get3A_973 = arith.index_cast %add3A_970 : i32 to index
        %get3A_974 = arith.constant 0 : index
        %get3A_975 = tpu.vector_load %arg8[%get3A_972, %get3A_973, %get3A_974] {strides = array<i32>} : memref<8x200x16xf32, #tpu.memory_space<vmem>>, vector<16xf32>,
        %broadcast_in_dim3A_976 = arith.constant 2 : i32
        %broadcast_in_dim3A_977 = vector.broadcast %broadcast_in_dim3A_976 : i32 to vector<16xi32>
        tpu.vector_store_idx %arg10[%broadcast_in_dim3A_950, %shift_right_arithmetic3A_4, %broadcast_in_dim3A_5, %and3A_7, %broadcast_in_dim3A_977], %get3A_975 : memref<100x2x1x8x13xf32, #tpu.memory_space<vmem>>[vector<16xi32>, vector<16xi32>, vector<16xi32>, vector<16xi32>, vector<16xi32>], vector<16xf32>,
        %add3A_978 = arith.constant 100 : i32
        %add3A_979 = arith.addi %add3A_978, %scan3A_949 : i32
        %get3A_980 = arith.constant 3 : i32
        %get3A_981 = arith.index_cast %get3A_980 : i32 to index
        %get3A_982 = arith.index_cast %add3A_979 : i32 to index
        %get3A_983 = arith.constant 0 : index
        %get3A_984 = tpu.vector_load %arg8[%get3A_981, %get3A_982, %get3A_983] {strides = array<i32>} : memref<8x200x16xf32, #tpu.memory_space<vmem>>, vector<16xf32>,
        %broadcast_in_dim3A_985 = arith.constant 3 : i32
        %broadcast_in_dim3A_986 = vector.broadcast %broadcast_in_dim3A_985 : i32 to vector<16xi32>
        tpu.vector_store_idx %arg10[%broadcast_in_dim3A_950, %shift_right_arithmetic3A_4, %broadcast_in_dim3A_5, %and3A_7, %broadcast_in_dim3A_986], %get3A_984 : memref<100x2x1x8x13xf32, #tpu.memory_space<vmem>>[vector<16xi32>, vector<16xi32>, vector<16xi32>, vector<16xi32>, vector<16xi32>], vector<16xf32>,
        %add3A_987 = arith.constant 100 : i32
        %add3A_988 = arith.addi %add3A_987, %scan3A_949 : i32
        %get3A_989 = arith.constant 4 : i32
        %get3A_990 = arith.index_cast %get3A_989 : i32 to index
        %get3A_991 = arith.index_cast %add3A_988 : i32 to index
        %get3A_992 = arith.constant 0 : index
        %get3A_993 = tpu.vector_load %arg8[%get3A_990, %get3A_991, %get3A_992] {strides = array<i32>} : memref<8x200x16xf32, #tpu.memory_space<vmem>>, vector<16xf32>,
        %broadcast_in_dim3A_994 = arith.constant 4 : i32
        %broadcast_in_dim3A_995 = vector.broadcast %broadcast_in_dim3A_994 : i32 to vector<16xi32>
        tpu.vector_store_idx %arg10[%broadcast_in_dim3A_950, %shift_right_arithmetic3A_4, %broadcast_in_dim3A_5, %and3A_7, %broadcast_in_dim3A_995], %get3A_993 : memref<100x2x1x8x13xf32, #tpu.memory_space<vmem>>[vector<16xi32>, vector<16xi32>, vector<16xi32>, vector<16xi32>, vector<16xi32>], vector<16xf32>,
        %add3A_996 = arith.constant 100 : i32
        %add3A_997 = arith.addi %add3A_996, %scan3A_949 : i32
        %get3A_998 = arith.constant 5 : i32
        %get3A_999 = arith.index_cast %get3A_998 : i32 to index
        %get3A_1000 = arith.index_cast %add3A_997 : i32 to index
        %get3A_1001 = arith.constant 0 : index
        %get3A_1002 = tpu.vector_load %arg8[%get3A_999, %get3A_1000, %get3A_1001] {strides = array<i32>} : memref<8x200x16xf32, #tpu.memory_space<vmem>>, vector<16xf32>,
        %broadcast_in_dim3A_1003 = arith.constant 5 : i32
        %broadcast_in_dim3A_1004 = vector.broadcast %broadcast_in_dim3A_1003 : i32 to vector<16xi32>
        tpu.vector_store_idx %arg10[%broadcast_in_dim3A_950, %shift_right_arithmetic3A_4, %broadcast_in_dim3A_5, %and3A_7, %broadcast_in_dim3A_1004], %get3A_1002 : memref<100x2x1x8x13xf32, #tpu.memory_space<vmem>>[vector<16xi32>, vector<16xi32>, vector<16xi32>, vector<16xi32>, vector<16xi32>], vector<16xf32>,
        %add3A_1005 = arith.constant 100 : i32
        %add3A_1006 = arith.addi %add3A_1005, %scan3A_949 : i32
        %get3A_1007 = arith.constant 6 : i32
        %get3A_1008 = arith.index_cast %get3A_1007 : i32 to index
        %get3A_1009 = arith.index_cast %add3A_1006 : i32 to index
        %get3A_1010 = arith.constant 0 : index
        %get3A_1011 = tpu.vector_load %arg8[%get3A_1008, %get3A_1009, %get3A_1010] {strides = array<i32>} : memref<8x200x16xf32, #tpu.memory_space<vmem>>, vector<16xf32>,
        %broadcast_in_dim3A_1012 = arith.constant 6 : i32
        %broadcast_in_dim3A_1013 = vector.broadcast %broadcast_in_dim3A_1012 : i32 to vector<16xi32>
        tpu.vector_store_idx %arg10[%broadcast_in_dim3A_950, %shift_right_arithmetic3A_4, %broadcast_in_dim3A_5, %and3A_7, %broadcast_in_dim3A_1013], %get3A_1011 : memref<100x2x1x8x13xf32, #tpu.memory_space<vmem>>[vector<16xi32>, vector<16xi32>, vector<16xi32>, vector<16xi32>, vector<16xi32>], vector<16xf32>,
        %add3A_1014 = arith.constant 100 : i32
        %add3A_1015 = arith.addi %add3A_1014, %scan3A_949 : i32
        %get3A_1016 = arith.constant 7 : i32
        %get3A_1017 = arith.index_cast %get3A_1016 : i32 to index
        %get3A_1018 = arith.index_cast %add3A_1015 : i32 to index
        %get3A_1019 = arith.constant 0 : index
        %get3A_1020 = tpu.vector_load %arg8[%get3A_1017, %get3A_1018, %get3A_1019] {strides = array<i32>} : memref<8x200x16xf32, #tpu.memory_space<vmem>>, vector<16xf32>,
        %broadcast_in_dim3A_1021 = arith.constant 7 : i32
        %broadcast_in_dim3A_1022 = vector.broadcast %broadcast_in_dim3A_1021 : i32 to vector<16xi32>
        tpu.vector_store_idx %arg10[%broadcast_in_dim3A_950, %shift_right_arithmetic3A_4, %broadcast_in_dim3A_5, %and3A_7, %broadcast_in_dim3A_1022], %get3A_1020 : memref<100x2x1x8x13xf32, #tpu.memory_space<vmem>>[vector<16xi32>, vector<16xi32>, vector<16xi32>, vector<16xi32>, vector<16xi32>], vector<16xf32>,
        %scan3A_1023 = arith.constant 6 : i32
        %scan3A_1024 = arith.addi %scan3A_575, %scan3A_1023 : i32
        %broadcast_in_dim3A_1025 = vector.broadcast %scan3A_1024 : i32 to vector<16xi32>
        %add3A_1026 = arith.constant 100 : i32
        %add3A_1027 = arith.addi %add3A_1026, %scan3A_1024 : i32
        %get3A_1028 = arith.constant 0 : i32
        %get3A_1029 = arith.index_cast %get3A_1028 : i32 to index
        %get3A_1030 = arith.index_cast %add3A_1027 : i32 to index
        %get3A_1031 = arith.constant 0 : index
        %get3A_1032 = tpu.vector_load %arg8[%get3A_1029, %get3A_1030, %get3A_1031] {strides = array<i32>} : memref<8x200x16xf32, #tpu.memory_space<vmem>>, vector<16xf32>,
        %broadcast_in_dim3A_1033 = arith.constant 0 : i32
        %broadcast_in_dim3A_1034 = vector.broadcast %broadcast_in_dim3A_1033 : i32 to vector<16xi32>
        tpu.vector_store_idx %arg10[%broadcast_in_dim3A_1025, %shift_right_arithmetic3A_4, %broadcast_in_dim3A_5, %and3A_7, %broadcast_in_dim3A_1034], %get3A_1032 : memref<100x2x1x8x13xf32, #tpu.memory_space<vmem>>[vector<16xi32>, vector<16xi32>, vector<16xi32>, vector<16xi32>, vector<16xi32>], vector<16xf32>,
        %add3A_1035 = arith.constant 100 : i32
        %add3A_1036 = arith.addi %add3A_1035, %scan3A_1024 : i32
        %get3A_1037 = arith.constant 1 : i32
        %get3A_1038 = arith.index_cast %get3A_1037 : i32 to index
        %get3A_1039 = arith.index_cast %add3A_1036 : i32 to index
        %get3A_1040 = arith.constant 0 : index
        %get3A_1041 = tpu.vector_load %arg8[%get3A_1038, %get3A_1039, %get3A_1040] {strides = array<i32>} : memref<8x200x16xf32, #tpu.memory_space<vmem>>, vector<16xf32>,
        %broadcast_in_dim3A_1042 = arith.constant 1 : i32
        %broadcast_in_dim3A_1043 = vector.broadcast %broadcast_in_dim3A_1042 : i32 to vector<16xi32>
        tpu.vector_store_idx %arg10[%broadcast_in_dim3A_1025, %shift_right_arithmetic3A_4, %broadcast_in_dim3A_5, %and3A_7, %broadcast_in_dim3A_1043], %get3A_1041 : memref<100x2x1x8x13xf32, #tpu.memory_space<vmem>>[vector<16xi32>, vector<16xi32>, vector<16xi32>, vector<16xi32>, vector<16xi32>], vector<16xf32>,
        %add3A_1044 = arith.constant 100 : i32
        %add3A_1045 = arith.addi %add3A_1044, %scan3A_1024 : i32
        %get3A_1046 = arith.constant 2 : i32
        %get3A_1047 = arith.index_cast %get3A_1046 : i32 to index
        %get3A_1048 = arith.index_cast %add3A_1045 : i32 to index
        %get3A_1049 = arith.constant 0 : index
        %get3A_1050 = tpu.vector_load %arg8[%get3A_1047, %get3A_1048, %get3A_1049] {strides = array<i32>} : memref<8x200x16xf32, #tpu.memory_space<vmem>>, vector<16xf32>,
        %broadcast_in_dim3A_1051 = arith.constant 2 : i32
        %broadcast_in_dim3A_1052 = vector.broadcast %broadcast_in_dim3A_1051 : i32 to vector<16xi32>
        tpu.vector_store_idx %arg10[%broadcast_in_dim3A_1025, %shift_right_arithmetic3A_4, %broadcast_in_dim3A_5, %and3A_7, %broadcast_in_dim3A_1052], %get3A_1050 : memref<100x2x1x8x13xf32, #tpu.memory_space<vmem>>[vector<16xi32>, vector<16xi32>, vector<16xi32>, vector<16xi32>, vector<16xi32>], vector<16xf32>,
        %add3A_1053 = arith.constant 100 : i32
        %add3A_1054 = arith.addi %add3A_1053, %scan3A_1024 : i32
        %get3A_1055 = arith.constant 3 : i32
        %get3A_1056 = arith.index_cast %get3A_1055 : i32 to index
        %get3A_1057 = arith.index_cast %add3A_1054 : i32 to index
        %get3A_1058 = arith.constant 0 : index
        %get3A_1059 = tpu.vector_load %arg8[%get3A_1056, %get3A_1057, %get3A_1058] {strides = array<i32>} : memref<8x200x16xf32, #tpu.memory_space<vmem>>, vector<16xf32>,
        %broadcast_in_dim3A_1060 = arith.constant 3 : i32
        %broadcast_in_dim3A_1061 = vector.broadcast %broadcast_in_dim3A_1060 : i32 to vector<16xi32>
        tpu.vector_store_idx %arg10[%broadcast_in_dim3A_1025, %shift_right_arithmetic3A_4, %broadcast_in_dim3A_5, %and3A_7, %broadcast_in_dim3A_1061], %get3A_1059 : memref<100x2x1x8x13xf32, #tpu.memory_space<vmem>>[vector<16xi32>, vector<16xi32>, vector<16xi32>, vector<16xi32>, vector<16xi32>], vector<16xf32>,
        %add3A_1062 = arith.constant 100 : i32
        %add3A_1063 = arith.addi %add3A_1062, %scan3A_1024 : i32
        %get3A_1064 = arith.constant 4 : i32
        %get3A_1065 = arith.index_cast %get3A_1064 : i32 to index
        %get3A_1066 = arith.index_cast %add3A_1063 : i32 to index
        %get3A_1067 = arith.constant 0 : index
        %get3A_1068 = tpu.vector_load %arg8[%get3A_1065, %get3A_1066, %get3A_1067] {strides = array<i32>} : memref<8x200x16xf32, #tpu.memory_space<vmem>>, vector<16xf32>,
        %broadcast_in_dim3A_1069 = arith.constant 4 : i32
        %broadcast_in_dim3A_1070 = vector.broadcast %broadcast_in_dim3A_1069 : i32 to vector<16xi32>
        tpu.vector_store_idx %arg10[%broadcast_in_dim3A_1025, %shift_right_arithmetic3A_4, %broadcast_in_dim3A_5, %and3A_7, %broadcast_in_dim3A_1070], %get3A_1068 : memref<100x2x1x8x13xf32, #tpu.memory_space<vmem>>[vector<16xi32>, vector<16xi32>, vector<16xi32>, vector<16xi32>, vector<16xi32>], vector<16xf32>,
        %add3A_1071 = arith.constant 100 : i32
        %add3A_1072 = arith.addi %add3A_1071, %scan3A_1024 : i32
        %get3A_1073 = arith.constant 5 : i32
        %get3A_1074 = arith.index_cast %get3A_1073 : i32 to index
        %get3A_1075 = arith.index_cast %add3A_1072 : i32 to index
        %get3A_1076 = arith.constant 0 : index
        %get3A_1077 = tpu.vector_load %arg8[%get3A_1074, %get3A_1075, %get3A_1076] {strides = array<i32>} : memref<8x200x16xf32, #tpu.memory_space<vmem>>, vector<16xf32>,
        %broadcast_in_dim3A_1078 = arith.constant 5 : i32
        %broadcast_in_dim3A_1079 = vector.broadcast %broadcast_in_dim3A_1078 : i32 to vector<16xi32>
        tpu.vector_store_idx %arg10[%broadcast_in_dim3A_1025, %shift_right_arithmetic3A_4, %broadcast_in_dim3A_5, %and3A_7, %broadcast_in_dim3A_1079], %get3A_1077 : memref<100x2x1x8x13xf32, #tpu.memory_space<vmem>>[vector<16xi32>, vector<16xi32>, vector<16xi32>, vector<16xi32>, vector<16xi32>], vector<16xf32>,
        %add3A_1080 = arith.constant 100 : i32
        %add3A_1081 = arith.addi %add3A_1080, %scan3A_1024 : i32
        %get3A_1082 = arith.constant 6 : i32
        %get3A_1083 = arith.index_cast %get3A_1082 : i32 to index
        %get3A_1084 = arith.index_cast %add3A_1081 : i32 to index
        %get3A_1085 = arith.constant 0 : index
        %get3A_1086 = tpu.vector_load %arg8[%get3A_1083, %get3A_1084, %get3A_1085] {strides = array<i32>} : memref<8x200x16xf32, #tpu.memory_space<vmem>>, vector<16xf32>,
        %broadcast_in_dim3A_1087 = arith.constant 6 : i32
        %broadcast_in_dim3A_1088 = vector.broadcast %broadcast_in_dim3A_1087 : i32 to vector<16xi32>
        tpu.vector_store_idx %arg10[%broadcast_in_dim3A_1025, %shift_right_arithmetic3A_4, %broadcast_in_dim3A_5, %and3A_7, %broadcast_in_dim3A_1088], %get3A_1086 : memref<100x2x1x8x13xf32, #tpu.memory_space<vmem>>[vector<16xi32>, vector<16xi32>, vector<16xi32>, vector<16xi32>, vector<16xi32>], vector<16xf32>,
        %add3A_1089 = arith.constant 100 : i32
        %add3A_1090 = arith.addi %add3A_1089, %scan3A_1024 : i32
        %get3A_1091 = arith.constant 7 : i32
        %get3A_1092 = arith.index_cast %get3A_1091 : i32 to index
        %get3A_1093 = arith.index_cast %add3A_1090 : i32 to index
        %get3A_1094 = arith.constant 0 : index
        %get3A_1095 = tpu.vector_load %arg8[%get3A_1092, %get3A_1093, %get3A_1094] {strides = array<i32>} : memref<8x200x16xf32, #tpu.memory_space<vmem>>, vector<16xf32>,
        %broadcast_in_dim3A_1096 = arith.constant 7 : i32
        %broadcast_in_dim3A_1097 = vector.broadcast %broadcast_in_dim3A_1096 : i32 to vector<16xi32>
        tpu.vector_store_idx %arg10[%broadcast_in_dim3A_1025, %shift_right_arithmetic3A_4, %broadcast_in_dim3A_5, %and3A_7, %broadcast_in_dim3A_1097], %get3A_1095 : memref<100x2x1x8x13xf32, #tpu.memory_space<vmem>>[vector<16xi32>, vector<16xi32>, vector<16xi32>, vector<16xi32>, vector<16xi32>], vector<16xf32>,
        %scan3A_1098 = arith.constant 7 : i32
        %scan3A_1099 = arith.addi %scan3A_575, %scan3A_1098 : i32
        %broadcast_in_dim3A_1100 = vector.broadcast %scan3A_1099 : i32 to vector<16xi32>
        %add3A_1101 = arith.constant 100 : i32
        %add3A_1102 = arith.addi %add3A_1101, %scan3A_1099 : i32
        %get3A_1103 = arith.constant 0 : i32
        %get3A_1104 = arith.index_cast %get3A_1103 : i32 to index
        %get3A_1105 = arith.index_cast %add3A_1102 : i32 to index
        %get3A_1106 = arith.constant 0 : index
        %get3A_1107 = tpu.vector_load %arg8[%get3A_1104, %get3A_1105, %get3A_1106] {strides = array<i32>} : memref<8x200x16xf32, #tpu.memory_space<vmem>>, vector<16xf32>,
        %broadcast_in_dim3A_1108 = arith.constant 0 : i32
        %broadcast_in_dim3A_1109 = vector.broadcast %broadcast_in_dim3A_1108 : i32 to vector<16xi32>
        tpu.vector_store_idx %arg10[%broadcast_in_dim3A_1100, %shift_right_arithmetic3A_4, %broadcast_in_dim3A_5, %and3A_7, %broadcast_in_dim3A_1109], %get3A_1107 : memref<100x2x1x8x13xf32, #tpu.memory_space<vmem>>[vector<16xi32>, vector<16xi32>, vector<16xi32>, vector<16xi32>, vector<16xi32>], vector<16xf32>,
        %add3A_1110 = arith.constant 100 : i32
        %add3A_1111 = arith.addi %add3A_1110, %scan3A_1099 : i32
        %get3A_1112 = arith.constant 1 : i32
        %get3A_1113 = arith.index_cast %get3A_1112 : i32 to index
        %get3A_1114 = arith.index_cast %add3A_1111 : i32 to index
        %get3A_1115 = arith.constant 0 : index
        %get3A_1116 = tpu.vector_load %arg8[%get3A_1113, %get3A_1114, %get3A_1115] {strides = array<i32>} : memref<8x200x16xf32, #tpu.memory_space<vmem>>, vector<16xf32>,
        %broadcast_in_dim3A_1117 = arith.constant 1 : i32
        %broadcast_in_dim3A_1118 = vector.broadcast %broadcast_in_dim3A_1117 : i32 to vector<16xi32>
        tpu.vector_store_idx %arg10[%broadcast_in_dim3A_1100, %shift_right_arithmetic3A_4, %broadcast_in_dim3A_5, %and3A_7, %broadcast_in_dim3A_1118], %get3A_1116 : memref<100x2x1x8x13xf32, #tpu.memory_space<vmem>>[vector<16xi32>, vector<16xi32>, vector<16xi32>, vector<16xi32>, vector<16xi32>], vector<16xf32>,
        %add3A_1119 = arith.constant 100 : i32
        %add3A_1120 = arith.addi %add3A_1119, %scan3A_1099 : i32
        %get3A_1121 = arith.constant 2 : i32
        %get3A_1122 = arith.index_cast %get3A_1121 : i32 to index
        %get3A_1123 = arith.index_cast %add3A_1120 : i32 to index
        %get3A_1124 = arith.constant 0 : index
        %get3A_1125 = tpu.vector_load %arg8[%get3A_1122, %get3A_1123, %get3A_1124] {strides = array<i32>} : memref<8x200x16xf32, #tpu.memory_space<vmem>>, vector<16xf32>,
        %broadcast_in_dim3A_1126 = arith.constant 2 : i32
        %broadcast_in_dim3A_1127 = vector.broadcast %broadcast_in_dim3A_1126 : i32 to vector<16xi32>
        tpu.vector_store_idx %arg10[%broadcast_in_dim3A_1100, %shift_right_arithmetic3A_4, %broadcast_in_dim3A_5, %and3A_7, %broadcast_in_dim3A_1127], %get3A_1125 : memref<100x2x1x8x13xf32, #tpu.memory_space<vmem>>[vector<16xi32>, vector<16xi32>, vector<16xi32>, vector<16xi32>, vector<16xi32>], vector<16xf32>,
        %add3A_1128 = arith.constant 100 : i32
        %add3A_1129 = arith.addi %add3A_1128, %scan3A_1099 : i32
        %get3A_1130 = arith.constant 3 : i32
        %get3A_1131 = arith.index_cast %get3A_1130 : i32 to index
        %get3A_1132 = arith.index_cast %add3A_1129 : i32 to index
        %get3A_1133 = arith.constant 0 : index
        %get3A_1134 = tpu.vector_load %arg8[%get3A_1131, %get3A_1132, %get3A_1133] {strides = array<i32>} : memref<8x200x16xf32, #tpu.memory_space<vmem>>, vector<16xf32>,
        %broadcast_in_dim3A_1135 = arith.constant 3 : i32
        %broadcast_in_dim3A_1136 = vector.broadcast %broadcast_in_dim3A_1135 : i32 to vector<16xi32>
        tpu.vector_store_idx %arg10[%broadcast_in_dim3A_1100, %shift_right_arithmetic3A_4, %broadcast_in_dim3A_5, %and3A_7, %broadcast_in_dim3A_1136], %get3A_1134 : memref<100x2x1x8x13xf32, #tpu.memory_space<vmem>>[vector<16xi32>, vector<16xi32>, vector<16xi32>, vector<16xi32>, vector<16xi32>], vector<16xf32>,
        %add3A_1137 = arith.constant 100 : i32
        %add3A_1138 = arith.addi %add3A_1137, %scan3A_1099 : i32
        %get3A_1139 = arith.constant 4 : i32
        %get3A_1140 = arith.index_cast %get3A_1139 : i32 to index
        %get3A_1141 = arith.index_cast %add3A_1138 : i32 to index
        %get3A_1142 = arith.constant 0 : index
        %get3A_1143 = tpu.vector_load %arg8[%get3A_1140, %get3A_1141, %get3A_1142] {strides = array<i32>} : memref<8x200x16xf32, #tpu.memory_space<vmem>>, vector<16xf32>,
        %broadcast_in_dim3A_1144 = arith.constant 4 : i32
        %broadcast_in_dim3A_1145 = vector.broadcast %broadcast_in_dim3A_1144 : i32 to vector<16xi32>
        tpu.vector_store_idx %arg10[%broadcast_in_dim3A_1100, %shift_right_arithmetic3A_4, %broadcast_in_dim3A_5, %and3A_7, %broadcast_in_dim3A_1145], %get3A_1143 : memref<100x2x1x8x13xf32, #tpu.memory_space<vmem>>[vector<16xi32>, vector<16xi32>, vector<16xi32>, vector<16xi32>, vector<16xi32>], vector<16xf32>,
        %add3A_1146 = arith.constant 100 : i32
        %add3A_1147 = arith.addi %add3A_1146, %scan3A_1099 : i32
        %get3A_1148 = arith.constant 5 : i32
        %get3A_1149 = arith.index_cast %get3A_1148 : i32 to index
        %get3A_1150 = arith.index_cast %add3A_1147 : i32 to index
        %get3A_1151 = arith.constant 0 : index
        %get3A_1152 = tpu.vector_load %arg8[%get3A_1149, %get3A_1150, %get3A_1151] {strides = array<i32>} : memref<8x200x16xf32, #tpu.memory_space<vmem>>, vector<16xf32>,
        %broadcast_in_dim3A_1153 = arith.constant 5 : i32
        %broadcast_in_dim3A_1154 = vector.broadcast %broadcast_in_dim3A_1153 : i32 to vector<16xi32>
        tpu.vector_store_idx %arg10[%broadcast_in_dim3A_1100, %shift_right_arithmetic3A_4, %broadcast_in_dim3A_5, %and3A_7, %broadcast_in_dim3A_1154], %get3A_1152 : memref<100x2x1x8x13xf32, #tpu.memory_space<vmem>>[vector<16xi32>, vector<16xi32>, vector<16xi32>, vector<16xi32>, vector<16xi32>], vector<16xf32>,
        %add3A_1155 = arith.constant 100 : i32
        %add3A_1156 = arith.addi %add3A_1155, %scan3A_1099 : i32
        %get3A_1157 = arith.constant 6 : i32
        %get3A_1158 = arith.index_cast %get3A_1157 : i32 to index
        %get3A_1159 = arith.index_cast %add3A_1156 : i32 to index
        %get3A_1160 = arith.constant 0 : index
        %get3A_1161 = tpu.vector_load %arg8[%get3A_1158, %get3A_1159, %get3A_1160] {strides = array<i32>} : memref<8x200x16xf32, #tpu.memory_space<vmem>>, vector<16xf32>,
        %broadcast_in_dim3A_1162 = arith.constant 6 : i32
        %broadcast_in_dim3A_1163 = vector.broadcast %broadcast_in_dim3A_1162 : i32 to vector<16xi32>
        tpu.vector_store_idx %arg10[%broadcast_in_dim3A_1100, %shift_right_arithmetic3A_4, %broadcast_in_dim3A_5, %and3A_7, %broadcast_in_dim3A_1163], %get3A_1161 : memref<100x2x1x8x13xf32, #tpu.memory_space<vmem>>[vector<16xi32>, vector<16xi32>, vector<16xi32>, vector<16xi32>, vector<16xi32>], vector<16xf32>,
        %add3A_1164 = arith.constant 100 : i32
        %add3A_1165 = arith.addi %add3A_1164, %scan3A_1099 : i32
        %get3A_1166 = arith.constant 7 : i32
        %get3A_1167 = arith.index_cast %get3A_1166 : i32 to index
        %get3A_1168 = arith.index_cast %add3A_1165 : i32 to index
        %get3A_1169 = arith.constant 0 : index
        %get3A_1170 = tpu.vector_load %arg8[%get3A_1167, %get3A_1168, %get3A_1169] {strides = array<i32>} : memref<8x200x16xf32, #tpu.memory_space<vmem>>, vector<16xf32>,
        %broadcast_in_dim3A_1171 = arith.constant 7 : i32
        %broadcast_in_dim3A_1172 = vector.broadcast %broadcast_in_dim3A_1171 : i32 to vector<16xi32>
        tpu.vector_store_idx %arg10[%broadcast_in_dim3A_1100, %shift_right_arithmetic3A_4, %broadcast_in_dim3A_5, %and3A_7, %broadcast_in_dim3A_1172], %get3A_1170 : memref<100x2x1x8x13xf32, #tpu.memory_space<vmem>>[vector<16xi32>, vector<16xi32>, vector<16xi32>, vector<16xi32>, vector<16xi32>], vector<16xf32>,
        %scan3A_1173 = arith.constant 8 : i32
        %scan3A_1174 = arith.addi %scan3A_575, %scan3A_1173 : i32
        %broadcast_in_dim3A_1175 = vector.broadcast %scan3A_1174 : i32 to vector<16xi32>
        %add3A_1176 = arith.constant 100 : i32
        %add3A_1177 = arith.addi %add3A_1176, %scan3A_1174 : i32
        %get3A_1178 = arith.constant 0 : i32
        %get3A_1179 = arith.index_cast %get3A_1178 : i32 to index
        %get3A_1180 = arith.index_cast %add3A_1177 : i32 to index
        %get3A_1181 = arith.constant 0 : index
        %get3A_1182 = tpu.vector_load %arg8[%get3A_1179, %get3A_1180, %get3A_1181] {strides = array<i32>} : memref<8x200x16xf32, #tpu.memory_space<vmem>>, vector<16xf32>,
        %broadcast_in_dim3A_1183 = arith.constant 0 : i32
        %broadcast_in_dim3A_1184 = vector.broadcast %broadcast_in_dim3A_1183 : i32 to vector<16xi32>
        tpu.vector_store_idx %arg10[%broadcast_in_dim3A_1175, %shift_right_arithmetic3A_4, %broadcast_in_dim3A_5, %and3A_7, %broadcast_in_dim3A_1184], %get3A_1182 : memref<100x2x1x8x13xf32, #tpu.memory_space<vmem>>[vector<16xi32>, vector<16xi32>, vector<16xi32>, vector<16xi32>, vector<16xi32>], vector<16xf32>,
        %add3A_1185 = arith.constant 100 : i32
        %add3A_1186 = arith.addi %add3A_1185, %scan3A_1174 : i32
        %get3A_1187 = arith.constant 1 : i32
        %get3A_1188 = arith.index_cast %get3A_1187 : i32 to index
        %get3A_1189 = arith.index_cast %add3A_1186 : i32 to index
        %get3A_1190 = arith.constant 0 : index
        %get3A_1191 = tpu.vector_load %arg8[%get3A_1188, %get3A_1189, %get3A_1190] {strides = array<i32>} : memref<8x200x16xf32, #tpu.memory_space<vmem>>, vector<16xf32>,
        %broadcast_in_dim3A_1192 = arith.constant 1 : i32
        %broadcast_in_dim3A_1193 = vector.broadcast %broadcast_in_dim3A_1192 : i32 to vector<16xi32>
        tpu.vector_store_idx %arg10[%broadcast_in_dim3A_1175, %shift_right_arithmetic3A_4, %broadcast_in_dim3A_5, %and3A_7, %broadcast_in_dim3A_1193], %get3A_1191 : memref<100x2x1x8x13xf32, #tpu.memory_space<vmem>>[vector<16xi32>, vector<16xi32>, vector<16xi32>, vector<16xi32>, vector<16xi32>], vector<16xf32>,
        %add3A_1194 = arith.constant 100 : i32
        %add3A_1195 = arith.addi %add3A_1194, %scan3A_1174 : i32
        %get3A_1196 = arith.constant 2 : i32
        %get3A_1197 = arith.index_cast %get3A_1196 : i32 to index
        %get3A_1198 = arith.index_cast %add3A_1195 : i32 to index
        %get3A_1199 = arith.constant 0 : index
        %get3A_1200 = tpu.vector_load %arg8[%get3A_1197, %get3A_1198, %get3A_1199] {strides = array<i32>} : memref<8x200x16xf32, #tpu.memory_space<vmem>>, vector<16xf32>,
        %broadcast_in_dim3A_1201 = arith.constant 2 : i32
        %broadcast_in_dim3A_1202 = vector.broadcast %broadcast_in_dim3A_1201 : i32 to vector<16xi32>
        tpu.vector_store_idx %arg10[%broadcast_in_dim3A_1175, %shift_right_arithmetic3A_4, %broadcast_in_dim3A_5, %and3A_7, %broadcast_in_dim3A_1202], %get3A_1200 : memref<100x2x1x8x13xf32, #tpu.memory_space<vmem>>[vector<16xi32>, vector<16xi32>, vector<16xi32>, vector<16xi32>, vector<16xi32>], vector<16xf32>,
        %add3A_1203 = arith.constant 100 : i32
        %add3A_1204 = arith.addi %add3A_1203, %scan3A_1174 : i32
        %get3A_1205 = arith.constant 3 : i32
        %get3A_1206 = arith.index_cast %get3A_1205 : i32 to index
        %get3A_1207 = arith.index_cast %add3A_1204 : i32 to index
        %get3A_1208 = arith.constant 0 : index
        %get3A_1209 = tpu.vector_load %arg8[%get3A_1206, %get3A_1207, %get3A_1208] {strides = array<i32>} : memref<8x200x16xf32, #tpu.memory_space<vmem>>, vector<16xf32>,
        %broadcast_in_dim3A_1210 = arith.constant 3 : i32
        %broadcast_in_dim3A_1211 = vector.broadcast %broadcast_in_dim3A_1210 : i32 to vector<16xi32>
        tpu.vector_store_idx %arg10[%broadcast_in_dim3A_1175, %shift_right_arithmetic3A_4, %broadcast_in_dim3A_5, %and3A_7, %broadcast_in_dim3A_1211], %get3A_1209 : memref<100x2x1x8x13xf32, #tpu.memory_space<vmem>>[vector<16xi32>, vector<16xi32>, vector<16xi32>, vector<16xi32>, vector<16xi32>], vector<16xf32>,
        %add3A_1212 = arith.constant 100 : i32
        %add3A_1213 = arith.addi %add3A_1212, %scan3A_1174 : i32
        %get3A_1214 = arith.constant 4 : i32
        %get3A_1215 = arith.index_cast %get3A_1214 : i32 to index
        %get3A_1216 = arith.index_cast %add3A_1213 : i32 to index
        %get3A_1217 = arith.constant 0 : index
        %get3A_1218 = tpu.vector_load %arg8[%get3A_1215, %get3A_1216, %get3A_1217] {strides = array<i32>} : memref<8x200x16xf32, #tpu.memory_space<vmem>>, vector<16xf32>,
        %broadcast_in_dim3A_1219 = arith.constant 4 : i32
        %broadcast_in_dim3A_1220 = vector.broadcast %broadcast_in_dim3A_1219 : i32 to vector<16xi32>
        tpu.vector_store_idx %arg10[%broadcast_in_dim3A_1175, %shift_right_arithmetic3A_4, %broadcast_in_dim3A_5, %and3A_7, %broadcast_in_dim3A_1220], %get3A_1218 : memref<100x2x1x8x13xf32, #tpu.memory_space<vmem>>[vector<16xi32>, vector<16xi32>, vector<16xi32>, vector<16xi32>, vector<16xi32>], vector<16xf32>,
        %add3A_1221 = arith.constant 100 : i32
        %add3A_1222 = arith.addi %add3A_1221, %scan3A_1174 : i32
        %get3A_1223 = arith.constant 5 : i32
        %get3A_1224 = arith.index_cast %get3A_1223 : i32 to index
        %get3A_1225 = arith.index_cast %add3A_1222 : i32 to index
        %get3A_1226 = arith.constant 0 : index
        %get3A_1227 = tpu.vector_load %arg8[%get3A_1224, %get3A_1225, %get3A_1226] {strides = array<i32>} : memref<8x200x16xf32, #tpu.memory_space<vmem>>, vector<16xf32>,
        %broadcast_in_dim3A_1228 = arith.constant 5 : i32
        %broadcast_in_dim3A_1229 = vector.broadcast %broadcast_in_dim3A_1228 : i32 to vector<16xi32>
        tpu.vector_store_idx %arg10[%broadcast_in_dim3A_1175, %shift_right_arithmetic3A_4, %broadcast_in_dim3A_5, %and3A_7, %broadcast_in_dim3A_1229], %get3A_1227 : memref<100x2x1x8x13xf32, #tpu.memory_space<vmem>>[vector<16xi32>, vector<16xi32>, vector<16xi32>, vector<16xi32>, vector<16xi32>], vector<16xf32>,
        %add3A_1230 = arith.constant 100 : i32
        %add3A_1231 = arith.addi %add3A_1230, %scan3A_1174 : i32
        %get3A_1232 = arith.constant 6 : i32
        %get3A_1233 = arith.index_cast %get3A_1232 : i32 to index
        %get3A_1234 = arith.index_cast %add3A_1231 : i32 to index
        %get3A_1235 = arith.constant 0 : index
        %get3A_1236 = tpu.vector_load %arg8[%get3A_1233, %get3A_1234, %get3A_1235] {strides = array<i32>} : memref<8x200x16xf32, #tpu.memory_space<vmem>>, vector<16xf32>,
        %broadcast_in_dim3A_1237 = arith.constant 6 : i32
        %broadcast_in_dim3A_1238 = vector.broadcast %broadcast_in_dim3A_1237 : i32 to vector<16xi32>
        tpu.vector_store_idx %arg10[%broadcast_in_dim3A_1175, %shift_right_arithmetic3A_4, %broadcast_in_dim3A_5, %and3A_7, %broadcast_in_dim3A_1238], %get3A_1236 : memref<100x2x1x8x13xf32, #tpu.memory_space<vmem>>[vector<16xi32>, vector<16xi32>, vector<16xi32>, vector<16xi32>, vector<16xi32>], vector<16xf32>,
        %add3A_1239 = arith.constant 100 : i32
        %add3A_1240 = arith.addi %add3A_1239, %scan3A_1174 : i32
        %get3A_1241 = arith.constant 7 : i32
        %get3A_1242 = arith.index_cast %get3A_1241 : i32 to index
        %get3A_1243 = arith.index_cast %add3A_1240 : i32 to index
        %get3A_1244 = arith.constant 0 : index
        %get3A_1245 = tpu.vector_load %arg8[%get3A_1242, %get3A_1243, %get3A_1244] {strides = array<i32>} : memref<8x200x16xf32, #tpu.memory_space<vmem>>, vector<16xf32>,
        %broadcast_in_dim3A_1246 = arith.constant 7 : i32
        %broadcast_in_dim3A_1247 = vector.broadcast %broadcast_in_dim3A_1246 : i32 to vector<16xi32>
        tpu.vector_store_idx %arg10[%broadcast_in_dim3A_1175, %shift_right_arithmetic3A_4, %broadcast_in_dim3A_5, %and3A_7, %broadcast_in_dim3A_1247], %get3A_1245 : memref<100x2x1x8x13xf32, #tpu.memory_space<vmem>>[vector<16xi32>, vector<16xi32>, vector<16xi32>, vector<16xi32>, vector<16xi32>], vector<16xf32>,
        %scan3A_1248 = arith.constant 9 : i32
        %scan3A_1249 = arith.addi %scan3A_575, %scan3A_1248 : i32
        %broadcast_in_dim3A_1250 = vector.broadcast %scan3A_1249 : i32 to vector<16xi32>
        %add3A_1251 = arith.constant 100 : i32
        %add3A_1252 = arith.addi %add3A_1251, %scan3A_1249 : i32
        %get3A_1253 = arith.constant 0 : i32
        %get3A_1254 = arith.index_cast %get3A_1253 : i32 to index
        %get3A_1255 = arith.index_cast %add3A_1252 : i32 to index
        %get3A_1256 = arith.constant 0 : index
        %get3A_1257 = tpu.vector_load %arg8[%get3A_1254, %get3A_1255, %get3A_1256] {strides = array<i32>} : memref<8x200x16xf32, #tpu.memory_space<vmem>>, vector<16xf32>,
        %broadcast_in_dim3A_1258 = arith.constant 0 : i32
        %broadcast_in_dim3A_1259 = vector.broadcast %broadcast_in_dim3A_1258 : i32 to vector<16xi32>
        tpu.vector_store_idx %arg10[%broadcast_in_dim3A_1250, %shift_right_arithmetic3A_4, %broadcast_in_dim3A_5, %and3A_7, %broadcast_in_dim3A_1259], %get3A_1257 : memref<100x2x1x8x13xf32, #tpu.memory_space<vmem>>[vector<16xi32>, vector<16xi32>, vector<16xi32>, vector<16xi32>, vector<16xi32>], vector<16xf32>,
        %add3A_1260 = arith.constant 100 : i32
        %add3A_1261 = arith.addi %add3A_1260, %scan3A_1249 : i32
        %get3A_1262 = arith.constant 1 : i32
        %get3A_1263 = arith.index_cast %get3A_1262 : i32 to index
        %get3A_1264 = arith.index_cast %add3A_1261 : i32 to index
        %get3A_1265 = arith.constant 0 : index
        %get3A_1266 = tpu.vector_load %arg8[%get3A_1263, %get3A_1264, %get3A_1265] {strides = array<i32>} : memref<8x200x16xf32, #tpu.memory_space<vmem>>, vector<16xf32>,
        %broadcast_in_dim3A_1267 = arith.constant 1 : i32
        %broadcast_in_dim3A_1268 = vector.broadcast %broadcast_in_dim3A_1267 : i32 to vector<16xi32>
        tpu.vector_store_idx %arg10[%broadcast_in_dim3A_1250, %shift_right_arithmetic3A_4, %broadcast_in_dim3A_5, %and3A_7, %broadcast_in_dim3A_1268], %get3A_1266 : memref<100x2x1x8x13xf32, #tpu.memory_space<vmem>>[vector<16xi32>, vector<16xi32>, vector<16xi32>, vector<16xi32>, vector<16xi32>], vector<16xf32>,
        %add3A_1269 = arith.constant 100 : i32
        %add3A_1270 = arith.addi %add3A_1269, %scan3A_1249 : i32
        %get3A_1271 = arith.constant 2 : i32
        %get3A_1272 = arith.index_cast %get3A_1271 : i32 to index
        %get3A_1273 = arith.index_cast %add3A_1270 : i32 to index
        %get3A_1274 = arith.constant 0 : index
        %get3A_1275 = tpu.vector_load %arg8[%get3A_1272, %get3A_1273, %get3A_1274] {strides = array<i32>} : memref<8x200x16xf32, #tpu.memory_space<vmem>>, vector<16xf32>,
        %broadcast_in_dim3A_1276 = arith.constant 2 : i32
        %broadcast_in_dim3A_1277 = vector.broadcast %broadcast_in_dim3A_1276 : i32 to vector<16xi32>
        tpu.vector_store_idx %arg10[%broadcast_in_dim3A_1250, %shift_right_arithmetic3A_4, %broadcast_in_dim3A_5, %and3A_7, %broadcast_in_dim3A_1277], %get3A_1275 : memref<100x2x1x8x13xf32, #tpu.memory_space<vmem>>[vector<16xi32>, vector<16xi32>, vector<16xi32>, vector<16xi32>, vector<16xi32>], vector<16xf32>,
        %add3A_1278 = arith.constant 100 : i32
        %add3A_1279 = arith.addi %add3A_1278, %scan3A_1249 : i32
        %get3A_1280 = arith.constant 3 : i32
        %get3A_1281 = arith.index_cast %get3A_1280 : i32 to index
        %get3A_1282 = arith.index_cast %add3A_1279 : i32 to index
        %get3A_1283 = arith.constant 0 : index
        %get3A_1284 = tpu.vector_load %arg8[%get3A_1281, %get3A_1282, %get3A_1283] {strides = array<i32>} : memref<8x200x16xf32, #tpu.memory_space<vmem>>, vector<16xf32>,
        %broadcast_in_dim3A_1285 = arith.constant 3 : i32
        %broadcast_in_dim3A_1286 = vector.broadcast %broadcast_in_dim3A_1285 : i32 to vector<16xi32>
        tpu.vector_store_idx %arg10[%broadcast_in_dim3A_1250, %shift_right_arithmetic3A_4, %broadcast_in_dim3A_5, %and3A_7, %broadcast_in_dim3A_1286], %get3A_1284 : memref<100x2x1x8x13xf32, #tpu.memory_space<vmem>>[vector<16xi32>, vector<16xi32>, vector<16xi32>, vector<16xi32>, vector<16xi32>], vector<16xf32>,
        %add3A_1287 = arith.constant 100 : i32
        %add3A_1288 = arith.addi %add3A_1287, %scan3A_1249 : i32
        %get3A_1289 = arith.constant 4 : i32
        %get3A_1290 = arith.index_cast %get3A_1289 : i32 to index
        %get3A_1291 = arith.index_cast %add3A_1288 : i32 to index
        %get3A_1292 = arith.constant 0 : index
        %get3A_1293 = tpu.vector_load %arg8[%get3A_1290, %get3A_1291, %get3A_1292] {strides = array<i32>} : memref<8x200x16xf32, #tpu.memory_space<vmem>>, vector<16xf32>,
        %broadcast_in_dim3A_1294 = arith.constant 4 : i32
        %broadcast_in_dim3A_1295 = vector.broadcast %broadcast_in_dim3A_1294 : i32 to vector<16xi32>
        tpu.vector_store_idx %arg10[%broadcast_in_dim3A_1250, %shift_right_arithmetic3A_4, %broadcast_in_dim3A_5, %and3A_7, %broadcast_in_dim3A_1295], %get3A_1293 : memref<100x2x1x8x13xf32, #tpu.memory_space<vmem>>[vector<16xi32>, vector<16xi32>, vector<16xi32>, vector<16xi32>, vector<16xi32>], vector<16xf32>,
        %add3A_1296 = arith.constant 100 : i32
        %add3A_1297 = arith.addi %add3A_1296, %scan3A_1249 : i32
        %get3A_1298 = arith.constant 5 : i32
        %get3A_1299 = arith.index_cast %get3A_1298 : i32 to index
        %get3A_1300 = arith.index_cast %add3A_1297 : i32 to index
        %get3A_1301 = arith.constant 0 : index
        %get3A_1302 = tpu.vector_load %arg8[%get3A_1299, %get3A_1300, %get3A_1301] {strides = array<i32>} : memref<8x200x16xf32, #tpu.memory_space<vmem>>, vector<16xf32>,
        %broadcast_in_dim3A_1303 = arith.constant 5 : i32
        %broadcast_in_dim3A_1304 = vector.broadcast %broadcast_in_dim3A_1303 : i32 to vector<16xi32>
        tpu.vector_store_idx %arg10[%broadcast_in_dim3A_1250, %shift_right_arithmetic3A_4, %broadcast_in_dim3A_5, %and3A_7, %broadcast_in_dim3A_1304], %get3A_1302 : memref<100x2x1x8x13xf32, #tpu.memory_space<vmem>>[vector<16xi32>, vector<16xi32>, vector<16xi32>, vector<16xi32>, vector<16xi32>], vector<16xf32>,
        %add3A_1305 = arith.constant 100 : i32
        %add3A_1306 = arith.addi %add3A_1305, %scan3A_1249 : i32
        %get3A_1307 = arith.constant 6 : i32
        %get3A_1308 = arith.index_cast %get3A_1307 : i32 to index
        %get3A_1309 = arith.index_cast %add3A_1306 : i32 to index
        %get3A_1310 = arith.constant 0 : index
        %get3A_1311 = tpu.vector_load %arg8[%get3A_1308, %get3A_1309, %get3A_1310] {strides = array<i32>} : memref<8x200x16xf32, #tpu.memory_space<vmem>>, vector<16xf32>,
        %broadcast_in_dim3A_1312 = arith.constant 6 : i32
        %broadcast_in_dim3A_1313 = vector.broadcast %broadcast_in_dim3A_1312 : i32 to vector<16xi32>
        tpu.vector_store_idx %arg10[%broadcast_in_dim3A_1250, %shift_right_arithmetic3A_4, %broadcast_in_dim3A_5, %and3A_7, %broadcast_in_dim3A_1313], %get3A_1311 : memref<100x2x1x8x13xf32, #tpu.memory_space<vmem>>[vector<16xi32>, vector<16xi32>, vector<16xi32>, vector<16xi32>, vector<16xi32>], vector<16xf32>,
        %add3A_1314 = arith.constant 100 : i32
        %add3A_1315 = arith.addi %add3A_1314, %scan3A_1249 : i32
        %get3A_1316 = arith.constant 7 : i32
        %get3A_1317 = arith.index_cast %get3A_1316 : i32 to index
        %get3A_1318 = arith.index_cast %add3A_1315 : i32 to index
        %get3A_1319 = arith.constant 0 : index
        %get3A_1320 = tpu.vector_load %arg8[%get3A_1317, %get3A_1318, %get3A_1319] {strides = array<i32>} : memref<8x200x16xf32, #tpu.memory_space<vmem>>, vector<16xf32>,
        %broadcast_in_dim3A_1321 = arith.constant 7 : i32
        %broadcast_in_dim3A_1322 = vector.broadcast %broadcast_in_dim3A_1321 : i32 to vector<16xi32>
        tpu.vector_store_idx %arg10[%broadcast_in_dim3A_1250, %shift_right_arithmetic3A_4, %broadcast_in_dim3A_5, %and3A_7, %broadcast_in_dim3A_1322], %get3A_1320 : memref<100x2x1x8x13xf32, #tpu.memory_space<vmem>>[vector<16xi32>, vector<16xi32>, vector<16xi32>, vector<16xi32>, vector<16xi32>], vector<16xf32>,
      }
      %scan3A_543 = arith.constant 100 : i32
      %mul3A_544 = arith.constant 8 : i32
      %mul3A_545 = arith.muli %add3A_380, %mul3A_544 : i32
      %add3A_546 = arith.addi %mul3A_2, %mul3A_545 : i32
      %shift_right_arithmetic3A_547 = arith.constant 7 : i32
      %shift_right_arithmetic3A_548 = arith.shrsi %add3A_546, %shift_right_arithmetic3A_547 : i32
      %mul3A_549 = arith.constant 8 : i32
      %mul3A_550 = arith.muli %add3A_380, %mul3A_549 : i32
      %add3A_551 = arith.addi %mul3A_2, %mul3A_550 : i32
      %and3A_552 = arith.constant 127 : i32
      %and3A_553 = arith.andi %add3A_551, %and3A_552 : i32
      %multiple_of3A_554 = tpu.assume_multiple %and3A_553, 8 : i32
      %dma_start3A_555 = arith.constant 0 : i32
      %dma_start3A_556 = arith.constant 0 : i32
      %dma_start3A_557 = arith.constant 0 : i32
      %dma_start3A_558 = arith.constant 0 : i32
      %dma_start3A_559 = arith.constant 0 : i32
      %dma_start3A_560 = tpu.memref_slice %arg10[%dma_start3A_555, %dma_start3A_556, %dma_start3A_557, %dma_start3A_558, %dma_start3A_559] : memref<100x2x1x8x13xf32, #tpu.memory_space<vmem>> -> memref<100x2x1x8x8xf32, #tpu.memory_space<vmem>>
      %dma_start3A_561 = arith.constant 100 : i32
      %dma_start3A_562 = arith.constant 0 : i32
      %dma_start3A_563 = arith.constant 0 : i32
      %dma_start3A_564 = tpu.memref_slice %arg4[%dma_start3A_561, %dma_start3A_562, %shift_right_arithmetic3A_548, %dma_start3A_563, %multiple_of3A_554] : memref<200x2x128x8x128xf32, #tpu.memory_space<hbm>> -> memref<100x2x1x8x8xf32, #tpu.memory_space<hbm>>
      %dma_start3A_565 = arith.constant 100 : i32
      %dma_start3A_566 = arith.constant 0 : i32
      %dma_start3A_567 = arith.constant 0 : i32
      %dma_start3A_568 = tpu.memref_slice %arg4[%dma_start3A_565, %dma_start3A_566, %shift_right_arithmetic3A_548, %dma_start3A_567, %multiple_of3A_554] : memref<200x2x128x8x128xf32, #tpu.memory_space<hbm>> -> memref<100x2x1x8x8xf32, #tpu.memory_space<hbm>>
      %dma_start3A_569 = arith.constant 0 : i32
      %dma_start3A_570 = arith.constant 0 : i32
      %dma_start3A_571 = arith.constant 0 : i32
      %dma_start3A_572 = arith.constant 0 : i32
      %dma_start3A_573 = arith.constant 0 : i32
      %dma_start3A_574 = tpu.memref_slice %arg10[%dma_start3A_569, %dma_start3A_570, %dma_start3A_571, %dma_start3A_572, %dma_start3A_573] : memref<100x2x1x8x13xf32, #tpu.memory_space<vmem>> -> memref<100x2x1x8x8xf32, #tpu.memory_space<vmem>>
      tpu.enqueue_dma source(%dma_start3A_574 : memref<100x2x1x8x8xf32, #tpu.memory_space<vmem>>) target(%dma_start3A_568 : memref<100x2x1x8x8xf32, #tpu.memory_space<hbm>>) target_semaphore(%arg16 : memref<!tpu.dma_semaphore, #tpu.memory_space<semaphore_mem>>)
    }
    %scan3A_124 = arith.constant 32 : i32
    %add3A_125 = arith.constant 504 : i32
    %add3A_126 = arith.addi %mul3A_2, %add3A_125 : i32
    %shift_right_arithmetic3A_127 = arith.constant 7 : i32
    %shift_right_arithmetic3A_128 = arith.shrsi %add3A_126, %shift_right_arithmetic3A_127 : i32
    %add3A_129 = arith.constant 504 : i32
    %add3A_130 = arith.addi %mul3A_2, %add3A_129 : i32
    %and3A_131 = arith.constant 127 : i32
    %and3A_132 = arith.andi %add3A_130, %and3A_131 : i32
    %multiple_of3A = tpu.assume_multiple %and3A_132, 8 : i32
    %dma_wait3A_133 = arith.constant 0 : i32
    %dma_wait3A_134 = arith.constant 0 : i32
    %dma_wait3A_135 = arith.constant 0 : i32
    %dma_wait3A_136 = arith.constant 0 : i32
    %dma_wait3A_137 = arith.constant 0 : i32
    %dma_wait3A_138 = tpu.memref_slice %arg9[%dma_wait3A_133, %dma_wait3A_134, %dma_wait3A_135, %dma_wait3A_136, %dma_wait3A_137] : memref<100x2x1x8x13xf32, #tpu.memory_space<vmem>> -> memref<100x2x1x8x8xf32, #tpu.memory_space<vmem>>
    %dma_wait3A_139 = arith.constant 0 : i32
    %dma_wait3A_140 = arith.constant 0 : i32
    %dma_wait3A_141 = arith.constant 0 : i32
    %dma_wait3A_142 = tpu.memref_slice %arg4[%dma_wait3A_139, %dma_wait3A_140, %shift_right_arithmetic3A_128, %dma_wait3A_141, %multiple_of3A] : memref<200x2x128x8x128xf32, #tpu.memory_space<hbm>> -> memref<100x2x1x8x8xf32, #tpu.memory_space<hbm>>
    %dma_wait3A_143 = arith.constant 0 : i32
    %dma_wait3A_144 = arith.constant 0 : i32
    %dma_wait3A_145 = arith.constant 0 : i32
    %dma_wait3A_146 = tpu.memref_slice %arg4[%dma_wait3A_143, %dma_wait3A_144, %shift_right_arithmetic3A_128, %dma_wait3A_145, %multiple_of3A] : memref<200x2x128x8x128xf32, #tpu.memory_space<hbm>> -> memref<100x2x1x8x8xf32, #tpu.memory_space<hbm>>
    %dma_wait3A_147 = arith.constant 0 : i32
    %dma_wait3A_148 = arith.constant 0 : i32
    %dma_wait3A_149 = arith.constant 0 : i32
    %dma_wait3A_150 = arith.constant 0 : i32
    %dma_wait3A_151 = arith.constant 0 : i32
    %dma_wait3A_152 = tpu.memref_slice %arg9[%dma_wait3A_147, %dma_wait3A_148, %dma_wait3A_149, %dma_wait3A_150, %dma_wait3A_151] : memref<100x2x1x8x13xf32, #tpu.memory_space<vmem>> -> memref<100x2x1x8x8xf32, #tpu.memory_space<vmem>>
    tpu.wait_dma2 semaphore(%arg15 : memref<!tpu.dma_semaphore, #tpu.memory_space<semaphore_mem>>) src(%dma_wait3A_152 : memref<100x2x1x8x8xf32, #tpu.memory_space<vmem>>) dst(%dma_wait3A_146 : memref<100x2x1x8x8xf32, #tpu.memory_space<hbm>>)
    %add3A_153 = arith.constant 504 : i32
    %add3A_154 = arith.addi %mul3A_2, %add3A_153 : i32
    %shift_right_arithmetic3A_155 = arith.constant 7 : i32
    %shift_right_arithmetic3A_156 = arith.shrsi %add3A_154, %shift_right_arithmetic3A_155 : i32
    %add3A_157 = arith.constant 504 : i32
    %add3A_158 = arith.addi %mul3A_2, %add3A_157 : i32
    %and3A_159 = arith.constant 127 : i32
    %and3A_160 = arith.andi %add3A_158, %and3A_159 : i32
    %multiple_of3A_161 = tpu.assume_multiple %and3A_160, 8 : i32
    %dma_wait3A_162 = arith.constant 0 : i32
    %dma_wait3A_163 = arith.constant 0 : i32
    %dma_wait3A_164 = arith.constant 0 : i32
    %dma_wait3A_165 = arith.constant 0 : i32
    %dma_wait3A_166 = arith.constant 0 : i32
    %dma_wait3A_167 = tpu.memref_slice %arg10[%dma_wait3A_162, %dma_wait3A_163, %dma_wait3A_164, %dma_wait3A_165, %dma_wait3A_166] : memref<100x2x1x8x13xf32, #tpu.memory_space<vmem>> -> memref<100x2x1x8x8xf32, #tpu.memory_space<vmem>>
    %dma_wait3A_168 = arith.constant 100 : i32
    %dma_wait3A_169 = arith.constant 0 : i32
    %dma_wait3A_170 = arith.constant 0 : i32
    %dma_wait3A_171 = tpu.memref_slice %arg4[%dma_wait3A_168, %dma_wait3A_169, %shift_right_arithmetic3A_156, %dma_wait3A_170, %multiple_of3A_161] : memref<200x2x128x8x128xf32, #tpu.memory_space<hbm>> -> memref<100x2x1x8x8xf32, #tpu.memory_space<hbm>>
    %dma_wait3A_172 = arith.constant 100 : i32
    %dma_wait3A_173 = arith.constant 0 : i32
    %dma_wait3A_174 = arith.constant 0 : i32
    %dma_wait3A_175 = tpu.memref_slice %arg4[%dma_wait3A_172, %dma_wait3A_173, %shift_right_arithmetic3A_156, %dma_wait3A_174, %multiple_of3A_161] : memref<200x2x128x8x128xf32, #tpu.memory_space<hbm>> -> memref<100x2x1x8x8xf32, #tpu.memory_space<hbm>>
    %dma_wait3A_176 = arith.constant 0 : i32
    %dma_wait3A_177 = arith.constant 0 : i32
    %dma_wait3A_178 = arith.constant 0 : i32
    %dma_wait3A_179 = arith.constant 0 : i32
    %dma_wait3A_180 = arith.constant 0 : i32
    %dma_wait3A_181 = tpu.memref_slice %arg10[%dma_wait3A_176, %dma_wait3A_177, %dma_wait3A_178, %dma_wait3A_179, %dma_wait3A_180] : memref<100x2x1x8x13xf32, #tpu.memory_space<vmem>> -> memref<100x2x1x8x8xf32, #tpu.memory_space<vmem>>
    tpu.wait_dma2 semaphore(%arg16 : memref<!tpu.dma_semaphore, #tpu.memory_space<semaphore_mem>>) src(%dma_wait3A_181 : memref<100x2x1x8x8xf32, #tpu.memory_space<vmem>>) dst(%dma_wait3A_175 : memref<100x2x1x8x8xf32, #tpu.memory_space<hbm>>)
    return
  }
}

</mosaic_0001>

<sc_bundles>
// kernel: kernel.3.cloned.1.call-start
scs
__scs_entry_jumppad:
0x0: {  	(pc) =	sbr.rel $0x88, $3  }
0x1: {  	(tag) =	ssettag $0x0;
	lr =	simm.s32 $0x1  }
0x2: {  	[smem:$0x3F9F] =	sst lr;
	_ =	strace $0xD0000000  }
0x3: {  	_ = 	snop  }
0x4: {  	_ = 	snop  }
0x5: {  	_ = 	snop  }
0x6: {  	_ = 	snop  }
0x7: {  	_ = 	snop  }
__scs_overlays_trampoline_lowered:
0x8: {  	[smem:$0x3FAE] =	sst s0  }
0x9: {  	[smem:$0x3FAF] =	sst s1  }
0xa: {  	[smem:$0x3FB0] =	sst s2  }
0xb: {  	[smem:$0x3FB1] =	sst s3  }
0xc: {  	[smem:$0x3FB2] =	sst s4  }
0xd: {  	[smem:$0x3FB3] =	sst s5  }
0xe: {  	[smem:$0x3FB4] =	sst s6  }
0xf: {  	[smem:$0x3FB5] =	sst s7  }
0x10: {  	[smem:$0x3FB6] =	sst s8  }
0x11: {  	[smem:$0x3FB7] =	sst s9;
	s0 =	simm.s32 @!p0 $0x0  }
0x12: {  	s1 =	sld [smem:$0x3F9D];
	s0 =	simm.s32 @p0 $0x1  }
0x13: {  	[smem:$0x3FB8] =	sst s0;
	s0 =	simm.s32 @!p1 $0x0  }
0x14: {  	s2 =	sld [smem:$0x3F9C];
	s0 =	simm.s32 @p1 $0x1  }
0x15: {  	[smem:$0x3FB9] =	sst s0;
	s0 =	simm.s32 @!p2 $0x0  }
0x16: {  	s3 =	sld [smem:$0x3FDB];
	s0 =	simm.s32 @p2 $0x1  }
0x17: {  	s4 =	simm.s32 $0x1BF5;
	[smem:$0x3FBB] =	sst s0  }
0x18: {  	s0 =	sld [smem:$0x3F9E];
	_ =	swait.ge [sflag:s4], $0x0  }
0x19: {  	s7 =	sld [smem:$0x3F9F]  }
0x1a: {  	s8 =	sadd.s32 $0xFFFFE003, lr  }
0x1b: {  	s9 =	sadd.s32 $0xFFFFFEF7, lr;
	s5 =	simm.s32 $0xFFFFFFFF;
	p2 =	slt.u32 s8, $0xFFFFF086  }
0x1c: {  	p1 =	slt.u32 s9, $0xF7A;
	s5 =	simm.s32 @!p2 $0x0  }
0x1d: {  	s5 =	simm.s32 @p1 $0x1;
	p0 =	seq.s32 s7, s2  }
0x1e: {  	s7 =	smul.u32 @!p0 $0xF7A, s2;
	p2 =	seq.s32 @!p0 s5, $0x0  }
0x1f: {  	s9 =	smul.u32 $0xF7A, s1;
	s8 =	simm.s32 @!p0 $0x1BF5;
	p2 =	por !p2, p0  }
0x20: {  	[sflag:s8] =	ssyncset.s32 @!p0 $0xFFFFF086;
	s6 =	sadd.s32 @!p0 s3, s7;
	s7 =	simm.s32 @!p0 $0x108  }
0x21: {  	s3 =	sadd.s32 s3, s9;
	s6 =	sadd.s32 @!p0 $0x88, s6;
	s7 =	simm.s32 @p2 $0x1082  }
0x22: {  	[simem:s7], [sflag:s8] =	dma.local @!p0 [hbm:s6], $0xF7A  }
0x23: {  	s9 =	sor.u32 $0xD0000000, s2;
	s6 =	simm.s32 $0x108;
	_ =	swait.ge @!p0 [sflag:s8], $0x0  }
0x24: {  	s3 =	sadd.s32 $0x88, s3;
	s6 =	simm.s32 @!p1 $0x1082;
	[sflag:s4] =	ssyncset.s32 $0xFFFFF086  }
0x25: {  	[simem:s6], [sflag:s4] =	dma.local [hbm:s3], $0xF7A  }
0x26: {  	[smem:$0x3F9F] =	sst s1;
	(tag) =	ssettag s2;
	_ =	strace s9  }
0x27: {  	s1 =	sld [smem:$0x3FAF]  }
0x28: {  	s2 =	sld [smem:$0x3FB0]  }
0x29: {  	s4 =	sld [smem:$0x3FB2]  }
0x2a: {  	p0 =	seq.s32 s5, $0x0;
	s5 =	sld [smem:$0x3FB3]  }
0x2b: {  	s6 =	sld [smem:$0x3FB4]  }
0x2c: {  	s7 =	sld [smem:$0x3FB5]  }
0x2d: {  	s3 =	simm.s32 $0x108;
	s8 =	sld [smem:$0x3FB6]  }
0x2e: {  	s3 =	simm.s32 @!p0 $0x1082;
	s9 =	sld [smem:$0x3FB7]  }
0x2f: {  	lr =	sadd.s32 s0, s3;
	s0 =	sld [smem:$0x3FAE]  }
0x30: {  	s3 =	sld [smem:$0x3FB1]  }
0x31: {  	[smem:$0x3FBA] =	sst s10  }
0x32: {  	s10 =	sld [smem:$0x3FB8];
	_ =	sdelay $0x3  }
0x33: {  	p0 =	seq.s32 s10, $0x1;
	s10 =	sld [smem:$0x3FBA];
	_ =	sdelay $0x3  }
0x34: {  	[smem:$0x3FBA] =	sst s10  }
0x35: {  	s10 =	sld [smem:$0x3FB9];
	_ =	sdelay $0x3  }
0x36: {  	p1 =	seq.s32 s10, $0x1;
	s10 =	sld [smem:$0x3FBA];
	_ =	sdelay $0x3  }
0x37: {  	[smem:$0x3FBA] =	sst s10  }
0x38: {  	s10 =	sld [smem:$0x3FBB]  }
0x39: {  	_ = 	snop;
	(pc) =	sbr.ind lr, $3  }
0x3a: {  	_ = 	snop  }
0x3b: {  	_ = 	snop  }
0x3c: {  	p2 =	seq.s32 s10, $0x1;
	s10 =	sld [smem:$0x3FBA]  }
0x3d: {  	_ =	shalt  }
0x3e: {  	_ =	shalt  }
0x3f: {  	_ =	shalt  }
0x40: {  	_ =	shalt  }
0x41: {  	_ =	shalt  }
0x42: {  	_ =	shalt  }
0x43: {  	_ =	shalt  }
0x44: {  	_ =	shalt  }
0x45: {  	_ =	shalt  }
0x46: {  	_ =	shalt  }
0x47: {  	_ =	shalt  }
0x48: {  	_ =	shalt  }
0x49: {  	_ =	shalt  }
0x4a: {  	_ =	shalt  }
0x4b: {  	_ =	shalt  }
0x4c: {  	_ =	shalt  }
0x4d: {  	_ =	shalt  }
0x4e: {  	_ =	shalt  }
0x4f: {  	_ =	shalt  }
0x50: {  	_ =	shalt  }
0x51: {  	_ =	shalt  }
0x52: {  	_ =	shalt  }
0x53: {  	_ =	shalt  }
0x54: {  	_ =	shalt  }
0x55: {  	_ =	shalt  }
0x56: {  	_ =	shalt  }
0x57: {  	_ =	shalt  }
0x58: {  	_ =	shalt  }
0x59: {  	_ =	shalt  }
0x5a: {  	_ =	shalt  }
0x5b: {  	_ =	shalt  }
0x5c: {  	_ =	shalt  }
0x5d: {  	_ =	shalt  }
0x5e: {  	_ =	shalt  }
0x5f: {  	_ =	shalt  }
0x60: {  	_ =	shalt  }
0x61: {  	_ =	shalt  }
0x62: {  	_ =	shalt  }
0x63: {  	_ =	shalt  }
0x64: {  	_ =	shalt  }
0x65: {  	_ =	shalt  }
0x66: {  	_ =	shalt  }
0x67: {  	_ =	shalt  }
0x68: {  	_ =	shalt  }
0x69: {  	_ =	shalt  }
0x6a: {  	_ =	shalt  }
0x6b: {  	_ =	shalt  }
0x6c: {  	_ =	shalt  }
0x6d: {  	_ =	shalt  }
0x6e: {  	_ =	shalt  }
0x6f: {  	_ =	shalt  }
0x70: {  	_ =	shalt  }
0x71: {  	_ =	shalt  }
0x72: {  	_ =	shalt  }
0x73: {  	_ =	shalt  }
0x74: {  	_ =	shalt  }
0x75: {  	_ =	shalt  }
0x76: {  	_ =	shalt  }
0x77: {  	_ =	shalt  }
0x78: {  	_ =	shalt  }
0x79: {  	_ =	shalt  }
0x7a: {  	_ =	shalt  }
0x7b: {  	_ =	shalt  }
0x7c: {  	_ =	shalt  }
0x7d: {  	_ =	shalt  }
0x7e: {  	_ =	shalt  }
0x7f: {  	_ =	shalt  }
0x80: {  	_ =	shalt  }
0x81: {  	_ =	shalt  }
0x82: {  	_ =	shalt  }
0x83: {  	_ =	shalt  }
0x84: {  	_ =	shalt  }
0x85: {  	_ =	shalt  }
0x86: {  	_ =	shalt  }
0x87: {  	_ =	shalt  }
.Lfunc_end0:
.L_simem_size_0:
called_computation_lowered:
.L_overlay_start_0:
0x88: {  	s2 =	sld [smem:$0x3FD9]  }
0x89: {  	s3 =	sld [smem:$0x3FFE];
	_ =	sdelay $0x1  }
0x8a: {  	s1 =	srdreg.scid  }
0x8b: {  	s0 =	sand.u32 $0x1, s1  }
0x8c: {  	s17 =	sshll.u32 s0, $0xA;
	s2 =	sadd.s32 s3, s2  }
0x8d: {  	s2 =	sadd.s32 s2, s17  }
0x8e: {  	[smem:$0x3FC6] =	sst s2  }
0x8f: {  	_ = 	snop  }
0x90: {  	s2 =	sld [smem:$0x3FD0];
	(tm) =	ssettm $0x1  }
0x91: {  	s18 =	sld [smem:$0x3FFB];
	_ =	sdelay $0x3  }
0x92: {  	_ =	strace s18  }
0x93: {  	s3 =	sld [smem:$0x3FFC];
	_ =	sdelay $0x3  }
0x94: {  	_ =	strace s3  }
0x95: {  	s3 =	sld [smem:$0x3FFD];
	_ =	sdelay $0x3  }
0x96: {  	_ =	strace s3  }
0x97: {  	_ =	strace $0x8FFFFFFF  }
0x98: {  	s19 =	sld [smem:$0x3FDB];
	_ =	sdelay $0x1  }
0x99: {  	s4 =	simm.s32 $_scs_section_size  }
0x9a: {  	s5 =	simm.s32 $_size__tile_overlayer_lowered;
	s6 =	simm.s32 $_tile_overlayer_lowered  }
0x9b: {  	s22 =	simm.s32 $0x1BFF;
	s21 =	sshll.u32 s6, $0x1;
	s3 =	sadd.s32 s4, s19  }
0x9c: {  	s7 =	simm.s32 $0x0;
	s20 =	sshll.u32 s5, $0x1;
	s5 =	sadd.s32 s21, s3  }
0x9d: {  	[timem:s7], [sflag:s22] =	dma.local [hbm:s5], s20  }
0x9e: {  	_ =	swait.ge [sflag:s22], s20  }
0x9f: {  	s4 =	ssub.s32 $0x0, s20;
	[sflag:s22] =	ssyncset.done $0x0  }
0xa0: {  	[sflag:s22] =	ssyncadd.s32 s4;
	_ =	sdelay $0x1  }
0xa1: {  	s23 =	simm.s32 $0x1B8B  }
0xa2: {  	_ =	swait.ge [sflag:s23], $0x1  }
0xa3: {  	[sflag:s23] =	ssyncset.done $0x0  }
0xa4: {  	s25 =	simm.s32 $0x1B8E;
	s24 =	sld [smem:$0x3FFE];
	[sflag:s23] =	ssyncadd.s32 $0xFFFFFFFF  }
0xa5: {  	s26 =	simm.s32 $execute0_lowered;
	[smem:$0x3FD2] =	sst s25  }
0xa6: {  	s5 =	sshll.u32 s26, $0x1;
	_ =	strace $0x80000046;
	[dreg:$0x1] =	wrdreg $0xFFFFFFFF  }
0xa7: {  	s28 =	simm.s32 $_size_execute0_lowered;
	s3 =	sadd.s32 s3, s5;
	[dreg:$0x0] =	wrdreg $0x0  }
0xa8: {  	s5 =	sshll.u32 s28, $0x1;
	[dreg:$0x2] =	wrdreg s3  }
0xa9: {  	[dreg:$0x3] =	wrdreg s5  }
0xaa: {  	[dreg:$0x4] =	wrdreg $0xC0  }
0xab: {  	_ =	task [dreg:s7], $0x5FFFF  }
0xac: {  	[dreg:$0x1] =	wrdreg $0xFFFFFFFF  }
0xad: {  	[dreg:$0x0] =	wrdreg $0x60  }
0xae: {  	[dreg:$0x2] =	wrdreg s24  }
0xaf: {  	[dreg:$0x3] =	wrdreg s2  }
0xb0: {  	[dreg:$0x4] =	wrdreg $0x9  }
0xb1: {  	_ =	task.clear_ibuf [dreg:s7], $0x5FFFF;
	_ =	strace $0x90000046  }
0xb2: {  	s29 =	simm.s32 $0x9;
	_ =	strace $0x80000048  }
0xb3: {  	_ =	swait.ge [sflag:s29], $0x1  }
0xb4: {  	[sflag:s29] =	ssyncadd.s32 $0xFFFFFFFF  }
0xb5: {  	_ =	strace $0x90000048  }
0xb6: {  	_ =	sfence  }
0xb7: {  	s30 =	sld [smem:$0x0];
	_ =	sdelay $0x2  }
0xb8: {  	s31 =	sshll.u32 s1, $0xD;
	s1 =	sshrl.u32 s1, $0x2  }
0xb9: {  	s3 =	sand.u32 $0x4000, s31;
	s1 =	sadd.s32 s1, s30  }
0xba: {  	s0 =	sor.u32 s3, s0;
	s1 =	sshll.u32 s1, $0x11  }
0xbb: {  	s0 =	sor.u32 s1, s0  }
0xbc: {  	s0 =	sadd.s32 $0x8F2B, s0  }
0xbd: {  	[sflag:s0] =	ssyncadd.remote.s32 $0x1  }
0xbe: {  	_ =	sfence.sel $0xFFFF  }
0xbf: {  	[dreg:$0x0] =	wrdreg $0xFFFFFFFF;
	(pc) =	sbr.abs _section_cstart, $3  }
0xc0: {  	[dreg:$0x1] =	wrdreg $0xFFFFFFFF  }
0xc1: {  	_ =	task.clear_ibuf [dreg:s7], $0x2FFFF;
	_ =	strace $0x9FFFFFFF  }
0xc2: {  	(tm) =	ssettm $0x7FFFFFFF  }
0xc3: {  	_ =	shalt  }
tec
execute0_lowered:
.L_overlay_start_1:
0x0: {  	(tag) =	ssettag $0x1  }
0x1: {  	s0 =	srdreg.scid  }
0x2: {  	s2 =	stileid.u32;
	s1 =	rddreg [dreg:$0x0];
	s14 =	simm.s32 $0x640  }
0x3: {  	s16 =	simm.s32 $0xC8;
	s29 =	simm.s32 $0xBB80;
	s30 =	simm.s32 $0xBB8  }
0x4: {  	s31 =	simm.s32 $0xC800;
	s13 =	simm.s32 $0xD480;
	s15 =	simm.s32 $0x4  }
0x5: {  	s17 =	simm.s32 $0x6;
	s19 =	simm.s32 $0x0;
	s0 =	sand.u32 $0x1, s0  }
0x6: {  	s3 =	sshll.u32 s2, $0xA;
	s2 =	rddreg [dreg:$0x1];
	s5 =	sadd.s32 $0x600, s1  }
0x7: {  	s7 =	sadd.s32 $0xF42A00, s1;
	s1 =	simm.s32 $0x2;
	s4 =	sshll.u32 s0, $0x9  }
0x8: {  	s0 =	ssub.s32 $0x2, s0;
	s10 =	sadd.s32 $0x320000, s2;
	s3 =	sor.u32 s4, s3  }
0x9: {  	v0 =	vlaneseq.u32;
	s4 =	simm.s32 $0x0;
	s8 =	sshrl.u32 s0, $0x1;
	s6 =	smul.u32 $0x19, s3  }
0xa: {  	v0 =	vmul.u32 $0x10, v0;
	[smem:$0x7FF] =	sst s4;
	s0 =	ssub.s32 s0, s8;
	s9 =	sor.u32 $0x10, s3  }
0xb: {  	s11 =	sor.u32 $0x18, s3;
	s12 =	sshll.u32 s3, $0x3;
	s0 =	smax.u32 s0, $0x1  }
0xc: {  	v1 =	vor.u32 $0x1, v0;
	_ =	strace $0x80000047;
	s6 =	sadd.s32 s5, s6;
	[dreg:$0x5] =	wrdreg s0  }
0xd: {  	v2 =	vor.u32 $0x2, v0;
	v3 =	vor.u32 $0x3, v0;
	v4 =	vor.u32 $0x4, v0;
	s8 =	simm.s32 $0x3;
	[dreg:$0x3] =	wrdreg s6;
	s28 =	sadd.s32 $0xC8, s6  }
0xe: {  	v5 =	vor.u32 $0x5, v0;
	v6 =	vor.u32 $0x6, v0;
	v7 =	vor.u32 $0x7, v0;
	s0 =	simm.s32 $0x5;
	s6 =	simm.s32 $0x13880;
	[dreg:$0x4] =	wrdreg s28  }
.LBB2_1:
0xf: {  	[dreg:$0x6] =	wrdreg s19  }
0x10: {  	s18 =	rddreg [dreg:$0x3]  }
0x11: {  	[tilespmem:s4], [sflag:$0x1] =	stream.linear.gather [hbm4b:s18+s4], $0x640, $0x38;
	[tilespmem:$0x19C80] =	vst v63  }
0x12: {  	s20 =	rddreg [dreg:$0x4];
	s21 =	simm.s32 $0x1  }
0x13: {  	[tilespmem:s14], [sflag:$0x2] =	stream.linear.gather [hbm4b:s20+s4], $0x640, $0x38;
	[tilespmem:$0x19C80] =	vst v63  }
0x14: {  	_ =	swait.ge [sflag:s21], $0x640  }
0x15: {  	[sflag:s21] =	ssyncset.done $0x0  }
0x16: {  	s22 =	simm.s32 $0xC80;
	[sflag:s21] =	ssyncadd.s32 $0xFFFFF9C0  }
0x17: {  	[tilespmem:s22], [sflag:$0x3] =	stream.indirect.gather [hbm4b:s7+s16], $0x10, s4, s16, $0xb8;
	[tilespmem:$0x19C80] =	vst v63  }
0x18: {  	s23 =	simm.s32 $0x1900  }
0x19: {  	[tilespmem:s23], [sflag:$0x3] =	stream.indirect.gather [hbm4b:s7+s16], $0x10, s16, s16, $0xb8;
	[tilespmem:$0x19C80] =	vst v63  }
0x1a: {  	s24 =	simm.s32 $0x190;
	s25 =	simm.s32 $0x2580  }
0x1b: {  	[tilespmem:s25], [sflag:$0x3] =	stream.indirect.gather [hbm4b:s7+s16], $0x10, s24, s16, $0xb8;
	[tilespmem:$0x19C80] =	vst v63  }
0x1c: {  	s26 =	simm.s32 $0x258;
	s28 =	simm.s32 $0x3200  }
0x1d: {  	[tilespmem:s28], [sflag:$0x3] =	stream.indirect.gather [hbm4b:s7+s16], $0x10, s26, s16, $0xb8;
	[tilespmem:$0x19C80] =	vst v63  }
0x1e: {  	s20 =	simm.s32 $0x320;
	s21 =	simm.s32 $0x3E80  }
0x1f: {  	[tilespmem:s21], [sflag:$0x3] =	stream.indirect.gather [hbm4b:s7+s16], $0x10, s20, s16, $0xb8;
	[tilespmem:$0x19C80] =	vst v63  }
0x20: {  	s22 =	simm.s32 $0x3E8;
	s23 =	simm.s32 $0x4B00  }
0x21: {  	[tilespmem:s23], [sflag:$0x3] =	stream.indirect.gather [hbm4b:s7+s16], $0x10, s22, s16, $0xb8;
	[tilespmem:$0x19C80] =	vst v63  }
0x22: {  	s24 =	simm.s32 $0x4B0;
	s25 =	simm.s32 $0x5780  }
0x23: {  	[tilespmem:s25], [sflag:$0x3] =	stream.indirect.gather [hbm4b:s7+s16], $0x10, s24, s16, $0xb8;
	[tilespmem:$0x19C80] =	vst v63  }
0x24: {  	s18 =	simm.s32 $0x0;
	s26 =	simm.s32 $0x578;
	s28 =	simm.s32 $0x6400  }
0x25: {  	[tilespmem:s28], [sflag:$0x3] =	stream.indirect.gather [hbm4b:s7+s16], $0x10, s26, s16, $0xb8;
	[tilespmem:$0x19C80] =	vst v63  }
.LBB2_2:
0x26: {  	_ =	swait.ge [sflag:s1], $0x640  }
0x27: {  	[sflag:s1] =	ssyncset.done $0x0  }
0x28: {  	s19 =	simm.s32 $0x7080;
	[sflag:s1] =	ssyncadd.s32 $0xFFFFF9C0  }
0x29: {  	[tilespmem:s19], [sflag:$0x4] =	stream.indirect.gather [hbm4b:s7+s16], $0x10, s14, s16, $0xb8;
	[tilespmem:$0x19C80] =	vst v63  }
0x2a: {  	s25 =	simm.s32 $0x708;
	s20 =	simm.s32 $0x7D00  }
0x2b: {  	[tilespmem:s20], [sflag:$0x4] =	stream.indirect.gather [hbm4b:s7+s16], $0x10, s25, s16, $0xb8;
	[tilespmem:$0x19C80] =	vst v63  }
0x2c: {  	s26 =	simm.s32 $0x7D0;
	s28 =	simm.s32 $0x8980  }
0x2d: {  	[tilespmem:s28], [sflag:$0x4] =	stream.indirect.gather [hbm4b:s7+s16], $0x10, s26, s16, $0xb8;
	[tilespmem:$0x19C80] =	vst v63  }
0x2e: {  	s21 =	simm.s32 $0x898;
	s22 =	simm.s32 $0x9600  }
0x2f: {  	[tilespmem:s22], [sflag:$0x4] =	stream.indirect.gather [hbm4b:s7+s16], $0x10, s21, s16, $0xb8;
	[tilespmem:$0x19C80] =	vst v63  }
0x30: {  	s23 =	simm.s32 $0x960;
	s24 =	simm.s32 $0xA280  }
0x31: {  	[tilespmem:s24], [sflag:$0x4] =	stream.indirect.gather [hbm4b:s7+s16], $0x10, s23, s16, $0xb8;
	[tilespmem:$0x19C80] =	vst v63  }
0x32: {  	s25 =	simm.s32 $0xA28;
	s26 =	simm.s32 $0xAF00  }
0x33: {  	[tilespmem:s26], [sflag:$0x4] =	stream.indirect.gather [hbm4b:s7+s16], $0x10, s25, s16, $0xb8;
	[tilespmem:$0x19C80] =	vst v63  }
0x34: {  	s28 =	simm.s32 $0xAF0  }
0x35: {  	[tilespmem:s29], [sflag:$0x4] =	stream.indirect.gather [hbm4b:s7+s16], $0x10, s28, s16, $0xb8;
	[tilespmem:$0x19C80] =	vst v63  }
0x36: {  	_ = 	snop  }
0x37: {  	[tilespmem:s31], [sflag:$0x4] =	stream.indirect.gather [hbm4b:s7+s16], $0x10, s30, s16, $0xb8;
	[tilespmem:$0x19C80] =	vst v63  }
0x38: {  	_ =	swait.ge [sflag:s8], $0xC80  }
0x39: {  	[sflag:s8] =	ssyncset.done $0x0  }
0x3a: {  	[sflag:s8] =	ssyncadd.s32 $0xFFFFF380  }
0x3b: {  	_ =	swait.ge [sflag:s8], $0xC80  }
0x3c: {  	[sflag:s8] =	ssyncset.done $0x0  }
0x3d: {  	[sflag:s8] =	ssyncadd.s32 $0xFFFFF380  }
0x3e: {  	_ =	swait.ge [sflag:s8], $0xC80  }
0x3f: {  	[sflag:s8] =	ssyncset.done $0x0  }
0x40: {  	[sflag:s8] =	ssyncadd.s32 $0xFFFFF380  }
0x41: {  	_ =	swait.ge [sflag:s8], $0xC80  }
0x42: {  	[sflag:s8] =	ssyncset.done $0x0  }
0x43: {  	[sflag:s8] =	ssyncadd.s32 $0xFFFFF380  }
0x44: {  	_ =	swait.ge [sflag:s8], $0xC80  }
0x45: {  	[sflag:s8] =	ssyncset.done $0x0  }
0x46: {  	[sflag:s8] =	ssyncadd.s32 $0xFFFFF380  }
0x47: {  	_ =	swait.ge [sflag:s8], $0xC80  }
0x48: {  	[sflag:s8] =	ssyncset.done $0x0  }
0x49: {  	p0 =	seq.s32 s18, $0x1F;
	[sflag:s8] =	ssyncadd.s32 $0xFFFFF380  }
0x4a: {  	p1 =	seq.s32 @!p0 s18, $0x0;
	_ =	swait.ge [sflag:s8], $0xC80  }
0x4b: {  	p1 =	por p0, !p1;
	s19 =	sshll.u32 s18, $0x4;
	[sflag:s8] =	ssyncset.done $0x0  }
.Ltmp0:
0x4c: {  	s20 =	sadd.s32 @!p0 s19, s9;
	[sflag:s8] =	ssyncadd.s32 $0xFFFFF380;
	(pc) =	sbr.rel @!p1 .LBB2_3-.Ltmp0, $4  }
0x4d: {  	s20 =	smul.u32 @!p0 $0x19, s20;
	_ =	swait.ge [sflag:s8], $0xC80  }
0x4e: {  	[sflag:s8] =	ssyncset.done $0x0  }
0x4f: {  	s20 =	sadd.s32 @!p0 s5, s20;
	s21 =	simm.s32 @!p0 $0x0;
	[sflag:s8] =	ssyncadd.s32 $0xFFFFF380  }
0x50: {  	[tilespmem:s21], [sflag:$0x1] =	stream.linear.gather @!p0 [hbm4b:s20+s21], $0x640, $0x38;
	[tilespmem:$0x19C80] =	vst v63  }
.Ltmp1:
0x51: {  	(pc) =	sbr.rel .LBB2_5-.Ltmp1, $4  }
0x52: {  	_ = 	snop  }
0x53: {  	_ =	swait.ge [sflag:s0], $0x3200  }
0x54: {  	[sflag:s0] =	ssyncset.done $0x0  }
0x55: {  	p1 =	por $0x0, $0x0;
	[sflag:s0] =	ssyncadd.s32 $0xFFFFCE00  }
.LBB2_3:
0x56: {  	p1 =	por @!p0 $0x1, $0x1  }
.LBB2_5:
0x57: {  	s20 =	simm.s32 $0x0;
	s21 =	simm.s32 $0x6490  }
.LBB2_6:
0x58: {  	s22 =	sshll.u32 s20, $0x8  }
0x59: {  	v8 =	vld [tilespmem:s21+$0xFFFFA7F0];
	v9 =	vor.u32 s22, v0;
	_ =	sdelay $0x4  }
0x5a: {  	[tilespmem:v9+s13+$0x0] =	vst.idx.msk $0xffff, v8  }
0x5b: {  	v37 =	vor.u32 s22, v1;
	v8 =	vld [tilespmem:s21+$0xFFFFB470];
	_ =	sdelay $0x4  }
0x5c: {  	[tilespmem:v37+s13+$0x0] =	vst.idx.msk $0xffff, v8  }
0x5d: {  	v38 =	vor.u32 s22, v2;
	v8 =	vld [tilespmem:s21+$0xFFFFC0F0];
	_ =	sdelay $0x4  }
0x5e: {  	[tilespmem:v38+s13+$0x0] =	vst.idx.msk $0xffff, v8  }
0x5f: {  	v39 =	vor.u32 s22, v3;
	v8 =	vld [tilespmem:s21+$0xFFFFCD70];
	_ =	sdelay $0x4  }
0x60: {  	[tilespmem:v39+s13+$0x0] =	vst.idx.msk $0xffff, v8  }
0x61: {  	v40 =	vor.u32 s22, v4;
	v8 =	vld [tilespmem:s21+$0xFFFFD9F0];
	_ =	sdelay $0x4  }
0x62: {  	[tilespmem:v40+s13+$0x0] =	vst.idx.msk $0xffff, v8  }
0x63: {  	v41 =	vor.u32 s22, v5;
	v8 =	vld [tilespmem:s21+$0xFFFFE670];
	_ =	sdelay $0x4  }
0x64: {  	[tilespmem:v41+s13+$0x0] =	vst.idx.msk $0xffff, v8  }
0x65: {  	v42 =	vor.u32 s22, v6;
	v8 =	vld [tilespmem:s21+$0xFFFFF2F0];
	_ =	sdelay $0x4  }
0x66: {  	[tilespmem:v42+s13+$0x0] =	vst.idx.msk $0xffff, v8  }
0x67: {  	v43 =	vor.u32 s22, v7;
	v8 =	vld [tilespmem:s21+$0xFFFFFF70];
	_ =	sdelay $0x4  }
0x68: {  	s23 =	sadd.s32 $0x100, s22;
	[tilespmem:v43+s13+$0x0] =	vst.idx.msk $0xffff, v8  }
0x69: {  	v44 =	vor.u32 s23, v0;
	v8 =	vld [tilespmem:s21+$0xFFFFA800];
	_ =	sdelay $0x4  }
0x6a: {  	[tilespmem:v44+s13+$0x0] =	vst.idx.msk $0xffff, v8  }
0x6b: {  	v45 =	vor.u32 s23, v1;
	v8 =	vld [tilespmem:s21+$0xFFFFB480];
	_ =	sdelay $0x4  }
0x6c: {  	[tilespmem:v45+s13+$0x0] =	vst.idx.msk $0xffff, v8  }
0x6d: {  	v46 =	vor.u32 s23, v2;
	v8 =	vld [tilespmem:s21+$0xFFFFC100];
	_ =	sdelay $0x4  }
0x6e: {  	[tilespmem:v46+s13+$0x0] =	vst.idx.msk $0xffff, v8  }
0x6f: {  	v47 =	vor.u32 s23, v3;
	v8 =	vld [tilespmem:s21+$0xFFFFCD80];
	_ =	sdelay $0x4  }
0x70: {  	[tilespmem:v47+s13+$0x0] =	vst.idx.msk $0xffff, v8  }
0x71: {  	v48 =	vor.u32 s23, v4;
	v8 =	vld [tilespmem:s21+$0xFFFFDA00];
	_ =	sdelay $0x4  }
0x72: {  	[tilespmem:v48+s13+$0x0] =	vst.idx.msk $0xffff, v8  }
0x73: {  	v49 =	vor.u32 s23, v5;
	v8 =	vld [tilespmem:s21+$0xFFFFE680];
	_ =	sdelay $0x4  }
0x74: {  	[tilespmem:v49+s13+$0x0] =	vst.idx.msk $0xffff, v8  }
0x75: {  	v50 =	vor.u32 s23, v6;
	v8 =	vld [tilespmem:s21+$0xFFFFF300];
	_ =	sdelay $0x4  }
0x76: {  	[tilespmem:v50+s13+$0x0] =	vst.idx.msk $0xffff, v8  }
0x77: {  	v51 =	vor.u32 s23, v7;
	v8 =	vld [tilespmem:s21+$0xFFFFFF80];
	_ =	sdelay $0x4  }
0x78: {  	s25 =	sadd.s32 $0x200, s22;
	[tilespmem:v51+s13+$0x0] =	vst.idx.msk $0xffff, v8  }
0x79: {  	v52 =	vor.u32 s25, v0;
	v8 =	vld [tilespmem:s21+$0xFFFFA810];
	_ =	sdelay $0x4  }
0x7a: {  	[tilespmem:v52+s13+$0x0] =	vst.idx.msk $0xffff, v8  }
0x7b: {  	v53 =	vor.u32 s25, v1;
	v8 =	vld [tilespmem:s21+$0xFFFFB490];
	_ =	sdelay $0x4  }
0x7c: {  	[tilespmem:v53+s13+$0x0] =	vst.idx.msk $0xffff, v8  }
0x7d: {  	v54 =	vor.u32 s25, v2;
	v8 =	vld [tilespmem:s21+$0xFFFFC110];
	_ =	sdelay $0x4  }
0x7e: {  	[tilespmem:v54+s13+$0x0] =	vst.idx.msk $0xffff, v8  }
0x7f: {  	v55 =	vor.u32 s25, v3;
	v8 =	vld [tilespmem:s21+$0xFFFFCD90];
	_ =	sdelay $0x4  }
0x80: {  	[tilespmem:v55+s13+$0x0] =	vst.idx.msk $0xffff, v8  }
0x81: {  	v56 =	vor.u32 s25, v4;
	v8 =	vld [tilespmem:s21+$0xFFFFDA10];
	_ =	sdelay $0x4  }
0x82: {  	[tilespmem:v56+s13+$0x0] =	vst.idx.msk $0xffff, v8  }
0x83: {  	v57 =	vor.u32 s25, v5;
	v8 =	vld [tilespmem:s21+$0xFFFFE690];
	_ =	sdelay $0x4  }
0x84: {  	[tilespmem:v57+s13+$0x0] =	vst.idx.msk $0xffff, v8  }
0x85: {  	v58 =	vor.u32 s25, v6;
	v8 =	vld [tilespmem:s21+$0xFFFFF310];
	_ =	sdelay $0x4  }
0x86: {  	[tilespmem:v58+s13+$0x0] =	vst.idx.msk $0xffff, v8  }
0x87: {  	v59 =	vor.u32 s25, v7;
	v8 =	vld [tilespmem:s21+$0xFFFFFF90];
	_ =	sdelay $0x4  }
0x88: {  	s26 =	sadd.s32 $0x300, s22;
	[tilespmem:v59+s13+$0x0] =	vst.idx.msk $0xffff, v8  }
0x89: {  	v60 =	vor.u32 s26, v0;
	v8 =	vld [tilespmem:s21+$0xFFFFA820];
	_ =	sdelay $0x4  }
0x8a: {  	[tilespmem:v60+s13+$0x0] =	vst.idx.msk $0xffff, v8  }
0x8b: {  	v61 =	vor.u32 s26, v1;
	v8 =	vld [tilespmem:s21+$0xFFFFB4A0];
	_ =	sdelay $0x4  }
0x8c: {  	[tilespmem:v61+s13+$0x0] =	vst.idx.msk $0xffff, v8  }
0x8d: {  	v62 =	vor.u32 s26, v2;
	v8 =	vld [tilespmem:s21+$0xFFFFC120];
	_ =	sdelay $0x4  }
0x8e: {  	[tilespmem:v62+s13+$0x0] =	vst.idx.msk $0xffff, v8  }
0x8f: {  	v63 =	vor.u32 s26, v3;
	v8 =	vld [tilespmem:s21+$0xFFFFCDA0];
	_ =	sdelay $0x4  }
0x90: {  	[tilespmem:v63+s13+$0x0] =	vst.idx.msk $0xffff, v8  }
0x91: {  	v12 =	vor.u32 s26, v4;
	v8 =	vld [tilespmem:s21+$0xFFFFDA20];
	_ =	sdelay $0x4  }
0x92: {  	[tilespmem:v12+s13+$0x0] =	vst.idx.msk $0xffff, v8  }
0x93: {  	v13 =	vor.u32 s26, v5;
	v8 =	vld [tilespmem:s21+$0xFFFFE6A0];
	_ =	sdelay $0x4  }
0x94: {  	[tilespmem:v13+s13+$0x0] =	vst.idx.msk $0xffff, v8  }
0x95: {  	v14 =	vor.u32 s26, v6;
	v8 =	vld [tilespmem:s21+$0xFFFFF320];
	_ =	sdelay $0x4  }
0x96: {  	[tilespmem:v14+s13+$0x0] =	vst.idx.msk $0xffff, v8  }
0x97: {  	v15 =	vor.u32 s26, v7;
	v8 =	vld [tilespmem:s21+$0xFFFFFFA0];
	_ =	sdelay $0x4  }
0x98: {  	s28 =	sadd.s32 $0x400, s22;
	[tilespmem:v15+s13+$0x0] =	vst.idx.msk $0xffff, v8  }
0x99: {  	v16 =	vor.u32 s28, v0;
	v8 =	vld [tilespmem:s21+$0xFFFFA830];
	_ =	sdelay $0x4  }
0x9a: {  	[tilespmem:v16+s13+$0x0] =	vst.idx.msk $0xffff, v8  }
0x9b: {  	v17 =	vor.u32 s28, v1;
	v8 =	vld [tilespmem:s21+$0xFFFFB4B0];
	_ =	sdelay $0x4  }
0x9c: {  	[tilespmem:v17+s13+$0x0] =	vst.idx.msk $0xffff, v8  }
0x9d: {  	v18 =	vor.u32 s28, v2;
	v8 =	vld [tilespmem:s21+$0xFFFFC130];
	_ =	sdelay $0x4  }
0x9e: {  	[tilespmem:v18+s13+$0x0] =	vst.idx.msk $0xffff, v8  }
0x9f: {  	v19 =	vor.u32 s28, v3;
	v8 =	vld [tilespmem:s21+$0xFFFFCDB0];
	_ =	sdelay $0x4  }
0xa0: {  	[tilespmem:v19+s13+$0x0] =	vst.idx.msk $0xffff, v8  }
0xa1: {  	v20 =	vor.u32 s28, v4;
	v8 =	vld [tilespmem:s21+$0xFFFFDA30];
	_ =	sdelay $0x4  }
0xa2: {  	[tilespmem:v20+s13+$0x0] =	vst.idx.msk $0xffff, v8  }
0xa3: {  	v21 =	vor.u32 s28, v5;
	v8 =	vld [tilespmem:s21+$0xFFFFE6B0];
	_ =	sdelay $0x4  }
0xa4: {  	[tilespmem:v21+s13+$0x0] =	vst.idx.msk $0xffff, v8  }
0xa5: {  	v22 =	vor.u32 s28, v6;
	v8 =	vld [tilespmem:s21+$0xFFFFF330];
	_ =	sdelay $0x4  }
0xa6: {  	[tilespmem:v22+s13+$0x0] =	vst.idx.msk $0xffff, v8  }
0xa7: {  	v23 =	vor.u32 s28, v7;
	v8 =	vld [tilespmem:s21+$0xFFFFFFB0];
	_ =	sdelay $0x4  }
0xa8: {  	s24 =	sadd.s32 $0x500, s22;
	[tilespmem:v23+s13+$0x0] =	vst.idx.msk $0xffff, v8  }
0xa9: {  	v24 =	vor.u32 s24, v0;
	v8 =	vld [tilespmem:s21+$0xFFFFA840];
	_ =	sdelay $0x4  }
0xaa: {  	[tilespmem:v24+s13+$0x0] =	vst.idx.msk $0xffff, v8  }
0xab: {  	v25 =	vor.u32 s24, v1;
	v8 =	vld [tilespmem:s21+$0xFFFFB4C0];
	_ =	sdelay $0x4  }
0xac: {  	[tilespmem:v25+s13+$0x0] =	vst.idx.msk $0xffff, v8  }
0xad: {  	v26 =	vor.u32 s24, v2;
	v8 =	vld [tilespmem:s21+$0xFFFFC140];
	_ =	sdelay $0x4  }
0xae: {  	[tilespmem:v26+s13+$0x0] =	vst.idx.msk $0xffff, v8  }
0xaf: {  	v27 =	vor.u32 s24, v3;
	v8 =	vld [tilespmem:s21+$0xFFFFCDC0];
	_ =	sdelay $0x4  }
0xb0: {  	[tilespmem:v27+s13+$0x0] =	vst.idx.msk $0xffff, v8  }
0xb1: {  	v28 =	vor.u32 s24, v4;
	v8 =	vld [tilespmem:s21+$0xFFFFDA40];
	_ =	sdelay $0x4  }
0xb2: {  	[tilespmem:v28+s13+$0x0] =	vst.idx.msk $0xffff, v8  }
0xb3: {  	v29 =	vor.u32 s24, v5;
	v8 =	vld [tilespmem:s21+$0xFFFFE6C0];
	_ =	sdelay $0x4  }
0xb4: {  	[tilespmem:v29+s13+$0x0] =	vst.idx.msk $0xffff, v8  }
0xb5: {  	v30 =	vor.u32 s24, v6;
	v8 =	vld [tilespmem:s21+$0xFFFFF340];
	_ =	sdelay $0x4  }
0xb6: {  	[tilespmem:v30+s13+$0x0] =	vst.idx.msk $0xffff, v8  }
0xb7: {  	v31 =	vor.u32 s24, v7;
	v8 =	vld [tilespmem:s21+$0xFFFFFFC0];
	_ =	sdelay $0x4  }
0xb8: {  	s25 =	sadd.s32 $0x600, s22;
	[tilespmem:v31+s13+$0x0] =	vst.idx.msk $0xffff, v8  }
0xb9: {  	v32 =	vor.u32 s25, v0;
	v8 =	vld [tilespmem:s21+$0xFFFFA850];
	_ =	sdelay $0x4  }
0xba: {  	[tilespmem:v32+s13+$0x0] =	vst.idx.msk $0xffff, v8  }
0xbb: {  	v33 =	vor.u32 s25, v1;
	v8 =	vld [tilespmem:s21+$0xFFFFB4D0];
	_ =	sdelay $0x4  }
0xbc: {  	[tilespmem:v33+s13+$0x0] =	vst.idx.msk $0xffff, v8  }
0xbd: {  	v34 =	vor.u32 s25, v2;
	v8 =	vld [tilespmem:s21+$0xFFFFC150];
	_ =	sdelay $0x4  }
0xbe: {  	[tilespmem:v34+s13+$0x0] =	vst.idx.msk $0xffff, v8  }
0xbf: {  	v35 =	vor.u32 s25, v3;
	v8 =	vld [tilespmem:s21+$0xFFFFCDD0];
	_ =	sdelay $0x4  }
0xc0: {  	[tilespmem:v35+s13+$0x0] =	vst.idx.msk $0xffff, v8  }
0xc1: {  	v36 =	vor.u32 s25, v4;
	v8 =	vld [tilespmem:s21+$0xFFFFDA50];
	_ =	sdelay $0x4  }
0xc2: {  	[tilespmem:v36+s13+$0x0] =	vst.idx.msk $0xffff, v8  }
0xc3: {  	v37 =	vor.u32 s25, v5;
	v8 =	vld [tilespmem:s21+$0xFFFFE6D0];
	_ =	sdelay $0x4  }
0xc4: {  	[tilespmem:v37+s13+$0x0] =	vst.idx.msk $0xffff, v8  }
0xc5: {  	v38 =	vor.u32 s25, v6;
	v8 =	vld [tilespmem:s21+$0xFFFFF350];
	_ =	sdelay $0x4  }
0xc6: {  	[tilespmem:v38+s13+$0x0] =	vst.idx.msk $0xffff, v8  }
0xc7: {  	v39 =	vor.u32 s25, v7;
	v8 =	vld [tilespmem:s21+$0xFFFFFFD0];
	_ =	sdelay $0x4  }
0xc8: {  	s26 =	sadd.s32 $0x700, s22;
	[tilespmem:v39+s13+$0x0] =	vst.idx.msk $0xffff, v8  }
0xc9: {  	v40 =	vor.u32 s26, v0;
	v8 =	vld [tilespmem:s21+$0xFFFFA860];
	_ =	sdelay $0x4  }
0xca: {  	[tilespmem:v40+s13+$0x0] =	vst.idx.msk $0xffff, v8  }
0xcb: {  	v41 =	vor.u32 s26, v1;
	v8 =	vld [tilespmem:s21+$0xFFFFB4E0];
	_ =	sdelay $0x4  }
0xcc: {  	[tilespmem:v41+s13+$0x0] =	vst.idx.msk $0xffff, v8  }
0xcd: {  	v42 =	vor.u32 s26, v2;
	v8 =	vld [tilespmem:s21+$0xFFFFC160];
	_ =	sdelay $0x4  }
0xce: {  	[tilespmem:v42+s13+$0x0] =	vst.idx.msk $0xffff, v8  }
0xcf: {  	v43 =	vor.u32 s26, v3;
	v8 =	vld [tilespmem:s21+$0xFFFFCDE0];
	_ =	sdelay $0x4  }
0xd0: {  	[tilespmem:v43+s13+$0x0] =	vst.idx.msk $0xffff, v8  }
0xd1: {  	v44 =	vor.u32 s26, v4;
	v8 =	vld [tilespmem:s21+$0xFFFFDA60];
	_ =	sdelay $0x4  }
0xd2: {  	[tilespmem:v44+s13+$0x0] =	vst.idx.msk $0xffff, v8  }
0xd3: {  	v45 =	vor.u32 s26, v5;
	v8 =	vld [tilespmem:s21+$0xFFFFE6E0];
	_ =	sdelay $0x4  }
0xd4: {  	[tilespmem:v45+s13+$0x0] =	vst.idx.msk $0xffff, v8  }
0xd5: {  	v46 =	vor.u32 s26, v6;
	v8 =	vld [tilespmem:s21+$0xFFFFF360];
	_ =	sdelay $0x4  }
0xd6: {  	[tilespmem:v46+s13+$0x0] =	vst.idx.msk $0xffff, v8  }
0xd7: {  	v47 =	vor.u32 s26, v7;
	v8 =	vld [tilespmem:s21+$0xFFFFFFE0];
	_ =	sdelay $0x4  }
0xd8: {  	s28 =	sadd.s32 $0x800, s22;
	[tilespmem:v47+s13+$0x0] =	vst.idx.msk $0xffff, v8  }
0xd9: {  	v48 =	vor.u32 s28, v0;
	v8 =	vld [tilespmem:s21+$0xFFFFA870];
	_ =	sdelay $0x4  }
0xda: {  	[tilespmem:v48+s13+$0x0] =	vst.idx.msk $0xffff, v8  }
0xdb: {  	v49 =	vor.u32 s28, v1;
	v8 =	vld [tilespmem:s21+$0xFFFFB4F0];
	_ =	sdelay $0x4  }
0xdc: {  	[tilespmem:v49+s13+$0x0] =	vst.idx.msk $0xffff, v8  }
0xdd: {  	v50 =	vor.u32 s28, v2;
	v8 =	vld [tilespmem:s21+$0xFFFFC170];
	_ =	sdelay $0x4  }
0xde: {  	[tilespmem:v50+s13+$0x0] =	vst.idx.msk $0xffff, v8  }
0xdf: {  	v51 =	vor.u32 s28, v3;
	v8 =	vld [tilespmem:s21+$0xFFFFCDF0];
	_ =	sdelay $0x4  }
0xe0: {  	[tilespmem:v51+s13+$0x0] =	vst.idx.msk $0xffff, v8  }
0xe1: {  	v52 =	vor.u32 s28, v4;
	v8 =	vld [tilespmem:s21+$0xFFFFDA70];
	_ =	sdelay $0x4  }
0xe2: {  	[tilespmem:v52+s13+$0x0] =	vst.idx.msk $0xffff, v8  }
0xe3: {  	v53 =	vor.u32 s28, v5;
	v8 =	vld [tilespmem:s21+$0xFFFFE6F0];
	_ =	sdelay $0x4  }
0xe4: {  	[tilespmem:v53+s13+$0x0] =	vst.idx.msk $0xffff, v8  }
0xe5: {  	v54 =	vor.u32 s28, v6;
	v8 =	vld [tilespmem:s21+$0xFFFFF370];
	_ =	sdelay $0x4  }
0xe6: {  	[tilespmem:v54+s13+$0x0] =	vst.idx.msk $0xffff, v8  }
0xe7: {  	v55 =	vor.u32 s28, v7;
	v8 =	vld [tilespmem:s21+$0xFFFFFFF0];
	_ =	sdelay $0x4  }
0xe8: {  	s22 =	sadd.s32 $0x900, s22;
	[tilespmem:v55+s13+$0x0] =	vst.idx.msk $0xffff, v8  }
0xe9: {  	v56 =	vor.u32 s22, v0;
	v8 =	vld [tilespmem:s21+$0xFFFFA880];
	_ =	sdelay $0x4  }
0xea: {  	[tilespmem:v56+s13+$0x0] =	vst.idx.msk $0xffff, v8  }
0xeb: {  	v57 =	vor.u32 s22, v1;
	v8 =	vld [tilespmem:s21+$0xFFFFB500];
	_ =	sdelay $0x4  }
0xec: {  	[tilespmem:v57+s13+$0x0] =	vst.idx.msk $0xffff, v8  }
0xed: {  	v58 =	vor.u32 s22, v2;
	v8 =	vld [tilespmem:s21+$0xFFFFC180];
	_ =	sdelay $0x4  }
0xee: {  	[tilespmem:v58+s13+$0x0] =	vst.idx.msk $0xffff, v8  }
0xef: {  	v59 =	vor.u32 s22, v3;
	v8 =	vld [tilespmem:s21+$0xFFFFCE00];
	_ =	sdelay $0x4  }
0xf0: {  	[tilespmem:v59+s13+$0x0] =	vst.idx.msk $0xffff, v8  }
0xf1: {  	v60 =	vor.u32 s22, v4;
	v8 =	vld [tilespmem:s21+$0xFFFFDA80];
	_ =	sdelay $0x4  }
0xf2: {  	[tilespmem:v60+s13+$0x0] =	vst.idx.msk $0xffff, v8  }
0xf3: {  	v61 =	vor.u32 s22, v5;
	v8 =	vld [tilespmem:s21+$0xFFFFE700];
	_ =	sdelay $0x4  }
0xf4: {  	[tilespmem:v61+s13+$0x0] =	vst.idx.msk $0xffff, v8  }
0xf5: {  	v62 =	vor.u32 s22, v6;
	v8 =	vld [tilespmem:s21+$0xFFFFF380];
	_ =	sdelay $0x4  }
0xf6: {  	[tilespmem:v62+s13+$0x0] =	vst.idx.msk $0xffff, v8  }
0xf7: {  	p2 =	slt.u32 s20, $0x5A;
	v63 =	vor.u32 s22, v7;
	v8 =	vld [tilespmem:s21+$0x0]  }
.Ltmp2:
0xf8: {  	_ = 	snop;
	(pc) =	sbr.rel @p2 .LBB2_6-.Ltmp2, $2  }
0xf9: {  	_ =	sdelay $0x2  }
0xfa: {  	s20 =	sadd.s32 $0xA, s20;
	s21 =	sadd.s32 $0xA0, s21;
	[tilespmem:v63+s13+$0x0] =	vst.idx.msk $0xffff, v8  }
0xfb: {  	s20 =	sadd.s32 s3, s19  }
0xfc: {  	s21 =	sshll.u32 s20, $0x3  }
0xfd: {  	s20 =	sand.u32 $0x70, s19;
	s21 =	sand.u32 $0x1FC00, s21  }
0xfe: {  	s21 =	sor.u32 s20, s21  }
0xff: {  	s21 =	sshrl.u32 s21, $0x3  }
0x100: {  	s22 =	simm.s32 $0xD480;
	s23 =	sadd.s32 s2, s21  }
0x101: {  	[hbm4b:s23+s4] =	stream.linear.scatter [tilespmem:s22], [sflag:$0x5], $0x8, $0x38;
	[tilespmem:$0x19C80] =	vst v63  }
0x102: {  	s25 =	simm.s32 $0xD490;
	s24 =	sadd.s32 $0x10, s23  }
0x103: {  	[hbm4b:s24+s4] =	stream.linear.scatter [tilespmem:s25], [sflag:$0x5], $0x8, $0x38;
	[tilespmem:$0x19C80] =	vst v63  }
0x104: {  	s26 =	simm.s32 $0xD4A0;
	s28 =	sadd.s32 $0x20, s23  }
0x105: {  	[hbm4b:s28+s4] =	stream.linear.scatter [tilespmem:s26], [sflag:$0x5], $0x8, $0x38;
	[tilespmem:$0x19C80] =	vst v63  }
0x106: {  	s24 =	simm.s32 $0xD4B0;
	s25 =	sadd.s32 $0x30, s23  }
0x107: {  	[hbm4b:s25+s4] =	stream.linear.scatter [tilespmem:s24], [sflag:$0x5], $0x8, $0x38;
	[tilespmem:$0x19C80] =	vst v63  }
0x108: {  	s26 =	simm.s32 $0xD4C0;
	s28 =	sadd.s32 $0x40, s23  }
0x109: {  	[hbm4b:s28+s4] =	stream.linear.scatter [tilespmem:s26], [sflag:$0x5], $0x8, $0x38;
	[tilespmem:$0x19C80] =	vst v63  }
0x10a: {  	s22 =	simm.s32 $0x80;
	s24 =	simm.s32 $0xD4D0;
	s25 =	sadd.s32 $0x50, s23  }
0x10b: {  	[hbm4b:s25+s4] =	stream.linear.scatter [tilespmem:s24], [sflag:$0x5], $0x8, $0x38;
	[tilespmem:$0x19C80] =	vst v63  }
0x10c: {  	s26 =	simm.s32 $0xD4E0;
	s28 =	sadd.s32 $0x60, s23;
	s24 =	simm.s32 $0x400  }
0x10d: {  	[hbm4b:s28+s4] =	stream.linear.scatter [tilespmem:s26], [sflag:$0x5], $0x8, $0x38;
	[tilespmem:$0x19C80] =	vst v63  }
0x10e: {  	s25 =	simm.s32 $0xD4F0;
	s26 =	sadd.s32 $0x70, s23;
	s23 =	sadd.s32 $0x4000, s23  }
.LBB2_8:
0x10f: {  	[hbm4b:s26+s4] =	stream.linear.scatter [tilespmem:s25], [sflag:$0x5], $0x8, $0x38;
	[tilespmem:$0x19C80] =	vst v63  }
0x110: {  	s25 =	smov.u32 s22;
	s22 =	smov.u32 s24  }
0x111: {  	s28 =	sadd.s32 $0x200, s24;
	s22 =	sshra.s32 s22, $0x2;
	s26 =	sadd.s32 $0xD480, s25  }
0x112: {  	[hbm4b:s23+s4] =	stream.linear.scatter [tilespmem:s26], [sflag:$0x5], $0x8, $0x38;
	[tilespmem:$0x19C80] =	vst v63  }
0x113: {  	p2 =	sne.s32 s24, $0x18E00;
	s24 =	sadd.s32 $0xD490, s25;
	s26 =	sadd.s32 $0x10, s23  }
0x114: {  	[hbm4b:s26+s4] =	stream.linear.scatter [tilespmem:s24], [sflag:$0x5], $0x8, $0x38;
	[tilespmem:$0x19C80] =	vst v63  }
0x115: {  	s24 =	sadd.s32 $0xD4A0, s25;
	s26 =	sadd.s32 $0x20, s23  }
0x116: {  	[hbm4b:s26+s4] =	stream.linear.scatter [tilespmem:s24], [sflag:$0x5], $0x8, $0x38;
	[tilespmem:$0x19C80] =	vst v63  }
0x117: {  	s24 =	sadd.s32 $0xD4B0, s25;
	s26 =	sadd.s32 $0x30, s23  }
0x118: {  	[hbm4b:s26+s4] =	stream.linear.scatter [tilespmem:s24], [sflag:$0x5], $0x8, $0x38;
	[tilespmem:$0x19C80] =	vst v63  }
0x119: {  	s24 =	sadd.s32 $0xD4C0, s25;
	s26 =	sadd.s32 $0x40, s23  }
0x11a: {  	[hbm4b:s26+s4] =	stream.linear.scatter [tilespmem:s24], [sflag:$0x5], $0x8, $0x38;
	[tilespmem:$0x19C80] =	vst v63  }
.Ltmp3:
0x11b: {  	s24 =	sadd.s32 $0xD4D0, s25;
	s26 =	sadd.s32 $0x50, s23;
	(pc) =	sbr.rel @p2 .LBB2_8-.Ltmp3, $4  }
0x11c: {  	[hbm4b:s26+s4] =	stream.linear.scatter [tilespmem:s24], [sflag:$0x5], $0x8, $0x38;
	[tilespmem:$0x19C80] =	vst v63  }
0x11d: {  	s24 =	sadd.s32 $0xD4E0, s25;
	s26 =	sadd.s32 $0x60, s23;
	s25 =	sadd.s32 $0xD4F0, s25  }
0x11e: {  	[hbm4b:s26+s4] =	stream.linear.scatter [tilespmem:s24], [sflag:$0x5], $0x8, $0x38;
	[tilespmem:$0x19C80] =	vst v63  }
0x11f: {  	s26 =	sadd.s32 $0x70, s23;
	s23 =	sadd.s32 $0x4000, s23;
	s24 =	smov.u32 s28  }
0x120: {  	[hbm4b:s26+s4] =	stream.linear.scatter [tilespmem:s25], [sflag:$0x5], $0x8, $0x38;
	[tilespmem:$0x19C80] =	vst v63  }
0x121: {  	s24 =	sadd.s32 $0xD480, s22  }
0x122: {  	[hbm4b:s23+s4] =	stream.linear.scatter [tilespmem:s24], [sflag:$0x5], $0x8, $0x38;
	[tilespmem:$0x19C80] =	vst v63  }
0x123: {  	s26 =	sadd.s32 $0xD490, s22;
	s28 =	sadd.s32 $0x10, s23  }
0x124: {  	[hbm4b:s28+s4] =	stream.linear.scatter [tilespmem:s26], [sflag:$0x5], $0x8, $0x38;
	[tilespmem:$0x19C80] =	vst v63  }
0x125: {  	s26 =	sadd.s32 $0xD4A0, s22;
	s28 =	sadd.s32 $0x20, s23  }
0x126: {  	[hbm4b:s28+s4] =	stream.linear.scatter [tilespmem:s26], [sflag:$0x5], $0x8, $0x38;
	[tilespmem:$0x19C80] =	vst v63  }
0x127: {  	s26 =	sadd.s32 $0xD4B0, s22;
	s28 =	sadd.s32 $0x30, s23  }
0x128: {  	[hbm4b:s28+s4] =	stream.linear.scatter [tilespmem:s26], [sflag:$0x5], $0x8, $0x38;
	[tilespmem:$0x19C80] =	vst v63  }
0x129: {  	s26 =	sadd.s32 $0xD4C0, s22;
	s28 =	sadd.s32 $0x40, s23  }
0x12a: {  	[hbm4b:s28+s4] =	stream.linear.scatter [tilespmem:s26], [sflag:$0x5], $0x8, $0x38;
	[tilespmem:$0x19C80] =	vst v63  }
0x12b: {  	s26 =	sadd.s32 $0xD4D0, s22;
	s28 =	sadd.s32 $0x50, s23  }
0x12c: {  	[hbm4b:s28+s4] =	stream.linear.scatter [tilespmem:s26], [sflag:$0x5], $0x8, $0x38;
	[tilespmem:$0x19C80] =	vst v63  }
0x12d: {  	s26 =	sadd.s32 $0xD4E0, s22;
	s28 =	sadd.s32 $0x60, s23  }
0x12e: {  	[hbm4b:s28+s4] =	stream.linear.scatter [tilespmem:s26], [sflag:$0x5], $0x8, $0x38;
	[tilespmem:$0x19C80] =	vst v63  }
0x12f: {  	s26 =	sadd.s32 $0xD4F0, s22;
	s28 =	sadd.s32 $0x70, s23;
	s22 =	simm.s32 @!p1 $0x6  }
0x130: {  	[hbm4b:s28+s4] =	stream.linear.scatter [tilespmem:s26], [sflag:$0x5], $0x8, $0x38;
	[tilespmem:$0x19C80] =	vst v63  }
0x131: {  	_ =	swait.ge @!p1 [sflag:s22], $0x3200  }
0x132: {  	[sflag:s22] =	ssyncset.done @!p1 $0x0  }
0x133: {  	s23 =	simm.s32 $0x0;
	[sflag:s22] =	ssyncadd.s32 @!p1 $0xFFFFCE00;
	s22 =	simm.s32 $0x0  }
.LBB2_10:
0x134: {  	s24 =	sshra.s32 s22, $0x2;
	s25 =	sshll.u32 s23, $0x8  }
0x135: {  	v8 =	vld [tilespmem:s24+$0x12C0];
	v9 =	vor.u32 s25, v0;
	_ =	sdelay $0x4  }
0x136: {  	[tilespmem:v9+s6+$0x0] =	vst.idx.msk $0xffff, v8  }
0x137: {  	v37 =	vor.u32 s25, v1;
	v8 =	vld [tilespmem:s24+$0x1F40];
	_ =	sdelay $0x4  }
0x138: {  	[tilespmem:v37+s6+$0x0] =	vst.idx.msk $0xffff, v8  }
0x139: {  	v38 =	vor.u32 s25, v2;
	v8 =	vld [tilespmem:s24+$0x2BC0];
	_ =	sdelay $0x4  }
0x13a: {  	[tilespmem:v38+s6+$0x0] =	vst.idx.msk $0xffff, v8  }
0x13b: {  	v39 =	vor.u32 s25, v3;
	v8 =	vld [tilespmem:s24+$0x3840];
	_ =	sdelay $0x4  }
0x13c: {  	[tilespmem:v39+s6+$0x0] =	vst.idx.msk $0xffff, v8  }
0x13d: {  	v40 =	vor.u32 s25, v4;
	v8 =	vld [tilespmem:s24+$0x44C0];
	_ =	sdelay $0x4  }
0x13e: {  	[tilespmem:v40+s6+$0x0] =	vst.idx.msk $0xffff, v8  }
0x13f: {  	v41 =	vor.u32 s25, v5;
	v8 =	vld [tilespmem:s24+$0x5140];
	_ =	sdelay $0x4  }
0x140: {  	[tilespmem:v41+s6+$0x0] =	vst.idx.msk $0xffff, v8  }
0x141: {  	v42 =	vor.u32 s25, v6;
	v8 =	vld [tilespmem:s24+$0x5DC0];
	_ =	sdelay $0x4  }
0x142: {  	[tilespmem:v42+s6+$0x0] =	vst.idx.msk $0xffff, v8  }
0x143: {  	v43 =	vor.u32 s25, v7;
	v8 =	vld [tilespmem:s24+$0x6A40];
	_ =	sdelay $0x4  }
0x144: {  	s26 =	sadd.s32 $0x100, s25;
	[tilespmem:v43+s6+$0x0] =	vst.idx.msk $0xffff, v8  }
0x145: {  	v44 =	vor.u32 s26, v0;
	v8 =	vld [tilespmem:s24+$0x12D0];
	_ =	sdelay $0x4  }
0x146: {  	[tilespmem:v44+s6+$0x0] =	vst.idx.msk $0xffff, v8  }
0x147: {  	v45 =	vor.u32 s26, v1;
	v8 =	vld [tilespmem:s24+$0x1F50];
	_ =	sdelay $0x4  }
0x148: {  	[tilespmem:v45+s6+$0x0] =	vst.idx.msk $0xffff, v8  }
0x149: {  	v46 =	vor.u32 s26, v2;
	v8 =	vld [tilespmem:s24+$0x2BD0];
	_ =	sdelay $0x4  }
0x14a: {  	[tilespmem:v46+s6+$0x0] =	vst.idx.msk $0xffff, v8  }
0x14b: {  	v47 =	vor.u32 s26, v3;
	v8 =	vld [tilespmem:s24+$0x3850];
	_ =	sdelay $0x4  }
0x14c: {  	[tilespmem:v47+s6+$0x0] =	vst.idx.msk $0xffff, v8  }
0x14d: {  	v48 =	vor.u32 s26, v4;
	v8 =	vld [tilespmem:s24+$0x44D0];
	_ =	sdelay $0x4  }
0x14e: {  	[tilespmem:v48+s6+$0x0] =	vst.idx.msk $0xffff, v8  }
0x14f: {  	v49 =	vor.u32 s26, v5;
	v8 =	vld [tilespmem:s24+$0x5150];
	_ =	sdelay $0x4  }
0x150: {  	[tilespmem:v49+s6+$0x0] =	vst.idx.msk $0xffff, v8  }
0x151: {  	v50 =	vor.u32 s26, v6;
	v8 =	vld [tilespmem:s24+$0x5DD0];
	_ =	sdelay $0x4  }
0x152: {  	[tilespmem:v50+s6+$0x0] =	vst.idx.msk $0xffff, v8  }
0x153: {  	v51 =	vor.u32 s26, v7;
	v8 =	vld [tilespmem:s24+$0x6A50];
	_ =	sdelay $0x4  }
0x154: {  	s28 =	sadd.s32 $0x200, s25;
	[tilespmem:v51+s6+$0x0] =	vst.idx.msk $0xffff, v8  }
0x155: {  	v52 =	vor.u32 s28, v0;
	v8 =	vld [tilespmem:s24+$0x12E0];
	_ =	sdelay $0x4  }
0x156: {  	[tilespmem:v52+s6+$0x0] =	vst.idx.msk $0xffff, v8  }
0x157: {  	v53 =	vor.u32 s28, v1;
	v8 =	vld [tilespmem:s24+$0x1F60];
	_ =	sdelay $0x4  }
0x158: {  	[tilespmem:v53+s6+$0x0] =	vst.idx.msk $0xffff, v8  }
0x159: {  	v54 =	vor.u32 s28, v2;
	v8 =	vld [tilespmem:s24+$0x2BE0];
	_ =	sdelay $0x4  }
0x15a: {  	[tilespmem:v54+s6+$0x0] =	vst.idx.msk $0xffff, v8  }
0x15b: {  	v55 =	vor.u32 s28, v3;
	v8 =	vld [tilespmem:s24+$0x3860];
	_ =	sdelay $0x4  }
0x15c: {  	[tilespmem:v55+s6+$0x0] =	vst.idx.msk $0xffff, v8  }
0x15d: {  	v56 =	vor.u32 s28, v4;
	v8 =	vld [tilespmem:s24+$0x44E0];
	_ =	sdelay $0x4  }
0x15e: {  	[tilespmem:v56+s6+$0x0] =	vst.idx.msk $0xffff, v8  }
0x15f: {  	v57 =	vor.u32 s28, v5;
	v8 =	vld [tilespmem:s24+$0x5160];
	_ =	sdelay $0x4  }
0x160: {  	[tilespmem:v57+s6+$0x0] =	vst.idx.msk $0xffff, v8  }
0x161: {  	v58 =	vor.u32 s28, v6;
	v8 =	vld [tilespmem:s24+$0x5DE0];
	_ =	sdelay $0x4  }
0x162: {  	[tilespmem:v58+s6+$0x0] =	vst.idx.msk $0xffff, v8  }
0x163: {  	v59 =	vor.u32 s28, v7;
	v8 =	vld [tilespmem:s24+$0x6A60];
	_ =	sdelay $0x4  }
0x164: {  	s28 =	sadd.s32 $0x300, s25;
	[tilespmem:v59+s6+$0x0] =	vst.idx.msk $0xffff, v8  }
0x165: {  	v60 =	vor.u32 s28, v0;
	v8 =	vld [tilespmem:s24+$0x12F0];
	_ =	sdelay $0x4  }
0x166: {  	[tilespmem:v60+s6+$0x0] =	vst.idx.msk $0xffff, v8  }
0x167: {  	v61 =	vor.u32 s28, v1;
	v8 =	vld [tilespmem:s24+$0x1F70];
	_ =	sdelay $0x4  }
0x168: {  	[tilespmem:v61+s6+$0x0] =	vst.idx.msk $0xffff, v8  }
0x169: {  	v62 =	vor.u32 s28, v2;
	v8 =	vld [tilespmem:s24+$0x2BF0];
	_ =	sdelay $0x4  }
0x16a: {  	[tilespmem:v62+s6+$0x0] =	vst.idx.msk $0xffff, v8  }
0x16b: {  	v63 =	vor.u32 s28, v3;
	v8 =	vld [tilespmem:s24+$0x3870];
	_ =	sdelay $0x4  }
0x16c: {  	[tilespmem:v63+s6+$0x0] =	vst.idx.msk $0xffff, v8  }
0x16d: {  	v12 =	vor.u32 s28, v4;
	v8 =	vld [tilespmem:s24+$0x44F0];
	_ =	sdelay $0x4  }
0x16e: {  	[tilespmem:v12+s6+$0x0] =	vst.idx.msk $0xffff, v8  }
0x16f: {  	v13 =	vor.u32 s28, v5;
	v8 =	vld [tilespmem:s24+$0x5170];
	_ =	sdelay $0x4  }
0x170: {  	[tilespmem:v13+s6+$0x0] =	vst.idx.msk $0xffff, v8  }
0x171: {  	v14 =	vor.u32 s28, v6;
	v8 =	vld [tilespmem:s24+$0x5DF0];
	_ =	sdelay $0x4  }
0x172: {  	[tilespmem:v14+s6+$0x0] =	vst.idx.msk $0xffff, v8  }
0x173: {  	v15 =	vor.u32 s28, v7;
	v8 =	vld [tilespmem:s24+$0x6A70];
	_ =	sdelay $0x4  }
0x174: {  	s28 =	sadd.s32 $0x400, s25;
	[tilespmem:v15+s6+$0x0] =	vst.idx.msk $0xffff, v8  }
0x175: {  	v16 =	vor.u32 s28, v0;
	v8 =	vld [tilespmem:s24+$0x1300];
	_ =	sdelay $0x4  }
0x176: {  	[tilespmem:v16+s6+$0x0] =	vst.idx.msk $0xffff, v8  }
0x177: {  	v17 =	vor.u32 s28, v1;
	v8 =	vld [tilespmem:s24+$0x1F80];
	_ =	sdelay $0x4  }
0x178: {  	[tilespmem:v17+s6+$0x0] =	vst.idx.msk $0xffff, v8  }
0x179: {  	v18 =	vor.u32 s28, v2;
	v8 =	vld [tilespmem:s24+$0x2C00];
	_ =	sdelay $0x4  }
0x17a: {  	[tilespmem:v18+s6+$0x0] =	vst.idx.msk $0xffff, v8  }
0x17b: {  	v19 =	vor.u32 s28, v3;
	v8 =	vld [tilespmem:s24+$0x3880];
	_ =	sdelay $0x4  }
0x17c: {  	[tilespmem:v19+s6+$0x0] =	vst.idx.msk $0xffff, v8  }
0x17d: {  	v20 =	vor.u32 s28, v4;
	v8 =	vld [tilespmem:s24+$0x4500];
	_ =	sdelay $0x4  }
0x17e: {  	[tilespmem:v20+s6+$0x0] =	vst.idx.msk $0xffff, v8  }
0x17f: {  	v21 =	vor.u32 s28, v5;
	v8 =	vld [tilespmem:s24+$0x5180];
	_ =	sdelay $0x4  }
0x180: {  	[tilespmem:v21+s6+$0x0] =	vst.idx.msk $0xffff, v8  }
0x181: {  	v22 =	vor.u32 s28, v6;
	v8 =	vld [tilespmem:s24+$0x5E00];
	_ =	sdelay $0x4  }
0x182: {  	[tilespmem:v22+s6+$0x0] =	vst.idx.msk $0xffff, v8  }
0x183: {  	v23 =	vor.u32 s28, v7;
	v8 =	vld [tilespmem:s24+$0x6A80];
	_ =	sdelay $0x4  }
0x184: {  	s28 =	sadd.s32 $0x500, s25;
	[tilespmem:v23+s6+$0x0] =	vst.idx.msk $0xffff, v8  }
0x185: {  	v24 =	vor.u32 s28, v0;
	v8 =	vld [tilespmem:s24+$0x1310];
	_ =	sdelay $0x4  }
0x186: {  	[tilespmem:v24+s6+$0x0] =	vst.idx.msk $0xffff, v8  }
0x187: {  	v25 =	vor.u32 s28, v1;
	v8 =	vld [tilespmem:s24+$0x1F90];
	_ =	sdelay $0x4  }
0x188: {  	[tilespmem:v25+s6+$0x0] =	vst.idx.msk $0xffff, v8  }
0x189: {  	v26 =	vor.u32 s28, v2;
	v8 =	vld [tilespmem:s24+$0x2C10];
	_ =	sdelay $0x4  }
0x18a: {  	[tilespmem:v26+s6+$0x0] =	vst.idx.msk $0xffff, v8  }
0x18b: {  	v27 =	vor.u32 s28, v3;
	v8 =	vld [tilespmem:s24+$0x3890];
	_ =	sdelay $0x4  }
0x18c: {  	[tilespmem:v27+s6+$0x0] =	vst.idx.msk $0xffff, v8  }
0x18d: {  	v28 =	vor.u32 s28, v4;
	v8 =	vld [tilespmem:s24+$0x4510];
	_ =	sdelay $0x4  }
0x18e: {  	[tilespmem:v28+s6+$0x0] =	vst.idx.msk $0xffff, v8  }
0x18f: {  	v29 =	vor.u32 s28, v5;
	v8 =	vld [tilespmem:s24+$0x5190];
	_ =	sdelay $0x4  }
0x190: {  	[tilespmem:v29+s6+$0x0] =	vst.idx.msk $0xffff, v8  }
0x191: {  	v30 =	vor.u32 s28, v6;
	v8 =	vld [tilespmem:s24+$0x5E10];
	_ =	sdelay $0x4  }
0x192: {  	[tilespmem:v30+s6+$0x0] =	vst.idx.msk $0xffff, v8  }
0x193: {  	v31 =	vor.u32 s28, v7;
	v8 =	vld [tilespmem:s24+$0x6A90];
	_ =	sdelay $0x4  }
0x194: {  	s28 =	sadd.s32 $0x600, s25;
	[tilespmem:v31+s6+$0x0] =	vst.idx.msk $0xffff, v8  }
0x195: {  	v32 =	vor.u32 s28, v0;
	v8 =	vld [tilespmem:s24+$0x1320];
	_ =	sdelay $0x4  }
0x196: {  	[tilespmem:v32+s6+$0x0] =	vst.idx.msk $0xffff, v8  }
0x197: {  	v33 =	vor.u32 s28, v1;
	v8 =	vld [tilespmem:s24+$0x1FA0];
	_ =	sdelay $0x4  }
0x198: {  	[tilespmem:v33+s6+$0x0] =	vst.idx.msk $0xffff, v8  }
0x199: {  	v34 =	vor.u32 s28, v2;
	v8 =	vld [tilespmem:s24+$0x2C20];
	_ =	sdelay $0x4  }
0x19a: {  	[tilespmem:v34+s6+$0x0] =	vst.idx.msk $0xffff, v8  }
0x19b: {  	v35 =	vor.u32 s28, v3;
	v8 =	vld [tilespmem:s24+$0x38A0];
	_ =	sdelay $0x4  }
0x19c: {  	[tilespmem:v35+s6+$0x0] =	vst.idx.msk $0xffff, v8  }
0x19d: {  	v36 =	vor.u32 s28, v4;
	v8 =	vld [tilespmem:s24+$0x4520];
	_ =	sdelay $0x4  }
0x19e: {  	[tilespmem:v36+s6+$0x0] =	vst.idx.msk $0xffff, v8  }
0x19f: {  	v37 =	vor.u32 s28, v5;
	v8 =	vld [tilespmem:s24+$0x51A0];
	_ =	sdelay $0x4  }
0x1a0: {  	[tilespmem:v37+s6+$0x0] =	vst.idx.msk $0xffff, v8  }
0x1a1: {  	v38 =	vor.u32 s28, v6;
	v8 =	vld [tilespmem:s24+$0x5E20];
	_ =	sdelay $0x4  }
0x1a2: {  	[tilespmem:v38+s6+$0x0] =	vst.idx.msk $0xffff, v8  }
0x1a3: {  	v39 =	vor.u32 s28, v7;
	v8 =	vld [tilespmem:s24+$0x6AA0];
	_ =	sdelay $0x4  }
0x1a4: {  	s28 =	sadd.s32 $0x700, s25;
	[tilespmem:v39+s6+$0x0] =	vst.idx.msk $0xffff, v8  }
0x1a5: {  	v40 =	vor.u32 s28, v0;
	v8 =	vld [tilespmem:s24+$0x1330];
	_ =	sdelay $0x4  }
0x1a6: {  	[tilespmem:v40+s6+$0x0] =	vst.idx.msk $0xffff, v8  }
0x1a7: {  	v41 =	vor.u32 s28, v1;
	v8 =	vld [tilespmem:s24+$0x1FB0];
	_ =	sdelay $0x4  }
0x1a8: {  	[tilespmem:v41+s6+$0x0] =	vst.idx.msk $0xffff, v8  }
0x1a9: {  	v42 =	vor.u32 s28, v2;
	v8 =	vld [tilespmem:s24+$0x2C30];
	_ =	sdelay $0x4  }
0x1aa: {  	[tilespmem:v42+s6+$0x0] =	vst.idx.msk $0xffff, v8  }
0x1ab: {  	v43 =	vor.u32 s28, v3;
	v8 =	vld [tilespmem:s24+$0x38B0];
	_ =	sdelay $0x4  }
0x1ac: {  	[tilespmem:v43+s6+$0x0] =	vst.idx.msk $0xffff, v8  }
0x1ad: {  	v44 =	vor.u32 s28, v4;
	v8 =	vld [tilespmem:s24+$0x4530];
	_ =	sdelay $0x4  }
0x1ae: {  	[tilespmem:v44+s6+$0x0] =	vst.idx.msk $0xffff, v8  }
0x1af: {  	v45 =	vor.u32 s28, v5;
	v8 =	vld [tilespmem:s24+$0x51B0];
	_ =	sdelay $0x4  }
0x1b0: {  	[tilespmem:v45+s6+$0x0] =	vst.idx.msk $0xffff, v8  }
0x1b1: {  	v46 =	vor.u32 s28, v6;
	v8 =	vld [tilespmem:s24+$0x5E30];
	_ =	sdelay $0x4  }
0x1b2: {  	[tilespmem:v46+s6+$0x0] =	vst.idx.msk $0xffff, v8  }
0x1b3: {  	v47 =	vor.u32 s28, v7;
	v8 =	vld [tilespmem:s24+$0x6AB0];
	_ =	sdelay $0x4  }
0x1b4: {  	s28 =	sadd.s32 $0x800, s25;
	[tilespmem:v47+s6+$0x0] =	vst.idx.msk $0xffff, v8  }
0x1b5: {  	v48 =	vor.u32 s28, v0;
	v8 =	vld [tilespmem:s24+$0x1340];
	_ =	sdelay $0x4  }
0x1b6: {  	[tilespmem:v48+s6+$0x0] =	vst.idx.msk $0xffff, v8  }
0x1b7: {  	v49 =	vor.u32 s28, v1;
	v8 =	vld [tilespmem:s24+$0x1FC0];
	_ =	sdelay $0x4  }
0x1b8: {  	[tilespmem:v49+s6+$0x0] =	vst.idx.msk $0xffff, v8  }
0x1b9: {  	v50 =	vor.u32 s28, v2;
	v8 =	vld [tilespmem:s24+$0x2C40];
	_ =	sdelay $0x4  }
0x1ba: {  	[tilespmem:v50+s6+$0x0] =	vst.idx.msk $0xffff, v8  }
0x1bb: {  	v51 =	vor.u32 s28, v3;
	v8 =	vld [tilespmem:s24+$0x38C0];
	_ =	sdelay $0x4  }
0x1bc: {  	[tilespmem:v51+s6+$0x0] =	vst.idx.msk $0xffff, v8  }
0x1bd: {  	v52 =	vor.u32 s28, v4;
	v8 =	vld [tilespmem:s24+$0x4540];
	_ =	sdelay $0x4  }
0x1be: {  	[tilespmem:v52+s6+$0x0] =	vst.idx.msk $0xffff, v8  }
0x1bf: {  	v53 =	vor.u32 s28, v5;
	v8 =	vld [tilespmem:s24+$0x51C0];
	_ =	sdelay $0x4  }
0x1c0: {  	[tilespmem:v53+s6+$0x0] =	vst.idx.msk $0xffff, v8  }
0x1c1: {  	v54 =	vor.u32 s28, v6;
	v8 =	vld [tilespmem:s24+$0x5E40];
	_ =	sdelay $0x4  }
0x1c2: {  	[tilespmem:v54+s6+$0x0] =	vst.idx.msk $0xffff, v8  }
0x1c3: {  	v55 =	vor.u32 s28, v7;
	v8 =	vld [tilespmem:s24+$0x6AC0];
	_ =	sdelay $0x4  }
0x1c4: {  	s25 =	sadd.s32 $0x900, s25;
	[tilespmem:v55+s6+$0x0] =	vst.idx.msk $0xffff, v8  }
0x1c5: {  	v56 =	vor.u32 s25, v0;
	v8 =	vld [tilespmem:s24+$0x1350];
	_ =	sdelay $0x4  }
0x1c6: {  	[tilespmem:v56+s6+$0x0] =	vst.idx.msk $0xffff, v8  }
0x1c7: {  	v57 =	vor.u32 s25, v1;
	v8 =	vld [tilespmem:s24+$0x1FD0];
	_ =	sdelay $0x4  }
0x1c8: {  	[tilespmem:v57+s6+$0x0] =	vst.idx.msk $0xffff, v8  }
0x1c9: {  	v58 =	vor.u32 s25, v2;
	v8 =	vld [tilespmem:s24+$0x2C50];
	_ =	sdelay $0x4  }
0x1ca: {  	[tilespmem:v58+s6+$0x0] =	vst.idx.msk $0xffff, v8  }
0x1cb: {  	v59 =	vor.u32 s25, v3;
	v8 =	vld [tilespmem:s24+$0x38D0];
	_ =	sdelay $0x4  }
0x1cc: {  	[tilespmem:v59+s6+$0x0] =	vst.idx.msk $0xffff, v8  }
0x1cd: {  	v60 =	vor.u32 s25, v4;
	v8 =	vld [tilespmem:s24+$0x4550];
	_ =	sdelay $0x4  }
0x1ce: {  	[tilespmem:v60+s6+$0x0] =	vst.idx.msk $0xffff, v8  }
0x1cf: {  	v61 =	vor.u32 s25, v5;
	v8 =	vld [tilespmem:s24+$0x51D0];
	_ =	sdelay $0x4  }
0x1d0: {  	[tilespmem:v61+s6+$0x0] =	vst.idx.msk $0xffff, v8  }
0x1d1: {  	v62 =	vor.u32 s25, v6;
	v8 =	vld [tilespmem:s24+$0x5E50];
	_ =	sdelay $0x4  }
0x1d2: {  	[tilespmem:v62+s6+$0x0] =	vst.idx.msk $0xffff, v8  }
0x1d3: {  	p1 =	slt.u32 s23, $0x5A;
	v63 =	vor.u32 s25, v7;
	v8 =	vld [tilespmem:s24+$0x6AD0]  }
.Ltmp4:
0x1d4: {  	_ = 	snop;
	(pc) =	sbr.rel @p1 .LBB2_10-.Ltmp4, $2  }
0x1d5: {  	_ =	sdelay $0x2  }
0x1d6: {  	s22 =	sadd.s32 $0x280, s22;
	s23 =	sadd.s32 $0xA, s23;
	[tilespmem:v63+s6+$0x0] =	vst.idx.msk $0xffff, v8  }
0x1d7: {  	s22 =	sadd.s32 s21, s10;
	s24 =	simm.s32 $0x13880  }
0x1d8: {  	[hbm4b:s22+s4] =	stream.linear.scatter [tilespmem:s24], [sflag:$0x6], $0x8, $0x38;
	[tilespmem:$0x19C80] =	vst v63  }
0x1d9: {  	s25 =	simm.s32 $0x13890;
	s23 =	sadd.s32 $0x10, s22  }
0x1da: {  	[hbm4b:s23+s4] =	stream.linear.scatter [tilespmem:s25], [sflag:$0x6], $0x8, $0x38;
	[tilespmem:$0x19C80] =	vst v63  }
0x1db: {  	s26 =	simm.s32 $0x138A0;
	s21 =	simm.s32 $0x80;
	s28 =	sadd.s32 $0x20, s22  }
0x1dc: {  	[hbm4b:s28+s4] =	stream.linear.scatter [tilespmem:s26], [sflag:$0x6], $0x8, $0x38;
	[tilespmem:$0x19C80] =	vst v63  }
0x1dd: {  	s24 =	simm.s32 $0x138B0;
	s25 =	sadd.s32 $0x30, s22;
	s23 =	simm.s32 $0x400  }
0x1de: {  	[hbm4b:s25+s4] =	stream.linear.scatter [tilespmem:s24], [sflag:$0x6], $0x8, $0x38;
	[tilespmem:$0x19C80] =	vst v63  }
0x1df: {  	s26 =	simm.s32 $0x138C0;
	s28 =	sadd.s32 $0x40, s22;
	s24 =	simm.s32 $0x138D0  }
0x1e0: {  	[hbm4b:s28+s4] =	stream.linear.scatter [tilespmem:s26], [sflag:$0x6], $0x8, $0x38;
	[tilespmem:$0x19C80] =	vst v63  }
0x1e1: {  	s25 =	sadd.s32 $0x50, s22;
	s26 =	simm.s32 $0x138E0;
	s28 =	sadd.s32 $0x60, s22  }
0x1e2: {  	[hbm4b:s25+s4] =	stream.linear.scatter [tilespmem:s24], [sflag:$0x6], $0x8, $0x38;
	[tilespmem:$0x19C80] =	vst v63  }
0x1e3: {  	s24 =	simm.s32 $0x138F0;
	s25 =	sadd.s32 $0x70, s22;
	s22 =	sadd.s32 $0x4000, s22  }
0x1e4: {  	[hbm4b:s28+s4] =	stream.linear.scatter [tilespmem:s26], [sflag:$0x6], $0x8, $0x38;
	[tilespmem:$0x19C80] =	vst v63  }
.LBB2_12:
0x1e5: {  	[hbm4b:s25+s4] =	stream.linear.scatter [tilespmem:s24], [sflag:$0x6], $0x8, $0x38;
	[tilespmem:$0x19C80] =	vst v63  }
0x1e6: {  	s24 =	smov.u32 s21;
	s21 =	smov.u32 s23  }
0x1e7: {  	s26 =	sadd.s32 $0x200, s23;
	s21 =	sshra.s32 s21, $0x2;
	s25 =	sadd.s32 $0x13880, s24  }
0x1e8: {  	[hbm4b:s22+s4] =	stream.linear.scatter [tilespmem:s25], [sflag:$0x6], $0x8, $0x38;
	[tilespmem:$0x19C80] =	vst v63  }
0x1e9: {  	p1 =	sne.s32 s23, $0x18E00;
	s23 =	sadd.s32 $0x13890, s24;
	s25 =	sadd.s32 $0x10, s22  }
0x1ea: {  	[hbm4b:s25+s4] =	stream.linear.scatter [tilespmem:s23], [sflag:$0x6], $0x8, $0x38;
	[tilespmem:$0x19C80] =	vst v63  }
0x1eb: {  	s23 =	sadd.s32 $0x138A0, s24;
	s25 =	sadd.s32 $0x20, s22  }
0x1ec: {  	[hbm4b:s25+s4] =	stream.linear.scatter [tilespmem:s23], [sflag:$0x6], $0x8, $0x38;
	[tilespmem:$0x19C80] =	vst v63  }
0x1ed: {  	s23 =	sadd.s32 $0x138B0, s24;
	s25 =	sadd.s32 $0x30, s22  }
0x1ee: {  	[hbm4b:s25+s4] =	stream.linear.scatter [tilespmem:s23], [sflag:$0x6], $0x8, $0x38;
	[tilespmem:$0x19C80] =	vst v63  }
0x1ef: {  	s23 =	sadd.s32 $0x138C0, s24;
	s25 =	sadd.s32 $0x40, s22  }
0x1f0: {  	[hbm4b:s25+s4] =	stream.linear.scatter [tilespmem:s23], [sflag:$0x6], $0x8, $0x38;
	[tilespmem:$0x19C80] =	vst v63  }
.Ltmp5:
0x1f1: {  	s23 =	sadd.s32 $0x138D0, s24;
	s25 =	sadd.s32 $0x50, s22;
	(pc) =	sbr.rel @p1 .LBB2_12-.Ltmp5, $4  }
0x1f2: {  	[hbm4b:s25+s4] =	stream.linear.scatter [tilespmem:s23], [sflag:$0x6], $0x8, $0x38;
	[tilespmem:$0x19C80] =	vst v63  }
0x1f3: {  	s23 =	sadd.s32 $0x138E0, s24;
	s25 =	sadd.s32 $0x60, s22;
	s24 =	sadd.s32 $0x138F0, s24  }
0x1f4: {  	[hbm4b:s25+s4] =	stream.linear.scatter [tilespmem:s23], [sflag:$0x6], $0x8, $0x38;
	[tilespmem:$0x19C80] =	vst v63  }
0x1f5: {  	s25 =	sadd.s32 $0x70, s22;
	s22 =	sadd.s32 $0x4000, s22;
	s23 =	smov.u32 s26  }
0x1f6: {  	[hbm4b:s25+s4] =	stream.linear.scatter [tilespmem:s24], [sflag:$0x6], $0x8, $0x38;
	[tilespmem:$0x19C80] =	vst v63  }
0x1f7: {  	s23 =	sadd.s32 $0x13880, s21  }
0x1f8: {  	[hbm4b:s22+s4] =	stream.linear.scatter [tilespmem:s23], [sflag:$0x6], $0x8, $0x38;
	[tilespmem:$0x19C80] =	vst v63  }
0x1f9: {  	s26 =	sadd.s32 $0x13890, s21;
	s28 =	sadd.s32 $0x10, s22  }
0x1fa: {  	[hbm4b:s28+s4] =	stream.linear.scatter [tilespmem:s26], [sflag:$0x6], $0x8, $0x38;
	[tilespmem:$0x19C80] =	vst v63  }
0x1fb: {  	s24 =	sadd.s32 $0x138A0, s21;
	s25 =	sadd.s32 $0x20, s22  }
0x1fc: {  	[hbm4b:s25+s4] =	stream.linear.scatter [tilespmem:s24], [sflag:$0x6], $0x8, $0x38;
	[tilespmem:$0x19C80] =	vst v63  }
0x1fd: {  	s26 =	sadd.s32 $0x138B0, s21;
	s28 =	sadd.s32 $0x30, s22  }
0x1fe: {  	[hbm4b:s28+s4] =	stream.linear.scatter [tilespmem:s26], [sflag:$0x6], $0x8, $0x38;
	[tilespmem:$0x19C80] =	vst v63  }
0x1ff: {  	s24 =	sadd.s32 $0x138C0, s21;
	s25 =	sadd.s32 $0x40, s22  }
0x200: {  	[hbm4b:s25+s4] =	stream.linear.scatter [tilespmem:s24], [sflag:$0x6], $0x8, $0x38;
	[tilespmem:$0x19C80] =	vst v63  }
0x201: {  	s26 =	sadd.s32 $0x138D0, s21;
	s28 =	sadd.s32 $0x50, s22  }
0x202: {  	[hbm4b:s28+s4] =	stream.linear.scatter [tilespmem:s26], [sflag:$0x6], $0x8, $0x38;
	[tilespmem:$0x19C80] =	vst v63  }
0x203: {  	s24 =	sadd.s32 $0x138E0, s21;
	s25 =	sadd.s32 $0x60, s22  }
0x204: {  	[hbm4b:s25+s4] =	stream.linear.scatter [tilespmem:s24], [sflag:$0x6], $0x8, $0x38;
	[tilespmem:$0x19C80] =	vst v63  }
0x205: {  	s26 =	sadd.s32 $0x138F0, s21;
	s28 =	sadd.s32 $0x70, s22;
	s21 =	simm.s32 @!p0 $0x1  }
0x206: {  	[hbm4b:s28+s4] =	stream.linear.scatter [tilespmem:s26], [sflag:$0x6], $0x8, $0x38;
	[tilespmem:$0x19C80] =	vst v63  }
0x207: {  	_ =	swait.ge @!p0 [sflag:s21], $0x640  }
0x208: {  	s23 =	simm.s32 @!p0 $0xC80;
	[sflag:s21] =	ssyncset.done @!p0 $0x0  }
0x209: {  	s22 =	simm.s32 @!p0 $0x0;
	[sflag:s21] =	ssyncadd.s32 @!p0 $0xFFFFF9C0;
	s21 =	simm.s32 @!p0 $0xC8  }
0x20a: {  	[tilespmem:s23], [sflag:$0x3] =	stream.indirect.gather @!p0 [hbm4b:s7+s21], $0x10, s22, s21, $0xb8;
	[tilespmem:$0x19C80] =	vst v63  }
0x20b: {  	s23 =	simm.s32 @!p0 $0x1900  }
0x20c: {  	[tilespmem:s23], [sflag:$0x3] =	stream.indirect.gather @!p0 [hbm4b:s7+s21], $0x10, s21, s21, $0xb8;
	[tilespmem:$0x19C80] =	vst v63  }
0x20d: {  	s24 =	simm.s32 @!p0 $0x2580;
	s23 =	simm.s32 @!p0 $0x190  }
0x20e: {  	[tilespmem:s24], [sflag:$0x3] =	stream.indirect.gather @!p0 [hbm4b:s7+s21], $0x10, s23, s21, $0xb8;
	[tilespmem:$0x19C80] =	vst v63  }
0x20f: {  	s23 =	simm.s32 @!p0 $0x258;
	s24 =	simm.s32 @!p0 $0x3200  }
0x210: {  	[tilespmem:s24], [sflag:$0x3] =	stream.indirect.gather @!p0 [hbm4b:s7+s21], $0x10, s23, s21, $0xb8;
	[tilespmem:$0x19C80] =	vst v63  }
0x211: {  	s23 =	simm.s32 @!p0 $0x320;
	s24 =	simm.s32 @!p0 $0x3E80  }
0x212: {  	[tilespmem:s24], [sflag:$0x3] =	stream.indirect.gather @!p0 [hbm4b:s7+s21], $0x10, s23, s21, $0xb8;
	[tilespmem:$0x19C80] =	vst v63  }
0x213: {  	s23 =	simm.s32 @!p0 $0x3E8;
	s24 =	simm.s32 @!p0 $0x4B00  }
0x214: {  	[tilespmem:s24], [sflag:$0x3] =	stream.indirect.gather @!p0 [hbm4b:s7+s21], $0x10, s23, s21, $0xb8;
	[tilespmem:$0x19C80] =	vst v63  }
0x215: {  	s23 =	simm.s32 @!p0 $0x4B0;
	s24 =	simm.s32 @!p0 $0x5780  }
0x216: {  	[tilespmem:s24], [sflag:$0x3] =	stream.indirect.gather @!p0 [hbm4b:s7+s21], $0x10, s23, s21, $0xb8;
	[tilespmem:$0x19C80] =	vst v63  }
0x217: {  	s23 =	simm.s32 @!p0 $0x578;
	s24 =	simm.s32 @!p0 $0x6400  }
0x218: {  	[tilespmem:s24], [sflag:$0x3] =	stream.indirect.gather @!p0 [hbm4b:s7+s21], $0x10, s23, s21, $0xb8;
	[tilespmem:$0x19C80] =	vst v63  }
0x219: {  	_ =	swait.ge [sflag:s15], $0xC80  }
0x21a: {  	[sflag:s15] =	ssyncset.done $0x0  }
0x21b: {  	[sflag:s15] =	ssyncadd.s32 $0xFFFFF380  }
0x21c: {  	_ =	swait.ge [sflag:s15], $0xC80  }
0x21d: {  	[sflag:s15] =	ssyncset.done $0x0  }
0x21e: {  	[sflag:s15] =	ssyncadd.s32 $0xFFFFF380  }
0x21f: {  	_ =	swait.ge [sflag:s15], $0xC80  }
0x220: {  	[sflag:s15] =	ssyncset.done $0x0  }
0x221: {  	[sflag:s15] =	ssyncadd.s32 $0xFFFFF380  }
0x222: {  	_ =	swait.ge [sflag:s15], $0xC80  }
0x223: {  	[sflag:s15] =	ssyncset.done $0x0  }
0x224: {  	[sflag:s15] =	ssyncadd.s32 $0xFFFFF380  }
0x225: {  	_ =	swait.ge [sflag:s15], $0xC80  }
0x226: {  	[sflag:s15] =	ssyncset.done $0x0  }
0x227: {  	[sflag:s15] =	ssyncadd.s32 $0xFFFFF380  }
0x228: {  	_ =	swait.ge [sflag:s15], $0xC80  }
0x229: {  	[sflag:s15] =	ssyncset.done $0x0  }
0x22a: {  	[sflag:s15] =	ssyncadd.s32 $0xFFFFF380  }
0x22b: {  	_ =	swait.ge [sflag:s15], $0xC80  }
0x22c: {  	[sflag:s15] =	ssyncset.done $0x0  }
0x22d: {  	s19 =	sadd.s32 @!p0 s19, s11;
	[sflag:s15] =	ssyncadd.s32 $0xFFFFF380  }
0x22e: {  	s19 =	smul.u32 @!p0 $0x19, s19;
	_ =	swait.ge [sflag:s15], $0xC80  }
0x22f: {  	[sflag:s15] =	ssyncset.done $0x0  }
0x230: {  	s19 =	sadd.s32 @!p0 s5, s19;
	s21 =	simm.s32 @!p0 $0x640;
	[sflag:s15] =	ssyncadd.s32 $0xFFFFF380  }
0x231: {  	[tilespmem:s21], [sflag:$0x2] =	stream.linear.gather @!p0 [hbm4b:s19+s22], $0x640, $0x38;
	[tilespmem:$0x19C80] =	vst v63  }
0x232: {  	_ =	swait.ge [sflag:s0], $0x3200  }
0x233: {  	[sflag:s0] =	ssyncset.done $0x0  }
0x234: {  	s19 =	simm.s32 $0x0;
	s21 =	simm.s32 $0xC890;
	[sflag:s0] =	ssyncadd.s32 $0xFFFFCE00  }
.LBB2_14:
0x235: {  	s22 =	sshll.u32 s19, $0x8  }
0x236: {  	v8 =	vld [tilespmem:s21+$0xFFFFA7F0];
	v9 =	vor.u32 s22, v0;
	_ =	sdelay $0x4  }
0x237: {  	[tilespmem:v9+s13+$0x0] =	vst.idx.msk $0xffff, v8  }
0x238: {  	v37 =	vor.u32 s22, v1;
	v8 =	vld [tilespmem:s21+$0xFFFFB470];
	_ =	sdelay $0x4  }
0x239: {  	[tilespmem:v37+s13+$0x0] =	vst.idx.msk $0xffff, v8  }
0x23a: {  	v38 =	vor.u32 s22, v2;
	v8 =	vld [tilespmem:s21+$0xFFFFC0F0];
	_ =	sdelay $0x4  }
0x23b: {  	[tilespmem:v38+s13+$0x0] =	vst.idx.msk $0xffff, v8  }
0x23c: {  	v39 =	vor.u32 s22, v3;
	v8 =	vld [tilespmem:s21+$0xFFFFCD70];
	_ =	sdelay $0x4  }
0x23d: {  	[tilespmem:v39+s13+$0x0] =	vst.idx.msk $0xffff, v8  }
0x23e: {  	v40 =	vor.u32 s22, v4;
	v8 =	vld [tilespmem:s21+$0xFFFFD9F0];
	_ =	sdelay $0x4  }
0x23f: {  	[tilespmem:v40+s13+$0x0] =	vst.idx.msk $0xffff, v8  }
0x240: {  	v41 =	vor.u32 s22, v5;
	v8 =	vld [tilespmem:s21+$0xFFFFE670];
	_ =	sdelay $0x4  }
0x241: {  	[tilespmem:v41+s13+$0x0] =	vst.idx.msk $0xffff, v8  }
0x242: {  	v42 =	vor.u32 s22, v6;
	v8 =	vld [tilespmem:s21+$0xFFFFF2F0];
	_ =	sdelay $0x4  }
0x243: {  	[tilespmem:v42+s13+$0x0] =	vst.idx.msk $0xffff, v8  }
0x244: {  	v43 =	vor.u32 s22, v7;
	v8 =	vld [tilespmem:s21+$0xFFFFFF70];
	_ =	sdelay $0x4  }
0x245: {  	s23 =	sadd.s32 $0x100, s22;
	[tilespmem:v43+s13+$0x0] =	vst.idx.msk $0xffff, v8  }
0x246: {  	v44 =	vor.u32 s23, v0;
	v8 =	vld [tilespmem:s21+$0xFFFFA800];
	_ =	sdelay $0x4  }
0x247: {  	[tilespmem:v44+s13+$0x0] =	vst.idx.msk $0xffff, v8  }
0x248: {  	v45 =	vor.u32 s23, v1;
	v8 =	vld [tilespmem:s21+$0xFFFFB480];
	_ =	sdelay $0x4  }
0x249: {  	[tilespmem:v45+s13+$0x0] =	vst.idx.msk $0xffff, v8  }
0x24a: {  	v46 =	vor.u32 s23, v2;
	v8 =	vld [tilespmem:s21+$0xFFFFC100];
	_ =	sdelay $0x4  }
0x24b: {  	[tilespmem:v46+s13+$0x0] =	vst.idx.msk $0xffff, v8  }
0x24c: {  	v47 =	vor.u32 s23, v3;
	v8 =	vld [tilespmem:s21+$0xFFFFCD80];
	_ =	sdelay $0x4  }
0x24d: {  	[tilespmem:v47+s13+$0x0] =	vst.idx.msk $0xffff, v8  }
0x24e: {  	v48 =	vor.u32 s23, v4;
	v8 =	vld [tilespmem:s21+$0xFFFFDA00];
	_ =	sdelay $0x4  }
0x24f: {  	[tilespmem:v48+s13+$0x0] =	vst.idx.msk $0xffff, v8  }
0x250: {  	v49 =	vor.u32 s23, v5;
	v8 =	vld [tilespmem:s21+$0xFFFFE680];
	_ =	sdelay $0x4  }
0x251: {  	[tilespmem:v49+s13+$0x0] =	vst.idx.msk $0xffff, v8  }
0x252: {  	v50 =	vor.u32 s23, v6;
	v8 =	vld [tilespmem:s21+$0xFFFFF300];
	_ =	sdelay $0x4  }
0x253: {  	[tilespmem:v50+s13+$0x0] =	vst.idx.msk $0xffff, v8  }
0x254: {  	v51 =	vor.u32 s23, v7;
	v8 =	vld [tilespmem:s21+$0xFFFFFF80];
	_ =	sdelay $0x4  }
0x255: {  	s25 =	sadd.s32 $0x200, s22;
	[tilespmem:v51+s13+$0x0] =	vst.idx.msk $0xffff, v8  }
0x256: {  	v52 =	vor.u32 s25, v0;
	v8 =	vld [tilespmem:s21+$0xFFFFA810];
	_ =	sdelay $0x4  }
0x257: {  	[tilespmem:v52+s13+$0x0] =	vst.idx.msk $0xffff, v8  }
0x258: {  	v53 =	vor.u32 s25, v1;
	v8 =	vld [tilespmem:s21+$0xFFFFB490];
	_ =	sdelay $0x4  }
0x259: {  	[tilespmem:v53+s13+$0x0] =	vst.idx.msk $0xffff, v8  }
0x25a: {  	v54 =	vor.u32 s25, v2;
	v8 =	vld [tilespmem:s21+$0xFFFFC110];
	_ =	sdelay $0x4  }
0x25b: {  	[tilespmem:v54+s13+$0x0] =	vst.idx.msk $0xffff, v8  }
0x25c: {  	v55 =	vor.u32 s25, v3;
	v8 =	vld [tilespmem:s21+$0xFFFFCD90];
	_ =	sdelay $0x4  }
0x25d: {  	[tilespmem:v55+s13+$0x0] =	vst.idx.msk $0xffff, v8  }
0x25e: {  	v56 =	vor.u32 s25, v4;
	v8 =	vld [tilespmem:s21+$0xFFFFDA10];
	_ =	sdelay $0x4  }
0x25f: {  	[tilespmem:v56+s13+$0x0] =	vst.idx.msk $0xffff, v8  }
0x260: {  	v57 =	vor.u32 s25, v5;
	v8 =	vld [tilespmem:s21+$0xFFFFE690];
	_ =	sdelay $0x4  }
0x261: {  	[tilespmem:v57+s13+$0x0] =	vst.idx.msk $0xffff, v8  }
0x262: {  	v58 =	vor.u32 s25, v6;
	v8 =	vld [tilespmem:s21+$0xFFFFF310];
	_ =	sdelay $0x4  }
0x263: {  	[tilespmem:v58+s13+$0x0] =	vst.idx.msk $0xffff, v8  }
0x264: {  	v59 =	vor.u32 s25, v7;
	v8 =	vld [tilespmem:s21+$0xFFFFFF90];
	_ =	sdelay $0x4  }
0x265: {  	s26 =	sadd.s32 $0x300, s22;
	[tilespmem:v59+s13+$0x0] =	vst.idx.msk $0xffff, v8  }
0x266: {  	v60 =	vor.u32 s26, v0;
	v8 =	vld [tilespmem:s21+$0xFFFFA820];
	_ =	sdelay $0x4  }
0x267: {  	[tilespmem:v60+s13+$0x0] =	vst.idx.msk $0xffff, v8  }
0x268: {  	v61 =	vor.u32 s26, v1;
	v8 =	vld [tilespmem:s21+$0xFFFFB4A0];
	_ =	sdelay $0x4  }
0x269: {  	[tilespmem:v61+s13+$0x0] =	vst.idx.msk $0xffff, v8  }
0x26a: {  	v62 =	vor.u32 s26, v2;
	v8 =	vld [tilespmem:s21+$0xFFFFC120];
	_ =	sdelay $0x4  }
0x26b: {  	[tilespmem:v62+s13+$0x0] =	vst.idx.msk $0xffff, v8  }
0x26c: {  	v63 =	vor.u32 s26, v3;
	v8 =	vld [tilespmem:s21+$0xFFFFCDA0];
	_ =	sdelay $0x4  }
0x26d: {  	[tilespmem:v63+s13+$0x0] =	vst.idx.msk $0xffff, v8  }
0x26e: {  	v12 =	vor.u32 s26, v4;
	v8 =	vld [tilespmem:s21+$0xFFFFDA20];
	_ =	sdelay $0x4  }
0x26f: {  	[tilespmem:v12+s13+$0x0] =	vst.idx.msk $0xffff, v8  }
0x270: {  	v13 =	vor.u32 s26, v5;
	v8 =	vld [tilespmem:s21+$0xFFFFE6A0];
	_ =	sdelay $0x4  }
0x271: {  	[tilespmem:v13+s13+$0x0] =	vst.idx.msk $0xffff, v8  }
0x272: {  	v14 =	vor.u32 s26, v6;
	v8 =	vld [tilespmem:s21+$0xFFFFF320];
	_ =	sdelay $0x4  }
0x273: {  	[tilespmem:v14+s13+$0x0] =	vst.idx.msk $0xffff, v8  }
0x274: {  	v15 =	vor.u32 s26, v7;
	v8 =	vld [tilespmem:s21+$0xFFFFFFA0];
	_ =	sdelay $0x4  }
0x275: {  	s28 =	sadd.s32 $0x400, s22;
	[tilespmem:v15+s13+$0x0] =	vst.idx.msk $0xffff, v8  }
0x276: {  	v16 =	vor.u32 s28, v0;
	v8 =	vld [tilespmem:s21+$0xFFFFA830];
	_ =	sdelay $0x4  }
0x277: {  	[tilespmem:v16+s13+$0x0] =	vst.idx.msk $0xffff, v8  }
0x278: {  	v17 =	vor.u32 s28, v1;
	v8 =	vld [tilespmem:s21+$0xFFFFB4B0];
	_ =	sdelay $0x4  }
0x279: {  	[tilespmem:v17+s13+$0x0] =	vst.idx.msk $0xffff, v8  }
0x27a: {  	v18 =	vor.u32 s28, v2;
	v8 =	vld [tilespmem:s21+$0xFFFFC130];
	_ =	sdelay $0x4  }
0x27b: {  	[tilespmem:v18+s13+$0x0] =	vst.idx.msk $0xffff, v8  }
0x27c: {  	v19 =	vor.u32 s28, v3;
	v8 =	vld [tilespmem:s21+$0xFFFFCDB0];
	_ =	sdelay $0x4  }
0x27d: {  	[tilespmem:v19+s13+$0x0] =	vst.idx.msk $0xffff, v8  }
0x27e: {  	v20 =	vor.u32 s28, v4;
	v8 =	vld [tilespmem:s21+$0xFFFFDA30];
	_ =	sdelay $0x4  }
0x27f: {  	[tilespmem:v20+s13+$0x0] =	vst.idx.msk $0xffff, v8  }
0x280: {  	v21 =	vor.u32 s28, v5;
	v8 =	vld [tilespmem:s21+$0xFFFFE6B0];
	_ =	sdelay $0x4  }
0x281: {  	[tilespmem:v21+s13+$0x0] =	vst.idx.msk $0xffff, v8  }
0x282: {  	v22 =	vor.u32 s28, v6;
	v8 =	vld [tilespmem:s21+$0xFFFFF330];
	_ =	sdelay $0x4  }
0x283: {  	[tilespmem:v22+s13+$0x0] =	vst.idx.msk $0xffff, v8  }
0x284: {  	v23 =	vor.u32 s28, v7;
	v8 =	vld [tilespmem:s21+$0xFFFFFFB0];
	_ =	sdelay $0x4  }
0x285: {  	s24 =	sadd.s32 $0x500, s22;
	[tilespmem:v23+s13+$0x0] =	vst.idx.msk $0xffff, v8  }
0x286: {  	v24 =	vor.u32 s24, v0;
	v8 =	vld [tilespmem:s21+$0xFFFFA840];
	_ =	sdelay $0x4  }
0x287: {  	[tilespmem:v24+s13+$0x0] =	vst.idx.msk $0xffff, v8  }
0x288: {  	v25 =	vor.u32 s24, v1;
	v8 =	vld [tilespmem:s21+$0xFFFFB4C0];
	_ =	sdelay $0x4  }
0x289: {  	[tilespmem:v25+s13+$0x0] =	vst.idx.msk $0xffff, v8  }
0x28a: {  	v26 =	vor.u32 s24, v2;
	v8 =	vld [tilespmem:s21+$0xFFFFC140];
	_ =	sdelay $0x4  }
0x28b: {  	[tilespmem:v26+s13+$0x0] =	vst.idx.msk $0xffff, v8  }
0x28c: {  	v27 =	vor.u32 s24, v3;
	v8 =	vld [tilespmem:s21+$0xFFFFCDC0];
	_ =	sdelay $0x4  }
0x28d: {  	[tilespmem:v27+s13+$0x0] =	vst.idx.msk $0xffff, v8  }
0x28e: {  	v28 =	vor.u32 s24, v4;
	v8 =	vld [tilespmem:s21+$0xFFFFDA40];
	_ =	sdelay $0x4  }
0x28f: {  	[tilespmem:v28+s13+$0x0] =	vst.idx.msk $0xffff, v8  }
0x290: {  	v29 =	vor.u32 s24, v5;
	v8 =	vld [tilespmem:s21+$0xFFFFE6C0];
	_ =	sdelay $0x4  }
0x291: {  	[tilespmem:v29+s13+$0x0] =	vst.idx.msk $0xffff, v8  }
0x292: {  	v30 =	vor.u32 s24, v6;
	v8 =	vld [tilespmem:s21+$0xFFFFF340];
	_ =	sdelay $0x4  }
0x293: {  	[tilespmem:v30+s13+$0x0] =	vst.idx.msk $0xffff, v8  }
0x294: {  	v31 =	vor.u32 s24, v7;
	v8 =	vld [tilespmem:s21+$0xFFFFFFC0];
	_ =	sdelay $0x4  }
0x295: {  	s25 =	sadd.s32 $0x600, s22;
	[tilespmem:v31+s13+$0x0] =	vst.idx.msk $0xffff, v8  }
0x296: {  	v32 =	vor.u32 s25, v0;
	v8 =	vld [tilespmem:s21+$0xFFFFA850];
	_ =	sdelay $0x4  }
0x297: {  	[tilespmem:v32+s13+$0x0] =	vst.idx.msk $0xffff, v8  }
0x298: {  	v33 =	vor.u32 s25, v1;
	v8 =	vld [tilespmem:s21+$0xFFFFB4D0];
	_ =	sdelay $0x4  }
0x299: {  	[tilespmem:v33+s13+$0x0] =	vst.idx.msk $0xffff, v8  }
0x29a: {  	v34 =	vor.u32 s25, v2;
	v8 =	vld [tilespmem:s21+$0xFFFFC150];
	_ =	sdelay $0x4  }
0x29b: {  	[tilespmem:v34+s13+$0x0] =	vst.idx.msk $0xffff, v8  }
0x29c: {  	v35 =	vor.u32 s25, v3;
	v8 =	vld [tilespmem:s21+$0xFFFFCDD0];
	_ =	sdelay $0x4  }
0x29d: {  	[tilespmem:v35+s13+$0x0] =	vst.idx.msk $0xffff, v8  }
0x29e: {  	v36 =	vor.u32 s25, v4;
	v8 =	vld [tilespmem:s21+$0xFFFFDA50];
	_ =	sdelay $0x4  }
0x29f: {  	[tilespmem:v36+s13+$0x0] =	vst.idx.msk $0xffff, v8  }
0x2a0: {  	v37 =	vor.u32 s25, v5;
	v8 =	vld [tilespmem:s21+$0xFFFFE6D0];
	_ =	sdelay $0x4  }
0x2a1: {  	[tilespmem:v37+s13+$0x0] =	vst.idx.msk $0xffff, v8  }
0x2a2: {  	v38 =	vor.u32 s25, v6;
	v8 =	vld [tilespmem:s21+$0xFFFFF350];
	_ =	sdelay $0x4  }
0x2a3: {  	[tilespmem:v38+s13+$0x0] =	vst.idx.msk $0xffff, v8  }
0x2a4: {  	v39 =	vor.u32 s25, v7;
	v8 =	vld [tilespmem:s21+$0xFFFFFFD0];
	_ =	sdelay $0x4  }
0x2a5: {  	s26 =	sadd.s32 $0x700, s22;
	[tilespmem:v39+s13+$0x0] =	vst.idx.msk $0xffff, v8  }
0x2a6: {  	v40 =	vor.u32 s26, v0;
	v8 =	vld [tilespmem:s21+$0xFFFFA860];
	_ =	sdelay $0x4  }
0x2a7: {  	[tilespmem:v40+s13+$0x0] =	vst.idx.msk $0xffff, v8  }
0x2a8: {  	v41 =	vor.u32 s26, v1;
	v8 =	vld [tilespmem:s21+$0xFFFFB4E0];
	_ =	sdelay $0x4  }
0x2a9: {  	[tilespmem:v41+s13+$0x0] =	vst.idx.msk $0xffff, v8  }
0x2aa: {  	v42 =	vor.u32 s26, v2;
	v8 =	vld [tilespmem:s21+$0xFFFFC160];
	_ =	sdelay $0x4  }
0x2ab: {  	[tilespmem:v42+s13+$0x0] =	vst.idx.msk $0xffff, v8  }
0x2ac: {  	v43 =	vor.u32 s26, v3;
	v8 =	vld [tilespmem:s21+$0xFFFFCDE0];
	_ =	sdelay $0x4  }
0x2ad: {  	[tilespmem:v43+s13+$0x0] =	vst.idx.msk $0xffff, v8  }
0x2ae: {  	v44 =	vor.u32 s26, v4;
	v8 =	vld [tilespmem:s21+$0xFFFFDA60];
	_ =	sdelay $0x4  }
0x2af: {  	[tilespmem:v44+s13+$0x0] =	vst.idx.msk $0xffff, v8  }
0x2b0: {  	v45 =	vor.u32 s26, v5;
	v8 =	vld [tilespmem:s21+$0xFFFFE6E0];
	_ =	sdelay $0x4  }
0x2b1: {  	[tilespmem:v45+s13+$0x0] =	vst.idx.msk $0xffff, v8  }
0x2b2: {  	v46 =	vor.u32 s26, v6;
	v8 =	vld [tilespmem:s21+$0xFFFFF360];
	_ =	sdelay $0x4  }
0x2b3: {  	[tilespmem:v46+s13+$0x0] =	vst.idx.msk $0xffff, v8  }
0x2b4: {  	v47 =	vor.u32 s26, v7;
	v8 =	vld [tilespmem:s21+$0xFFFFFFE0];
	_ =	sdelay $0x4  }
0x2b5: {  	s28 =	sadd.s32 $0x800, s22;
	[tilespmem:v47+s13+$0x0] =	vst.idx.msk $0xffff, v8  }
0x2b6: {  	v48 =	vor.u32 s28, v0;
	v8 =	vld [tilespmem:s21+$0xFFFFA870];
	_ =	sdelay $0x4  }
0x2b7: {  	[tilespmem:v48+s13+$0x0] =	vst.idx.msk $0xffff, v8  }
0x2b8: {  	v49 =	vor.u32 s28, v1;
	v8 =	vld [tilespmem:s21+$0xFFFFB4F0];
	_ =	sdelay $0x4  }
0x2b9: {  	[tilespmem:v49+s13+$0x0] =	vst.idx.msk $0xffff, v8  }
0x2ba: {  	v50 =	vor.u32 s28, v2;
	v8 =	vld [tilespmem:s21+$0xFFFFC170];
	_ =	sdelay $0x4  }
0x2bb: {  	[tilespmem:v50+s13+$0x0] =	vst.idx.msk $0xffff, v8  }
0x2bc: {  	v51 =	vor.u32 s28, v3;
	v8 =	vld [tilespmem:s21+$0xFFFFCDF0];
	_ =	sdelay $0x4  }
0x2bd: {  	[tilespmem:v51+s13+$0x0] =	vst.idx.msk $0xffff, v8  }
0x2be: {  	v52 =	vor.u32 s28, v4;
	v8 =	vld [tilespmem:s21+$0xFFFFDA70];
	_ =	sdelay $0x4  }
0x2bf: {  	[tilespmem:v52+s13+$0x0] =	vst.idx.msk $0xffff, v8  }
0x2c0: {  	v53 =	vor.u32 s28, v5;
	v8 =	vld [tilespmem:s21+$0xFFFFE6F0];
	_ =	sdelay $0x4  }
0x2c1: {  	[tilespmem:v53+s13+$0x0] =	vst.idx.msk $0xffff, v8  }
0x2c2: {  	v54 =	vor.u32 s28, v6;
	v8 =	vld [tilespmem:s21+$0xFFFFF370];
	_ =	sdelay $0x4  }
0x2c3: {  	[tilespmem:v54+s13+$0x0] =	vst.idx.msk $0xffff, v8  }
0x2c4: {  	v55 =	vor.u32 s28, v7;
	v8 =	vld [tilespmem:s21+$0xFFFFFFF0];
	_ =	sdelay $0x4  }
0x2c5: {  	s22 =	sadd.s32 $0x900, s22;
	[tilespmem:v55+s13+$0x0] =	vst.idx.msk $0xffff, v8  }
0x2c6: {  	v56 =	vor.u32 s22, v0;
	v8 =	vld [tilespmem:s21+$0xFFFFA880];
	_ =	sdelay $0x4  }
0x2c7: {  	[tilespmem:v56+s13+$0x0] =	vst.idx.msk $0xffff, v8  }
0x2c8: {  	v57 =	vor.u32 s22, v1;
	v8 =	vld [tilespmem:s21+$0xFFFFB500];
	_ =	sdelay $0x4  }
0x2c9: {  	[tilespmem:v57+s13+$0x0] =	vst.idx.msk $0xffff, v8  }
0x2ca: {  	v58 =	vor.u32 s22, v2;
	v8 =	vld [tilespmem:s21+$0xFFFFC180];
	_ =	sdelay $0x4  }
0x2cb: {  	[tilespmem:v58+s13+$0x0] =	vst.idx.msk $0xffff, v8  }
0x2cc: {  	v59 =	vor.u32 s22, v3;
	v8 =	vld [tilespmem:s21+$0xFFFFCE00];
	_ =	sdelay $0x4  }
0x2cd: {  	[tilespmem:v59+s13+$0x0] =	vst.idx.msk $0xffff, v8  }
0x2ce: {  	v60 =	vor.u32 s22, v4;
	v8 =	vld [tilespmem:s21+$0xFFFFDA80];
	_ =	sdelay $0x4  }
0x2cf: {  	[tilespmem:v60+s13+$0x0] =	vst.idx.msk $0xffff, v8  }
0x2d0: {  	v61 =	vor.u32 s22, v5;
	v8 =	vld [tilespmem:s21+$0xFFFFE700];
	_ =	sdelay $0x4  }
0x2d1: {  	[tilespmem:v61+s13+$0x0] =	vst.idx.msk $0xffff, v8  }
0x2d2: {  	v62 =	vor.u32 s22, v6;
	v8 =	vld [tilespmem:s21+$0xFFFFF380];
	_ =	sdelay $0x4  }
0x2d3: {  	[tilespmem:v62+s13+$0x0] =	vst.idx.msk $0xffff, v8  }
0x2d4: {  	p0 =	slt.u32 s19, $0x5A;
	v63 =	vor.u32 s22, v7;
	v8 =	vld [tilespmem:s21+$0x0]  }
.Ltmp6:
0x2d5: {  	_ = 	snop;
	(pc) =	sbr.rel @p0 .LBB2_14-.Ltmp6, $2  }
0x2d6: {  	_ =	sdelay $0x2  }
0x2d7: {  	s19 =	sadd.s32 $0xA, s19;
	s21 =	sadd.s32 $0xA0, s21;
	[tilespmem:v63+s13+$0x0] =	vst.idx.msk $0xffff, v8  }
0x2d8: {  	s19 =	sshll.u32 s18, $0x7  }
0x2d9: {  	s19 =	sand.u32 $0xC00, s19  }
0x2da: {  	s19 =	sor.u32 s12, s19  }
0x2db: {  	s19 =	sor.u32 s19, s20  }
0x2dc: {  	s19 =	sor.u32 $0x8, s19  }
0x2dd: {  	s19 =	sshrl.u32 s19, $0x3  }
0x2de: {  	s22 =	simm.s32 $0xD480;
	s21 =	sadd.s32 s2, s19  }
0x2df: {  	[hbm4b:s21+s4] =	stream.linear.scatter [tilespmem:s22], [sflag:$0x5], $0x8, $0x38;
	[tilespmem:$0x19C80] =	vst v63  }
0x2e0: {  	s23 =	simm.s32 $0xD490;
	s22 =	sadd.s32 $0x10, s21  }
0x2e1: {  	[hbm4b:s22+s4] =	stream.linear.scatter [tilespmem:s23], [sflag:$0x5], $0x8, $0x38;
	[tilespmem:$0x19C80] =	vst v63  }
0x2e2: {  	s24 =	simm.s32 $0xD4A0;
	s26 =	simm.s32 $0xD4B0;
	s25 =	sadd.s32 $0x20, s21  }
0x2e3: {  	[hbm4b:s25+s4] =	stream.linear.scatter [tilespmem:s24], [sflag:$0x5], $0x8, $0x38;
	[tilespmem:$0x19C80] =	vst v63  }
0x2e4: {  	s20 =	simm.s32 $0x80;
	s28 =	sadd.s32 $0x30, s21;
	s22 =	simm.s32 $0xD4C0  }
0x2e5: {  	[hbm4b:s28+s4] =	stream.linear.scatter [tilespmem:s26], [sflag:$0x5], $0x8, $0x38;
	[tilespmem:$0x19C80] =	vst v63  }
0x2e6: {  	s23 =	sadd.s32 $0x40, s21;
	s24 =	simm.s32 $0xD4D0;
	s25 =	sadd.s32 $0x50, s21  }
0x2e7: {  	[hbm4b:s23+s4] =	stream.linear.scatter [tilespmem:s22], [sflag:$0x5], $0x8, $0x38;
	[tilespmem:$0x19C80] =	vst v63  }
0x2e8: {  	s26 =	simm.s32 $0xD4E0;
	s28 =	sadd.s32 $0x60, s21;
	s22 =	simm.s32 $0x400  }
0x2e9: {  	[hbm4b:s25+s4] =	stream.linear.scatter [tilespmem:s24], [sflag:$0x5], $0x8, $0x38;
	[tilespmem:$0x19C80] =	vst v63  }
0x2ea: {  	s23 =	simm.s32 $0xD4F0;
	s24 =	sadd.s32 $0x70, s21;
	s21 =	sadd.s32 $0x4000, s21  }
0x2eb: {  	[hbm4b:s28+s4] =	stream.linear.scatter [tilespmem:s26], [sflag:$0x5], $0x8, $0x38;
	[tilespmem:$0x19C80] =	vst v63  }
.LBB2_16:
0x2ec: {  	[hbm4b:s24+s4] =	stream.linear.scatter [tilespmem:s23], [sflag:$0x5], $0x8, $0x38;
	[tilespmem:$0x19C80] =	vst v63  }
0x2ed: {  	s23 =	smov.u32 s20;
	s20 =	smov.u32 s22  }
0x2ee: {  	s25 =	sadd.s32 $0x200, s22;
	s20 =	sshra.s32 s20, $0x2;
	s24 =	sadd.s32 $0xD480, s23  }
0x2ef: {  	[hbm4b:s21+s4] =	stream.linear.scatter [tilespmem:s24], [sflag:$0x5], $0x8, $0x38;
	[tilespmem:$0x19C80] =	vst v63  }
0x2f0: {  	p0 =	sne.s32 s22, $0x18E00;
	s22 =	sadd.s32 $0xD490, s23;
	s24 =	sadd.s32 $0x10, s21  }
0x2f1: {  	[hbm4b:s24+s4] =	stream.linear.scatter [tilespmem:s22], [sflag:$0x5], $0x8, $0x38;
	[tilespmem:$0x19C80] =	vst v63  }
0x2f2: {  	s22 =	sadd.s32 $0xD4A0, s23;
	s24 =	sadd.s32 $0x20, s21  }
0x2f3: {  	[hbm4b:s24+s4] =	stream.linear.scatter [tilespmem:s22], [sflag:$0x5], $0x8, $0x38;
	[tilespmem:$0x19C80] =	vst v63  }
0x2f4: {  	s22 =	sadd.s32 $0xD4B0, s23;
	s24 =	sadd.s32 $0x30, s21  }
0x2f5: {  	[hbm4b:s24+s4] =	stream.linear.scatter [tilespmem:s22], [sflag:$0x5], $0x8, $0x38;
	[tilespmem:$0x19C80] =	vst v63  }
0x2f6: {  	s22 =	sadd.s32 $0xD4C0, s23;
	s24 =	sadd.s32 $0x40, s21  }
0x2f7: {  	[hbm4b:s24+s4] =	stream.linear.scatter [tilespmem:s22], [sflag:$0x5], $0x8, $0x38;
	[tilespmem:$0x19C80] =	vst v63  }
.Ltmp7:
0x2f8: {  	s22 =	sadd.s32 $0xD4D0, s23;
	s24 =	sadd.s32 $0x50, s21;
	(pc) =	sbr.rel @p0 .LBB2_16-.Ltmp7, $4  }
0x2f9: {  	[hbm4b:s24+s4] =	stream.linear.scatter [tilespmem:s22], [sflag:$0x5], $0x8, $0x38;
	[tilespmem:$0x19C80] =	vst v63  }
0x2fa: {  	s22 =	sadd.s32 $0xD4E0, s23;
	s24 =	sadd.s32 $0x60, s21;
	s23 =	sadd.s32 $0xD4F0, s23  }
0x2fb: {  	[hbm4b:s24+s4] =	stream.linear.scatter [tilespmem:s22], [sflag:$0x5], $0x8, $0x38;
	[tilespmem:$0x19C80] =	vst v63  }
0x2fc: {  	s24 =	sadd.s32 $0x70, s21;
	s21 =	sadd.s32 $0x4000, s21;
	s22 =	smov.u32 s25  }
0x2fd: {  	[hbm4b:s24+s4] =	stream.linear.scatter [tilespmem:s23], [sflag:$0x5], $0x8, $0x38;
	[tilespmem:$0x19C80] =	vst v63  }
0x2fe: {  	s22 =	sadd.s32 $0xD480, s20  }
0x2ff: {  	[hbm4b:s21+s4] =	stream.linear.scatter [tilespmem:s22], [sflag:$0x5], $0x8, $0x38;
	[tilespmem:$0x19C80] =	vst v63  }
0x300: {  	s26 =	sadd.s32 $0xD490, s20;
	s28 =	sadd.s32 $0x10, s21  }
0x301: {  	[hbm4b:s28+s4] =	stream.linear.scatter [tilespmem:s26], [sflag:$0x5], $0x8, $0x38;
	[tilespmem:$0x19C80] =	vst v63  }
0x302: {  	s24 =	sadd.s32 $0xD4A0, s20;
	s25 =	sadd.s32 $0x20, s21  }
0x303: {  	[hbm4b:s25+s4] =	stream.linear.scatter [tilespmem:s24], [sflag:$0x5], $0x8, $0x38;
	[tilespmem:$0x19C80] =	vst v63  }
0x304: {  	s26 =	sadd.s32 $0xD4B0, s20;
	s28 =	sadd.s32 $0x30, s21  }
0x305: {  	[hbm4b:s28+s4] =	stream.linear.scatter [tilespmem:s26], [sflag:$0x5], $0x8, $0x38;
	[tilespmem:$0x19C80] =	vst v63  }
0x306: {  	s24 =	sadd.s32 $0xD4C0, s20;
	s25 =	sadd.s32 $0x40, s21  }
0x307: {  	[hbm4b:s25+s4] =	stream.linear.scatter [tilespmem:s24], [sflag:$0x5], $0x8, $0x38;
	[tilespmem:$0x19C80] =	vst v63  }
0x308: {  	s26 =	sadd.s32 $0xD4D0, s20;
	s28 =	sadd.s32 $0x50, s21  }
0x309: {  	[hbm4b:s28+s4] =	stream.linear.scatter [tilespmem:s26], [sflag:$0x5], $0x8, $0x38;
	[tilespmem:$0x19C80] =	vst v63  }
0x30a: {  	s24 =	sadd.s32 $0xD4E0, s20;
	s25 =	sadd.s32 $0x60, s21  }
0x30b: {  	[hbm4b:s25+s4] =	stream.linear.scatter [tilespmem:s24], [sflag:$0x5], $0x8, $0x38;
	[tilespmem:$0x19C80] =	vst v63  }
0x30c: {  	s26 =	sadd.s32 $0xD4F0, s20;
	s28 =	sadd.s32 $0x70, s21  }
0x30d: {  	[hbm4b:s28+s4] =	stream.linear.scatter [tilespmem:s26], [sflag:$0x5], $0x8, $0x38;
	[tilespmem:$0x19C80] =	vst v63  }
0x30e: {  	_ =	swait.ge [sflag:s17], $0x3200  }
0x30f: {  	[sflag:s17] =	ssyncset.done $0x0  }
0x310: {  	s20 =	simm.s32 $0x0;
	s21 =	simm.s32 $0x0;
	[sflag:s17] =	ssyncadd.s32 $0xFFFFCE00  }
.LBB2_18:
0x311: {  	s22 =	sshra.s32 s20, $0x2;
	s23 =	sshll.u32 s21, $0x8  }
0x312: {  	v8 =	vld [tilespmem:s22+$0x76C0];
	v9 =	vor.u32 s23, v0;
	_ =	sdelay $0x4  }
0x313: {  	[tilespmem:v9+s6+$0x0] =	vst.idx.msk $0xffff, v8  }
0x314: {  	v37 =	vor.u32 s23, v1;
	v8 =	vld [tilespmem:s22+$0x8340];
	_ =	sdelay $0x4  }
0x315: {  	[tilespmem:v37+s6+$0x0] =	vst.idx.msk $0xffff, v8  }
0x316: {  	v38 =	vor.u32 s23, v2;
	v8 =	vld [tilespmem:s22+$0x8FC0];
	_ =	sdelay $0x4  }
0x317: {  	[tilespmem:v38+s6+$0x0] =	vst.idx.msk $0xffff, v8  }
0x318: {  	v39 =	vor.u32 s23, v3;
	v8 =	vld [tilespmem:s22+$0x9C40];
	_ =	sdelay $0x4  }
0x319: {  	[tilespmem:v39+s6+$0x0] =	vst.idx.msk $0xffff, v8  }
0x31a: {  	v40 =	vor.u32 s23, v4;
	v8 =	vld [tilespmem:s22+$0xA8C0];
	_ =	sdelay $0x4  }
0x31b: {  	[tilespmem:v40+s6+$0x0] =	vst.idx.msk $0xffff, v8  }
0x31c: {  	v41 =	vor.u32 s23, v5;
	v8 =	vld [tilespmem:s22+$0xB540];
	_ =	sdelay $0x4  }
0x31d: {  	[tilespmem:v41+s6+$0x0] =	vst.idx.msk $0xffff, v8  }
0x31e: {  	v42 =	vor.u32 s23, v6;
	v8 =	vld [tilespmem:s22+$0xC1C0];
	_ =	sdelay $0x4  }
0x31f: {  	[tilespmem:v42+s6+$0x0] =	vst.idx.msk $0xffff, v8  }
0x320: {  	v43 =	vor.u32 s23, v7;
	v8 =	vld [tilespmem:s22+$0xCE40];
	_ =	sdelay $0x4  }
0x321: {  	s24 =	sadd.s32 $0x100, s23;
	[tilespmem:v43+s6+$0x0] =	vst.idx.msk $0xffff, v8  }
0x322: {  	v44 =	vor.u32 s24, v0;
	v8 =	vld [tilespmem:s22+$0x76D0];
	_ =	sdelay $0x4  }
0x323: {  	[tilespmem:v44+s6+$0x0] =	vst.idx.msk $0xffff, v8  }
0x324: {  	v45 =	vor.u32 s24, v1;
	v8 =	vld [tilespmem:s22+$0x8350];
	_ =	sdelay $0x4  }
0x325: {  	[tilespmem:v45+s6+$0x0] =	vst.idx.msk $0xffff, v8  }
0x326: {  	v46 =	vor.u32 s24, v2;
	v8 =	vld [tilespmem:s22+$0x8FD0];
	_ =	sdelay $0x4  }
0x327: {  	[tilespmem:v46+s6+$0x0] =	vst.idx.msk $0xffff, v8  }
0x328: {  	v47 =	vor.u32 s24, v3;
	v8 =	vld [tilespmem:s22+$0x9C50];
	_ =	sdelay $0x4  }
0x329: {  	[tilespmem:v47+s6+$0x0] =	vst.idx.msk $0xffff, v8  }
0x32a: {  	v48 =	vor.u32 s24, v4;
	v8 =	vld [tilespmem:s22+$0xA8D0];
	_ =	sdelay $0x4  }
0x32b: {  	[tilespmem:v48+s6+$0x0] =	vst.idx.msk $0xffff, v8  }
0x32c: {  	v49 =	vor.u32 s24, v5;
	v8 =	vld [tilespmem:s22+$0xB550];
	_ =	sdelay $0x4  }
0x32d: {  	[tilespmem:v49+s6+$0x0] =	vst.idx.msk $0xffff, v8  }
0x32e: {  	v50 =	vor.u32 s24, v6;
	v8 =	vld [tilespmem:s22+$0xC1D0];
	_ =	sdelay $0x4  }
0x32f: {  	[tilespmem:v50+s6+$0x0] =	vst.idx.msk $0xffff, v8  }
0x330: {  	v51 =	vor.u32 s24, v7;
	v8 =	vld [tilespmem:s22+$0xCE50];
	_ =	sdelay $0x4  }
0x331: {  	s28 =	sadd.s32 $0x200, s23;
	[tilespmem:v51+s6+$0x0] =	vst.idx.msk $0xffff, v8  }
0x332: {  	v52 =	vor.u32 s28, v0;
	v8 =	vld [tilespmem:s22+$0x76E0];
	_ =	sdelay $0x4  }
0x333: {  	[tilespmem:v52+s6+$0x0] =	vst.idx.msk $0xffff, v8  }
0x334: {  	v53 =	vor.u32 s28, v1;
	v8 =	vld [tilespmem:s22+$0x8360];
	_ =	sdelay $0x4  }
0x335: {  	[tilespmem:v53+s6+$0x0] =	vst.idx.msk $0xffff, v8  }
0x336: {  	v54 =	vor.u32 s28, v2;
	v8 =	vld [tilespmem:s22+$0x8FE0];
	_ =	sdelay $0x4  }
0x337: {  	[tilespmem:v54+s6+$0x0] =	vst.idx.msk $0xffff, v8  }
0x338: {  	v55 =	vor.u32 s28, v3;
	v8 =	vld [tilespmem:s22+$0x9C60];
	_ =	sdelay $0x4  }
0x339: {  	[tilespmem:v55+s6+$0x0] =	vst.idx.msk $0xffff, v8  }
0x33a: {  	v56 =	vor.u32 s28, v4;
	v8 =	vld [tilespmem:s22+$0xA8E0];
	_ =	sdelay $0x4  }
0x33b: {  	[tilespmem:v56+s6+$0x0] =	vst.idx.msk $0xffff, v8  }
0x33c: {  	v57 =	vor.u32 s28, v5;
	v8 =	vld [tilespmem:s22+$0xB560];
	_ =	sdelay $0x4  }
0x33d: {  	[tilespmem:v57+s6+$0x0] =	vst.idx.msk $0xffff, v8  }
0x33e: {  	v58 =	vor.u32 s28, v6;
	v8 =	vld [tilespmem:s22+$0xC1E0];
	_ =	sdelay $0x4  }
0x33f: {  	[tilespmem:v58+s6+$0x0] =	vst.idx.msk $0xffff, v8  }
0x340: {  	v59 =	vor.u32 s28, v7;
	v8 =	vld [tilespmem:s22+$0xCE60];
	_ =	sdelay $0x4  }
0x341: {  	s25 =	sadd.s32 $0x300, s23;
	[tilespmem:v59+s6+$0x0] =	vst.idx.msk $0xffff, v8  }
0x342: {  	v60 =	vor.u32 s25, v0;
	v8 =	vld [tilespmem:s22+$0x76F0];
	_ =	sdelay $0x4  }
0x343: {  	[tilespmem:v60+s6+$0x0] =	vst.idx.msk $0xffff, v8  }
0x344: {  	v61 =	vor.u32 s25, v1;
	v8 =	vld [tilespmem:s22+$0x8370];
	_ =	sdelay $0x4  }
0x345: {  	[tilespmem:v61+s6+$0x0] =	vst.idx.msk $0xffff, v8  }
0x346: {  	v62 =	vor.u32 s25, v2;
	v8 =	vld [tilespmem:s22+$0x8FF0];
	_ =	sdelay $0x4  }
0x347: {  	[tilespmem:v62+s6+$0x0] =	vst.idx.msk $0xffff, v8  }
0x348: {  	v63 =	vor.u32 s25, v3;
	v8 =	vld [tilespmem:s22+$0x9C70];
	_ =	sdelay $0x4  }
0x349: {  	[tilespmem:v63+s6+$0x0] =	vst.idx.msk $0xffff, v8  }
0x34a: {  	v12 =	vor.u32 s25, v4;
	v8 =	vld [tilespmem:s22+$0xA8F0];
	_ =	sdelay $0x4  }
0x34b: {  	[tilespmem:v12+s6+$0x0] =	vst.idx.msk $0xffff, v8  }
0x34c: {  	v13 =	vor.u32 s25, v5;
	v8 =	vld [tilespmem:s22+$0xB570];
	_ =	sdelay $0x4  }
0x34d: {  	[tilespmem:v13+s6+$0x0] =	vst.idx.msk $0xffff, v8  }
0x34e: {  	v14 =	vor.u32 s25, v6;
	v8 =	vld [tilespmem:s22+$0xC1F0];
	_ =	sdelay $0x4  }
0x34f: {  	[tilespmem:v14+s6+$0x0] =	vst.idx.msk $0xffff, v8  }
0x350: {  	v15 =	vor.u32 s25, v7;
	v8 =	vld [tilespmem:s22+$0xCE70];
	_ =	sdelay $0x4  }
0x351: {  	s26 =	sadd.s32 $0x400, s23;
	[tilespmem:v15+s6+$0x0] =	vst.idx.msk $0xffff, v8  }
0x352: {  	v16 =	vor.u32 s26, v0;
	v8 =	vld [tilespmem:s22+$0x7700];
	_ =	sdelay $0x4  }
0x353: {  	[tilespmem:v16+s6+$0x0] =	vst.idx.msk $0xffff, v8  }
0x354: {  	v17 =	vor.u32 s26, v1;
	v8 =	vld [tilespmem:s22+$0x8380];
	_ =	sdelay $0x4  }
0x355: {  	[tilespmem:v17+s6+$0x0] =	vst.idx.msk $0xffff, v8  }
0x356: {  	v18 =	vor.u32 s26, v2;
	v8 =	vld [tilespmem:s22+$0x9000];
	_ =	sdelay $0x4  }
0x357: {  	[tilespmem:v18+s6+$0x0] =	vst.idx.msk $0xffff, v8  }
0x358: {  	v19 =	vor.u32 s26, v3;
	v8 =	vld [tilespmem:s22+$0x9C80];
	_ =	sdelay $0x4  }
0x359: {  	[tilespmem:v19+s6+$0x0] =	vst.idx.msk $0xffff, v8  }
0x35a: {  	v20 =	vor.u32 s26, v4;
	v8 =	vld [tilespmem:s22+$0xA900];
	_ =	sdelay $0x4  }
0x35b: {  	[tilespmem:v20+s6+$0x0] =	vst.idx.msk $0xffff, v8  }
0x35c: {  	v21 =	vor.u32 s26, v5;
	v8 =	vld [tilespmem:s22+$0xB580];
	_ =	sdelay $0x4  }
0x35d: {  	[tilespmem:v21+s6+$0x0] =	vst.idx.msk $0xffff, v8  }
0x35e: {  	v22 =	vor.u32 s26, v6;
	v8 =	vld [tilespmem:s22+$0xC200];
	_ =	sdelay $0x4  }
0x35f: {  	[tilespmem:v22+s6+$0x0] =	vst.idx.msk $0xffff, v8  }
0x360: {  	v23 =	vor.u32 s26, v7;
	v8 =	vld [tilespmem:s22+$0xCE80];
	_ =	sdelay $0x4  }
0x361: {  	s28 =	sadd.s32 $0x500, s23;
	[tilespmem:v23+s6+$0x0] =	vst.idx.msk $0xffff, v8  }
0x362: {  	v24 =	vor.u32 s28, v0;
	v8 =	vld [tilespmem:s22+$0x7710];
	_ =	sdelay $0x4  }
0x363: {  	[tilespmem:v24+s6+$0x0] =	vst.idx.msk $0xffff, v8  }
0x364: {  	v25 =	vor.u32 s28, v1;
	v8 =	vld [tilespmem:s22+$0x8390];
	_ =	sdelay $0x4  }
0x365: {  	[tilespmem:v25+s6+$0x0] =	vst.idx.msk $0xffff, v8  }
0x366: {  	v26 =	vor.u32 s28, v2;
	v8 =	vld [tilespmem:s22+$0x9010];
	_ =	sdelay $0x4  }
0x367: {  	[tilespmem:v26+s6+$0x0] =	vst.idx.msk $0xffff, v8  }
0x368: {  	v27 =	vor.u32 s28, v3;
	v8 =	vld [tilespmem:s22+$0x9C90];
	_ =	sdelay $0x4  }
0x369: {  	[tilespmem:v27+s6+$0x0] =	vst.idx.msk $0xffff, v8  }
0x36a: {  	v28 =	vor.u32 s28, v4;
	v8 =	vld [tilespmem:s22+$0xA910];
	_ =	sdelay $0x4  }
0x36b: {  	[tilespmem:v28+s6+$0x0] =	vst.idx.msk $0xffff, v8  }
0x36c: {  	v29 =	vor.u32 s28, v5;
	v8 =	vld [tilespmem:s22+$0xB590];
	_ =	sdelay $0x4  }
0x36d: {  	[tilespmem:v29+s6+$0x0] =	vst.idx.msk $0xffff, v8  }
0x36e: {  	v30 =	vor.u32 s28, v6;
	v8 =	vld [tilespmem:s22+$0xC210];
	_ =	sdelay $0x4  }
0x36f: {  	[tilespmem:v30+s6+$0x0] =	vst.idx.msk $0xffff, v8  }
0x370: {  	v31 =	vor.u32 s28, v7;
	v8 =	vld [tilespmem:s22+$0xCE90];
	_ =	sdelay $0x4  }
0x371: {  	s25 =	sadd.s32 $0x600, s23;
	[tilespmem:v31+s6+$0x0] =	vst.idx.msk $0xffff, v8  }
0x372: {  	v32 =	vor.u32 s25, v0;
	v8 =	vld [tilespmem:s22+$0x7720];
	_ =	sdelay $0x4  }
0x373: {  	[tilespmem:v32+s6+$0x0] =	vst.idx.msk $0xffff, v8  }
0x374: {  	v33 =	vor.u32 s25, v1;
	v8 =	vld [tilespmem:s22+$0x83A0];
	_ =	sdelay $0x4  }
0x375: {  	[tilespmem:v33+s6+$0x0] =	vst.idx.msk $0xffff, v8  }
0x376: {  	v34 =	vor.u32 s25, v2;
	v8 =	vld [tilespmem:s22+$0x9020];
	_ =	sdelay $0x4  }
0x377: {  	[tilespmem:v34+s6+$0x0] =	vst.idx.msk $0xffff, v8  }
0x378: {  	v35 =	vor.u32 s25, v3;
	v8 =	vld [tilespmem:s22+$0x9CA0];
	_ =	sdelay $0x4  }
0x379: {  	[tilespmem:v35+s6+$0x0] =	vst.idx.msk $0xffff, v8  }
0x37a: {  	v36 =	vor.u32 s25, v4;
	v8 =	vld [tilespmem:s22+$0xA920];
	_ =	sdelay $0x4  }
0x37b: {  	[tilespmem:v36+s6+$0x0] =	vst.idx.msk $0xffff, v8  }
0x37c: {  	v37 =	vor.u32 s25, v5;
	v8 =	vld [tilespmem:s22+$0xB5A0];
	_ =	sdelay $0x4  }
0x37d: {  	[tilespmem:v37+s6+$0x0] =	vst.idx.msk $0xffff, v8  }
0x37e: {  	v38 =	vor.u32 s25, v6;
	v8 =	vld [tilespmem:s22+$0xC220];
	_ =	sdelay $0x4  }
0x37f: {  	[tilespmem:v38+s6+$0x0] =	vst.idx.msk $0xffff, v8  }
0x380: {  	v39 =	vor.u32 s25, v7;
	v8 =	vld [tilespmem:s22+$0xCEA0];
	_ =	sdelay $0x4  }
0x381: {  	s26 =	sadd.s32 $0x700, s23;
	[tilespmem:v39+s6+$0x0] =	vst.idx.msk $0xffff, v8  }
0x382: {  	v40 =	vor.u32 s26, v0;
	v8 =	vld [tilespmem:s22+$0x7730];
	_ =	sdelay $0x4  }
0x383: {  	[tilespmem:v40+s6+$0x0] =	vst.idx.msk $0xffff, v8  }
0x384: {  	v41 =	vor.u32 s26, v1;
	v8 =	vld [tilespmem:s22+$0x83B0];
	_ =	sdelay $0x4  }
0x385: {  	[tilespmem:v41+s6+$0x0] =	vst.idx.msk $0xffff, v8  }
0x386: {  	v42 =	vor.u32 s26, v2;
	v8 =	vld [tilespmem:s22+$0x9030];
	_ =	sdelay $0x4  }
0x387: {  	[tilespmem:v42+s6+$0x0] =	vst.idx.msk $0xffff, v8  }
0x388: {  	v43 =	vor.u32 s26, v3;
	v8 =	vld [tilespmem:s22+$0x9CB0];
	_ =	sdelay $0x4  }
0x389: {  	[tilespmem:v43+s6+$0x0] =	vst.idx.msk $0xffff, v8  }
0x38a: {  	v44 =	vor.u32 s26, v4;
	v8 =	vld [tilespmem:s22+$0xA930];
	_ =	sdelay $0x4  }
0x38b: {  	[tilespmem:v44+s6+$0x0] =	vst.idx.msk $0xffff, v8  }
0x38c: {  	v45 =	vor.u32 s26, v5;
	v8 =	vld [tilespmem:s22+$0xB5B0];
	_ =	sdelay $0x4  }
0x38d: {  	[tilespmem:v45+s6+$0x0] =	vst.idx.msk $0xffff, v8  }
0x38e: {  	v46 =	vor.u32 s26, v6;
	v8 =	vld [tilespmem:s22+$0xC230];
	_ =	sdelay $0x4  }
0x38f: {  	[tilespmem:v46+s6+$0x0] =	vst.idx.msk $0xffff, v8  }
0x390: {  	v47 =	vor.u32 s26, v7;
	v8 =	vld [tilespmem:s22+$0xCEB0];
	_ =	sdelay $0x4  }
0x391: {  	s28 =	sadd.s32 $0x800, s23;
	[tilespmem:v47+s6+$0x0] =	vst.idx.msk $0xffff, v8  }
0x392: {  	v48 =	vor.u32 s28, v0;
	v8 =	vld [tilespmem:s22+$0x7740];
	_ =	sdelay $0x4  }
0x393: {  	[tilespmem:v48+s6+$0x0] =	vst.idx.msk $0xffff, v8  }
0x394: {  	v49 =	vor.u32 s28, v1;
	v8 =	vld [tilespmem:s22+$0x83C0];
	_ =	sdelay $0x4  }
0x395: {  	[tilespmem:v49+s6+$0x0] =	vst.idx.msk $0xffff, v8  }
0x396: {  	v50 =	vor.u32 s28, v2;
	v8 =	vld [tilespmem:s22+$0x9040];
	_ =	sdelay $0x4  }
0x397: {  	[tilespmem:v50+s6+$0x0] =	vst.idx.msk $0xffff, v8  }
0x398: {  	v51 =	vor.u32 s28, v3;
	v8 =	vld [tilespmem:s22+$0x9CC0];
	_ =	sdelay $0x4  }
0x399: {  	[tilespmem:v51+s6+$0x0] =	vst.idx.msk $0xffff, v8  }
0x39a: {  	v52 =	vor.u32 s28, v4;
	v8 =	vld [tilespmem:s22+$0xA940];
	_ =	sdelay $0x4  }
0x39b: {  	[tilespmem:v52+s6+$0x0] =	vst.idx.msk $0xffff, v8  }
0x39c: {  	v53 =	vor.u32 s28, v5;
	v8 =	vld [tilespmem:s22+$0xB5C0];
	_ =	sdelay $0x4  }
0x39d: {  	[tilespmem:v53+s6+$0x0] =	vst.idx.msk $0xffff, v8  }
0x39e: {  	v54 =	vor.u32 s28, v6;
	v8 =	vld [tilespmem:s22+$0xC240];
	_ =	sdelay $0x4  }
0x39f: {  	[tilespmem:v54+s6+$0x0] =	vst.idx.msk $0xffff, v8  }
0x3a0: {  	v55 =	vor.u32 s28, v7;
	v8 =	vld [tilespmem:s22+$0xCEC0];
	_ =	sdelay $0x4  }
0x3a1: {  	s23 =	sadd.s32 $0x900, s23;
	[tilespmem:v55+s6+$0x0] =	vst.idx.msk $0xffff, v8  }
0x3a2: {  	v56 =	vor.u32 s23, v0;
	v8 =	vld [tilespmem:s22+$0x7750];
	_ =	sdelay $0x4  }
0x3a3: {  	[tilespmem:v56+s6+$0x0] =	vst.idx.msk $0xffff, v8  }
0x3a4: {  	v57 =	vor.u32 s23, v1;
	v8 =	vld [tilespmem:s22+$0x83D0];
	_ =	sdelay $0x4  }
0x3a5: {  	[tilespmem:v57+s6+$0x0] =	vst.idx.msk $0xffff, v8  }
0x3a6: {  	v58 =	vor.u32 s23, v2;
	v8 =	vld [tilespmem:s22+$0x9050];
	_ =	sdelay $0x4  }
0x3a7: {  	[tilespmem:v58+s6+$0x0] =	vst.idx.msk $0xffff, v8  }
0x3a8: {  	v59 =	vor.u32 s23, v3;
	v8 =	vld [tilespmem:s22+$0x9CD0];
	_ =	sdelay $0x4  }
0x3a9: {  	[tilespmem:v59+s6+$0x0] =	vst.idx.msk $0xffff, v8  }
0x3aa: {  	v60 =	vor.u32 s23, v4;
	v8 =	vld [tilespmem:s22+$0xA950];
	_ =	sdelay $0x4  }
0x3ab: {  	[tilespmem:v60+s6+$0x0] =	vst.idx.msk $0xffff, v8  }
0x3ac: {  	v61 =	vor.u32 s23, v5;
	v8 =	vld [tilespmem:s22+$0xB5D0];
	_ =	sdelay $0x4  }
0x3ad: {  	[tilespmem:v61+s6+$0x0] =	vst.idx.msk $0xffff, v8  }
0x3ae: {  	v62 =	vor.u32 s23, v6;
	v8 =	vld [tilespmem:s22+$0xC250];
	_ =	sdelay $0x4  }
0x3af: {  	[tilespmem:v62+s6+$0x0] =	vst.idx.msk $0xffff, v8  }
0x3b0: {  	p0 =	slt.u32 s21, $0x5A;
	v63 =	vor.u32 s23, v7;
	v8 =	vld [tilespmem:s22+$0xCED0]  }
.Ltmp8:
0x3b1: {  	_ = 	snop;
	(pc) =	sbr.rel @p0 .LBB2_18-.Ltmp8, $2  }
0x3b2: {  	_ =	sdelay $0x2  }
0x3b3: {  	s20 =	sadd.s32 $0x280, s20;
	s21 =	sadd.s32 $0xA, s21;
	[tilespmem:v63+s6+$0x0] =	vst.idx.msk $0xffff, v8  }
0x3b4: {  	s19 =	sadd.s32 s19, s2  }
0x3b5: {  	s22 =	simm.s32 $0x13880;
	s20 =	sadd.s32 $0x320000, s19  }
0x3b6: {  	[hbm4b:s20+s4] =	stream.linear.scatter [tilespmem:s22], [sflag:$0x6], $0x8, $0x38;
	[tilespmem:$0x19C80] =	vst v63  }
0x3b7: {  	s23 =	simm.s32 $0x13890;
	s21 =	sadd.s32 $0x10, s20  }
0x3b8: {  	[hbm4b:s21+s4] =	stream.linear.scatter [tilespmem:s23], [sflag:$0x6], $0x8, $0x38;
	[tilespmem:$0x19C80] =	vst v63  }
0x3b9: {  	s24 =	simm.s32 $0x138A0;
	s26 =	simm.s32 $0x138B0;
	s25 =	sadd.s32 $0x20, s20  }
0x3ba: {  	[hbm4b:s25+s4] =	stream.linear.scatter [tilespmem:s24], [sflag:$0x6], $0x8, $0x38;
	[tilespmem:$0x19C80] =	vst v63  }
0x3bb: {  	s19 =	simm.s32 $0x80;
	s28 =	sadd.s32 $0x30, s20;
	s22 =	simm.s32 $0x138C0  }
0x3bc: {  	[hbm4b:s28+s4] =	stream.linear.scatter [tilespmem:s26], [sflag:$0x6], $0x8, $0x38;
	[tilespmem:$0x19C80] =	vst v63  }
0x3bd: {  	s23 =	sadd.s32 $0x40, s20;
	s21 =	simm.s32 $0x400;
	s24 =	simm.s32 $0x138D0  }
0x3be: {  	[hbm4b:s23+s4] =	stream.linear.scatter [tilespmem:s22], [sflag:$0x6], $0x8, $0x38;
	[tilespmem:$0x19C80] =	vst v63  }
0x3bf: {  	s25 =	sadd.s32 $0x50, s20;
	s26 =	simm.s32 $0x138E0;
	s28 =	sadd.s32 $0x60, s20  }
0x3c0: {  	[hbm4b:s25+s4] =	stream.linear.scatter [tilespmem:s24], [sflag:$0x6], $0x8, $0x38;
	[tilespmem:$0x19C80] =	vst v63  }
0x3c1: {  	s22 =	simm.s32 $0x138F0;
	s23 =	sadd.s32 $0x70, s20;
	s20 =	sadd.s32 $0x4000, s20  }
0x3c2: {  	[hbm4b:s28+s4] =	stream.linear.scatter [tilespmem:s26], [sflag:$0x6], $0x8, $0x38;
	[tilespmem:$0x19C80] =	vst v63  }
.LBB2_20:
0x3c3: {  	[hbm4b:s23+s4] =	stream.linear.scatter [tilespmem:s22], [sflag:$0x6], $0x8, $0x38;
	[tilespmem:$0x19C80] =	vst v63  }
0x3c4: {  	s22 =	smov.u32 s19;
	s19 =	smov.u32 s21  }
0x3c5: {  	s24 =	sadd.s32 $0x200, s21;
	s19 =	sshra.s32 s19, $0x2;
	s23 =	sadd.s32 $0x13880, s22  }
0x3c6: {  	[hbm4b:s20+s4] =	stream.linear.scatter [tilespmem:s23], [sflag:$0x6], $0x8, $0x38;
	[tilespmem:$0x19C80] =	vst v63  }
0x3c7: {  	p0 =	sne.s32 s21, $0x18E00;
	s21 =	sadd.s32 $0x13890, s22;
	s23 =	sadd.s32 $0x10, s20  }
0x3c8: {  	[hbm4b:s23+s4] =	stream.linear.scatter [tilespmem:s21], [sflag:$0x6], $0x8, $0x38;
	[tilespmem:$0x19C80] =	vst v63  }
0x3c9: {  	s21 =	sadd.s32 $0x138A0, s22;
	s23 =	sadd.s32 $0x20, s20  }
0x3ca: {  	[hbm4b:s23+s4] =	stream.linear.scatter [tilespmem:s21], [sflag:$0x6], $0x8, $0x38;
	[tilespmem:$0x19C80] =	vst v63  }
0x3cb: {  	s21 =	sadd.s32 $0x138B0, s22;
	s23 =	sadd.s32 $0x30, s20  }
0x3cc: {  	[hbm4b:s23+s4] =	stream.linear.scatter [tilespmem:s21], [sflag:$0x6], $0x8, $0x38;
	[tilespmem:$0x19C80] =	vst v63  }
0x3cd: {  	s21 =	sadd.s32 $0x138C0, s22;
	s23 =	sadd.s32 $0x40, s20  }
0x3ce: {  	[hbm4b:s23+s4] =	stream.linear.scatter [tilespmem:s21], [sflag:$0x6], $0x8, $0x38;
	[tilespmem:$0x19C80] =	vst v63  }
.Ltmp9:
0x3cf: {  	s21 =	sadd.s32 $0x138D0, s22;
	s23 =	sadd.s32 $0x50, s20;
	(pc) =	sbr.rel @p0 .LBB2_20-.Ltmp9, $4  }
0x3d0: {  	[hbm4b:s23+s4] =	stream.linear.scatter [tilespmem:s21], [sflag:$0x6], $0x8, $0x38;
	[tilespmem:$0x19C80] =	vst v63  }
0x3d1: {  	s21 =	sadd.s32 $0x138E0, s22;
	s23 =	sadd.s32 $0x60, s20;
	s22 =	sadd.s32 $0x138F0, s22  }
0x3d2: {  	[hbm4b:s23+s4] =	stream.linear.scatter [tilespmem:s21], [sflag:$0x6], $0x8, $0x38;
	[tilespmem:$0x19C80] =	vst v63  }
0x3d3: {  	s23 =	sadd.s32 $0x70, s20;
	s20 =	sadd.s32 $0x4000, s20;
	s21 =	smov.u32 s24  }
0x3d4: {  	[hbm4b:s23+s4] =	stream.linear.scatter [tilespmem:s22], [sflag:$0x6], $0x8, $0x38;
	[tilespmem:$0x19C80] =	vst v63  }
0x3d5: {  	s21 =	sadd.s32 $0x13880, s19  }
0x3d6: {  	[hbm4b:s20+s4] =	stream.linear.scatter [tilespmem:s21], [sflag:$0x6], $0x8, $0x38;
	[tilespmem:$0x19C80] =	vst v63  }
0x3d7: {  	s26 =	sadd.s32 $0x13890, s19;
	s28 =	sadd.s32 $0x10, s20  }
0x3d8: {  	[hbm4b:s28+s4] =	stream.linear.scatter [tilespmem:s26], [sflag:$0x6], $0x8, $0x38;
	[tilespmem:$0x19C80] =	vst v63  }
0x3d9: {  	s22 =	sadd.s32 $0x138A0, s19;
	s23 =	sadd.s32 $0x20, s20  }
0x3da: {  	[hbm4b:s23+s4] =	stream.linear.scatter [tilespmem:s22], [sflag:$0x6], $0x8, $0x38;
	[tilespmem:$0x19C80] =	vst v63  }
0x3db: {  	s24 =	sadd.s32 $0x138B0, s19;
	s25 =	sadd.s32 $0x30, s20  }
0x3dc: {  	[hbm4b:s25+s4] =	stream.linear.scatter [tilespmem:s24], [sflag:$0x6], $0x8, $0x38;
	[tilespmem:$0x19C80] =	vst v63  }
0x3dd: {  	s18 =	sadd.s32 $0x1, s18;
	s26 =	sadd.s32 $0x138C0, s19;
	s28 =	sadd.s32 $0x40, s20  }
0x3de: {  	[hbm4b:s28+s4] =	stream.linear.scatter [tilespmem:s26], [sflag:$0x6], $0x8, $0x38;
	[tilespmem:$0x19C80] =	vst v63  }
0x3df: {  	p0 =	sne.s32 s18, $0x20;
	s22 =	sadd.s32 $0x138D0, s19;
	s23 =	sadd.s32 $0x50, s20  }
0x3e0: {  	[hbm4b:s23+s4] =	stream.linear.scatter [tilespmem:s22], [sflag:$0x6], $0x8, $0x38;
	[tilespmem:$0x19C80] =	vst v63  }
.Ltmp10:
0x3e1: {  	_ = 	snop;
	(pc) =	sbr.rel @p0 .LBB2_2-.Ltmp10, $4  }
0x3e2: {  	s24 =	sadd.s32 $0x138E0, s19;
	s25 =	sadd.s32 $0x60, s20  }
0x3e3: {  	[hbm4b:s25+s4] =	stream.linear.scatter [tilespmem:s24], [sflag:$0x6], $0x8, $0x38;
	[tilespmem:$0x19C80] =	vst v63  }
0x3e4: {  	s26 =	sadd.s32 $0x138F0, s19;
	s28 =	sadd.s32 $0x70, s20  }
0x3e5: {  	[hbm4b:s28+s4] =	stream.linear.scatter [tilespmem:s26], [sflag:$0x6], $0x8, $0x38;
	[tilespmem:$0x19C80] =	vst v63  }
0x3e6: {  	_ =	swait.ge [sflag:s0], $0x3200  }
0x3e7: {  	[sflag:s0] =	ssyncset.done $0x0  }
0x3e8: {  	[sflag:s0] =	ssyncadd.s32 $0xFFFFCE00  }
0x3e9: {  	_ =	swait.ge [sflag:s17], $0x3200  }
0x3ea: {  	s19 =	rddreg [dreg:$0x6]  }
0x3eb: {  	s18 =	rddreg [dreg:$0x5];
	s19 =	sadd.s32 $0x1, s19  }
0x3ec: {  	p0 =	sne.s32 s19, s18  }
.Ltmp11:
0x3ed: {  	_ = 	snop;
	(pc) =	sbr.rel @p0 .LBB2_1-.Ltmp11, $3  }
0x3ee: {  	_ =	sdelay $0x1  }
0x3ef: {  	[sflag:s17] =	ssyncset.done $0x0  }
0x3f0: {  	[sflag:s17] =	ssyncadd.s32 $0xFFFFCE00  }
0x3f1: {  	_ =	sfence.sel $0x180000  }
0x3f2: {  	[bflag:$0x0] =	sbarrier.arrive $0xFFFF  }
0x3f3: {  	_ =	strace $0x90000047  }
0x3f4: {  	s0 =	stileid.u32;
	[bflag:$0x2] =	sbarrier.arrive $0xFFFF  }
0x3f5: {  	p0 =	sne.s32 s0, $0x0;
	s0 =	rddreg [dreg:$0x2]  }
0x3f6: {  	s0 =	sadd.s32 @!p0 $0x100000, s0  }
0x3f7: {  	[sflag:s0] =	ssyncadd.tile.s32 @!p0 $0x1;
	_ =	shalt  }
.Lfunc_end2:
_tile_overlayer_lowered:
.L_overlay_start_2:
0x3f8: {  	(tag) =	ssettag $0x2  }
0x3f9: {  	s0 =	rddreg [dreg:$0x0];
	s2 =	stileid.u32  }
0x3fa: {  	s1 =	rddreg [dreg:$0x1];
	p0 =	sne.s32 s2, $0x0  }
0x3fb: {  	s3 =	rddreg [dreg:$0x2];
	[bflag:$0x3] =	sbarrier.arrive $0xFFFF;
	s2 =	simm.s32 @!p0 $0x1C07  }
0x3fc: {  	[timem:s3], [sflag:s2] =	dma.local @!p0 [hbm:s0], s1  }
0x3fd: {  	s0 =	simm.s32 @!p0 $0x7  }
0x3fe: {  	_ =	swait.ge @!p0 [sflag:s0], s1  }
0x3ff: {  	s1 =	ssub.s32 @!p0 $0x0, s1;
	[sflag:s0] =	ssyncset.done @!p0 $0x0  }
0x400: {  	[sflag:s0] =	ssyncadd.s32 @!p0 s1  }
0x401: {  	[bflag:$0x3] =	sbarrier.arrive $0xFFFF  }
0x402: {  	_ =	shalt  }

</sc_bundles>
